<compile_context>
chip_gen: v7x
topology: tpu7x:2x2x1
jax: 0.10.2.dev20260603
libtpu: 0.0.44.dev20260713+nightly
codegen_flags: <defaults>
</compile_context>

<pallas_src>
import dataclasses

import jax
import jax.numpy as jnp
from jax import lax
from jax.experimental import pallas as pl
from jax.experimental.pallas import tpu as pltpu
from jax.experimental.pallas import tpu_sc as plsc

N_NODES = 100000
MAX_DEG = 64
EMBED_DIM = 128
BATCH = 16384

NUM_CORES = 2
NUM_SUBCORES = 16
NUM_WORKERS = NUM_CORES * NUM_SUBCORES
SAMPLES_PER_WORKER = BATCH // NUM_WORKERS
BLK = 64
NUM_BLK = SAMPLES_PER_WORKER // BLK
LANES = 16
VPB = BLK // LANES


def _sc_body(nodes_hbm, am_hbm, feat_hbm,
             acc_hbm, self_hbm, cnt_hbm,
             nodes_v, am_v0, am_v1,
             idx_v0, idx_v1, acc_v0, acc_v1, acc_v2,
             self_v0, self_v1, self_v2, cnt_v0, cnt_v1, cnt_v2,
             sem_in0, sem_in1,
             sem_selfg0, sem_selfg1, sem_selfg2,
             sem_selfd0, sem_selfd1, sem_selfd2,
             sem_add0, sem_add1, sem_add2,
             sem_accd0, sem_accd1, sem_accd2,
             sem_cntd0, sem_cntd1, sem_cntd2):
  am_v = (am_v0, am_v1)
  idx_v = (idx_v0, idx_v1)
  acc_v = (acc_v0, acc_v1, acc_v2)
  self_v = (self_v0, self_v1, self_v2)
  cnt_v = (cnt_v0, cnt_v1, cnt_v2)
  sem_in = (sem_in0, sem_in1)
  sem_selfg = (sem_selfg0, sem_selfg1, sem_selfg2)
  sem_selfd = (sem_selfd0, sem_selfd1, sem_selfd2)
  sem_add = (sem_add0, sem_add1, sem_add2)
  sem_accd = (sem_accd0, sem_accd1, sem_accd2)
  sem_cntd = (sem_cntd0, sem_cntd1, sem_cntd2)

  wid = lax.axis_index("s") * NUM_CORES + lax.axis_index("c")
  base0 = wid * SAMPLES_PER_WORKER

  pltpu.sync_copy(nodes_hbm.at[pl.ds(base0, SAMPLES_PER_WORKER)], nodes_v)

  def fire_in(i):
    b, s = i % 2, i % 3
    idxs = nodes_v.at[pl.ds(i * BLK, BLK)]
    pltpu.async_copy(am_hbm.at[idxs], am_v[b], sem_in[b])
    pltpu.async_copy(feat_hbm.at[idxs], self_v[s], sem_selfg[s])

  def wait_in(b):
    pltpu.make_async_copy(am_hbm.at[pl.ds(0, BLK)], am_v[b],
                          sem_in[b]).wait()

  def prep(i, b, a):
    iota16 = lax.iota(jnp.int32, LANES)
    zcol = jnp.zeros((LANES,), jnp.int32)
    for v in range(VPB):
      samp = iota16 + (v * LANES)
      n16 = nodes_v[pl.ds(i * BLK + v * LANES, LANES)]

      @pl.loop(0, MAX_DEG, init_carry=(jnp.zeros((LANES,), jnp.int32),))
      def cnt_loop(k, carry, _samp=samp, _n16=n16, _zc=zcol, _v=v, _b=b):
        (cnt,) = carry
        kk = _zc + k
        a_ = plsc.load_gather(am_v[_b], [_samp, kk])
        m = plsc.load_gather(am_v[_b], [_samp, kk + MAX_DEG])
        idx_v[_b][pl.ds(k * BLK + _v * LANES, LANES)] = jnp.where(
            m != 0, a_, _n16)
        return (cnt + m,)

      cnt_v[a][pl.ds(v * LANES, LANES)] = cnt_loop[0]

  def zero_acc(a):
    zeros16 = jnp.zeros((LANES,), jnp.float32)

    @pl.loop(0, BLK)
    def _(j, _a=a):
      for kk in range(EMBED_DIM // LANES):
        acc_v[_a][j, pl.ds(kk * LANES, LANES)] = zeros16

  def fire_adds(b, a):
    @pl.loop(0, MAX_DEG)
    def _(k, _b=b, _a=a):
      pltpu.async_copy(feat_hbm.at[idx_v[_b].at[pl.ds(k * BLK, BLK)]],
                       acc_v[_a], sem_add[_a], add=True)

  def wait_adds(a):
    @pl.loop(0, MAX_DEG)
    def _(k, _a=a):
      pltpu.make_async_copy(feat_hbm.at[pl.ds(0, BLK)], acc_v[_a],
                            sem_add[_a]).wait()

  def drain_block(j):
    a, s = j % 3, j % 3
    base = base0 + j * BLK
    wait_adds(a)
    pltpu.async_copy(acc_v[a], acc_hbm.at[pl.ds(base, BLK)], sem_accd[a])
    pltpu.async_copy(cnt_v[a], cnt_hbm.at[pl.ds(base, BLK)], sem_cntd[a])
    pltpu.make_async_copy(feat_hbm.at[pl.ds(0, BLK)], self_v[s],
                          sem_selfg[s]).wait()
    pltpu.async_copy(self_v[s], self_hbm.at[pl.ds(base, BLK)], sem_selfd[s])

  def wait_self_drain(s):
    pltpu.make_async_copy(self_v[s], self_hbm.at[pl.ds(0, BLK)],
                          sem_selfd[s]).wait()

  def wait_acc_drain(a):
    pltpu.make_async_copy(acc_v[a], acc_hbm.at[pl.ds(0, BLK)],
                          sem_accd[a]).wait()

  def wait_cnt_drain(a):
    pltpu.make_async_copy(cnt_v[a], cnt_hbm.at[pl.ds(0, BLK)],
                          sem_cntd[a]).wait()

  fire_in(0)
  for i in range(NUM_BLK):
    b, a = i % 2, i % 3
    wait_in(b)
    if i >= 3:
      wait_cnt_drain(a)
      wait_acc_drain(a)
    prep(i, b, a)
    zero_acc(a)
    fire_adds(b, a)
    if i + 1 < NUM_BLK:
      if i >= 2:
        wait_self_drain((i + 1) % 3)
      fire_in(i + 1)
    if i >= 1:
      drain_block(i - 1)
  drain_block(NUM_BLK - 1)
  for x in range(3):
    wait_acc_drain(x)
    wait_cnt_drain(x)
    wait_self_drain(x)


def _sc_aggregate(nodes, adj_mask, feat_table):
  mesh = plsc.VectorSubcoreMesh(core_axis_name="c", subcore_axis_name="s")
  out_type = (
      jax.ShapeDtypeStruct((BATCH, EMBED_DIM), jnp.float32),
      jax.ShapeDtypeStruct((BATCH, EMBED_DIM), jnp.float32),
      jax.ShapeDtypeStruct((BATCH,), jnp.int32),
  )
  scratch = [
      pltpu.VMEM((SAMPLES_PER_WORKER,), jnp.int32),
      pltpu.VMEM((BLK, 2 * MAX_DEG), jnp.int32),
      pltpu.VMEM((BLK, 2 * MAX_DEG), jnp.int32),
      pltpu.VMEM((MAX_DEG * BLK,), jnp.int32),
      pltpu.VMEM((MAX_DEG * BLK,), jnp.int32),
      pltpu.VMEM((BLK, EMBED_DIM), jnp.float32),
      pltpu.VMEM((BLK, EMBED_DIM), jnp.float32),
      pltpu.VMEM((BLK, EMBED_DIM), jnp.float32),
      pltpu.VMEM((BLK, EMBED_DIM), jnp.float32),
      pltpu.VMEM((BLK, EMBED_DIM), jnp.float32),
      pltpu.VMEM((BLK, EMBED_DIM), jnp.float32),
      pltpu.VMEM((BLK,), jnp.int32),
      pltpu.VMEM((BLK,), jnp.int32),
      pltpu.VMEM((BLK,), jnp.int32),
  ]
  scratch += [pltpu.SemaphoreType.DMA] * 17
  cp = pltpu.CompilerParams()
  if "needs_layout_passes" in pltpu.CompilerParams.__dataclass_fields__:
    cp = dataclasses.replace(cp, needs_layout_passes=False)
  if "use_tc_tiling_on_sc" in pltpu.CompilerParams.__dataclass_fields__:
    cp = dataclasses.replace(cp, use_tc_tiling_on_sc=True)
  kern = pl.kernel(_sc_body, out_type=out_type, mesh=mesh,
                   scratch_types=scratch, compiler_params=cp)
  return kern(nodes, adj_mask, feat_table)


def _tc_body(s_ref, n_ref, c_ref, wa_ref, wb_ref, b_ref, o_ref):
  cnt = jnp.maximum(c_ref[...].astype(jnp.float32), 1.0)
  over = jnp.float32(MAX_DEG) - cnt
  neigh = (n_ref[...] - over * s_ref[...]) / cnt
  acc = jnp.dot(s_ref[...], wa_ref[...], preferred_element_type=jnp.float32)
  acc = acc + jnp.dot(neigh, wb_ref[...], preferred_element_type=jnp.float32)
  o_ref[...] = jnp.maximum(acc + b_ref[...], 0.0)


def _tc_combine(self_feats, neigh_sum, cnts, W1, b1):
  blk = 1024
  grid = (BATCH // blk,)
  wa = W1[:EMBED_DIM]
  wb = W1[EMBED_DIM:]
  return pl.pallas_call(
      _tc_body,
      grid=grid,
      in_specs=[
          pl.BlockSpec((blk, EMBED_DIM), lambda i: (i, 0)),
          pl.BlockSpec((blk, EMBED_DIM), lambda i: (i, 0)),
          pl.BlockSpec((blk, 1), lambda i: (i, 0)),
          pl.BlockSpec((EMBED_DIM, EMBED_DIM), lambda i: (0, 0)),
          pl.BlockSpec((EMBED_DIM, EMBED_DIM), lambda i: (0, 0)),
          pl.BlockSpec((1, EMBED_DIM), lambda i: (0, 0)),
      ],
      out_specs=pl.BlockSpec((blk, EMBED_DIM), lambda i: (i, 0)),
      out_shape=jax.ShapeDtypeStruct((BATCH, EMBED_DIM), jnp.float32),
  )(self_feats, neigh_sum, cnts, wa, wb, b1.reshape(1, EMBED_DIM))


@jax.jit
def kernel(nodes, adj, mask, feat_table, W1, b1):
  adj_mask = jnp.concatenate([adj, mask], axis=1)
  neigh_sum, self_feats, cnts = _sc_aggregate(nodes, adj_mask, feat_table)
  return _tc_combine(self_feats, neigh_sum, cnts.reshape(BATCH, 1), W1, b1)

# --- scband reference (transcript-rebuilt; emitter-appended) ---
"""Pipeline reference for scband-social-encoder-21895743275281 (READ-ONLY COPY).

The authoritative reference and input builder live on the scoring server;
editing this copy changes nothing except your own understanding.
"""

import jax, jax.numpy as jnp
import numpy as np

N_NODES = 100000
MAX_DEG = 64
EMBED_DIM = 128
BATCH = 16384


def setup_inputs(seed: int = 0) -> dict:
    key = jax.random.key(seed)
    k_nodes, k_adj, k_mask, k_feat, k_w1 = jax.random.split(key, 5)
    nodes = jax.random.randint(k_nodes, (BATCH,), 0, N_NODES, dtype=jnp.int64) if jax.config.read('jax_enable_x64') else jax.random.randint(k_nodes, (BATCH,), 0, N_NODES, dtype=jnp.int32)
    adj = jax.random.randint(k_adj, (N_NODES, MAX_DEG), 0, N_NODES, dtype=jnp.int32)
    mask = jax.random.randint(k_mask, (N_NODES, MAX_DEG), 0, 2, dtype=jnp.int32)
    # guarantee every node has at least one valid neighbor (first slot), matching
    # the original code where adj lists are non-empty
    mask = mask.at[:, 0].set(1)
    feat_table = jax.random.normal(k_feat, (N_NODES, EMBED_DIM), dtype=jnp.float32)
    W1 = jax.random.normal(k_w1, (2 * EMBED_DIM, EMBED_DIM), dtype=jnp.float32) * (1.0 / np.sqrt(2 * EMBED_DIM))
    b1 = jnp.zeros((EMBED_DIM,), dtype=jnp.float32)
    return {"nodes": nodes, "adj": adj, "mask": mask, "feat_table": feat_table, "W1": W1, "b1": b1}


def reference(nodes, adj, mask, feat_table, W1, b1):
    # gather padded neighbor lists and validity masks for the batch (buffer lookup in torch)
    to_neighs = jnp.take(adj, nodes, axis=0)            # [B, MAX_DEG] int
    m = jnp.take(mask, nodes, axis=0).astype(jnp.float32)  # [B, MAX_DEG]
    # aggregator: masked mean of neighbor embeddings (Social_Aggregator mean form)
    neigh_emb = jnp.take(feat_table, to_neighs, axis=0)  # [B, MAX_DEG, D]
    denom = jnp.clip(jnp.sum(m, axis=1, keepdims=True), 1.0, None)
    neigh_feats = jnp.sum(neigh_emb * m[:, :, None], axis=1) / denom  # [B, D]
    # self features (features(nodes).t() in torch yields [B, D])
    self_feats = jnp.take(feat_table, nodes, axis=0)     # [B, D]
    combined = jnp.concatenate([self_feats, neigh_feats], axis=1)  # [B, 2D]
    out = jax.nn.relu(combined @ W1 + b1)                # [B, D]
    return out


if False:  # reference __main__ guard neutralized (emitter)
    inp = setup_inputs()
    out = reference(**inp)
    print(out.shape, out.dtype)

if __name__ == "__main__":
    import jax
    _d = setup_inputs()
    print(jax.jit(kernel)(*tuple(_d.values())))

</pallas_src>

<mosaic_0001>
#map = affine_map<(d0, d1) -> (0)>
#map1 = affine_map<(d0, d1) -> (0, 0)>
module attributes {stable_mosaic.version = 14 : i64} {
  func.func @_sc_body(%arg0: i32, %arg1: i32, %arg2: memref<16384xi32, #tpu.memory_space<hbm>>, %arg3: memref<100000x128xi32, #tpu.memory_space<hbm>>, %arg4: memref<100000x128xf32, #tpu.memory_space<hbm>>, %arg5: memref<16384x128xf32, #tpu.memory_space<hbm>>, %arg6: memref<16384x128xf32, #tpu.memory_space<hbm>>, %arg7: memref<16384xi32, #tpu.memory_space<hbm>>, %arg8: memref<512xi32, #tpu.memory_space<vmem>>, %arg9: memref<64x128xi32, #tpu.memory_space<vmem>>, %arg10: memref<64x128xi32, #tpu.memory_space<vmem>>, %arg11: memref<4096xi32, #tpu.memory_space<vmem>>, %arg12: memref<4096xi32, #tpu.memory_space<vmem>>, %arg13: memref<64x128xf32, #tpu.memory_space<vmem>>, %arg14: memref<64x128xf32, #tpu.memory_space<vmem>>, %arg15: memref<64x128xf32, #tpu.memory_space<vmem>>, %arg16: memref<64x128xf32, #tpu.memory_space<vmem>>, %arg17: memref<64x128xf32, #tpu.memory_space<vmem>>, %arg18: memref<64x128xf32, #tpu.memory_space<vmem>>, %arg19: memref<64xi32, #tpu.memory_space<vmem>>, %arg20: memref<64xi32, #tpu.memory_space<vmem>>, %arg21: memref<64xi32, #tpu.memory_space<vmem>>, %arg22: memref<!tpu.dma_semaphore, #tpu.memory_space<semaphore_mem>>, %arg23: memref<!tpu.dma_semaphore, #tpu.memory_space<semaphore_mem>>, %arg24: memref<!tpu.dma_semaphore, #tpu.memory_space<semaphore_mem>>, %arg25: memref<!tpu.dma_semaphore, #tpu.memory_space<semaphore_mem>>, %arg26: memref<!tpu.dma_semaphore, #tpu.memory_space<semaphore_mem>>, %arg27: memref<!tpu.dma_semaphore, #tpu.memory_space<semaphore_mem>>, %arg28: memref<!tpu.dma_semaphore, #tpu.memory_space<semaphore_mem>>, %arg29: memref<!tpu.dma_semaphore, #tpu.memory_space<semaphore_mem>>, %arg30: memref<!tpu.dma_semaphore, #tpu.memory_space<semaphore_mem>>, %arg31: memref<!tpu.dma_semaphore, #tpu.memory_space<semaphore_mem>>, %arg32: memref<!tpu.dma_semaphore, #tpu.memory_space<semaphore_mem>>, %arg33: memref<!tpu.dma_semaphore, #tpu.memory_space<semaphore_mem>>, %arg34: memref<!tpu.dma_semaphore, #tpu.memory_space<semaphore_mem>>, %arg35: memref<!tpu.dma_semaphore, #tpu.memory_space<semaphore_mem>>, %arg36: memref<!tpu.dma_semaphore, #tpu.memory_space<semaphore_mem>>, %arg37: memref<!tpu.dma_semaphore, #tpu.memory_space<semaphore_mem>>, %arg38: memref<!tpu.dma_semaphore, #tpu.memory_space<semaphore_mem>>) attributes {dimension_semantics = [#tpu.dimension_semantics<core_parallel>, #tpu.dimension_semantics<subcore_parallel>], iteration_bounds = array<i64: 2, 16>, scalar_prefetch = 0 : i64, scratch_operands = 31 : i64, tpu.core_type = #tpu.core_type<sc_vector_subcore>, window_params = [{transform_indices = #map}, {transform_indices = #map1}, {transform_indices = #map1}, {transform_indices = #map1}, {transform_indices = #map1}, {transform_indices = #map}]} {
    %mul3A = arith.constant 2 : i32
    %mul3A_0 = arith.muli %arg1, %mul3A : i32
    %add3A = arith.addi %mul3A_0, %arg0 : i32
    %mul3A_1 = arith.constant 512 : i32
    %mul3A_2 = arith.muli %add3A, %mul3A_1 : i32
    "tpu.region"() ({
      %run_scoped3A = tpu.sem_alloc : memref<!tpu.dma_semaphore, #tpu.memory_space<semaphore_mem>>
      %dma_start3A_1036 = tpu.memref_slice %arg2[%mul3A_2] : memref<16384xi32, #tpu.memory_space<hbm>> -> memref<512xi32, #tpu.memory_space<hbm>>
      %dma_start3A_1037 = tpu.memref_slice %arg2[%mul3A_2] : memref<16384xi32, #tpu.memory_space<hbm>> -> memref<512xi32, #tpu.memory_space<hbm>>
      tpu.enqueue_dma source(%dma_start3A_1037 : memref<512xi32, #tpu.memory_space<hbm>>) target(%arg8 : memref<512xi32, #tpu.memory_space<vmem>>) target_semaphore(%run_scoped3A : memref<!tpu.dma_semaphore, #tpu.memory_space<semaphore_mem>>)
      %dma_wait3A_1038 = tpu.memref_slice %arg2[%mul3A_2] : memref<16384xi32, #tpu.memory_space<hbm>> -> memref<512xi32, #tpu.memory_space<hbm>>
      %dma_wait3A_1039 = tpu.memref_slice %arg2[%mul3A_2] : memref<16384xi32, #tpu.memory_space<hbm>> -> memref<512xi32, #tpu.memory_space<hbm>>
      tpu.wait_dma2 semaphore(%run_scoped3A : memref<!tpu.dma_semaphore, #tpu.memory_space<semaphore_mem>>) src(%dma_wait3A_1039 : memref<512xi32, #tpu.memory_space<hbm>>) dst(%arg8 : memref<512xi32, #tpu.memory_space<vmem>>)
      tpu.yield
    }) : () -> ()
    %dma_start3A = arith.constant 0 : i32
    %dma_start3A_3 = tpu.memref_slice %arg8[%dma_start3A] : memref<512xi32, #tpu.memory_space<vmem>> -> memref<64xi32, #tpu.memory_space<vmem>>
    %dma_start3A_4 = arith.constant 0 : i32
    %dma_start3A_5 = arith.constant 0 : i32
    %dma_start3A_6 = tpu.memref_slice %arg3[%dma_start3A_4, %dma_start3A_5] : memref<100000x128xi32, #tpu.memory_space<hbm>> -> memref<100000x128xi32, #tpu.memory_space<hbm>>
    tpu.enqueue_indirect_dma source(%dma_start3A_6 : memref<100000x128xi32, #tpu.memory_space<hbm>>) target(%arg9 : memref<64x128xi32, #tpu.memory_space<vmem>>) offsets(%dma_start3A_3 : memref<64xi32, #tpu.memory_space<vmem>>) semaphore(%arg22 : memref<!tpu.dma_semaphore, #tpu.memory_space<semaphore_mem>>)
    %dma_start3A_7 = arith.constant 0 : i32
    %dma_start3A_8 = tpu.memref_slice %arg8[%dma_start3A_7] : memref<512xi32, #tpu.memory_space<vmem>> -> memref<64xi32, #tpu.memory_space<vmem>>
    %dma_start3A_9 = arith.constant 0 : i32
    %dma_start3A_10 = arith.constant 0 : i32
    %dma_start3A_11 = tpu.memref_slice %arg4[%dma_start3A_9, %dma_start3A_10] : memref<100000x128xf32, #tpu.memory_space<hbm>> -> memref<100000x128xf32, #tpu.memory_space<hbm>>
    tpu.enqueue_indirect_dma source(%dma_start3A_11 : memref<100000x128xf32, #tpu.memory_space<hbm>>) target(%arg16 : memref<64x128xf32, #tpu.memory_space<vmem>>) offsets(%dma_start3A_8 : memref<64xi32, #tpu.memory_space<vmem>>) semaphore(%arg24 : memref<!tpu.dma_semaphore, #tpu.memory_space<semaphore_mem>>)
    %dma_wait3A = arith.constant 0 : i32
    %dma_wait3A_12 = arith.constant 0 : i32
    %dma_wait3A_13 = tpu.memref_slice %arg3[%dma_wait3A, %dma_wait3A_12] : memref<100000x128xi32, #tpu.memory_space<hbm>> -> memref<64x128xi32, #tpu.memory_space<hbm>>
    %dma_wait3A_14 = arith.constant 0 : i32
    %dma_wait3A_15 = arith.constant 0 : i32
    %dma_wait3A_16 = tpu.memref_slice %arg3[%dma_wait3A_14, %dma_wait3A_15] : memref<100000x128xi32, #tpu.memory_space<hbm>> -> memref<64x128xi32, #tpu.memory_space<hbm>>
    tpu.wait_dma2 semaphore(%arg22 : memref<!tpu.dma_semaphore, #tpu.memory_space<semaphore_mem>>) src(%dma_wait3A_16 : memref<64x128xi32, #tpu.memory_space<hbm>>) dst(%arg9 : memref<64x128xi32, #tpu.memory_space<vmem>>)
    %iota3A = tpu.iota {dimensions = array<i32: 0>} : vector<16xi32>
    %broadcast_in_dim3A = arith.constant 0 : i32
    %broadcast_in_dim3A_17 = vector.broadcast %broadcast_in_dim3A : i32 to vector<16xi32>
    %add3A_18 = arith.constant 0 : i32
    %add3A_19 = vector.broadcast %add3A_18 : i32 to vector<16xi32>
    %add3A_20 = arith.addi %iota3A, %add3A_19 : vector<16xi32>
    %get3A = arith.constant 0 : index
    %get3A_21 = tpu.vector_load %arg8[%get3A] {strides = array<i32>} : memref<512xi32, #tpu.memory_space<vmem>>, vector<16xi32>,
    %broadcast_in_dim3A_22 = arith.constant 0 : i32
    %broadcast_in_dim3A_23 = vector.broadcast %broadcast_in_dim3A_22 : i32 to vector<16xi32>
    %scan3A = arith.constant 0 : i32
    %scan3A_24 = arith.constant 64 : i32
    %scan3A_25 = arith.addi %scan3A, %scan3A_24 : i32
    %scan3A_26 = arith.constant 1 : i32
    %scan3A_27 = scf.for %scan3A_1036 = %scan3A to %scan3A_25 step %scan3A_26 iter_args(%scan3A_1037 = %broadcast_in_dim3A_23) -> (vector<16xi32>)  : i32 {
      %mul3A_1038 = arith.constant 1 : i32
      %mul3A_1039 = arith.muli %scan3A_1036, %mul3A_1038 : i32
      %add3A_1040 = arith.constant 0 : i32
      %add3A_1041 = arith.addi %add3A_1040, %mul3A_1039 : i32
      %add3A_1042 = vector.broadcast %add3A_1041 : i32 to vector<16xi32>
      %add3A_1043 = arith.addi %broadcast_in_dim3A_17, %add3A_1042 : vector<16xi32>
      %gather3A = tpu.vector_load_idx %arg9[%add3A_20, %add3A_1043] : memref<64x128xi32, #tpu.memory_space<vmem>>[vector<16xi32>, vector<16xi32>], vector<16xi32>,
      %add3A_1044 = arith.constant 64 : i32
      %add3A_1045 = vector.broadcast %add3A_1044 : i32 to vector<16xi32>
      %add3A_1046 = arith.addi %add3A_1043, %add3A_1045 : vector<16xi32>
      %gather3A_1047 = tpu.vector_load_idx %arg9[%add3A_20, %add3A_1046] : memref<64x128xi32, #tpu.memory_space<vmem>>[vector<16xi32>, vector<16xi32>], vector<16xi32>,
      %ne3A = arith.constant 0 : i32
      %ne3A_1048 = vector.broadcast %ne3A : i32 to vector<16xi32>
      %ne3A_1049 = arith.cmpi ne, %gather3A_1047, %ne3A_1048 : vector<16xi32>
      %select_n3A = arith.select %ne3A_1049, %gather3A, %get3A_21 : vector<16xi1>, vector<16xi32>
      %mul3A_1050 = arith.constant 64 : i32
      %mul3A_1051 = arith.muli %add3A_1041, %mul3A_1050 : i32
      %add3A_1052 = arith.constant 0 : i32
      %add3A_1053 = arith.addi %mul3A_1051, %add3A_1052 : i32
      %swap3A_1054 = arith.index_cast %add3A_1053 : i32 to index
      %swap3A_1055 = tpu.vector_load %arg11[%swap3A_1054] {strides = array<i32>} : memref<4096xi32, #tpu.memory_space<vmem>>, vector<16xi32>,
      tpu.vector_store %arg11[%swap3A_1054], %select_n3A {strides = array<i32>} : memref<4096xi32, #tpu.memory_space<vmem>>, vector<16xi32>,
      %add3A_1056 = arith.addi %scan3A_1037, %gather3A_1047 : vector<16xi32>
      scf.yield %add3A_1056 : vector<16xi32>
    }
    %scan3A_28 = arith.constant 64 : i32
    %swap3A = arith.constant 0 : index
    %swap3A_29 = tpu.vector_load %arg19[%swap3A] {strides = array<i32>} : memref<64xi32, #tpu.memory_space<vmem>>, vector<16xi32>,
    tpu.vector_store %arg19[%swap3A], %scan3A_27 {strides = array<i32>} : memref<64xi32, #tpu.memory_space<vmem>>, vector<16xi32>,
    %add3A_30 = arith.constant 16 : i32
    %add3A_31 = vector.broadcast %add3A_30 : i32 to vector<16xi32>
    %add3A_32 = arith.addi %iota3A, %add3A_31 : vector<16xi32>
    %get3A_33 = arith.constant 16 : index
    %get3A_34 = tpu.vector_load %arg8[%get3A_33] {strides = array<i32>} : memref<512xi32, #tpu.memory_space<vmem>>, vector<16xi32>,
    %broadcast_in_dim3A_35 = arith.constant 0 : i32
    %broadcast_in_dim3A_36 = vector.broadcast %broadcast_in_dim3A_35 : i32 to vector<16xi32>
    %scan3A_37 = arith.constant 0 : i32
    %scan3A_38 = arith.constant 64 : i32
    %scan3A_39 = arith.addi %scan3A_37, %scan3A_38 : i32
    %scan3A_40 = arith.constant 1 : i32
    %scan3A_41 = scf.for %scan3A_1036 = %scan3A_37 to %scan3A_39 step %scan3A_40 iter_args(%scan3A_1037 = %broadcast_in_dim3A_36) -> (vector<16xi32>)  : i32 {
      %mul3A_1038 = arith.constant 1 : i32
      %mul3A_1039 = arith.muli %scan3A_1036, %mul3A_1038 : i32
      %add3A_1040 = arith.constant 0 : i32
      %add3A_1041 = arith.addi %add3A_1040, %mul3A_1039 : i32
      %add3A_1042 = vector.broadcast %add3A_1041 : i32 to vector<16xi32>
      %add3A_1043 = arith.addi %broadcast_in_dim3A_17, %add3A_1042 : vector<16xi32>
      %gather3A = tpu.vector_load_idx %arg9[%add3A_32, %add3A_1043] : memref<64x128xi32, #tpu.memory_space<vmem>>[vector<16xi32>, vector<16xi32>], vector<16xi32>,
      %add3A_1044 = arith.constant 64 : i32
      %add3A_1045 = vector.broadcast %add3A_1044 : i32 to vector<16xi32>
      %add3A_1046 = arith.addi %add3A_1043, %add3A_1045 : vector<16xi32>
      %gather3A_1047 = tpu.vector_load_idx %arg9[%add3A_32, %add3A_1046] : memref<64x128xi32, #tpu.memory_space<vmem>>[vector<16xi32>, vector<16xi32>], vector<16xi32>,
      %ne3A = arith.constant 0 : i32
      %ne3A_1048 = vector.broadcast %ne3A : i32 to vector<16xi32>
      %ne3A_1049 = arith.cmpi ne, %gather3A_1047, %ne3A_1048 : vector<16xi32>
      %select_n3A = arith.select %ne3A_1049, %gather3A, %get3A_34 : vector<16xi1>, vector<16xi32>
      %mul3A_1050 = arith.constant 64 : i32
      %mul3A_1051 = arith.muli %add3A_1041, %mul3A_1050 : i32
      %add3A_1052 = arith.constant 16 : i32
      %add3A_1053 = arith.addi %mul3A_1051, %add3A_1052 : i32
      %swap3A_1054 = arith.index_cast %add3A_1053 : i32 to index
      %swap3A_1055 = tpu.vector_load %arg11[%swap3A_1054] {strides = array<i32>} : memref<4096xi32, #tpu.memory_space<vmem>>, vector<16xi32>,
      tpu.vector_store %arg11[%swap3A_1054], %select_n3A {strides = array<i32>} : memref<4096xi32, #tpu.memory_space<vmem>>, vector<16xi32>,
      %add3A_1056 = arith.addi %scan3A_1037, %gather3A_1047 : vector<16xi32>
      scf.yield %add3A_1056 : vector<16xi32>
    }
    %scan3A_42 = arith.constant 64 : i32
    %swap3A_43 = arith.constant 16 : index
    %swap3A_44 = tpu.vector_load %arg19[%swap3A_43] {strides = array<i32>} : memref<64xi32, #tpu.memory_space<vmem>>, vector<16xi32>,
    tpu.vector_store %arg19[%swap3A_43], %scan3A_41 {strides = array<i32>} : memref<64xi32, #tpu.memory_space<vmem>>, vector<16xi32>,
    %add3A_45 = arith.constant 32 : i32
    %add3A_46 = vector.broadcast %add3A_45 : i32 to vector<16xi32>
    %add3A_47 = arith.addi %iota3A, %add3A_46 : vector<16xi32>
    %get3A_48 = arith.constant 32 : index
    %get3A_49 = tpu.vector_load %arg8[%get3A_48] {strides = array<i32>} : memref<512xi32, #tpu.memory_space<vmem>>, vector<16xi32>,
    %broadcast_in_dim3A_50 = arith.constant 0 : i32
    %broadcast_in_dim3A_51 = vector.broadcast %broadcast_in_dim3A_50 : i32 to vector<16xi32>
    %scan3A_52 = arith.constant 0 : i32
    %scan3A_53 = arith.constant 64 : i32
    %scan3A_54 = arith.addi %scan3A_52, %scan3A_53 : i32
    %scan3A_55 = arith.constant 1 : i32
    %scan3A_56 = scf.for %scan3A_1036 = %scan3A_52 to %scan3A_54 step %scan3A_55 iter_args(%scan3A_1037 = %broadcast_in_dim3A_51) -> (vector<16xi32>)  : i32 {
      %mul3A_1038 = arith.constant 1 : i32
      %mul3A_1039 = arith.muli %scan3A_1036, %mul3A_1038 : i32
      %add3A_1040 = arith.constant 0 : i32
      %add3A_1041 = arith.addi %add3A_1040, %mul3A_1039 : i32
      %add3A_1042 = vector.broadcast %add3A_1041 : i32 to vector<16xi32>
      %add3A_1043 = arith.addi %broadcast_in_dim3A_17, %add3A_1042 : vector<16xi32>
      %gather3A = tpu.vector_load_idx %arg9[%add3A_47, %add3A_1043] : memref<64x128xi32, #tpu.memory_space<vmem>>[vector<16xi32>, vector<16xi32>], vector<16xi32>,
      %add3A_1044 = arith.constant 64 : i32
      %add3A_1045 = vector.broadcast %add3A_1044 : i32 to vector<16xi32>
      %add3A_1046 = arith.addi %add3A_1043, %add3A_1045 : vector<16xi32>
      %gather3A_1047 = tpu.vector_load_idx %arg9[%add3A_47, %add3A_1046] : memref<64x128xi32, #tpu.memory_space<vmem>>[vector<16xi32>, vector<16xi32>], vector<16xi32>,
      %ne3A = arith.constant 0 : i32
      %ne3A_1048 = vector.broadcast %ne3A : i32 to vector<16xi32>
      %ne3A_1049 = arith.cmpi ne, %gather3A_1047, %ne3A_1048 : vector<16xi32>
      %select_n3A = arith.select %ne3A_1049, %gather3A, %get3A_49 : vector<16xi1>, vector<16xi32>
      %mul3A_1050 = arith.constant 64 : i32
      %mul3A_1051 = arith.muli %add3A_1041, %mul3A_1050 : i32
      %add3A_1052 = arith.constant 32 : i32
      %add3A_1053 = arith.addi %mul3A_1051, %add3A_1052 : i32
      %swap3A_1054 = arith.index_cast %add3A_1053 : i32 to index
      %swap3A_1055 = tpu.vector_load %arg11[%swap3A_1054] {strides = array<i32>} : memref<4096xi32, #tpu.memory_space<vmem>>, vector<16xi32>,
      tpu.vector_store %arg11[%swap3A_1054], %select_n3A {strides = array<i32>} : memref<4096xi32, #tpu.memory_space<vmem>>, vector<16xi32>,
      %add3A_1056 = arith.addi %scan3A_1037, %gather3A_1047 : vector<16xi32>
      scf.yield %add3A_1056 : vector<16xi32>
    }
    %scan3A_57 = arith.constant 64 : i32
    %swap3A_58 = arith.constant 32 : index
    %swap3A_59 = tpu.vector_load %arg19[%swap3A_58] {strides = array<i32>} : memref<64xi32, #tpu.memory_space<vmem>>, vector<16xi32>,
    tpu.vector_store %arg19[%swap3A_58], %scan3A_56 {strides = array<i32>} : memref<64xi32, #tpu.memory_space<vmem>>, vector<16xi32>,
    %add3A_60 = arith.constant 48 : i32
    %add3A_61 = vector.broadcast %add3A_60 : i32 to vector<16xi32>
    %add3A_62 = arith.addi %iota3A, %add3A_61 : vector<16xi32>
    %get3A_63 = arith.constant 48 : index
    %get3A_64 = tpu.vector_load %arg8[%get3A_63] {strides = array<i32>} : memref<512xi32, #tpu.memory_space<vmem>>, vector<16xi32>,
    %broadcast_in_dim3A_65 = arith.constant 0 : i32
    %broadcast_in_dim3A_66 = vector.broadcast %broadcast_in_dim3A_65 : i32 to vector<16xi32>
    %scan3A_67 = arith.constant 0 : i32
    %scan3A_68 = arith.constant 64 : i32
    %scan3A_69 = arith.addi %scan3A_67, %scan3A_68 : i32
    %scan3A_70 = arith.constant 1 : i32
    %scan3A_71 = scf.for %scan3A_1036 = %scan3A_67 to %scan3A_69 step %scan3A_70 iter_args(%scan3A_1037 = %broadcast_in_dim3A_66) -> (vector<16xi32>)  : i32 {
      %mul3A_1038 = arith.constant 1 : i32
      %mul3A_1039 = arith.muli %scan3A_1036, %mul3A_1038 : i32
      %add3A_1040 = arith.constant 0 : i32
      %add3A_1041 = arith.addi %add3A_1040, %mul3A_1039 : i32
      %add3A_1042 = vector.broadcast %add3A_1041 : i32 to vector<16xi32>
      %add3A_1043 = arith.addi %broadcast_in_dim3A_17, %add3A_1042 : vector<16xi32>
      %gather3A = tpu.vector_load_idx %arg9[%add3A_62, %add3A_1043] : memref<64x128xi32, #tpu.memory_space<vmem>>[vector<16xi32>, vector<16xi32>], vector<16xi32>,
      %add3A_1044 = arith.constant 64 : i32
      %add3A_1045 = vector.broadcast %add3A_1044 : i32 to vector<16xi32>
      %add3A_1046 = arith.addi %add3A_1043, %add3A_1045 : vector<16xi32>
      %gather3A_1047 = tpu.vector_load_idx %arg9[%add3A_62, %add3A_1046] : memref<64x128xi32, #tpu.memory_space<vmem>>[vector<16xi32>, vector<16xi32>], vector<16xi32>,
      %ne3A = arith.constant 0 : i32
      %ne3A_1048 = vector.broadcast %ne3A : i32 to vector<16xi32>
      %ne3A_1049 = arith.cmpi ne, %gather3A_1047, %ne3A_1048 : vector<16xi32>
      %select_n3A = arith.select %ne3A_1049, %gather3A, %get3A_64 : vector<16xi1>, vector<16xi32>
      %mul3A_1050 = arith.constant 64 : i32
      %mul3A_1051 = arith.muli %add3A_1041, %mul3A_1050 : i32
      %add3A_1052 = arith.constant 48 : i32
      %add3A_1053 = arith.addi %mul3A_1051, %add3A_1052 : i32
      %swap3A_1054 = arith.index_cast %add3A_1053 : i32 to index
      %swap3A_1055 = tpu.vector_load %arg11[%swap3A_1054] {strides = array<i32>} : memref<4096xi32, #tpu.memory_space<vmem>>, vector<16xi32>,
      tpu.vector_store %arg11[%swap3A_1054], %select_n3A {strides = array<i32>} : memref<4096xi32, #tpu.memory_space<vmem>>, vector<16xi32>,
      %add3A_1056 = arith.addi %scan3A_1037, %gather3A_1047 : vector<16xi32>
      scf.yield %add3A_1056 : vector<16xi32>
    }
    %scan3A_72 = arith.constant 64 : i32
    %swap3A_73 = arith.constant 48 : index
    %swap3A_74 = tpu.vector_load %arg19[%swap3A_73] {strides = array<i32>} : memref<64xi32, #tpu.memory_space<vmem>>, vector<16xi32>,
    tpu.vector_store %arg19[%swap3A_73], %scan3A_71 {strides = array<i32>} : memref<64xi32, #tpu.memory_space<vmem>>, vector<16xi32>,
    %broadcast_in_dim3A_75 = arith.constant 0.000000e+00 : f32
    %broadcast_in_dim3A_76 = vector.broadcast %broadcast_in_dim3A_75 : f32 to vector<16xf32>
    %scan3A_77 = arith.constant 0 : i32
    %scan3A_78 = arith.constant 64 : i32
    %scan3A_79 = arith.addi %scan3A_77, %scan3A_78 : i32
    %scan3A_80 = arith.constant 1 : i32
    scf.for %scan3A_1036 = %scan3A_77 to %scan3A_79 step %scan3A_80  : i32 {
      %mul3A_1037 = arith.constant 1 : i32
      %mul3A_1038 = arith.muli %scan3A_1036, %mul3A_1037 : i32
      %add3A_1039 = arith.constant 0 : i32
      %add3A_1040 = arith.addi %add3A_1039, %mul3A_1038 : i32
      %swap3A_1041 = arith.index_cast %add3A_1040 : i32 to index
      %swap3A_1042 = arith.constant 0 : index
      %swap3A_1043 = tpu.vector_load %arg13[%swap3A_1041, %swap3A_1042] {strides = array<i32>} : memref<64x128xf32, #tpu.memory_space<vmem>>, vector<16xf32>,
      tpu.vector_store %arg13[%swap3A_1041, %swap3A_1042], %broadcast_in_dim3A_76 {strides = array<i32>} : memref<64x128xf32, #tpu.memory_space<vmem>>, vector<16xf32>,
      %swap3A_1044 = arith.index_cast %add3A_1040 : i32 to index
      %swap3A_1045 = arith.constant 16 : index
      %swap3A_1046 = tpu.vector_load %arg13[%swap3A_1044, %swap3A_1045] {strides = array<i32>} : memref<64x128xf32, #tpu.memory_space<vmem>>, vector<16xf32>,
      tpu.vector_store %arg13[%swap3A_1044, %swap3A_1045], %broadcast_in_dim3A_76 {strides = array<i32>} : memref<64x128xf32, #tpu.memory_space<vmem>>, vector<16xf32>,
      %swap3A_1047 = arith.index_cast %add3A_1040 : i32 to index
      %swap3A_1048 = arith.constant 32 : index
      %swap3A_1049 = tpu.vector_load %arg13[%swap3A_1047, %swap3A_1048] {strides = array<i32>} : memref<64x128xf32, #tpu.memory_space<vmem>>, vector<16xf32>,
      tpu.vector_store %arg13[%swap3A_1047, %swap3A_1048], %broadcast_in_dim3A_76 {strides = array<i32>} : memref<64x128xf32, #tpu.memory_space<vmem>>, vector<16xf32>,
      %swap3A_1050 = arith.index_cast %add3A_1040 : i32 to index
      %swap3A_1051 = arith.constant 48 : index
      %swap3A_1052 = tpu.vector_load %arg13[%swap3A_1050, %swap3A_1051] {strides = array<i32>} : memref<64x128xf32, #tpu.memory_space<vmem>>, vector<16xf32>,
      tpu.vector_store %arg13[%swap3A_1050, %swap3A_1051], %broadcast_in_dim3A_76 {strides = array<i32>} : memref<64x128xf32, #tpu.memory_space<vmem>>, vector<16xf32>,
      %swap3A_1053 = arith.index_cast %add3A_1040 : i32 to index
      %swap3A_1054 = arith.constant 64 : index
      %swap3A_1055 = tpu.vector_load %arg13[%swap3A_1053, %swap3A_1054] {strides = array<i32>} : memref<64x128xf32, #tpu.memory_space<vmem>>, vector<16xf32>,
      tpu.vector_store %arg13[%swap3A_1053, %swap3A_1054], %broadcast_in_dim3A_76 {strides = array<i32>} : memref<64x128xf32, #tpu.memory_space<vmem>>, vector<16xf32>,
      %swap3A_1056 = arith.index_cast %add3A_1040 : i32 to index
      %swap3A_1057 = arith.constant 80 : index
      %swap3A_1058 = tpu.vector_load %arg13[%swap3A_1056, %swap3A_1057] {strides = array<i32>} : memref<64x128xf32, #tpu.memory_space<vmem>>, vector<16xf32>,
      tpu.vector_store %arg13[%swap3A_1056, %swap3A_1057], %broadcast_in_dim3A_76 {strides = array<i32>} : memref<64x128xf32, #tpu.memory_space<vmem>>, vector<16xf32>,
      %swap3A_1059 = arith.index_cast %add3A_1040 : i32 to index
      %swap3A_1060 = arith.constant 96 : index
      %swap3A_1061 = tpu.vector_load %arg13[%swap3A_1059, %swap3A_1060] {strides = array<i32>} : memref<64x128xf32, #tpu.memory_space<vmem>>, vector<16xf32>,
      tpu.vector_store %arg13[%swap3A_1059, %swap3A_1060], %broadcast_in_dim3A_76 {strides = array<i32>} : memref<64x128xf32, #tpu.memory_space<vmem>>, vector<16xf32>,
      %swap3A_1062 = arith.index_cast %add3A_1040 : i32 to index
      %swap3A_1063 = arith.constant 112 : index
      %swap3A_1064 = tpu.vector_load %arg13[%swap3A_1062, %swap3A_1063] {strides = array<i32>} : memref<64x128xf32, #tpu.memory_space<vmem>>, vector<16xf32>,
      tpu.vector_store %arg13[%swap3A_1062, %swap3A_1063], %broadcast_in_dim3A_76 {strides = array<i32>} : memref<64x128xf32, #tpu.memory_space<vmem>>, vector<16xf32>,
    }
    %scan3A_81 = arith.constant 64 : i32
    %scan3A_82 = arith.constant 0 : i32
    %scan3A_83 = arith.constant 64 : i32
    %scan3A_84 = arith.addi %scan3A_82, %scan3A_83 : i32
    %scan3A_85 = arith.constant 1 : i32
    scf.for %scan3A_1036 = %scan3A_82 to %scan3A_84 step %scan3A_85  : i32 {
      %mul3A_1037 = arith.constant 1 : i32
      %mul3A_1038 = arith.muli %scan3A_1036, %mul3A_1037 : i32
      %add3A_1039 = arith.constant 0 : i32
      %add3A_1040 = arith.addi %add3A_1039, %mul3A_1038 : i32
      %mul3A_1041 = arith.constant 64 : i32
      %mul3A_1042 = arith.muli %add3A_1040, %mul3A_1041 : i32
      %dma_start3A_1043 = tpu.memref_slice %arg11[%mul3A_1042] : memref<4096xi32, #tpu.memory_space<vmem>> -> memref<64xi32, #tpu.memory_space<vmem>>
      %dma_start3A_1044 = arith.constant 0 : i32
      %dma_start3A_1045 = arith.constant 0 : i32
      %dma_start3A_1046 = tpu.memref_slice %arg4[%dma_start3A_1044, %dma_start3A_1045] : memref<100000x128xf32, #tpu.memory_space<hbm>> -> memref<100000x128xf32, #tpu.memory_space<hbm>>
      tpu.enqueue_indirect_dma source(%dma_start3A_1046 : memref<100000x128xf32, #tpu.memory_space<hbm>>) target(%arg13 : memref<64x128xf32, #tpu.memory_space<vmem>>) offsets(%dma_start3A_1043 : memref<64xi32, #tpu.memory_space<vmem>>) semaphore(%arg30 : memref<!tpu.dma_semaphore, #tpu.memory_space<semaphore_mem>>) {add = true}
    }
    %scan3A_86 = arith.constant 64 : i32
    %dma_start3A_87 = arith.constant 64 : i32
    %dma_start3A_88 = tpu.memref_slice %arg8[%dma_start3A_87] : memref<512xi32, #tpu.memory_space<vmem>> -> memref<64xi32, #tpu.memory_space<vmem>>
    %dma_start3A_89 = arith.constant 0 : i32
    %dma_start3A_90 = arith.constant 0 : i32
    %dma_start3A_91 = tpu.memref_slice %arg3[%dma_start3A_89, %dma_start3A_90] : memref<100000x128xi32, #tpu.memory_space<hbm>> -> memref<100000x128xi32, #tpu.memory_space<hbm>>
    tpu.enqueue_indirect_dma source(%dma_start3A_91 : memref<100000x128xi32, #tpu.memory_space<hbm>>) target(%arg10 : memref<64x128xi32, #tpu.memory_space<vmem>>) offsets(%dma_start3A_88 : memref<64xi32, #tpu.memory_space<vmem>>) semaphore(%arg23 : memref<!tpu.dma_semaphore, #tpu.memory_space<semaphore_mem>>)
    %dma_start3A_92 = arith.constant 64 : i32
    %dma_start3A_93 = tpu.memref_slice %arg8[%dma_start3A_92] : memref<512xi32, #tpu.memory_space<vmem>> -> memref<64xi32, #tpu.memory_space<vmem>>
    %dma_start3A_94 = arith.constant 0 : i32
    %dma_start3A_95 = arith.constant 0 : i32
    %dma_start3A_96 = tpu.memref_slice %arg4[%dma_start3A_94, %dma_start3A_95] : memref<100000x128xf32, #tpu.memory_space<hbm>> -> memref<100000x128xf32, #tpu.memory_space<hbm>>
    tpu.enqueue_indirect_dma source(%dma_start3A_96 : memref<100000x128xf32, #tpu.memory_space<hbm>>) target(%arg17 : memref<64x128xf32, #tpu.memory_space<vmem>>) offsets(%dma_start3A_93 : memref<64xi32, #tpu.memory_space<vmem>>) semaphore(%arg25 : memref<!tpu.dma_semaphore, #tpu.memory_space<semaphore_mem>>)
    %dma_wait3A_97 = arith.constant 0 : i32
    %dma_wait3A_98 = arith.constant 0 : i32
    %dma_wait3A_99 = tpu.memref_slice %arg3[%dma_wait3A_97, %dma_wait3A_98] : memref<100000x128xi32, #tpu.memory_space<hbm>> -> memref<64x128xi32, #tpu.memory_space<hbm>>
    %dma_wait3A_100 = arith.constant 0 : i32
    %dma_wait3A_101 = arith.constant 0 : i32
    %dma_wait3A_102 = tpu.memref_slice %arg3[%dma_wait3A_100, %dma_wait3A_101] : memref<100000x128xi32, #tpu.memory_space<hbm>> -> memref<64x128xi32, #tpu.memory_space<hbm>>
    tpu.wait_dma2 semaphore(%arg23 : memref<!tpu.dma_semaphore, #tpu.memory_space<semaphore_mem>>) src(%dma_wait3A_102 : memref<64x128xi32, #tpu.memory_space<hbm>>) dst(%arg10 : memref<64x128xi32, #tpu.memory_space<vmem>>)
    %iota3A_103 = tpu.iota {dimensions = array<i32: 0>} : vector<16xi32>
    %broadcast_in_dim3A_104 = arith.constant 0 : i32
    %broadcast_in_dim3A_105 = vector.broadcast %broadcast_in_dim3A_104 : i32 to vector<16xi32>
    %add3A_106 = arith.constant 0 : i32
    %add3A_107 = vector.broadcast %add3A_106 : i32 to vector<16xi32>
    %add3A_108 = arith.addi %iota3A_103, %add3A_107 : vector<16xi32>
    %get3A_109 = arith.constant 64 : index
    %get3A_110 = tpu.vector_load %arg8[%get3A_109] {strides = array<i32>} : memref<512xi32, #tpu.memory_space<vmem>>, vector<16xi32>,
    %broadcast_in_dim3A_111 = arith.constant 0 : i32
    %broadcast_in_dim3A_112 = vector.broadcast %broadcast_in_dim3A_111 : i32 to vector<16xi32>
    %scan3A_113 = arith.constant 0 : i32
    %scan3A_114 = arith.constant 64 : i32
    %scan3A_115 = arith.addi %scan3A_113, %scan3A_114 : i32
    %scan3A_116 = arith.constant 1 : i32
    %scan3A_117 = scf.for %scan3A_1036 = %scan3A_113 to %scan3A_115 step %scan3A_116 iter_args(%scan3A_1037 = %broadcast_in_dim3A_112) -> (vector<16xi32>)  : i32 {
      %mul3A_1038 = arith.constant 1 : i32
      %mul3A_1039 = arith.muli %scan3A_1036, %mul3A_1038 : i32
      %add3A_1040 = arith.constant 0 : i32
      %add3A_1041 = arith.addi %add3A_1040, %mul3A_1039 : i32
      %add3A_1042 = vector.broadcast %add3A_1041 : i32 to vector<16xi32>
      %add3A_1043 = arith.addi %broadcast_in_dim3A_105, %add3A_1042 : vector<16xi32>
      %gather3A = tpu.vector_load_idx %arg10[%add3A_108, %add3A_1043] : memref<64x128xi32, #tpu.memory_space<vmem>>[vector<16xi32>, vector<16xi32>], vector<16xi32>,
      %add3A_1044 = arith.constant 64 : i32
      %add3A_1045 = vector.broadcast %add3A_1044 : i32 to vector<16xi32>
      %add3A_1046 = arith.addi %add3A_1043, %add3A_1045 : vector<16xi32>
      %gather3A_1047 = tpu.vector_load_idx %arg10[%add3A_108, %add3A_1046] : memref<64x128xi32, #tpu.memory_space<vmem>>[vector<16xi32>, vector<16xi32>], vector<16xi32>,
      %ne3A = arith.constant 0 : i32
      %ne3A_1048 = vector.broadcast %ne3A : i32 to vector<16xi32>
      %ne3A_1049 = arith.cmpi ne, %gather3A_1047, %ne3A_1048 : vector<16xi32>
      %select_n3A = arith.select %ne3A_1049, %gather3A, %get3A_110 : vector<16xi1>, vector<16xi32>
      %mul3A_1050 = arith.constant 64 : i32
      %mul3A_1051 = arith.muli %add3A_1041, %mul3A_1050 : i32
      %add3A_1052 = arith.constant 0 : i32
      %add3A_1053 = arith.addi %mul3A_1051, %add3A_1052 : i32
      %swap3A_1054 = arith.index_cast %add3A_1053 : i32 to index
      %swap3A_1055 = tpu.vector_load %arg12[%swap3A_1054] {strides = array<i32>} : memref<4096xi32, #tpu.memory_space<vmem>>, vector<16xi32>,
      tpu.vector_store %arg12[%swap3A_1054], %select_n3A {strides = array<i32>} : memref<4096xi32, #tpu.memory_space<vmem>>, vector<16xi32>,
      %add3A_1056 = arith.addi %scan3A_1037, %gather3A_1047 : vector<16xi32>
      scf.yield %add3A_1056 : vector<16xi32>
    }
    %scan3A_118 = arith.constant 64 : i32
    %swap3A_119 = arith.constant 0 : index
    %swap3A_120 = tpu.vector_load %arg20[%swap3A_119] {strides = array<i32>} : memref<64xi32, #tpu.memory_space<vmem>>, vector<16xi32>,
    tpu.vector_store %arg20[%swap3A_119], %scan3A_117 {strides = array<i32>} : memref<64xi32, #tpu.memory_space<vmem>>, vector<16xi32>,
    %add3A_121 = arith.constant 16 : i32
    %add3A_122 = vector.broadcast %add3A_121 : i32 to vector<16xi32>
    %add3A_123 = arith.addi %iota3A_103, %add3A_122 : vector<16xi32>
    %get3A_124 = arith.constant 80 : index
    %get3A_125 = tpu.vector_load %arg8[%get3A_124] {strides = array<i32>} : memref<512xi32, #tpu.memory_space<vmem>>, vector<16xi32>,
    %broadcast_in_dim3A_126 = arith.constant 0 : i32
    %broadcast_in_dim3A_127 = vector.broadcast %broadcast_in_dim3A_126 : i32 to vector<16xi32>
    %scan3A_128 = arith.constant 0 : i32
    %scan3A_129 = arith.constant 64 : i32
    %scan3A_130 = arith.addi %scan3A_128, %scan3A_129 : i32
    %scan3A_131 = arith.constant 1 : i32
    %scan3A_132 = scf.for %scan3A_1036 = %scan3A_128 to %scan3A_130 step %scan3A_131 iter_args(%scan3A_1037 = %broadcast_in_dim3A_127) -> (vector<16xi32>)  : i32 {
      %mul3A_1038 = arith.constant 1 : i32
      %mul3A_1039 = arith.muli %scan3A_1036, %mul3A_1038 : i32
      %add3A_1040 = arith.constant 0 : i32
      %add3A_1041 = arith.addi %add3A_1040, %mul3A_1039 : i32
      %add3A_1042 = vector.broadcast %add3A_1041 : i32 to vector<16xi32>
      %add3A_1043 = arith.addi %broadcast_in_dim3A_105, %add3A_1042 : vector<16xi32>
      %gather3A = tpu.vector_load_idx %arg10[%add3A_123, %add3A_1043] : memref<64x128xi32, #tpu.memory_space<vmem>>[vector<16xi32>, vector<16xi32>], vector<16xi32>,
      %add3A_1044 = arith.constant 64 : i32
      %add3A_1045 = vector.broadcast %add3A_1044 : i32 to vector<16xi32>
      %add3A_1046 = arith.addi %add3A_1043, %add3A_1045 : vector<16xi32>
      %gather3A_1047 = tpu.vector_load_idx %arg10[%add3A_123, %add3A_1046] : memref<64x128xi32, #tpu.memory_space<vmem>>[vector<16xi32>, vector<16xi32>], vector<16xi32>,
      %ne3A = arith.constant 0 : i32
      %ne3A_1048 = vector.broadcast %ne3A : i32 to vector<16xi32>
      %ne3A_1049 = arith.cmpi ne, %gather3A_1047, %ne3A_1048 : vector<16xi32>
      %select_n3A = arith.select %ne3A_1049, %gather3A, %get3A_125 : vector<16xi1>, vector<16xi32>
      %mul3A_1050 = arith.constant 64 : i32
      %mul3A_1051 = arith.muli %add3A_1041, %mul3A_1050 : i32
      %add3A_1052 = arith.constant 16 : i32
      %add3A_1053 = arith.addi %mul3A_1051, %add3A_1052 : i32
      %swap3A_1054 = arith.index_cast %add3A_1053 : i32 to index
      %swap3A_1055 = tpu.vector_load %arg12[%swap3A_1054] {strides = array<i32>} : memref<4096xi32, #tpu.memory_space<vmem>>, vector<16xi32>,
      tpu.vector_store %arg12[%swap3A_1054], %select_n3A {strides = array<i32>} : memref<4096xi32, #tpu.memory_space<vmem>>, vector<16xi32>,
      %add3A_1056 = arith.addi %scan3A_1037, %gather3A_1047 : vector<16xi32>
      scf.yield %add3A_1056 : vector<16xi32>
    }
    %scan3A_133 = arith.constant 64 : i32
    %swap3A_134 = arith.constant 16 : index
    %swap3A_135 = tpu.vector_load %arg20[%swap3A_134] {strides = array<i32>} : memref<64xi32, #tpu.memory_space<vmem>>, vector<16xi32>,
    tpu.vector_store %arg20[%swap3A_134], %scan3A_132 {strides = array<i32>} : memref<64xi32, #tpu.memory_space<vmem>>, vector<16xi32>,
    %add3A_136 = arith.constant 32 : i32
    %add3A_137 = vector.broadcast %add3A_136 : i32 to vector<16xi32>
    %add3A_138 = arith.addi %iota3A_103, %add3A_137 : vector<16xi32>
    %get3A_139 = arith.constant 96 : index
    %get3A_140 = tpu.vector_load %arg8[%get3A_139] {strides = array<i32>} : memref<512xi32, #tpu.memory_space<vmem>>, vector<16xi32>,
    %broadcast_in_dim3A_141 = arith.constant 0 : i32
    %broadcast_in_dim3A_142 = vector.broadcast %broadcast_in_dim3A_141 : i32 to vector<16xi32>
    %scan3A_143 = arith.constant 0 : i32
    %scan3A_144 = arith.constant 64 : i32
    %scan3A_145 = arith.addi %scan3A_143, %scan3A_144 : i32
    %scan3A_146 = arith.constant 1 : i32
    %scan3A_147 = scf.for %scan3A_1036 = %scan3A_143 to %scan3A_145 step %scan3A_146 iter_args(%scan3A_1037 = %broadcast_in_dim3A_142) -> (vector<16xi32>)  : i32 {
      %mul3A_1038 = arith.constant 1 : i32
      %mul3A_1039 = arith.muli %scan3A_1036, %mul3A_1038 : i32
      %add3A_1040 = arith.constant 0 : i32
      %add3A_1041 = arith.addi %add3A_1040, %mul3A_1039 : i32
      %add3A_1042 = vector.broadcast %add3A_1041 : i32 to vector<16xi32>
      %add3A_1043 = arith.addi %broadcast_in_dim3A_105, %add3A_1042 : vector<16xi32>
      %gather3A = tpu.vector_load_idx %arg10[%add3A_138, %add3A_1043] : memref<64x128xi32, #tpu.memory_space<vmem>>[vector<16xi32>, vector<16xi32>], vector<16xi32>,
      %add3A_1044 = arith.constant 64 : i32
      %add3A_1045 = vector.broadcast %add3A_1044 : i32 to vector<16xi32>
      %add3A_1046 = arith.addi %add3A_1043, %add3A_1045 : vector<16xi32>
      %gather3A_1047 = tpu.vector_load_idx %arg10[%add3A_138, %add3A_1046] : memref<64x128xi32, #tpu.memory_space<vmem>>[vector<16xi32>, vector<16xi32>], vector<16xi32>,
      %ne3A = arith.constant 0 : i32
      %ne3A_1048 = vector.broadcast %ne3A : i32 to vector<16xi32>
      %ne3A_1049 = arith.cmpi ne, %gather3A_1047, %ne3A_1048 : vector<16xi32>
      %select_n3A = arith.select %ne3A_1049, %gather3A, %get3A_140 : vector<16xi1>, vector<16xi32>
      %mul3A_1050 = arith.constant 64 : i32
      %mul3A_1051 = arith.muli %add3A_1041, %mul3A_1050 : i32
      %add3A_1052 = arith.constant 32 : i32
      %add3A_1053 = arith.addi %mul3A_1051, %add3A_1052 : i32
      %swap3A_1054 = arith.index_cast %add3A_1053 : i32 to index
      %swap3A_1055 = tpu.vector_load %arg12[%swap3A_1054] {strides = array<i32>} : memref<4096xi32, #tpu.memory_space<vmem>>, vector<16xi32>,
      tpu.vector_store %arg12[%swap3A_1054], %select_n3A {strides = array<i32>} : memref<4096xi32, #tpu.memory_space<vmem>>, vector<16xi32>,
      %add3A_1056 = arith.addi %scan3A_1037, %gather3A_1047 : vector<16xi32>
      scf.yield %add3A_1056 : vector<16xi32>
    }
    %scan3A_148 = arith.constant 64 : i32
    %swap3A_149 = arith.constant 32 : index
    %swap3A_150 = tpu.vector_load %arg20[%swap3A_149] {strides = array<i32>} : memref<64xi32, #tpu.memory_space<vmem>>, vector<16xi32>,
    tpu.vector_store %arg20[%swap3A_149], %scan3A_147 {strides = array<i32>} : memref<64xi32, #tpu.memory_space<vmem>>, vector<16xi32>,
    %add3A_151 = arith.constant 48 : i32
    %add3A_152 = vector.broadcast %add3A_151 : i32 to vector<16xi32>
    %add3A_153 = arith.addi %iota3A_103, %add3A_152 : vector<16xi32>
    %get3A_154 = arith.constant 112 : index
    %get3A_155 = tpu.vector_load %arg8[%get3A_154] {strides = array<i32>} : memref<512xi32, #tpu.memory_space<vmem>>, vector<16xi32>,
    %broadcast_in_dim3A_156 = arith.constant 0 : i32
    %broadcast_in_dim3A_157 = vector.broadcast %broadcast_in_dim3A_156 : i32 to vector<16xi32>
    %scan3A_158 = arith.constant 0 : i32
    %scan3A_159 = arith.constant 64 : i32
    %scan3A_160 = arith.addi %scan3A_158, %scan3A_159 : i32
    %scan3A_161 = arith.constant 1 : i32
    %scan3A_162 = scf.for %scan3A_1036 = %scan3A_158 to %scan3A_160 step %scan3A_161 iter_args(%scan3A_1037 = %broadcast_in_dim3A_157) -> (vector<16xi32>)  : i32 {
      %mul3A_1038 = arith.constant 1 : i32
      %mul3A_1039 = arith.muli %scan3A_1036, %mul3A_1038 : i32
      %add3A_1040 = arith.constant 0 : i32
      %add3A_1041 = arith.addi %add3A_1040, %mul3A_1039 : i32
      %add3A_1042 = vector.broadcast %add3A_1041 : i32 to vector<16xi32>
      %add3A_1043 = arith.addi %broadcast_in_dim3A_105, %add3A_1042 : vector<16xi32>
      %gather3A = tpu.vector_load_idx %arg10[%add3A_153, %add3A_1043] : memref<64x128xi32, #tpu.memory_space<vmem>>[vector<16xi32>, vector<16xi32>], vector<16xi32>,
      %add3A_1044 = arith.constant 64 : i32
      %add3A_1045 = vector.broadcast %add3A_1044 : i32 to vector<16xi32>
      %add3A_1046 = arith.addi %add3A_1043, %add3A_1045 : vector<16xi32>
      %gather3A_1047 = tpu.vector_load_idx %arg10[%add3A_153, %add3A_1046] : memref<64x128xi32, #tpu.memory_space<vmem>>[vector<16xi32>, vector<16xi32>], vector<16xi32>,
      %ne3A = arith.constant 0 : i32
      %ne3A_1048 = vector.broadcast %ne3A : i32 to vector<16xi32>
      %ne3A_1049 = arith.cmpi ne, %gather3A_1047, %ne3A_1048 : vector<16xi32>
      %select_n3A = arith.select %ne3A_1049, %gather3A, %get3A_155 : vector<16xi1>, vector<16xi32>
      %mul3A_1050 = arith.constant 64 : i32
      %mul3A_1051 = arith.muli %add3A_1041, %mul3A_1050 : i32
      %add3A_1052 = arith.constant 48 : i32
      %add3A_1053 = arith.addi %mul3A_1051, %add3A_1052 : i32
      %swap3A_1054 = arith.index_cast %add3A_1053 : i32 to index
      %swap3A_1055 = tpu.vector_load %arg12[%swap3A_1054] {strides = array<i32>} : memref<4096xi32, #tpu.memory_space<vmem>>, vector<16xi32>,
      tpu.vector_store %arg12[%swap3A_1054], %select_n3A {strides = array<i32>} : memref<4096xi32, #tpu.memory_space<vmem>>, vector<16xi32>,
      %add3A_1056 = arith.addi %scan3A_1037, %gather3A_1047 : vector<16xi32>
      scf.yield %add3A_1056 : vector<16xi32>
    }
    %scan3A_163 = arith.constant 64 : i32
    %swap3A_164 = arith.constant 48 : index
    %swap3A_165 = tpu.vector_load %arg20[%swap3A_164] {strides = array<i32>} : memref<64xi32, #tpu.memory_space<vmem>>, vector<16xi32>,
    tpu.vector_store %arg20[%swap3A_164], %scan3A_162 {strides = array<i32>} : memref<64xi32, #tpu.memory_space<vmem>>, vector<16xi32>,
    %broadcast_in_dim3A_166 = arith.constant 0.000000e+00 : f32
    %broadcast_in_dim3A_167 = vector.broadcast %broadcast_in_dim3A_166 : f32 to vector<16xf32>
    %scan3A_168 = arith.constant 0 : i32
    %scan3A_169 = arith.constant 64 : i32
    %scan3A_170 = arith.addi %scan3A_168, %scan3A_169 : i32
    %scan3A_171 = arith.constant 1 : i32
    scf.for %scan3A_1036 = %scan3A_168 to %scan3A_170 step %scan3A_171  : i32 {
      %mul3A_1037 = arith.constant 1 : i32
      %mul3A_1038 = arith.muli %scan3A_1036, %mul3A_1037 : i32
      %add3A_1039 = arith.constant 0 : i32
      %add3A_1040 = arith.addi %add3A_1039, %mul3A_1038 : i32
      %swap3A_1041 = arith.index_cast %add3A_1040 : i32 to index
      %swap3A_1042 = arith.constant 0 : index
      %swap3A_1043 = tpu.vector_load %arg14[%swap3A_1041, %swap3A_1042] {strides = array<i32>} : memref<64x128xf32, #tpu.memory_space<vmem>>, vector<16xf32>,
      tpu.vector_store %arg14[%swap3A_1041, %swap3A_1042], %broadcast_in_dim3A_167 {strides = array<i32>} : memref<64x128xf32, #tpu.memory_space<vmem>>, vector<16xf32>,
      %swap3A_1044 = arith.index_cast %add3A_1040 : i32 to index
      %swap3A_1045 = arith.constant 16 : index
      %swap3A_1046 = tpu.vector_load %arg14[%swap3A_1044, %swap3A_1045] {strides = array<i32>} : memref<64x128xf32, #tpu.memory_space<vmem>>, vector<16xf32>,
      tpu.vector_store %arg14[%swap3A_1044, %swap3A_1045], %broadcast_in_dim3A_167 {strides = array<i32>} : memref<64x128xf32, #tpu.memory_space<vmem>>, vector<16xf32>,
      %swap3A_1047 = arith.index_cast %add3A_1040 : i32 to index
      %swap3A_1048 = arith.constant 32 : index
      %swap3A_1049 = tpu.vector_load %arg14[%swap3A_1047, %swap3A_1048] {strides = array<i32>} : memref<64x128xf32, #tpu.memory_space<vmem>>, vector<16xf32>,
      tpu.vector_store %arg14[%swap3A_1047, %swap3A_1048], %broadcast_in_dim3A_167 {strides = array<i32>} : memref<64x128xf32, #tpu.memory_space<vmem>>, vector<16xf32>,
      %swap3A_1050 = arith.index_cast %add3A_1040 : i32 to index
      %swap3A_1051 = arith.constant 48 : index
      %swap3A_1052 = tpu.vector_load %arg14[%swap3A_1050, %swap3A_1051] {strides = array<i32>} : memref<64x128xf32, #tpu.memory_space<vmem>>, vector<16xf32>,
      tpu.vector_store %arg14[%swap3A_1050, %swap3A_1051], %broadcast_in_dim3A_167 {strides = array<i32>} : memref<64x128xf32, #tpu.memory_space<vmem>>, vector<16xf32>,
      %swap3A_1053 = arith.index_cast %add3A_1040 : i32 to index
      %swap3A_1054 = arith.constant 64 : index
      %swap3A_1055 = tpu.vector_load %arg14[%swap3A_1053, %swap3A_1054] {strides = array<i32>} : memref<64x128xf32, #tpu.memory_space<vmem>>, vector<16xf32>,
      tpu.vector_store %arg14[%swap3A_1053, %swap3A_1054], %broadcast_in_dim3A_167 {strides = array<i32>} : memref<64x128xf32, #tpu.memory_space<vmem>>, vector<16xf32>,
      %swap3A_1056 = arith.index_cast %add3A_1040 : i32 to index
      %swap3A_1057 = arith.constant 80 : index
      %swap3A_1058 = tpu.vector_load %arg14[%swap3A_1056, %swap3A_1057] {strides = array<i32>} : memref<64x128xf32, #tpu.memory_space<vmem>>, vector<16xf32>,
      tpu.vector_store %arg14[%swap3A_1056, %swap3A_1057], %broadcast_in_dim3A_167 {strides = array<i32>} : memref<64x128xf32, #tpu.memory_space<vmem>>, vector<16xf32>,
      %swap3A_1059 = arith.index_cast %add3A_1040 : i32 to index
      %swap3A_1060 = arith.constant 96 : index
      %swap3A_1061 = tpu.vector_load %arg14[%swap3A_1059, %swap3A_1060] {strides = array<i32>} : memref<64x128xf32, #tpu.memory_space<vmem>>, vector<16xf32>,
      tpu.vector_store %arg14[%swap3A_1059, %swap3A_1060], %broadcast_in_dim3A_167 {strides = array<i32>} : memref<64x128xf32, #tpu.memory_space<vmem>>, vector<16xf32>,
      %swap3A_1062 = arith.index_cast %add3A_1040 : i32 to index
      %swap3A_1063 = arith.constant 112 : index
      %swap3A_1064 = tpu.vector_load %arg14[%swap3A_1062, %swap3A_1063] {strides = array<i32>} : memref<64x128xf32, #tpu.memory_space<vmem>>, vector<16xf32>,
      tpu.vector_store %arg14[%swap3A_1062, %swap3A_1063], %broadcast_in_dim3A_167 {strides = array<i32>} : memref<64x128xf32, #tpu.memory_space<vmem>>, vector<16xf32>,
    }
    %scan3A_172 = arith.constant 64 : i32
    %scan3A_173 = arith.constant 0 : i32
    %scan3A_174 = arith.constant 64 : i32
    %scan3A_175 = arith.addi %scan3A_173, %scan3A_174 : i32
    %scan3A_176 = arith.constant 1 : i32
    scf.for %scan3A_1036 = %scan3A_173 to %scan3A_175 step %scan3A_176  : i32 {
      %mul3A_1037 = arith.constant 1 : i32
      %mul3A_1038 = arith.muli %scan3A_1036, %mul3A_1037 : i32
      %add3A_1039 = arith.constant 0 : i32
      %add3A_1040 = arith.addi %add3A_1039, %mul3A_1038 : i32
      %mul3A_1041 = arith.constant 64 : i32
      %mul3A_1042 = arith.muli %add3A_1040, %mul3A_1041 : i32
      %dma_start3A_1043 = tpu.memref_slice %arg12[%mul3A_1042] : memref<4096xi32, #tpu.memory_space<vmem>> -> memref<64xi32, #tpu.memory_space<vmem>>
      %dma_start3A_1044 = arith.constant 0 : i32
      %dma_start3A_1045 = arith.constant 0 : i32
      %dma_start3A_1046 = tpu.memref_slice %arg4[%dma_start3A_1044, %dma_start3A_1045] : memref<100000x128xf32, #tpu.memory_space<hbm>> -> memref<100000x128xf32, #tpu.memory_space<hbm>>
      tpu.enqueue_indirect_dma source(%dma_start3A_1046 : memref<100000x128xf32, #tpu.memory_space<hbm>>) target(%arg14 : memref<64x128xf32, #tpu.memory_space<vmem>>) offsets(%dma_start3A_1043 : memref<64xi32, #tpu.memory_space<vmem>>) semaphore(%arg31 : memref<!tpu.dma_semaphore, #tpu.memory_space<semaphore_mem>>) {add = true}
    }
    %scan3A_177 = arith.constant 64 : i32
    %dma_start3A_178 = arith.constant 128 : i32
    %dma_start3A_179 = tpu.memref_slice %arg8[%dma_start3A_178] : memref<512xi32, #tpu.memory_space<vmem>> -> memref<64xi32, #tpu.memory_space<vmem>>
    %dma_start3A_180 = arith.constant 0 : i32
    %dma_start3A_181 = arith.constant 0 : i32
    %dma_start3A_182 = tpu.memref_slice %arg3[%dma_start3A_180, %dma_start3A_181] : memref<100000x128xi32, #tpu.memory_space<hbm>> -> memref<100000x128xi32, #tpu.memory_space<hbm>>
    tpu.enqueue_indirect_dma source(%dma_start3A_182 : memref<100000x128xi32, #tpu.memory_space<hbm>>) target(%arg9 : memref<64x128xi32, #tpu.memory_space<vmem>>) offsets(%dma_start3A_179 : memref<64xi32, #tpu.memory_space<vmem>>) semaphore(%arg22 : memref<!tpu.dma_semaphore, #tpu.memory_space<semaphore_mem>>)
    %dma_start3A_183 = arith.constant 128 : i32
    %dma_start3A_184 = tpu.memref_slice %arg8[%dma_start3A_183] : memref<512xi32, #tpu.memory_space<vmem>> -> memref<64xi32, #tpu.memory_space<vmem>>
    %dma_start3A_185 = arith.constant 0 : i32
    %dma_start3A_186 = arith.constant 0 : i32
    %dma_start3A_187 = tpu.memref_slice %arg4[%dma_start3A_185, %dma_start3A_186] : memref<100000x128xf32, #tpu.memory_space<hbm>> -> memref<100000x128xf32, #tpu.memory_space<hbm>>
    tpu.enqueue_indirect_dma source(%dma_start3A_187 : memref<100000x128xf32, #tpu.memory_space<hbm>>) target(%arg18 : memref<64x128xf32, #tpu.memory_space<vmem>>) offsets(%dma_start3A_184 : memref<64xi32, #tpu.memory_space<vmem>>) semaphore(%arg26 : memref<!tpu.dma_semaphore, #tpu.memory_space<semaphore_mem>>)
    %add3A_188 = arith.constant 0 : i32
    %add3A_189 = arith.addi %mul3A_2, %add3A_188 : i32
    %scan3A_190 = arith.constant 0 : i32
    %scan3A_191 = arith.constant 64 : i32
    %scan3A_192 = arith.addi %scan3A_190, %scan3A_191 : i32
    %scan3A_193 = arith.constant 1 : i32
    scf.for %scan3A_1036 = %scan3A_190 to %scan3A_192 step %scan3A_193  : i32 {
      %mul3A_1037 = arith.constant 1 : i32
      %mul3A_1038 = arith.muli %scan3A_1036, %mul3A_1037 : i32
      %add3A_1039 = arith.constant 0 : i32
      %add3A_1040 = arith.addi %add3A_1039, %mul3A_1038 : i32
      %dma_wait3A_1041 = arith.constant 0 : i32
      %dma_wait3A_1042 = arith.constant 0 : i32
      %dma_wait3A_1043 = tpu.memref_slice %arg4[%dma_wait3A_1041, %dma_wait3A_1042] : memref<100000x128xf32, #tpu.memory_space<hbm>> -> memref<64x128xf32, #tpu.memory_space<hbm>>
      %dma_wait3A_1044 = arith.constant 0 : i32
      %dma_wait3A_1045 = arith.constant 0 : i32
      %dma_wait3A_1046 = tpu.memref_slice %arg4[%dma_wait3A_1044, %dma_wait3A_1045] : memref<100000x128xf32, #tpu.memory_space<hbm>> -> memref<64x128xf32, #tpu.memory_space<hbm>>
      tpu.wait_dma2 semaphore(%arg30 : memref<!tpu.dma_semaphore, #tpu.memory_space<semaphore_mem>>) src(%dma_wait3A_1046 : memref<64x128xf32, #tpu.memory_space<hbm>>) dst(%arg13 : memref<64x128xf32, #tpu.memory_space<vmem>>)
    }
    %scan3A_194 = arith.constant 64 : i32
    %dma_start3A_195 = arith.constant 0 : i32
    %dma_start3A_196 = tpu.memref_slice %arg5[%add3A_189, %dma_start3A_195] : memref<16384x128xf32, #tpu.memory_space<hbm>> -> memref<64x128xf32, #tpu.memory_space<hbm>>
    %dma_start3A_197 = arith.constant 0 : i32
    %dma_start3A_198 = tpu.memref_slice %arg5[%add3A_189, %dma_start3A_197] : memref<16384x128xf32, #tpu.memory_space<hbm>> -> memref<64x128xf32, #tpu.memory_space<hbm>>
    tpu.enqueue_dma source(%arg13 : memref<64x128xf32, #tpu.memory_space<vmem>>) target(%dma_start3A_198 : memref<64x128xf32, #tpu.memory_space<hbm>>) target_semaphore(%arg33 : memref<!tpu.dma_semaphore, #tpu.memory_space<semaphore_mem>>)
    %dma_start3A_199 = tpu.memref_slice %arg7[%add3A_189] : memref<16384xi32, #tpu.memory_space<hbm>> -> memref<64xi32, #tpu.memory_space<hbm>>
    %dma_start3A_200 = tpu.memref_slice %arg7[%add3A_189] : memref<16384xi32, #tpu.memory_space<hbm>> -> memref<64xi32, #tpu.memory_space<hbm>>
    tpu.enqueue_dma source(%arg19 : memref<64xi32, #tpu.memory_space<vmem>>) target(%dma_start3A_200 : memref<64xi32, #tpu.memory_space<hbm>>) target_semaphore(%arg36 : memref<!tpu.dma_semaphore, #tpu.memory_space<semaphore_mem>>)
    %dma_wait3A_201 = arith.constant 0 : i32
    %dma_wait3A_202 = arith.constant 0 : i32
    %dma_wait3A_203 = tpu.memref_slice %arg4[%dma_wait3A_201, %dma_wait3A_202] : memref<100000x128xf32, #tpu.memory_space<hbm>> -> memref<64x128xf32, #tpu.memory_space<hbm>>
    %dma_wait3A_204 = arith.constant 0 : i32
    %dma_wait3A_205 = arith.constant 0 : i32
    %dma_wait3A_206 = tpu.memref_slice %arg4[%dma_wait3A_204, %dma_wait3A_205] : memref<100000x128xf32, #tpu.memory_space<hbm>> -> memref<64x128xf32, #tpu.memory_space<hbm>>
    tpu.wait_dma2 semaphore(%arg24 : memref<!tpu.dma_semaphore, #tpu.memory_space<semaphore_mem>>) src(%dma_wait3A_206 : memref<64x128xf32, #tpu.memory_space<hbm>>) dst(%arg16 : memref<64x128xf32, #tpu.memory_space<vmem>>)
    %dma_start3A_207 = arith.constant 0 : i32
    %dma_start3A_208 = tpu.memref_slice %arg6[%add3A_189, %dma_start3A_207] : memref<16384x128xf32, #tpu.memory_space<hbm>> -> memref<64x128xf32, #tpu.memory_space<hbm>>
    %dma_start3A_209 = arith.constant 0 : i32
    %dma_start3A_210 = tpu.memref_slice %arg6[%add3A_189, %dma_start3A_209] : memref<16384x128xf32, #tpu.memory_space<hbm>> -> memref<64x128xf32, #tpu.memory_space<hbm>>
    tpu.enqueue_dma source(%arg16 : memref<64x128xf32, #tpu.memory_space<vmem>>) target(%dma_start3A_210 : memref<64x128xf32, #tpu.memory_space<hbm>>) target_semaphore(%arg27 : memref<!tpu.dma_semaphore, #tpu.memory_space<semaphore_mem>>)
    %dma_wait3A_211 = arith.constant 0 : i32
    %dma_wait3A_212 = arith.constant 0 : i32
    %dma_wait3A_213 = tpu.memref_slice %arg3[%dma_wait3A_211, %dma_wait3A_212] : memref<100000x128xi32, #tpu.memory_space<hbm>> -> memref<64x128xi32, #tpu.memory_space<hbm>>
    %dma_wait3A_214 = arith.constant 0 : i32
    %dma_wait3A_215 = arith.constant 0 : i32
    %dma_wait3A_216 = tpu.memref_slice %arg3[%dma_wait3A_214, %dma_wait3A_215] : memref<100000x128xi32, #tpu.memory_space<hbm>> -> memref<64x128xi32, #tpu.memory_space<hbm>>
    tpu.wait_dma2 semaphore(%arg22 : memref<!tpu.dma_semaphore, #tpu.memory_space<semaphore_mem>>) src(%dma_wait3A_216 : memref<64x128xi32, #tpu.memory_space<hbm>>) dst(%arg9 : memref<64x128xi32, #tpu.memory_space<vmem>>)
    %iota3A_217 = tpu.iota {dimensions = array<i32: 0>} : vector<16xi32>
    %broadcast_in_dim3A_218 = arith.constant 0 : i32
    %broadcast_in_dim3A_219 = vector.broadcast %broadcast_in_dim3A_218 : i32 to vector<16xi32>
    %add3A_220 = arith.constant 0 : i32
    %add3A_221 = vector.broadcast %add3A_220 : i32 to vector<16xi32>
    %add3A_222 = arith.addi %iota3A_217, %add3A_221 : vector<16xi32>
    %get3A_223 = arith.constant 128 : index
    %get3A_224 = tpu.vector_load %arg8[%get3A_223] {strides = array<i32>} : memref<512xi32, #tpu.memory_space<vmem>>, vector<16xi32>,
    %broadcast_in_dim3A_225 = arith.constant 0 : i32
    %broadcast_in_dim3A_226 = vector.broadcast %broadcast_in_dim3A_225 : i32 to vector<16xi32>
    %scan3A_227 = arith.constant 0 : i32
    %scan3A_228 = arith.constant 64 : i32
    %scan3A_229 = arith.addi %scan3A_227, %scan3A_228 : i32
    %scan3A_230 = arith.constant 1 : i32
    %scan3A_231 = scf.for %scan3A_1036 = %scan3A_227 to %scan3A_229 step %scan3A_230 iter_args(%scan3A_1037 = %broadcast_in_dim3A_226) -> (vector<16xi32>)  : i32 {
      %mul3A_1038 = arith.constant 1 : i32
      %mul3A_1039 = arith.muli %scan3A_1036, %mul3A_1038 : i32
      %add3A_1040 = arith.constant 0 : i32
      %add3A_1041 = arith.addi %add3A_1040, %mul3A_1039 : i32
      %add3A_1042 = vector.broadcast %add3A_1041 : i32 to vector<16xi32>
      %add3A_1043 = arith.addi %broadcast_in_dim3A_219, %add3A_1042 : vector<16xi32>
      %gather3A = tpu.vector_load_idx %arg9[%add3A_222, %add3A_1043] : memref<64x128xi32, #tpu.memory_space<vmem>>[vector<16xi32>, vector<16xi32>], vector<16xi32>,
      %add3A_1044 = arith.constant 64 : i32
      %add3A_1045 = vector.broadcast %add3A_1044 : i32 to vector<16xi32>
      %add3A_1046 = arith.addi %add3A_1043, %add3A_1045 : vector<16xi32>
      %gather3A_1047 = tpu.vector_load_idx %arg9[%add3A_222, %add3A_1046] : memref<64x128xi32, #tpu.memory_space<vmem>>[vector<16xi32>, vector<16xi32>], vector<16xi32>,
      %ne3A = arith.constant 0 : i32
      %ne3A_1048 = vector.broadcast %ne3A : i32 to vector<16xi32>
      %ne3A_1049 = arith.cmpi ne, %gather3A_1047, %ne3A_1048 : vector<16xi32>
      %select_n3A = arith.select %ne3A_1049, %gather3A, %get3A_224 : vector<16xi1>, vector<16xi32>
      %mul3A_1050 = arith.constant 64 : i32
      %mul3A_1051 = arith.muli %add3A_1041, %mul3A_1050 : i32
      %add3A_1052 = arith.constant 0 : i32
      %add3A_1053 = arith.addi %mul3A_1051, %add3A_1052 : i32
      %swap3A_1054 = arith.index_cast %add3A_1053 : i32 to index
      %swap3A_1055 = tpu.vector_load %arg11[%swap3A_1054] {strides = array<i32>} : memref<4096xi32, #tpu.memory_space<vmem>>, vector<16xi32>,
      tpu.vector_store %arg11[%swap3A_1054], %select_n3A {strides = array<i32>} : memref<4096xi32, #tpu.memory_space<vmem>>, vector<16xi32>,
      %add3A_1056 = arith.addi %scan3A_1037, %gather3A_1047 : vector<16xi32>
      scf.yield %add3A_1056 : vector<16xi32>
    }
    %scan3A_232 = arith.constant 64 : i32
    %swap3A_233 = arith.constant 0 : index
    %swap3A_234 = tpu.vector_load %arg21[%swap3A_233] {strides = array<i32>} : memref<64xi32, #tpu.memory_space<vmem>>, vector<16xi32>,
    tpu.vector_store %arg21[%swap3A_233], %scan3A_231 {strides = array<i32>} : memref<64xi32, #tpu.memory_space<vmem>>, vector<16xi32>,
    %add3A_235 = arith.constant 16 : i32
    %add3A_236 = vector.broadcast %add3A_235 : i32 to vector<16xi32>
    %add3A_237 = arith.addi %iota3A_217, %add3A_236 : vector<16xi32>
    %get3A_238 = arith.constant 144 : index
    %get3A_239 = tpu.vector_load %arg8[%get3A_238] {strides = array<i32>} : memref<512xi32, #tpu.memory_space<vmem>>, vector<16xi32>,
    %broadcast_in_dim3A_240 = arith.constant 0 : i32
    %broadcast_in_dim3A_241 = vector.broadcast %broadcast_in_dim3A_240 : i32 to vector<16xi32>
    %scan3A_242 = arith.constant 0 : i32
    %scan3A_243 = arith.constant 64 : i32
    %scan3A_244 = arith.addi %scan3A_242, %scan3A_243 : i32
    %scan3A_245 = arith.constant 1 : i32
    %scan3A_246 = scf.for %scan3A_1036 = %scan3A_242 to %scan3A_244 step %scan3A_245 iter_args(%scan3A_1037 = %broadcast_in_dim3A_241) -> (vector<16xi32>)  : i32 {
      %mul3A_1038 = arith.constant 1 : i32
      %mul3A_1039 = arith.muli %scan3A_1036, %mul3A_1038 : i32
      %add3A_1040 = arith.constant 0 : i32
      %add3A_1041 = arith.addi %add3A_1040, %mul3A_1039 : i32
      %add3A_1042 = vector.broadcast %add3A_1041 : i32 to vector<16xi32>
      %add3A_1043 = arith.addi %broadcast_in_dim3A_219, %add3A_1042 : vector<16xi32>
      %gather3A = tpu.vector_load_idx %arg9[%add3A_237, %add3A_1043] : memref<64x128xi32, #tpu.memory_space<vmem>>[vector<16xi32>, vector<16xi32>], vector<16xi32>,
      %add3A_1044 = arith.constant 64 : i32
      %add3A_1045 = vector.broadcast %add3A_1044 : i32 to vector<16xi32>
      %add3A_1046 = arith.addi %add3A_1043, %add3A_1045 : vector<16xi32>
      %gather3A_1047 = tpu.vector_load_idx %arg9[%add3A_237, %add3A_1046] : memref<64x128xi32, #tpu.memory_space<vmem>>[vector<16xi32>, vector<16xi32>], vector<16xi32>,
      %ne3A = arith.constant 0 : i32
      %ne3A_1048 = vector.broadcast %ne3A : i32 to vector<16xi32>
      %ne3A_1049 = arith.cmpi ne, %gather3A_1047, %ne3A_1048 : vector<16xi32>
      %select_n3A = arith.select %ne3A_1049, %gather3A, %get3A_239 : vector<16xi1>, vector<16xi32>
      %mul3A_1050 = arith.constant 64 : i32
      %mul3A_1051 = arith.muli %add3A_1041, %mul3A_1050 : i32
      %add3A_1052 = arith.constant 16 : i32
      %add3A_1053 = arith.addi %mul3A_1051, %add3A_1052 : i32
      %swap3A_1054 = arith.index_cast %add3A_1053 : i32 to index
      %swap3A_1055 = tpu.vector_load %arg11[%swap3A_1054] {strides = array<i32>} : memref<4096xi32, #tpu.memory_space<vmem>>, vector<16xi32>,
      tpu.vector_store %arg11[%swap3A_1054], %select_n3A {strides = array<i32>} : memref<4096xi32, #tpu.memory_space<vmem>>, vector<16xi32>,
      %add3A_1056 = arith.addi %scan3A_1037, %gather3A_1047 : vector<16xi32>
      scf.yield %add3A_1056 : vector<16xi32>
    }
    %scan3A_247 = arith.constant 64 : i32
    %swap3A_248 = arith.constant 16 : index
    %swap3A_249 = tpu.vector_load %arg21[%swap3A_248] {strides = array<i32>} : memref<64xi32, #tpu.memory_space<vmem>>, vector<16xi32>,
    tpu.vector_store %arg21[%swap3A_248], %scan3A_246 {strides = array<i32>} : memref<64xi32, #tpu.memory_space<vmem>>, vector<16xi32>,
    %add3A_250 = arith.constant 32 : i32
    %add3A_251 = vector.broadcast %add3A_250 : i32 to vector<16xi32>
    %add3A_252 = arith.addi %iota3A_217, %add3A_251 : vector<16xi32>
    %get3A_253 = arith.constant 160 : index
    %get3A_254 = tpu.vector_load %arg8[%get3A_253] {strides = array<i32>} : memref<512xi32, #tpu.memory_space<vmem>>, vector<16xi32>,
    %broadcast_in_dim3A_255 = arith.constant 0 : i32
    %broadcast_in_dim3A_256 = vector.broadcast %broadcast_in_dim3A_255 : i32 to vector<16xi32>
    %scan3A_257 = arith.constant 0 : i32
    %scan3A_258 = arith.constant 64 : i32
    %scan3A_259 = arith.addi %scan3A_257, %scan3A_258 : i32
    %scan3A_260 = arith.constant 1 : i32
    %scan3A_261 = scf.for %scan3A_1036 = %scan3A_257 to %scan3A_259 step %scan3A_260 iter_args(%scan3A_1037 = %broadcast_in_dim3A_256) -> (vector<16xi32>)  : i32 {
      %mul3A_1038 = arith.constant 1 : i32
      %mul3A_1039 = arith.muli %scan3A_1036, %mul3A_1038 : i32
      %add3A_1040 = arith.constant 0 : i32
      %add3A_1041 = arith.addi %add3A_1040, %mul3A_1039 : i32
      %add3A_1042 = vector.broadcast %add3A_1041 : i32 to vector<16xi32>
      %add3A_1043 = arith.addi %broadcast_in_dim3A_219, %add3A_1042 : vector<16xi32>
      %gather3A = tpu.vector_load_idx %arg9[%add3A_252, %add3A_1043] : memref<64x128xi32, #tpu.memory_space<vmem>>[vector<16xi32>, vector<16xi32>], vector<16xi32>,
      %add3A_1044 = arith.constant 64 : i32
      %add3A_1045 = vector.broadcast %add3A_1044 : i32 to vector<16xi32>
      %add3A_1046 = arith.addi %add3A_1043, %add3A_1045 : vector<16xi32>
      %gather3A_1047 = tpu.vector_load_idx %arg9[%add3A_252, %add3A_1046] : memref<64x128xi32, #tpu.memory_space<vmem>>[vector<16xi32>, vector<16xi32>], vector<16xi32>,
      %ne3A = arith.constant 0 : i32
      %ne3A_1048 = vector.broadcast %ne3A : i32 to vector<16xi32>
      %ne3A_1049 = arith.cmpi ne, %gather3A_1047, %ne3A_1048 : vector<16xi32>
      %select_n3A = arith.select %ne3A_1049, %gather3A, %get3A_254 : vector<16xi1>, vector<16xi32>
      %mul3A_1050 = arith.constant 64 : i32
      %mul3A_1051 = arith.muli %add3A_1041, %mul3A_1050 : i32
      %add3A_1052 = arith.constant 32 : i32
      %add3A_1053 = arith.addi %mul3A_1051, %add3A_1052 : i32
      %swap3A_1054 = arith.index_cast %add3A_1053 : i32 to index
      %swap3A_1055 = tpu.vector_load %arg11[%swap3A_1054] {strides = array<i32>} : memref<4096xi32, #tpu.memory_space<vmem>>, vector<16xi32>,
      tpu.vector_store %arg11[%swap3A_1054], %select_n3A {strides = array<i32>} : memref<4096xi32, #tpu.memory_space<vmem>>, vector<16xi32>,
      %add3A_1056 = arith.addi %scan3A_1037, %gather3A_1047 : vector<16xi32>
      scf.yield %add3A_1056 : vector<16xi32>
    }
    %scan3A_262 = arith.constant 64 : i32
    %swap3A_263 = arith.constant 32 : index
    %swap3A_264 = tpu.vector_load %arg21[%swap3A_263] {strides = array<i32>} : memref<64xi32, #tpu.memory_space<vmem>>, vector<16xi32>,
    tpu.vector_store %arg21[%swap3A_263], %scan3A_261 {strides = array<i32>} : memref<64xi32, #tpu.memory_space<vmem>>, vector<16xi32>,
    %add3A_265 = arith.constant 48 : i32
    %add3A_266 = vector.broadcast %add3A_265 : i32 to vector<16xi32>
    %add3A_267 = arith.addi %iota3A_217, %add3A_266 : vector<16xi32>
    %get3A_268 = arith.constant 176 : index
    %get3A_269 = tpu.vector_load %arg8[%get3A_268] {strides = array<i32>} : memref<512xi32, #tpu.memory_space<vmem>>, vector<16xi32>,
    %broadcast_in_dim3A_270 = arith.constant 0 : i32
    %broadcast_in_dim3A_271 = vector.broadcast %broadcast_in_dim3A_270 : i32 to vector<16xi32>
    %scan3A_272 = arith.constant 0 : i32
    %scan3A_273 = arith.constant 64 : i32
    %scan3A_274 = arith.addi %scan3A_272, %scan3A_273 : i32
    %scan3A_275 = arith.constant 1 : i32
    %scan3A_276 = scf.for %scan3A_1036 = %scan3A_272 to %scan3A_274 step %scan3A_275 iter_args(%scan3A_1037 = %broadcast_in_dim3A_271) -> (vector<16xi32>)  : i32 {
      %mul3A_1038 = arith.constant 1 : i32
      %mul3A_1039 = arith.muli %scan3A_1036, %mul3A_1038 : i32
      %add3A_1040 = arith.constant 0 : i32
      %add3A_1041 = arith.addi %add3A_1040, %mul3A_1039 : i32
      %add3A_1042 = vector.broadcast %add3A_1041 : i32 to vector<16xi32>
      %add3A_1043 = arith.addi %broadcast_in_dim3A_219, %add3A_1042 : vector<16xi32>
      %gather3A = tpu.vector_load_idx %arg9[%add3A_267, %add3A_1043] : memref<64x128xi32, #tpu.memory_space<vmem>>[vector<16xi32>, vector<16xi32>], vector<16xi32>,
      %add3A_1044 = arith.constant 64 : i32
      %add3A_1045 = vector.broadcast %add3A_1044 : i32 to vector<16xi32>
      %add3A_1046 = arith.addi %add3A_1043, %add3A_1045 : vector<16xi32>
      %gather3A_1047 = tpu.vector_load_idx %arg9[%add3A_267, %add3A_1046] : memref<64x128xi32, #tpu.memory_space<vmem>>[vector<16xi32>, vector<16xi32>], vector<16xi32>,
      %ne3A = arith.constant 0 : i32
      %ne3A_1048 = vector.broadcast %ne3A : i32 to vector<16xi32>
      %ne3A_1049 = arith.cmpi ne, %gather3A_1047, %ne3A_1048 : vector<16xi32>
      %select_n3A = arith.select %ne3A_1049, %gather3A, %get3A_269 : vector<16xi1>, vector<16xi32>
      %mul3A_1050 = arith.constant 64 : i32
      %mul3A_1051 = arith.muli %add3A_1041, %mul3A_1050 : i32
      %add3A_1052 = arith.constant 48 : i32
      %add3A_1053 = arith.addi %mul3A_1051, %add3A_1052 : i32
      %swap3A_1054 = arith.index_cast %add3A_1053 : i32 to index
      %swap3A_1055 = tpu.vector_load %arg11[%swap3A_1054] {strides = array<i32>} : memref<4096xi32, #tpu.memory_space<vmem>>, vector<16xi32>,
      tpu.vector_store %arg11[%swap3A_1054], %select_n3A {strides = array<i32>} : memref<4096xi32, #tpu.memory_space<vmem>>, vector<16xi32>,
      %add3A_1056 = arith.addi %scan3A_1037, %gather3A_1047 : vector<16xi32>
      scf.yield %add3A_1056 : vector<16xi32>
    }
    %scan3A_277 = arith.constant 64 : i32
    %swap3A_278 = arith.constant 48 : index
    %swap3A_279 = tpu.vector_load %arg21[%swap3A_278] {strides = array<i32>} : memref<64xi32, #tpu.memory_space<vmem>>, vector<16xi32>,
    tpu.vector_store %arg21[%swap3A_278], %scan3A_276 {strides = array<i32>} : memref<64xi32, #tpu.memory_space<vmem>>, vector<16xi32>,
    %broadcast_in_dim3A_280 = arith.constant 0.000000e+00 : f32
    %broadcast_in_dim3A_281 = vector.broadcast %broadcast_in_dim3A_280 : f32 to vector<16xf32>
    %scan3A_282 = arith.constant 0 : i32
    %scan3A_283 = arith.constant 64 : i32
    %scan3A_284 = arith.addi %scan3A_282, %scan3A_283 : i32
    %scan3A_285 = arith.constant 1 : i32
    scf.for %scan3A_1036 = %scan3A_282 to %scan3A_284 step %scan3A_285  : i32 {
      %mul3A_1037 = arith.constant 1 : i32
      %mul3A_1038 = arith.muli %scan3A_1036, %mul3A_1037 : i32
      %add3A_1039 = arith.constant 0 : i32
      %add3A_1040 = arith.addi %add3A_1039, %mul3A_1038 : i32
      %swap3A_1041 = arith.index_cast %add3A_1040 : i32 to index
      %swap3A_1042 = arith.constant 0 : index
      %swap3A_1043 = tpu.vector_load %arg15[%swap3A_1041, %swap3A_1042] {strides = array<i32>} : memref<64x128xf32, #tpu.memory_space<vmem>>, vector<16xf32>,
      tpu.vector_store %arg15[%swap3A_1041, %swap3A_1042], %broadcast_in_dim3A_281 {strides = array<i32>} : memref<64x128xf32, #tpu.memory_space<vmem>>, vector<16xf32>,
      %swap3A_1044 = arith.index_cast %add3A_1040 : i32 to index
      %swap3A_1045 = arith.constant 16 : index
      %swap3A_1046 = tpu.vector_load %arg15[%swap3A_1044, %swap3A_1045] {strides = array<i32>} : memref<64x128xf32, #tpu.memory_space<vmem>>, vector<16xf32>,
      tpu.vector_store %arg15[%swap3A_1044, %swap3A_1045], %broadcast_in_dim3A_281 {strides = array<i32>} : memref<64x128xf32, #tpu.memory_space<vmem>>, vector<16xf32>,
      %swap3A_1047 = arith.index_cast %add3A_1040 : i32 to index
      %swap3A_1048 = arith.constant 32 : index
      %swap3A_1049 = tpu.vector_load %arg15[%swap3A_1047, %swap3A_1048] {strides = array<i32>} : memref<64x128xf32, #tpu.memory_space<vmem>>, vector<16xf32>,
      tpu.vector_store %arg15[%swap3A_1047, %swap3A_1048], %broadcast_in_dim3A_281 {strides = array<i32>} : memref<64x128xf32, #tpu.memory_space<vmem>>, vector<16xf32>,
      %swap3A_1050 = arith.index_cast %add3A_1040 : i32 to index
      %swap3A_1051 = arith.constant 48 : index
      %swap3A_1052 = tpu.vector_load %arg15[%swap3A_1050, %swap3A_1051] {strides = array<i32>} : memref<64x128xf32, #tpu.memory_space<vmem>>, vector<16xf32>,
      tpu.vector_store %arg15[%swap3A_1050, %swap3A_1051], %broadcast_in_dim3A_281 {strides = array<i32>} : memref<64x128xf32, #tpu.memory_space<vmem>>, vector<16xf32>,
      %swap3A_1053 = arith.index_cast %add3A_1040 : i32 to index
      %swap3A_1054 = arith.constant 64 : index
      %swap3A_1055 = tpu.vector_load %arg15[%swap3A_1053, %swap3A_1054] {strides = array<i32>} : memref<64x128xf32, #tpu.memory_space<vmem>>, vector<16xf32>,
      tpu.vector_store %arg15[%swap3A_1053, %swap3A_1054], %broadcast_in_dim3A_281 {strides = array<i32>} : memref<64x128xf32, #tpu.memory_space<vmem>>, vector<16xf32>,
      %swap3A_1056 = arith.index_cast %add3A_1040 : i32 to index
      %swap3A_1057 = arith.constant 80 : index
      %swap3A_1058 = tpu.vector_load %arg15[%swap3A_1056, %swap3A_1057] {strides = array<i32>} : memref<64x128xf32, #tpu.memory_space<vmem>>, vector<16xf32>,
      tpu.vector_store %arg15[%swap3A_1056, %swap3A_1057], %broadcast_in_dim3A_281 {strides = array<i32>} : memref<64x128xf32, #tpu.memory_space<vmem>>, vector<16xf32>,
      %swap3A_1059 = arith.index_cast %add3A_1040 : i32 to index
      %swap3A_1060 = arith.constant 96 : index
      %swap3A_1061 = tpu.vector_load %arg15[%swap3A_1059, %swap3A_1060] {strides = array<i32>} : memref<64x128xf32, #tpu.memory_space<vmem>>, vector<16xf32>,
      tpu.vector_store %arg15[%swap3A_1059, %swap3A_1060], %broadcast_in_dim3A_281 {strides = array<i32>} : memref<64x128xf32, #tpu.memory_space<vmem>>, vector<16xf32>,
      %swap3A_1062 = arith.index_cast %add3A_1040 : i32 to index
      %swap3A_1063 = arith.constant 112 : index
      %swap3A_1064 = tpu.vector_load %arg15[%swap3A_1062, %swap3A_1063] {strides = array<i32>} : memref<64x128xf32, #tpu.memory_space<vmem>>, vector<16xf32>,
      tpu.vector_store %arg15[%swap3A_1062, %swap3A_1063], %broadcast_in_dim3A_281 {strides = array<i32>} : memref<64x128xf32, #tpu.memory_space<vmem>>, vector<16xf32>,
    }
    %scan3A_286 = arith.constant 64 : i32
    %scan3A_287 = arith.constant 0 : i32
    %scan3A_288 = arith.constant 64 : i32
    %scan3A_289 = arith.addi %scan3A_287, %scan3A_288 : i32
    %scan3A_290 = arith.constant 1 : i32
    scf.for %scan3A_1036 = %scan3A_287 to %scan3A_289 step %scan3A_290  : i32 {
      %mul3A_1037 = arith.constant 1 : i32
      %mul3A_1038 = arith.muli %scan3A_1036, %mul3A_1037 : i32
      %add3A_1039 = arith.constant 0 : i32
      %add3A_1040 = arith.addi %add3A_1039, %mul3A_1038 : i32
      %mul3A_1041 = arith.constant 64 : i32
      %mul3A_1042 = arith.muli %add3A_1040, %mul3A_1041 : i32
      %dma_start3A_1043 = tpu.memref_slice %arg11[%mul3A_1042] : memref<4096xi32, #tpu.memory_space<vmem>> -> memref<64xi32, #tpu.memory_space<vmem>>
      %dma_start3A_1044 = arith.constant 0 : i32
      %dma_start3A_1045 = arith.constant 0 : i32
      %dma_start3A_1046 = tpu.memref_slice %arg4[%dma_start3A_1044, %dma_start3A_1045] : memref<100000x128xf32, #tpu.memory_space<hbm>> -> memref<100000x128xf32, #tpu.memory_space<hbm>>
      tpu.enqueue_indirect_dma source(%dma_start3A_1046 : memref<100000x128xf32, #tpu.memory_space<hbm>>) target(%arg15 : memref<64x128xf32, #tpu.memory_space<vmem>>) offsets(%dma_start3A_1043 : memref<64xi32, #tpu.memory_space<vmem>>) semaphore(%arg32 : memref<!tpu.dma_semaphore, #tpu.memory_space<semaphore_mem>>) {add = true}
    }
    %scan3A_291 = arith.constant 64 : i32
    %dma_wait3A_292 = arith.constant 0 : i32
    %dma_wait3A_293 = arith.constant 0 : i32
    %dma_wait3A_294 = tpu.memref_slice %arg6[%dma_wait3A_292, %dma_wait3A_293] : memref<16384x128xf32, #tpu.memory_space<hbm>> -> memref<64x128xf32, #tpu.memory_space<hbm>>
    %dma_wait3A_295 = arith.constant 0 : i32
    %dma_wait3A_296 = arith.constant 0 : i32
    %dma_wait3A_297 = tpu.memref_slice %arg6[%dma_wait3A_295, %dma_wait3A_296] : memref<16384x128xf32, #tpu.memory_space<hbm>> -> memref<64x128xf32, #tpu.memory_space<hbm>>
    tpu.wait_dma2 semaphore(%arg27 : memref<!tpu.dma_semaphore, #tpu.memory_space<semaphore_mem>>) src(%arg16 : memref<64x128xf32, #tpu.memory_space<vmem>>) dst(%dma_wait3A_297 : memref<64x128xf32, #tpu.memory_space<hbm>>)
    %dma_start3A_298 = arith.constant 192 : i32
    %dma_start3A_299 = tpu.memref_slice %arg8[%dma_start3A_298] : memref<512xi32, #tpu.memory_space<vmem>> -> memref<64xi32, #tpu.memory_space<vmem>>
    %dma_start3A_300 = arith.constant 0 : i32
    %dma_start3A_301 = arith.constant 0 : i32
    %dma_start3A_302 = tpu.memref_slice %arg3[%dma_start3A_300, %dma_start3A_301] : memref<100000x128xi32, #tpu.memory_space<hbm>> -> memref<100000x128xi32, #tpu.memory_space<hbm>>
    tpu.enqueue_indirect_dma source(%dma_start3A_302 : memref<100000x128xi32, #tpu.memory_space<hbm>>) target(%arg10 : memref<64x128xi32, #tpu.memory_space<vmem>>) offsets(%dma_start3A_299 : memref<64xi32, #tpu.memory_space<vmem>>) semaphore(%arg23 : memref<!tpu.dma_semaphore, #tpu.memory_space<semaphore_mem>>)
    %dma_start3A_303 = arith.constant 192 : i32
    %dma_start3A_304 = tpu.memref_slice %arg8[%dma_start3A_303] : memref<512xi32, #tpu.memory_space<vmem>> -> memref<64xi32, #tpu.memory_space<vmem>>
    %dma_start3A_305 = arith.constant 0 : i32
    %dma_start3A_306 = arith.constant 0 : i32
    %dma_start3A_307 = tpu.memref_slice %arg4[%dma_start3A_305, %dma_start3A_306] : memref<100000x128xf32, #tpu.memory_space<hbm>> -> memref<100000x128xf32, #tpu.memory_space<hbm>>
    tpu.enqueue_indirect_dma source(%dma_start3A_307 : memref<100000x128xf32, #tpu.memory_space<hbm>>) target(%arg16 : memref<64x128xf32, #tpu.memory_space<vmem>>) offsets(%dma_start3A_304 : memref<64xi32, #tpu.memory_space<vmem>>) semaphore(%arg24 : memref<!tpu.dma_semaphore, #tpu.memory_space<semaphore_mem>>)
    %add3A_308 = arith.constant 64 : i32
    %add3A_309 = arith.addi %mul3A_2, %add3A_308 : i32
    %scan3A_310 = arith.constant 0 : i32
    %scan3A_311 = arith.constant 64 : i32
    %scan3A_312 = arith.addi %scan3A_310, %scan3A_311 : i32
    %scan3A_313 = arith.constant 1 : i32
    scf.for %scan3A_1036 = %scan3A_310 to %scan3A_312 step %scan3A_313  : i32 {
      %mul3A_1037 = arith.constant 1 : i32
      %mul3A_1038 = arith.muli %scan3A_1036, %mul3A_1037 : i32
      %add3A_1039 = arith.constant 0 : i32
      %add3A_1040 = arith.addi %add3A_1039, %mul3A_1038 : i32
      %dma_wait3A_1041 = arith.constant 0 : i32
      %dma_wait3A_1042 = arith.constant 0 : i32
      %dma_wait3A_1043 = tpu.memref_slice %arg4[%dma_wait3A_1041, %dma_wait3A_1042] : memref<100000x128xf32, #tpu.memory_space<hbm>> -> memref<64x128xf32, #tpu.memory_space<hbm>>
      %dma_wait3A_1044 = arith.constant 0 : i32
      %dma_wait3A_1045 = arith.constant 0 : i32
      %dma_wait3A_1046 = tpu.memref_slice %arg4[%dma_wait3A_1044, %dma_wait3A_1045] : memref<100000x128xf32, #tpu.memory_space<hbm>> -> memref<64x128xf32, #tpu.memory_space<hbm>>
      tpu.wait_dma2 semaphore(%arg31 : memref<!tpu.dma_semaphore, #tpu.memory_space<semaphore_mem>>) src(%dma_wait3A_1046 : memref<64x128xf32, #tpu.memory_space<hbm>>) dst(%arg14 : memref<64x128xf32, #tpu.memory_space<vmem>>)
    }
    %scan3A_314 = arith.constant 64 : i32
    %dma_start3A_315 = arith.constant 0 : i32
    %dma_start3A_316 = tpu.memref_slice %arg5[%add3A_309, %dma_start3A_315] : memref<16384x128xf32, #tpu.memory_space<hbm>> -> memref<64x128xf32, #tpu.memory_space<hbm>>
    %dma_start3A_317 = arith.constant 0 : i32
    %dma_start3A_318 = tpu.memref_slice %arg5[%add3A_309, %dma_start3A_317] : memref<16384x128xf32, #tpu.memory_space<hbm>> -> memref<64x128xf32, #tpu.memory_space<hbm>>
    tpu.enqueue_dma source(%arg14 : memref<64x128xf32, #tpu.memory_space<vmem>>) target(%dma_start3A_318 : memref<64x128xf32, #tpu.memory_space<hbm>>) target_semaphore(%arg34 : memref<!tpu.dma_semaphore, #tpu.memory_space<semaphore_mem>>)
    %dma_start3A_319 = tpu.memref_slice %arg7[%add3A_309] : memref<16384xi32, #tpu.memory_space<hbm>> -> memref<64xi32, #tpu.memory_space<hbm>>
    %dma_start3A_320 = tpu.memref_slice %arg7[%add3A_309] : memref<16384xi32, #tpu.memory_space<hbm>> -> memref<64xi32, #tpu.memory_space<hbm>>
    tpu.enqueue_dma source(%arg20 : memref<64xi32, #tpu.memory_space<vmem>>) target(%dma_start3A_320 : memref<64xi32, #tpu.memory_space<hbm>>) target_semaphore(%arg37 : memref<!tpu.dma_semaphore, #tpu.memory_space<semaphore_mem>>)
    %dma_wait3A_321 = arith.constant 0 : i32
    %dma_wait3A_322 = arith.constant 0 : i32
    %dma_wait3A_323 = tpu.memref_slice %arg4[%dma_wait3A_321, %dma_wait3A_322] : memref<100000x128xf32, #tpu.memory_space<hbm>> -> memref<64x128xf32, #tpu.memory_space<hbm>>
    %dma_wait3A_324 = arith.constant 0 : i32
    %dma_wait3A_325 = arith.constant 0 : i32
    %dma_wait3A_326 = tpu.memref_slice %arg4[%dma_wait3A_324, %dma_wait3A_325] : memref<100000x128xf32, #tpu.memory_space<hbm>> -> memref<64x128xf32, #tpu.memory_space<hbm>>
    tpu.wait_dma2 semaphore(%arg25 : memref<!tpu.dma_semaphore, #tpu.memory_space<semaphore_mem>>) src(%dma_wait3A_326 : memref<64x128xf32, #tpu.memory_space<hbm>>) dst(%arg17 : memref<64x128xf32, #tpu.memory_space<vmem>>)
    %dma_start3A_327 = arith.constant 0 : i32
    %dma_start3A_328 = tpu.memref_slice %arg6[%add3A_309, %dma_start3A_327] : memref<16384x128xf32, #tpu.memory_space<hbm>> -> memref<64x128xf32, #tpu.memory_space<hbm>>
    %dma_start3A_329 = arith.constant 0 : i32
    %dma_start3A_330 = tpu.memref_slice %arg6[%add3A_309, %dma_start3A_329] : memref<16384x128xf32, #tpu.memory_space<hbm>> -> memref<64x128xf32, #tpu.memory_space<hbm>>
    tpu.enqueue_dma source(%arg17 : memref<64x128xf32, #tpu.memory_space<vmem>>) target(%dma_start3A_330 : memref<64x128xf32, #tpu.memory_space<hbm>>) target_semaphore(%arg28 : memref<!tpu.dma_semaphore, #tpu.memory_space<semaphore_mem>>)
    %dma_wait3A_331 = arith.constant 0 : i32
    %dma_wait3A_332 = arith.constant 0 : i32
    %dma_wait3A_333 = tpu.memref_slice %arg3[%dma_wait3A_331, %dma_wait3A_332] : memref<100000x128xi32, #tpu.memory_space<hbm>> -> memref<64x128xi32, #tpu.memory_space<hbm>>
    %dma_wait3A_334 = arith.constant 0 : i32
    %dma_wait3A_335 = arith.constant 0 : i32
    %dma_wait3A_336 = tpu.memref_slice %arg3[%dma_wait3A_334, %dma_wait3A_335] : memref<100000x128xi32, #tpu.memory_space<hbm>> -> memref<64x128xi32, #tpu.memory_space<hbm>>
    tpu.wait_dma2 semaphore(%arg23 : memref<!tpu.dma_semaphore, #tpu.memory_space<semaphore_mem>>) src(%dma_wait3A_336 : memref<64x128xi32, #tpu.memory_space<hbm>>) dst(%arg10 : memref<64x128xi32, #tpu.memory_space<vmem>>)
    %dma_wait3A_337 = arith.constant 0 : i32
    %dma_wait3A_338 = tpu.memref_slice %arg7[%dma_wait3A_337] : memref<16384xi32, #tpu.memory_space<hbm>> -> memref<64xi32, #tpu.memory_space<hbm>>
    %dma_wait3A_339 = arith.constant 0 : i32
    %dma_wait3A_340 = tpu.memref_slice %arg7[%dma_wait3A_339] : memref<16384xi32, #tpu.memory_space<hbm>> -> memref<64xi32, #tpu.memory_space<hbm>>
    tpu.wait_dma2 semaphore(%arg36 : memref<!tpu.dma_semaphore, #tpu.memory_space<semaphore_mem>>) src(%arg19 : memref<64xi32, #tpu.memory_space<vmem>>) dst(%dma_wait3A_340 : memref<64xi32, #tpu.memory_space<hbm>>)
    %dma_wait3A_341 = arith.constant 0 : i32
    %dma_wait3A_342 = arith.constant 0 : i32
    %dma_wait3A_343 = tpu.memref_slice %arg5[%dma_wait3A_341, %dma_wait3A_342] : memref<16384x128xf32, #tpu.memory_space<hbm>> -> memref<64x128xf32, #tpu.memory_space<hbm>>
    %dma_wait3A_344 = arith.constant 0 : i32
    %dma_wait3A_345 = arith.constant 0 : i32
    %dma_wait3A_346 = tpu.memref_slice %arg5[%dma_wait3A_344, %dma_wait3A_345] : memref<16384x128xf32, #tpu.memory_space<hbm>> -> memref<64x128xf32, #tpu.memory_space<hbm>>
    tpu.wait_dma2 semaphore(%arg33 : memref<!tpu.dma_semaphore, #tpu.memory_space<semaphore_mem>>) src(%arg13 : memref<64x128xf32, #tpu.memory_space<vmem>>) dst(%dma_wait3A_346 : memref<64x128xf32, #tpu.memory_space<hbm>>)
    %iota3A_347 = tpu.iota {dimensions = array<i32: 0>} : vector<16xi32>
    %broadcast_in_dim3A_348 = arith.constant 0 : i32
    %broadcast_in_dim3A_349 = vector.broadcast %broadcast_in_dim3A_348 : i32 to vector<16xi32>
    %add3A_350 = arith.constant 0 : i32
    %add3A_351 = vector.broadcast %add3A_350 : i32 to vector<16xi32>
    %add3A_352 = arith.addi %iota3A_347, %add3A_351 : vector<16xi32>
    %get3A_353 = arith.constant 192 : index
    %get3A_354 = tpu.vector_load %arg8[%get3A_353] {strides = array<i32>} : memref<512xi32, #tpu.memory_space<vmem>>, vector<16xi32>,
    %broadcast_in_dim3A_355 = arith.constant 0 : i32
    %broadcast_in_dim3A_356 = vector.broadcast %broadcast_in_dim3A_355 : i32 to vector<16xi32>
    %scan3A_357 = arith.constant 0 : i32
    %scan3A_358 = arith.constant 64 : i32
    %scan3A_359 = arith.addi %scan3A_357, %scan3A_358 : i32
    %scan3A_360 = arith.constant 1 : i32
    %scan3A_361 = scf.for %scan3A_1036 = %scan3A_357 to %scan3A_359 step %scan3A_360 iter_args(%scan3A_1037 = %broadcast_in_dim3A_356) -> (vector<16xi32>)  : i32 {
      %mul3A_1038 = arith.constant 1 : i32
      %mul3A_1039 = arith.muli %scan3A_1036, %mul3A_1038 : i32
      %add3A_1040 = arith.constant 0 : i32
      %add3A_1041 = arith.addi %add3A_1040, %mul3A_1039 : i32
      %add3A_1042 = vector.broadcast %add3A_1041 : i32 to vector<16xi32>
      %add3A_1043 = arith.addi %broadcast_in_dim3A_349, %add3A_1042 : vector<16xi32>
      %gather3A = tpu.vector_load_idx %arg10[%add3A_352, %add3A_1043] : memref<64x128xi32, #tpu.memory_space<vmem>>[vector<16xi32>, vector<16xi32>], vector<16xi32>,
      %add3A_1044 = arith.constant 64 : i32
      %add3A_1045 = vector.broadcast %add3A_1044 : i32 to vector<16xi32>
      %add3A_1046 = arith.addi %add3A_1043, %add3A_1045 : vector<16xi32>
      %gather3A_1047 = tpu.vector_load_idx %arg10[%add3A_352, %add3A_1046] : memref<64x128xi32, #tpu.memory_space<vmem>>[vector<16xi32>, vector<16xi32>], vector<16xi32>,
      %ne3A = arith.constant 0 : i32
      %ne3A_1048 = vector.broadcast %ne3A : i32 to vector<16xi32>
      %ne3A_1049 = arith.cmpi ne, %gather3A_1047, %ne3A_1048 : vector<16xi32>
      %select_n3A = arith.select %ne3A_1049, %gather3A, %get3A_354 : vector<16xi1>, vector<16xi32>
      %mul3A_1050 = arith.constant 64 : i32
      %mul3A_1051 = arith.muli %add3A_1041, %mul3A_1050 : i32
      %add3A_1052 = arith.constant 0 : i32
      %add3A_1053 = arith.addi %mul3A_1051, %add3A_1052 : i32
      %swap3A_1054 = arith.index_cast %add3A_1053 : i32 to index
      %swap3A_1055 = tpu.vector_load %arg12[%swap3A_1054] {strides = array<i32>} : memref<4096xi32, #tpu.memory_space<vmem>>, vector<16xi32>,
      tpu.vector_store %arg12[%swap3A_1054], %select_n3A {strides = array<i32>} : memref<4096xi32, #tpu.memory_space<vmem>>, vector<16xi32>,
      %add3A_1056 = arith.addi %scan3A_1037, %gather3A_1047 : vector<16xi32>
      scf.yield %add3A_1056 : vector<16xi32>
    }
    %scan3A_362 = arith.constant 64 : i32
    %swap3A_363 = arith.constant 0 : index
    %swap3A_364 = tpu.vector_load %arg19[%swap3A_363] {strides = array<i32>} : memref<64xi32, #tpu.memory_space<vmem>>, vector<16xi32>,
    tpu.vector_store %arg19[%swap3A_363], %scan3A_361 {strides = array<i32>} : memref<64xi32, #tpu.memory_space<vmem>>, vector<16xi32>,
    %add3A_365 = arith.constant 16 : i32
    %add3A_366 = vector.broadcast %add3A_365 : i32 to vector<16xi32>
    %add3A_367 = arith.addi %iota3A_347, %add3A_366 : vector<16xi32>
    %get3A_368 = arith.constant 208 : index
    %get3A_369 = tpu.vector_load %arg8[%get3A_368] {strides = array<i32>} : memref<512xi32, #tpu.memory_space<vmem>>, vector<16xi32>,
    %broadcast_in_dim3A_370 = arith.constant 0 : i32
    %broadcast_in_dim3A_371 = vector.broadcast %broadcast_in_dim3A_370 : i32 to vector<16xi32>
    %scan3A_372 = arith.constant 0 : i32
    %scan3A_373 = arith.constant 64 : i32
    %scan3A_374 = arith.addi %scan3A_372, %scan3A_373 : i32
    %scan3A_375 = arith.constant 1 : i32
    %scan3A_376 = scf.for %scan3A_1036 = %scan3A_372 to %scan3A_374 step %scan3A_375 iter_args(%scan3A_1037 = %broadcast_in_dim3A_371) -> (vector<16xi32>)  : i32 {
      %mul3A_1038 = arith.constant 1 : i32
      %mul3A_1039 = arith.muli %scan3A_1036, %mul3A_1038 : i32
      %add3A_1040 = arith.constant 0 : i32
      %add3A_1041 = arith.addi %add3A_1040, %mul3A_1039 : i32
      %add3A_1042 = vector.broadcast %add3A_1041 : i32 to vector<16xi32>
      %add3A_1043 = arith.addi %broadcast_in_dim3A_349, %add3A_1042 : vector<16xi32>
      %gather3A = tpu.vector_load_idx %arg10[%add3A_367, %add3A_1043] : memref<64x128xi32, #tpu.memory_space<vmem>>[vector<16xi32>, vector<16xi32>], vector<16xi32>,
      %add3A_1044 = arith.constant 64 : i32
      %add3A_1045 = vector.broadcast %add3A_1044 : i32 to vector<16xi32>
      %add3A_1046 = arith.addi %add3A_1043, %add3A_1045 : vector<16xi32>
      %gather3A_1047 = tpu.vector_load_idx %arg10[%add3A_367, %add3A_1046] : memref<64x128xi32, #tpu.memory_space<vmem>>[vector<16xi32>, vector<16xi32>], vector<16xi32>,
      %ne3A = arith.constant 0 : i32
      %ne3A_1048 = vector.broadcast %ne3A : i32 to vector<16xi32>
      %ne3A_1049 = arith.cmpi ne, %gather3A_1047, %ne3A_1048 : vector<16xi32>
      %select_n3A = arith.select %ne3A_1049, %gather3A, %get3A_369 : vector<16xi1>, vector<16xi32>
      %mul3A_1050 = arith.constant 64 : i32
      %mul3A_1051 = arith.muli %add3A_1041, %mul3A_1050 : i32
      %add3A_1052 = arith.constant 16 : i32
      %add3A_1053 = arith.addi %mul3A_1051, %add3A_1052 : i32
      %swap3A_1054 = arith.index_cast %add3A_1053 : i32 to index
      %swap3A_1055 = tpu.vector_load %arg12[%swap3A_1054] {strides = array<i32>} : memref<4096xi32, #tpu.memory_space<vmem>>, vector<16xi32>,
      tpu.vector_store %arg12[%swap3A_1054], %select_n3A {strides = array<i32>} : memref<4096xi32, #tpu.memory_space<vmem>>, vector<16xi32>,
      %add3A_1056 = arith.addi %scan3A_1037, %gather3A_1047 : vector<16xi32>
      scf.yield %add3A_1056 : vector<16xi32>
    }
    %scan3A_377 = arith.constant 64 : i32
    %swap3A_378 = arith.constant 16 : index
    %swap3A_379 = tpu.vector_load %arg19[%swap3A_378] {strides = array<i32>} : memref<64xi32, #tpu.memory_space<vmem>>, vector<16xi32>,
    tpu.vector_store %arg19[%swap3A_378], %scan3A_376 {strides = array<i32>} : memref<64xi32, #tpu.memory_space<vmem>>, vector<16xi32>,
    %add3A_380 = arith.constant 32 : i32
    %add3A_381 = vector.broadcast %add3A_380 : i32 to vector<16xi32>
    %add3A_382 = arith.addi %iota3A_347, %add3A_381 : vector<16xi32>
    %get3A_383 = arith.constant 224 : index
    %get3A_384 = tpu.vector_load %arg8[%get3A_383] {strides = array<i32>} : memref<512xi32, #tpu.memory_space<vmem>>, vector<16xi32>,
    %broadcast_in_dim3A_385 = arith.constant 0 : i32
    %broadcast_in_dim3A_386 = vector.broadcast %broadcast_in_dim3A_385 : i32 to vector<16xi32>
    %scan3A_387 = arith.constant 0 : i32
    %scan3A_388 = arith.constant 64 : i32
    %scan3A_389 = arith.addi %scan3A_387, %scan3A_388 : i32
    %scan3A_390 = arith.constant 1 : i32
    %scan3A_391 = scf.for %scan3A_1036 = %scan3A_387 to %scan3A_389 step %scan3A_390 iter_args(%scan3A_1037 = %broadcast_in_dim3A_386) -> (vector<16xi32>)  : i32 {
      %mul3A_1038 = arith.constant 1 : i32
      %mul3A_1039 = arith.muli %scan3A_1036, %mul3A_1038 : i32
      %add3A_1040 = arith.constant 0 : i32
      %add3A_1041 = arith.addi %add3A_1040, %mul3A_1039 : i32
      %add3A_1042 = vector.broadcast %add3A_1041 : i32 to vector<16xi32>
      %add3A_1043 = arith.addi %broadcast_in_dim3A_349, %add3A_1042 : vector<16xi32>
      %gather3A = tpu.vector_load_idx %arg10[%add3A_382, %add3A_1043] : memref<64x128xi32, #tpu.memory_space<vmem>>[vector<16xi32>, vector<16xi32>], vector<16xi32>,
      %add3A_1044 = arith.constant 64 : i32
      %add3A_1045 = vector.broadcast %add3A_1044 : i32 to vector<16xi32>
      %add3A_1046 = arith.addi %add3A_1043, %add3A_1045 : vector<16xi32>
      %gather3A_1047 = tpu.vector_load_idx %arg10[%add3A_382, %add3A_1046] : memref<64x128xi32, #tpu.memory_space<vmem>>[vector<16xi32>, vector<16xi32>], vector<16xi32>,
      %ne3A = arith.constant 0 : i32
      %ne3A_1048 = vector.broadcast %ne3A : i32 to vector<16xi32>
      %ne3A_1049 = arith.cmpi ne, %gather3A_1047, %ne3A_1048 : vector<16xi32>
      %select_n3A = arith.select %ne3A_1049, %gather3A, %get3A_384 : vector<16xi1>, vector<16xi32>
      %mul3A_1050 = arith.constant 64 : i32
      %mul3A_1051 = arith.muli %add3A_1041, %mul3A_1050 : i32
      %add3A_1052 = arith.constant 32 : i32
      %add3A_1053 = arith.addi %mul3A_1051, %add3A_1052 : i32
      %swap3A_1054 = arith.index_cast %add3A_1053 : i32 to index
      %swap3A_1055 = tpu.vector_load %arg12[%swap3A_1054] {strides = array<i32>} : memref<4096xi32, #tpu.memory_space<vmem>>, vector<16xi32>,
      tpu.vector_store %arg12[%swap3A_1054], %select_n3A {strides = array<i32>} : memref<4096xi32, #tpu.memory_space<vmem>>, vector<16xi32>,
      %add3A_1056 = arith.addi %scan3A_1037, %gather3A_1047 : vector<16xi32>
      scf.yield %add3A_1056 : vector<16xi32>
    }
    %scan3A_392 = arith.constant 64 : i32
    %swap3A_393 = arith.constant 32 : index
    %swap3A_394 = tpu.vector_load %arg19[%swap3A_393] {strides = array<i32>} : memref<64xi32, #tpu.memory_space<vmem>>, vector<16xi32>,
    tpu.vector_store %arg19[%swap3A_393], %scan3A_391 {strides = array<i32>} : memref<64xi32, #tpu.memory_space<vmem>>, vector<16xi32>,
    %add3A_395 = arith.constant 48 : i32
    %add3A_396 = vector.broadcast %add3A_395 : i32 to vector<16xi32>
    %add3A_397 = arith.addi %iota3A_347, %add3A_396 : vector<16xi32>
    %get3A_398 = arith.constant 240 : index
    %get3A_399 = tpu.vector_load %arg8[%get3A_398] {strides = array<i32>} : memref<512xi32, #tpu.memory_space<vmem>>, vector<16xi32>,
    %broadcast_in_dim3A_400 = arith.constant 0 : i32
    %broadcast_in_dim3A_401 = vector.broadcast %broadcast_in_dim3A_400 : i32 to vector<16xi32>
    %scan3A_402 = arith.constant 0 : i32
    %scan3A_403 = arith.constant 64 : i32
    %scan3A_404 = arith.addi %scan3A_402, %scan3A_403 : i32
    %scan3A_405 = arith.constant 1 : i32
    %scan3A_406 = scf.for %scan3A_1036 = %scan3A_402 to %scan3A_404 step %scan3A_405 iter_args(%scan3A_1037 = %broadcast_in_dim3A_401) -> (vector<16xi32>)  : i32 {
      %mul3A_1038 = arith.constant 1 : i32
      %mul3A_1039 = arith.muli %scan3A_1036, %mul3A_1038 : i32
      %add3A_1040 = arith.constant 0 : i32
      %add3A_1041 = arith.addi %add3A_1040, %mul3A_1039 : i32
      %add3A_1042 = vector.broadcast %add3A_1041 : i32 to vector<16xi32>
      %add3A_1043 = arith.addi %broadcast_in_dim3A_349, %add3A_1042 : vector<16xi32>
      %gather3A = tpu.vector_load_idx %arg10[%add3A_397, %add3A_1043] : memref<64x128xi32, #tpu.memory_space<vmem>>[vector<16xi32>, vector<16xi32>], vector<16xi32>,
      %add3A_1044 = arith.constant 64 : i32
      %add3A_1045 = vector.broadcast %add3A_1044 : i32 to vector<16xi32>
      %add3A_1046 = arith.addi %add3A_1043, %add3A_1045 : vector<16xi32>
      %gather3A_1047 = tpu.vector_load_idx %arg10[%add3A_397, %add3A_1046] : memref<64x128xi32, #tpu.memory_space<vmem>>[vector<16xi32>, vector<16xi32>], vector<16xi32>,
      %ne3A = arith.constant 0 : i32
      %ne3A_1048 = vector.broadcast %ne3A : i32 to vector<16xi32>
      %ne3A_1049 = arith.cmpi ne, %gather3A_1047, %ne3A_1048 : vector<16xi32>
      %select_n3A = arith.select %ne3A_1049, %gather3A, %get3A_399 : vector<16xi1>, vector<16xi32>
      %mul3A_1050 = arith.constant 64 : i32
      %mul3A_1051 = arith.muli %add3A_1041, %mul3A_1050 : i32
      %add3A_1052 = arith.constant 48 : i32
      %add3A_1053 = arith.addi %mul3A_1051, %add3A_1052 : i32
      %swap3A_1054 = arith.index_cast %add3A_1053 : i32 to index
      %swap3A_1055 = tpu.vector_load %arg12[%swap3A_1054] {strides = array<i32>} : memref<4096xi32, #tpu.memory_space<vmem>>, vector<16xi32>,
      tpu.vector_store %arg12[%swap3A_1054], %select_n3A {strides = array<i32>} : memref<4096xi32, #tpu.memory_space<vmem>>, vector<16xi32>,
      %add3A_1056 = arith.addi %scan3A_1037, %gather3A_1047 : vector<16xi32>
      scf.yield %add3A_1056 : vector<16xi32>
    }
    %scan3A_407 = arith.constant 64 : i32
    %swap3A_408 = arith.constant 48 : index
    %swap3A_409 = tpu.vector_load %arg19[%swap3A_408] {strides = array<i32>} : memref<64xi32, #tpu.memory_space<vmem>>, vector<16xi32>,
    tpu.vector_store %arg19[%swap3A_408], %scan3A_406 {strides = array<i32>} : memref<64xi32, #tpu.memory_space<vmem>>, vector<16xi32>,
    %broadcast_in_dim3A_410 = arith.constant 0.000000e+00 : f32
    %broadcast_in_dim3A_411 = vector.broadcast %broadcast_in_dim3A_410 : f32 to vector<16xf32>
    %scan3A_412 = arith.constant 0 : i32
    %scan3A_413 = arith.constant 64 : i32
    %scan3A_414 = arith.addi %scan3A_412, %scan3A_413 : i32
    %scan3A_415 = arith.constant 1 : i32
    scf.for %scan3A_1036 = %scan3A_412 to %scan3A_414 step %scan3A_415  : i32 {
      %mul3A_1037 = arith.constant 1 : i32
      %mul3A_1038 = arith.muli %scan3A_1036, %mul3A_1037 : i32
      %add3A_1039 = arith.constant 0 : i32
      %add3A_1040 = arith.addi %add3A_1039, %mul3A_1038 : i32
      %swap3A_1041 = arith.index_cast %add3A_1040 : i32 to index
      %swap3A_1042 = arith.constant 0 : index
      %swap3A_1043 = tpu.vector_load %arg13[%swap3A_1041, %swap3A_1042] {strides = array<i32>} : memref<64x128xf32, #tpu.memory_space<vmem>>, vector<16xf32>,
      tpu.vector_store %arg13[%swap3A_1041, %swap3A_1042], %broadcast_in_dim3A_411 {strides = array<i32>} : memref<64x128xf32, #tpu.memory_space<vmem>>, vector<16xf32>,
      %swap3A_1044 = arith.index_cast %add3A_1040 : i32 to index
      %swap3A_1045 = arith.constant 16 : index
      %swap3A_1046 = tpu.vector_load %arg13[%swap3A_1044, %swap3A_1045] {strides = array<i32>} : memref<64x128xf32, #tpu.memory_space<vmem>>, vector<16xf32>,
      tpu.vector_store %arg13[%swap3A_1044, %swap3A_1045], %broadcast_in_dim3A_411 {strides = array<i32>} : memref<64x128xf32, #tpu.memory_space<vmem>>, vector<16xf32>,
      %swap3A_1047 = arith.index_cast %add3A_1040 : i32 to index
      %swap3A_1048 = arith.constant 32 : index
      %swap3A_1049 = tpu.vector_load %arg13[%swap3A_1047, %swap3A_1048] {strides = array<i32>} : memref<64x128xf32, #tpu.memory_space<vmem>>, vector<16xf32>,
      tpu.vector_store %arg13[%swap3A_1047, %swap3A_1048], %broadcast_in_dim3A_411 {strides = array<i32>} : memref<64x128xf32, #tpu.memory_space<vmem>>, vector<16xf32>,
      %swap3A_1050 = arith.index_cast %add3A_1040 : i32 to index
      %swap3A_1051 = arith.constant 48 : index
      %swap3A_1052 = tpu.vector_load %arg13[%swap3A_1050, %swap3A_1051] {strides = array<i32>} : memref<64x128xf32, #tpu.memory_space<vmem>>, vector<16xf32>,
      tpu.vector_store %arg13[%swap3A_1050, %swap3A_1051], %broadcast_in_dim3A_411 {strides = array<i32>} : memref<64x128xf32, #tpu.memory_space<vmem>>, vector<16xf32>,
      %swap3A_1053 = arith.index_cast %add3A_1040 : i32 to index
      %swap3A_1054 = arith.constant 64 : index
      %swap3A_1055 = tpu.vector_load %arg13[%swap3A_1053, %swap3A_1054] {strides = array<i32>} : memref<64x128xf32, #tpu.memory_space<vmem>>, vector<16xf32>,
      tpu.vector_store %arg13[%swap3A_1053, %swap3A_1054], %broadcast_in_dim3A_411 {strides = array<i32>} : memref<64x128xf32, #tpu.memory_space<vmem>>, vector<16xf32>,
      %swap3A_1056 = arith.index_cast %add3A_1040 : i32 to index
      %swap3A_1057 = arith.constant 80 : index
      %swap3A_1058 = tpu.vector_load %arg13[%swap3A_1056, %swap3A_1057] {strides = array<i32>} : memref<64x128xf32, #tpu.memory_space<vmem>>, vector<16xf32>,
      tpu.vector_store %arg13[%swap3A_1056, %swap3A_1057], %broadcast_in_dim3A_411 {strides = array<i32>} : memref<64x128xf32, #tpu.memory_space<vmem>>, vector<16xf32>,
      %swap3A_1059 = arith.index_cast %add3A_1040 : i32 to index
      %swap3A_1060 = arith.constant 96 : index
      %swap3A_1061 = tpu.vector_load %arg13[%swap3A_1059, %swap3A_1060] {strides = array<i32>} : memref<64x128xf32, #tpu.memory_space<vmem>>, vector<16xf32>,
      tpu.vector_store %arg13[%swap3A_1059, %swap3A_1060], %broadcast_in_dim3A_411 {strides = array<i32>} : memref<64x128xf32, #tpu.memory_space<vmem>>, vector<16xf32>,
      %swap3A_1062 = arith.index_cast %add3A_1040 : i32 to index
      %swap3A_1063 = arith.constant 112 : index
      %swap3A_1064 = tpu.vector_load %arg13[%swap3A_1062, %swap3A_1063] {strides = array<i32>} : memref<64x128xf32, #tpu.memory_space<vmem>>, vector<16xf32>,
      tpu.vector_store %arg13[%swap3A_1062, %swap3A_1063], %broadcast_in_dim3A_411 {strides = array<i32>} : memref<64x128xf32, #tpu.memory_space<vmem>>, vector<16xf32>,
    }
    %scan3A_416 = arith.constant 64 : i32
    %scan3A_417 = arith.constant 0 : i32
    %scan3A_418 = arith.constant 64 : i32
    %scan3A_419 = arith.addi %scan3A_417, %scan3A_418 : i32
    %scan3A_420 = arith.constant 1 : i32
    scf.for %scan3A_1036 = %scan3A_417 to %scan3A_419 step %scan3A_420  : i32 {
      %mul3A_1037 = arith.constant 1 : i32
      %mul3A_1038 = arith.muli %scan3A_1036, %mul3A_1037 : i32
      %add3A_1039 = arith.constant 0 : i32
      %add3A_1040 = arith.addi %add3A_1039, %mul3A_1038 : i32
      %mul3A_1041 = arith.constant 64 : i32
      %mul3A_1042 = arith.muli %add3A_1040, %mul3A_1041 : i32
      %dma_start3A_1043 = tpu.memref_slice %arg12[%mul3A_1042] : memref<4096xi32, #tpu.memory_space<vmem>> -> memref<64xi32, #tpu.memory_space<vmem>>
      %dma_start3A_1044 = arith.constant 0 : i32
      %dma_start3A_1045 = arith.constant 0 : i32
      %dma_start3A_1046 = tpu.memref_slice %arg4[%dma_start3A_1044, %dma_start3A_1045] : memref<100000x128xf32, #tpu.memory_space<hbm>> -> memref<100000x128xf32, #tpu.memory_space<hbm>>
      tpu.enqueue_indirect_dma source(%dma_start3A_1046 : memref<100000x128xf32, #tpu.memory_space<hbm>>) target(%arg13 : memref<64x128xf32, #tpu.memory_space<vmem>>) offsets(%dma_start3A_1043 : memref<64xi32, #tpu.memory_space<vmem>>) semaphore(%arg30 : memref<!tpu.dma_semaphore, #tpu.memory_space<semaphore_mem>>) {add = true}
    }
    %scan3A_421 = arith.constant 64 : i32
    %dma_wait3A_422 = arith.constant 0 : i32
    %dma_wait3A_423 = arith.constant 0 : i32
    %dma_wait3A_424 = tpu.memref_slice %arg6[%dma_wait3A_422, %dma_wait3A_423] : memref<16384x128xf32, #tpu.memory_space<hbm>> -> memref<64x128xf32, #tpu.memory_space<hbm>>
    %dma_wait3A_425 = arith.constant 0 : i32
    %dma_wait3A_426 = arith.constant 0 : i32
    %dma_wait3A_427 = tpu.memref_slice %arg6[%dma_wait3A_425, %dma_wait3A_426] : memref<16384x128xf32, #tpu.memory_space<hbm>> -> memref<64x128xf32, #tpu.memory_space<hbm>>
    tpu.wait_dma2 semaphore(%arg28 : memref<!tpu.dma_semaphore, #tpu.memory_space<semaphore_mem>>) src(%arg17 : memref<64x128xf32, #tpu.memory_space<vmem>>) dst(%dma_wait3A_427 : memref<64x128xf32, #tpu.memory_space<hbm>>)
    %dma_start3A_428 = arith.constant 256 : i32
    %dma_start3A_429 = tpu.memref_slice %arg8[%dma_start3A_428] : memref<512xi32, #tpu.memory_space<vmem>> -> memref<64xi32, #tpu.memory_space<vmem>>
    %dma_start3A_430 = arith.constant 0 : i32
    %dma_start3A_431 = arith.constant 0 : i32
    %dma_start3A_432 = tpu.memref_slice %arg3[%dma_start3A_430, %dma_start3A_431] : memref<100000x128xi32, #tpu.memory_space<hbm>> -> memref<100000x128xi32, #tpu.memory_space<hbm>>
    tpu.enqueue_indirect_dma source(%dma_start3A_432 : memref<100000x128xi32, #tpu.memory_space<hbm>>) target(%arg9 : memref<64x128xi32, #tpu.memory_space<vmem>>) offsets(%dma_start3A_429 : memref<64xi32, #tpu.memory_space<vmem>>) semaphore(%arg22 : memref<!tpu.dma_semaphore, #tpu.memory_space<semaphore_mem>>)
    %dma_start3A_433 = arith.constant 256 : i32
    %dma_start3A_434 = tpu.memref_slice %arg8[%dma_start3A_433] : memref<512xi32, #tpu.memory_space<vmem>> -> memref<64xi32, #tpu.memory_space<vmem>>
    %dma_start3A_435 = arith.constant 0 : i32
    %dma_start3A_436 = arith.constant 0 : i32
    %dma_start3A_437 = tpu.memref_slice %arg4[%dma_start3A_435, %dma_start3A_436] : memref<100000x128xf32, #tpu.memory_space<hbm>> -> memref<100000x128xf32, #tpu.memory_space<hbm>>
    tpu.enqueue_indirect_dma source(%dma_start3A_437 : memref<100000x128xf32, #tpu.memory_space<hbm>>) target(%arg17 : memref<64x128xf32, #tpu.memory_space<vmem>>) offsets(%dma_start3A_434 : memref<64xi32, #tpu.memory_space<vmem>>) semaphore(%arg25 : memref<!tpu.dma_semaphore, #tpu.memory_space<semaphore_mem>>)
    %add3A_438 = arith.constant 128 : i32
    %add3A_439 = arith.addi %mul3A_2, %add3A_438 : i32
    %scan3A_440 = arith.constant 0 : i32
    %scan3A_441 = arith.constant 64 : i32
    %scan3A_442 = arith.addi %scan3A_440, %scan3A_441 : i32
    %scan3A_443 = arith.constant 1 : i32
    scf.for %scan3A_1036 = %scan3A_440 to %scan3A_442 step %scan3A_443  : i32 {
      %mul3A_1037 = arith.constant 1 : i32
      %mul3A_1038 = arith.muli %scan3A_1036, %mul3A_1037 : i32
      %add3A_1039 = arith.constant 0 : i32
      %add3A_1040 = arith.addi %add3A_1039, %mul3A_1038 : i32
      %dma_wait3A_1041 = arith.constant 0 : i32
      %dma_wait3A_1042 = arith.constant 0 : i32
      %dma_wait3A_1043 = tpu.memref_slice %arg4[%dma_wait3A_1041, %dma_wait3A_1042] : memref<100000x128xf32, #tpu.memory_space<hbm>> -> memref<64x128xf32, #tpu.memory_space<hbm>>
      %dma_wait3A_1044 = arith.constant 0 : i32
      %dma_wait3A_1045 = arith.constant 0 : i32
      %dma_wait3A_1046 = tpu.memref_slice %arg4[%dma_wait3A_1044, %dma_wait3A_1045] : memref<100000x128xf32, #tpu.memory_space<hbm>> -> memref<64x128xf32, #tpu.memory_space<hbm>>
      tpu.wait_dma2 semaphore(%arg32 : memref<!tpu.dma_semaphore, #tpu.memory_space<semaphore_mem>>) src(%dma_wait3A_1046 : memref<64x128xf32, #tpu.memory_space<hbm>>) dst(%arg15 : memref<64x128xf32, #tpu.memory_space<vmem>>)
    }
    %scan3A_444 = arith.constant 64 : i32
    %dma_start3A_445 = arith.constant 0 : i32
    %dma_start3A_446 = tpu.memref_slice %arg5[%add3A_439, %dma_start3A_445] : memref<16384x128xf32, #tpu.memory_space<hbm>> -> memref<64x128xf32, #tpu.memory_space<hbm>>
    %dma_start3A_447 = arith.constant 0 : i32
    %dma_start3A_448 = tpu.memref_slice %arg5[%add3A_439, %dma_start3A_447] : memref<16384x128xf32, #tpu.memory_space<hbm>> -> memref<64x128xf32, #tpu.memory_space<hbm>>
    tpu.enqueue_dma source(%arg15 : memref<64x128xf32, #tpu.memory_space<vmem>>) target(%dma_start3A_448 : memref<64x128xf32, #tpu.memory_space<hbm>>) target_semaphore(%arg35 : memref<!tpu.dma_semaphore, #tpu.memory_space<semaphore_mem>>)
    %dma_start3A_449 = tpu.memref_slice %arg7[%add3A_439] : memref<16384xi32, #tpu.memory_space<hbm>> -> memref<64xi32, #tpu.memory_space<hbm>>
    %dma_start3A_450 = tpu.memref_slice %arg7[%add3A_439] : memref<16384xi32, #tpu.memory_space<hbm>> -> memref<64xi32, #tpu.memory_space<hbm>>
    tpu.enqueue_dma source(%arg21 : memref<64xi32, #tpu.memory_space<vmem>>) target(%dma_start3A_450 : memref<64xi32, #tpu.memory_space<hbm>>) target_semaphore(%arg38 : memref<!tpu.dma_semaphore, #tpu.memory_space<semaphore_mem>>)
    %dma_wait3A_451 = arith.constant 0 : i32
    %dma_wait3A_452 = arith.constant 0 : i32
    %dma_wait3A_453 = tpu.memref_slice %arg4[%dma_wait3A_451, %dma_wait3A_452] : memref<100000x128xf32, #tpu.memory_space<hbm>> -> memref<64x128xf32, #tpu.memory_space<hbm>>
    %dma_wait3A_454 = arith.constant 0 : i32
    %dma_wait3A_455 = arith.constant 0 : i32
    %dma_wait3A_456 = tpu.memref_slice %arg4[%dma_wait3A_454, %dma_wait3A_455] : memref<100000x128xf32, #tpu.memory_space<hbm>> -> memref<64x128xf32, #tpu.memory_space<hbm>>
    tpu.wait_dma2 semaphore(%arg26 : memref<!tpu.dma_semaphore, #tpu.memory_space<semaphore_mem>>) src(%dma_wait3A_456 : memref<64x128xf32, #tpu.memory_space<hbm>>) dst(%arg18 : memref<64x128xf32, #tpu.memory_space<vmem>>)
    %dma_start3A_457 = arith.constant 0 : i32
    %dma_start3A_458 = tpu.memref_slice %arg6[%add3A_439, %dma_start3A_457] : memref<16384x128xf32, #tpu.memory_space<hbm>> -> memref<64x128xf32, #tpu.memory_space<hbm>>
    %dma_start3A_459 = arith.constant 0 : i32
    %dma_start3A_460 = tpu.memref_slice %arg6[%add3A_439, %dma_start3A_459] : memref<16384x128xf32, #tpu.memory_space<hbm>> -> memref<64x128xf32, #tpu.memory_space<hbm>>
    tpu.enqueue_dma source(%arg18 : memref<64x128xf32, #tpu.memory_space<vmem>>) target(%dma_start3A_460 : memref<64x128xf32, #tpu.memory_space<hbm>>) target_semaphore(%arg29 : memref<!tpu.dma_semaphore, #tpu.memory_space<semaphore_mem>>)
    %dma_wait3A_461 = arith.constant 0 : i32
    %dma_wait3A_462 = arith.constant 0 : i32
    %dma_wait3A_463 = tpu.memref_slice %arg3[%dma_wait3A_461, %dma_wait3A_462] : memref<100000x128xi32, #tpu.memory_space<hbm>> -> memref<64x128xi32, #tpu.memory_space<hbm>>
    %dma_wait3A_464 = arith.constant 0 : i32
    %dma_wait3A_465 = arith.constant 0 : i32
    %dma_wait3A_466 = tpu.memref_slice %arg3[%dma_wait3A_464, %dma_wait3A_465] : memref<100000x128xi32, #tpu.memory_space<hbm>> -> memref<64x128xi32, #tpu.memory_space<hbm>>
    tpu.wait_dma2 semaphore(%arg22 : memref<!tpu.dma_semaphore, #tpu.memory_space<semaphore_mem>>) src(%dma_wait3A_466 : memref<64x128xi32, #tpu.memory_space<hbm>>) dst(%arg9 : memref<64x128xi32, #tpu.memory_space<vmem>>)
    %dma_wait3A_467 = arith.constant 0 : i32
    %dma_wait3A_468 = tpu.memref_slice %arg7[%dma_wait3A_467] : memref<16384xi32, #tpu.memory_space<hbm>> -> memref<64xi32, #tpu.memory_space<hbm>>
    %dma_wait3A_469 = arith.constant 0 : i32
    %dma_wait3A_470 = tpu.memref_slice %arg7[%dma_wait3A_469] : memref<16384xi32, #tpu.memory_space<hbm>> -> memref<64xi32, #tpu.memory_space<hbm>>
    tpu.wait_dma2 semaphore(%arg37 : memref<!tpu.dma_semaphore, #tpu.memory_space<semaphore_mem>>) src(%arg20 : memref<64xi32, #tpu.memory_space<vmem>>) dst(%dma_wait3A_470 : memref<64xi32, #tpu.memory_space<hbm>>)
    %dma_wait3A_471 = arith.constant 0 : i32
    %dma_wait3A_472 = arith.constant 0 : i32
    %dma_wait3A_473 = tpu.memref_slice %arg5[%dma_wait3A_471, %dma_wait3A_472] : memref<16384x128xf32, #tpu.memory_space<hbm>> -> memref<64x128xf32, #tpu.memory_space<hbm>>
    %dma_wait3A_474 = arith.constant 0 : i32
    %dma_wait3A_475 = arith.constant 0 : i32
    %dma_wait3A_476 = tpu.memref_slice %arg5[%dma_wait3A_474, %dma_wait3A_475] : memref<16384x128xf32, #tpu.memory_space<hbm>> -> memref<64x128xf32, #tpu.memory_space<hbm>>
    tpu.wait_dma2 semaphore(%arg34 : memref<!tpu.dma_semaphore, #tpu.memory_space<semaphore_mem>>) src(%arg14 : memref<64x128xf32, #tpu.memory_space<vmem>>) dst(%dma_wait3A_476 : memref<64x128xf32, #tpu.memory_space<hbm>>)
    %iota3A_477 = tpu.iota {dimensions = array<i32: 0>} : vector<16xi32>
    %broadcast_in_dim3A_478 = arith.constant 0 : i32
    %broadcast_in_dim3A_479 = vector.broadcast %broadcast_in_dim3A_478 : i32 to vector<16xi32>
    %add3A_480 = arith.constant 0 : i32
    %add3A_481 = vector.broadcast %add3A_480 : i32 to vector<16xi32>
    %add3A_482 = arith.addi %iota3A_477, %add3A_481 : vector<16xi32>
    %get3A_483 = arith.constant 256 : index
    %get3A_484 = tpu.vector_load %arg8[%get3A_483] {strides = array<i32>} : memref<512xi32, #tpu.memory_space<vmem>>, vector<16xi32>,
    %broadcast_in_dim3A_485 = arith.constant 0 : i32
    %broadcast_in_dim3A_486 = vector.broadcast %broadcast_in_dim3A_485 : i32 to vector<16xi32>
    %scan3A_487 = arith.constant 0 : i32
    %scan3A_488 = arith.constant 64 : i32
    %scan3A_489 = arith.addi %scan3A_487, %scan3A_488 : i32
    %scan3A_490 = arith.constant 1 : i32
    %scan3A_491 = scf.for %scan3A_1036 = %scan3A_487 to %scan3A_489 step %scan3A_490 iter_args(%scan3A_1037 = %broadcast_in_dim3A_486) -> (vector<16xi32>)  : i32 {
      %mul3A_1038 = arith.constant 1 : i32
      %mul3A_1039 = arith.muli %scan3A_1036, %mul3A_1038 : i32
      %add3A_1040 = arith.constant 0 : i32
      %add3A_1041 = arith.addi %add3A_1040, %mul3A_1039 : i32
      %add3A_1042 = vector.broadcast %add3A_1041 : i32 to vector<16xi32>
      %add3A_1043 = arith.addi %broadcast_in_dim3A_479, %add3A_1042 : vector<16xi32>
      %gather3A = tpu.vector_load_idx %arg9[%add3A_482, %add3A_1043] : memref<64x128xi32, #tpu.memory_space<vmem>>[vector<16xi32>, vector<16xi32>], vector<16xi32>,
      %add3A_1044 = arith.constant 64 : i32
      %add3A_1045 = vector.broadcast %add3A_1044 : i32 to vector<16xi32>
      %add3A_1046 = arith.addi %add3A_1043, %add3A_1045 : vector<16xi32>
      %gather3A_1047 = tpu.vector_load_idx %arg9[%add3A_482, %add3A_1046] : memref<64x128xi32, #tpu.memory_space<vmem>>[vector<16xi32>, vector<16xi32>], vector<16xi32>,
      %ne3A = arith.constant 0 : i32
      %ne3A_1048 = vector.broadcast %ne3A : i32 to vector<16xi32>
      %ne3A_1049 = arith.cmpi ne, %gather3A_1047, %ne3A_1048 : vector<16xi32>
      %select_n3A = arith.select %ne3A_1049, %gather3A, %get3A_484 : vector<16xi1>, vector<16xi32>
      %mul3A_1050 = arith.constant 64 : i32
      %mul3A_1051 = arith.muli %add3A_1041, %mul3A_1050 : i32
      %add3A_1052 = arith.constant 0 : i32
      %add3A_1053 = arith.addi %mul3A_1051, %add3A_1052 : i32
      %swap3A_1054 = arith.index_cast %add3A_1053 : i32 to index
      %swap3A_1055 = tpu.vector_load %arg11[%swap3A_1054] {strides = array<i32>} : memref<4096xi32, #tpu.memory_space<vmem>>, vector<16xi32>,
      tpu.vector_store %arg11[%swap3A_1054], %select_n3A {strides = array<i32>} : memref<4096xi32, #tpu.memory_space<vmem>>, vector<16xi32>,
      %add3A_1056 = arith.addi %scan3A_1037, %gather3A_1047 : vector<16xi32>
      scf.yield %add3A_1056 : vector<16xi32>
    }
    %scan3A_492 = arith.constant 64 : i32
    %swap3A_493 = arith.constant 0 : index
    %swap3A_494 = tpu.vector_load %arg20[%swap3A_493] {strides = array<i32>} : memref<64xi32, #tpu.memory_space<vmem>>, vector<16xi32>,
    tpu.vector_store %arg20[%swap3A_493], %scan3A_491 {strides = array<i32>} : memref<64xi32, #tpu.memory_space<vmem>>, vector<16xi32>,
    %add3A_495 = arith.constant 16 : i32
    %add3A_496 = vector.broadcast %add3A_495 : i32 to vector<16xi32>
    %add3A_497 = arith.addi %iota3A_477, %add3A_496 : vector<16xi32>
    %get3A_498 = arith.constant 272 : index
    %get3A_499 = tpu.vector_load %arg8[%get3A_498] {strides = array<i32>} : memref<512xi32, #tpu.memory_space<vmem>>, vector<16xi32>,
    %broadcast_in_dim3A_500 = arith.constant 0 : i32
    %broadcast_in_dim3A_501 = vector.broadcast %broadcast_in_dim3A_500 : i32 to vector<16xi32>
    %scan3A_502 = arith.constant 0 : i32
    %scan3A_503 = arith.constant 64 : i32
    %scan3A_504 = arith.addi %scan3A_502, %scan3A_503 : i32
    %scan3A_505 = arith.constant 1 : i32
    %scan3A_506 = scf.for %scan3A_1036 = %scan3A_502 to %scan3A_504 step %scan3A_505 iter_args(%scan3A_1037 = %broadcast_in_dim3A_501) -> (vector<16xi32>)  : i32 {
      %mul3A_1038 = arith.constant 1 : i32
      %mul3A_1039 = arith.muli %scan3A_1036, %mul3A_1038 : i32
      %add3A_1040 = arith.constant 0 : i32
      %add3A_1041 = arith.addi %add3A_1040, %mul3A_1039 : i32
      %add3A_1042 = vector.broadcast %add3A_1041 : i32 to vector<16xi32>
      %add3A_1043 = arith.addi %broadcast_in_dim3A_479, %add3A_1042 : vector<16xi32>
      %gather3A = tpu.vector_load_idx %arg9[%add3A_497, %add3A_1043] : memref<64x128xi32, #tpu.memory_space<vmem>>[vector<16xi32>, vector<16xi32>], vector<16xi32>,
      %add3A_1044 = arith.constant 64 : i32
      %add3A_1045 = vector.broadcast %add3A_1044 : i32 to vector<16xi32>
      %add3A_1046 = arith.addi %add3A_1043, %add3A_1045 : vector<16xi32>
      %gather3A_1047 = tpu.vector_load_idx %arg9[%add3A_497, %add3A_1046] : memref<64x128xi32, #tpu.memory_space<vmem>>[vector<16xi32>, vector<16xi32>], vector<16xi32>,
      %ne3A = arith.constant 0 : i32
      %ne3A_1048 = vector.broadcast %ne3A : i32 to vector<16xi32>
      %ne3A_1049 = arith.cmpi ne, %gather3A_1047, %ne3A_1048 : vector<16xi32>
      %select_n3A = arith.select %ne3A_1049, %gather3A, %get3A_499 : vector<16xi1>, vector<16xi32>
      %mul3A_1050 = arith.constant 64 : i32
      %mul3A_1051 = arith.muli %add3A_1041, %mul3A_1050 : i32
      %add3A_1052 = arith.constant 16 : i32
      %add3A_1053 = arith.addi %mul3A_1051, %add3A_1052 : i32
      %swap3A_1054 = arith.index_cast %add3A_1053 : i32 to index
      %swap3A_1055 = tpu.vector_load %arg11[%swap3A_1054] {strides = array<i32>} : memref<4096xi32, #tpu.memory_space<vmem>>, vector<16xi32>,
      tpu.vector_store %arg11[%swap3A_1054], %select_n3A {strides = array<i32>} : memref<4096xi32, #tpu.memory_space<vmem>>, vector<16xi32>,
      %add3A_1056 = arith.addi %scan3A_1037, %gather3A_1047 : vector<16xi32>
      scf.yield %add3A_1056 : vector<16xi32>
    }
    %scan3A_507 = arith.constant 64 : i32
    %swap3A_508 = arith.constant 16 : index
    %swap3A_509 = tpu.vector_load %arg20[%swap3A_508] {strides = array<i32>} : memref<64xi32, #tpu.memory_space<vmem>>, vector<16xi32>,
    tpu.vector_store %arg20[%swap3A_508], %scan3A_506 {strides = array<i32>} : memref<64xi32, #tpu.memory_space<vmem>>, vector<16xi32>,
    %add3A_510 = arith.constant 32 : i32
    %add3A_511 = vector.broadcast %add3A_510 : i32 to vector<16xi32>
    %add3A_512 = arith.addi %iota3A_477, %add3A_511 : vector<16xi32>
    %get3A_513 = arith.constant 288 : index
    %get3A_514 = tpu.vector_load %arg8[%get3A_513] {strides = array<i32>} : memref<512xi32, #tpu.memory_space<vmem>>, vector<16xi32>,
    %broadcast_in_dim3A_515 = arith.constant 0 : i32
    %broadcast_in_dim3A_516 = vector.broadcast %broadcast_in_dim3A_515 : i32 to vector<16xi32>
    %scan3A_517 = arith.constant 0 : i32
    %scan3A_518 = arith.constant 64 : i32
    %scan3A_519 = arith.addi %scan3A_517, %scan3A_518 : i32
    %scan3A_520 = arith.constant 1 : i32
    %scan3A_521 = scf.for %scan3A_1036 = %scan3A_517 to %scan3A_519 step %scan3A_520 iter_args(%scan3A_1037 = %broadcast_in_dim3A_516) -> (vector<16xi32>)  : i32 {
      %mul3A_1038 = arith.constant 1 : i32
      %mul3A_1039 = arith.muli %scan3A_1036, %mul3A_1038 : i32
      %add3A_1040 = arith.constant 0 : i32
      %add3A_1041 = arith.addi %add3A_1040, %mul3A_1039 : i32
      %add3A_1042 = vector.broadcast %add3A_1041 : i32 to vector<16xi32>
      %add3A_1043 = arith.addi %broadcast_in_dim3A_479, %add3A_1042 : vector<16xi32>
      %gather3A = tpu.vector_load_idx %arg9[%add3A_512, %add3A_1043] : memref<64x128xi32, #tpu.memory_space<vmem>>[vector<16xi32>, vector<16xi32>], vector<16xi32>,
      %add3A_1044 = arith.constant 64 : i32
      %add3A_1045 = vector.broadcast %add3A_1044 : i32 to vector<16xi32>
      %add3A_1046 = arith.addi %add3A_1043, %add3A_1045 : vector<16xi32>
      %gather3A_1047 = tpu.vector_load_idx %arg9[%add3A_512, %add3A_1046] : memref<64x128xi32, #tpu.memory_space<vmem>>[vector<16xi32>, vector<16xi32>], vector<16xi32>,
      %ne3A = arith.constant 0 : i32
      %ne3A_1048 = vector.broadcast %ne3A : i32 to vector<16xi32>
      %ne3A_1049 = arith.cmpi ne, %gather3A_1047, %ne3A_1048 : vector<16xi32>
      %select_n3A = arith.select %ne3A_1049, %gather3A, %get3A_514 : vector<16xi1>, vector<16xi32>
      %mul3A_1050 = arith.constant 64 : i32
      %mul3A_1051 = arith.muli %add3A_1041, %mul3A_1050 : i32
      %add3A_1052 = arith.constant 32 : i32
      %add3A_1053 = arith.addi %mul3A_1051, %add3A_1052 : i32
      %swap3A_1054 = arith.index_cast %add3A_1053 : i32 to index
      %swap3A_1055 = tpu.vector_load %arg11[%swap3A_1054] {strides = array<i32>} : memref<4096xi32, #tpu.memory_space<vmem>>, vector<16xi32>,
      tpu.vector_store %arg11[%swap3A_1054], %select_n3A {strides = array<i32>} : memref<4096xi32, #tpu.memory_space<vmem>>, vector<16xi32>,
      %add3A_1056 = arith.addi %scan3A_1037, %gather3A_1047 : vector<16xi32>
      scf.yield %add3A_1056 : vector<16xi32>
    }
    %scan3A_522 = arith.constant 64 : i32
    %swap3A_523 = arith.constant 32 : index
    %swap3A_524 = tpu.vector_load %arg20[%swap3A_523] {strides = array<i32>} : memref<64xi32, #tpu.memory_space<vmem>>, vector<16xi32>,
    tpu.vector_store %arg20[%swap3A_523], %scan3A_521 {strides = array<i32>} : memref<64xi32, #tpu.memory_space<vmem>>, vector<16xi32>,
    %add3A_525 = arith.constant 48 : i32
    %add3A_526 = vector.broadcast %add3A_525 : i32 to vector<16xi32>
    %add3A_527 = arith.addi %iota3A_477, %add3A_526 : vector<16xi32>
    %get3A_528 = arith.constant 304 : index
    %get3A_529 = tpu.vector_load %arg8[%get3A_528] {strides = array<i32>} : memref<512xi32, #tpu.memory_space<vmem>>, vector<16xi32>,
    %broadcast_in_dim3A_530 = arith.constant 0 : i32
    %broadcast_in_dim3A_531 = vector.broadcast %broadcast_in_dim3A_530 : i32 to vector<16xi32>
    %scan3A_532 = arith.constant 0 : i32
    %scan3A_533 = arith.constant 64 : i32
    %scan3A_534 = arith.addi %scan3A_532, %scan3A_533 : i32
    %scan3A_535 = arith.constant 1 : i32
    %scan3A_536 = scf.for %scan3A_1036 = %scan3A_532 to %scan3A_534 step %scan3A_535 iter_args(%scan3A_1037 = %broadcast_in_dim3A_531) -> (vector<16xi32>)  : i32 {
      %mul3A_1038 = arith.constant 1 : i32
      %mul3A_1039 = arith.muli %scan3A_1036, %mul3A_1038 : i32
      %add3A_1040 = arith.constant 0 : i32
      %add3A_1041 = arith.addi %add3A_1040, %mul3A_1039 : i32
      %add3A_1042 = vector.broadcast %add3A_1041 : i32 to vector<16xi32>
      %add3A_1043 = arith.addi %broadcast_in_dim3A_479, %add3A_1042 : vector<16xi32>
      %gather3A = tpu.vector_load_idx %arg9[%add3A_527, %add3A_1043] : memref<64x128xi32, #tpu.memory_space<vmem>>[vector<16xi32>, vector<16xi32>], vector<16xi32>,
      %add3A_1044 = arith.constant 64 : i32
      %add3A_1045 = vector.broadcast %add3A_1044 : i32 to vector<16xi32>
      %add3A_1046 = arith.addi %add3A_1043, %add3A_1045 : vector<16xi32>
      %gather3A_1047 = tpu.vector_load_idx %arg9[%add3A_527, %add3A_1046] : memref<64x128xi32, #tpu.memory_space<vmem>>[vector<16xi32>, vector<16xi32>], vector<16xi32>,
      %ne3A = arith.constant 0 : i32
      %ne3A_1048 = vector.broadcast %ne3A : i32 to vector<16xi32>
      %ne3A_1049 = arith.cmpi ne, %gather3A_1047, %ne3A_1048 : vector<16xi32>
      %select_n3A = arith.select %ne3A_1049, %gather3A, %get3A_529 : vector<16xi1>, vector<16xi32>
      %mul3A_1050 = arith.constant 64 : i32
      %mul3A_1051 = arith.muli %add3A_1041, %mul3A_1050 : i32
      %add3A_1052 = arith.constant 48 : i32
      %add3A_1053 = arith.addi %mul3A_1051, %add3A_1052 : i32
      %swap3A_1054 = arith.index_cast %add3A_1053 : i32 to index
      %swap3A_1055 = tpu.vector_load %arg11[%swap3A_1054] {strides = array<i32>} : memref<4096xi32, #tpu.memory_space<vmem>>, vector<16xi32>,
      tpu.vector_store %arg11[%swap3A_1054], %select_n3A {strides = array<i32>} : memref<4096xi32, #tpu.memory_space<vmem>>, vector<16xi32>,
      %add3A_1056 = arith.addi %scan3A_1037, %gather3A_1047 : vector<16xi32>
      scf.yield %add3A_1056 : vector<16xi32>
    }
    %scan3A_537 = arith.constant 64 : i32
    %swap3A_538 = arith.constant 48 : index
    %swap3A_539 = tpu.vector_load %arg20[%swap3A_538] {strides = array<i32>} : memref<64xi32, #tpu.memory_space<vmem>>, vector<16xi32>,
    tpu.vector_store %arg20[%swap3A_538], %scan3A_536 {strides = array<i32>} : memref<64xi32, #tpu.memory_space<vmem>>, vector<16xi32>,
    %broadcast_in_dim3A_540 = arith.constant 0.000000e+00 : f32
    %broadcast_in_dim3A_541 = vector.broadcast %broadcast_in_dim3A_540 : f32 to vector<16xf32>
    %scan3A_542 = arith.constant 0 : i32
    %scan3A_543 = arith.constant 64 : i32
    %scan3A_544 = arith.addi %scan3A_542, %scan3A_543 : i32
    %scan3A_545 = arith.constant 1 : i32
    scf.for %scan3A_1036 = %scan3A_542 to %scan3A_544 step %scan3A_545  : i32 {
      %mul3A_1037 = arith.constant 1 : i32
      %mul3A_1038 = arith.muli %scan3A_1036, %mul3A_1037 : i32
      %add3A_1039 = arith.constant 0 : i32
      %add3A_1040 = arith.addi %add3A_1039, %mul3A_1038 : i32
      %swap3A_1041 = arith.index_cast %add3A_1040 : i32 to index
      %swap3A_1042 = arith.constant 0 : index
      %swap3A_1043 = tpu.vector_load %arg14[%swap3A_1041, %swap3A_1042] {strides = array<i32>} : memref<64x128xf32, #tpu.memory_space<vmem>>, vector<16xf32>,
      tpu.vector_store %arg14[%swap3A_1041, %swap3A_1042], %broadcast_in_dim3A_541 {strides = array<i32>} : memref<64x128xf32, #tpu.memory_space<vmem>>, vector<16xf32>,
      %swap3A_1044 = arith.index_cast %add3A_1040 : i32 to index
      %swap3A_1045 = arith.constant 16 : index
      %swap3A_1046 = tpu.vector_load %arg14[%swap3A_1044, %swap3A_1045] {strides = array<i32>} : memref<64x128xf32, #tpu.memory_space<vmem>>, vector<16xf32>,
      tpu.vector_store %arg14[%swap3A_1044, %swap3A_1045], %broadcast_in_dim3A_541 {strides = array<i32>} : memref<64x128xf32, #tpu.memory_space<vmem>>, vector<16xf32>,
      %swap3A_1047 = arith.index_cast %add3A_1040 : i32 to index
      %swap3A_1048 = arith.constant 32 : index
      %swap3A_1049 = tpu.vector_load %arg14[%swap3A_1047, %swap3A_1048] {strides = array<i32>} : memref<64x128xf32, #tpu.memory_space<vmem>>, vector<16xf32>,
      tpu.vector_store %arg14[%swap3A_1047, %swap3A_1048], %broadcast_in_dim3A_541 {strides = array<i32>} : memref<64x128xf32, #tpu.memory_space<vmem>>, vector<16xf32>,
      %swap3A_1050 = arith.index_cast %add3A_1040 : i32 to index
      %swap3A_1051 = arith.constant 48 : index
      %swap3A_1052 = tpu.vector_load %arg14[%swap3A_1050, %swap3A_1051] {strides = array<i32>} : memref<64x128xf32, #tpu.memory_space<vmem>>, vector<16xf32>,
      tpu.vector_store %arg14[%swap3A_1050, %swap3A_1051], %broadcast_in_dim3A_541 {strides = array<i32>} : memref<64x128xf32, #tpu.memory_space<vmem>>, vector<16xf32>,
      %swap3A_1053 = arith.index_cast %add3A_1040 : i32 to index
      %swap3A_1054 = arith.constant 64 : index
      %swap3A_1055 = tpu.vector_load %arg14[%swap3A_1053, %swap3A_1054] {strides = array<i32>} : memref<64x128xf32, #tpu.memory_space<vmem>>, vector<16xf32>,
      tpu.vector_store %arg14[%swap3A_1053, %swap3A_1054], %broadcast_in_dim3A_541 {strides = array<i32>} : memref<64x128xf32, #tpu.memory_space<vmem>>, vector<16xf32>,
      %swap3A_1056 = arith.index_cast %add3A_1040 : i32 to index
      %swap3A_1057 = arith.constant 80 : index
      %swap3A_1058 = tpu.vector_load %arg14[%swap3A_1056, %swap3A_1057] {strides = array<i32>} : memref<64x128xf32, #tpu.memory_space<vmem>>, vector<16xf32>,
      tpu.vector_store %arg14[%swap3A_1056, %swap3A_1057], %broadcast_in_dim3A_541 {strides = array<i32>} : memref<64x128xf32, #tpu.memory_space<vmem>>, vector<16xf32>,
      %swap3A_1059 = arith.index_cast %add3A_1040 : i32 to index
      %swap3A_1060 = arith.constant 96 : index
      %swap3A_1061 = tpu.vector_load %arg14[%swap3A_1059, %swap3A_1060] {strides = array<i32>} : memref<64x128xf32, #tpu.memory_space<vmem>>, vector<16xf32>,
      tpu.vector_store %arg14[%swap3A_1059, %swap3A_1060], %broadcast_in_dim3A_541 {strides = array<i32>} : memref<64x128xf32, #tpu.memory_space<vmem>>, vector<16xf32>,
      %swap3A_1062 = arith.index_cast %add3A_1040 : i32 to index
      %swap3A_1063 = arith.constant 112 : index
      %swap3A_1064 = tpu.vector_load %arg14[%swap3A_1062, %swap3A_1063] {strides = array<i32>} : memref<64x128xf32, #tpu.memory_space<vmem>>, vector<16xf32>,
      tpu.vector_store %arg14[%swap3A_1062, %swap3A_1063], %broadcast_in_dim3A_541 {strides = array<i32>} : memref<64x128xf32, #tpu.memory_space<vmem>>, vector<16xf32>,
    }
    %scan3A_546 = arith.constant 64 : i32
    %scan3A_547 = arith.constant 0 : i32
    %scan3A_548 = arith.constant 64 : i32
    %scan3A_549 = arith.addi %scan3A_547, %scan3A_548 : i32
    %scan3A_550 = arith.constant 1 : i32
    scf.for %scan3A_1036 = %scan3A_547 to %scan3A_549 step %scan3A_550  : i32 {
      %mul3A_1037 = arith.constant 1 : i32
      %mul3A_1038 = arith.muli %scan3A_1036, %mul3A_1037 : i32
      %add3A_1039 = arith.constant 0 : i32
      %add3A_1040 = arith.addi %add3A_1039, %mul3A_1038 : i32
      %mul3A_1041 = arith.constant 64 : i32
      %mul3A_1042 = arith.muli %add3A_1040, %mul3A_1041 : i32
      %dma_start3A_1043 = tpu.memref_slice %arg11[%mul3A_1042] : memref<4096xi32, #tpu.memory_space<vmem>> -> memref<64xi32, #tpu.memory_space<vmem>>
      %dma_start3A_1044 = arith.constant 0 : i32
      %dma_start3A_1045 = arith.constant 0 : i32
      %dma_start3A_1046 = tpu.memref_slice %arg4[%dma_start3A_1044, %dma_start3A_1045] : memref<100000x128xf32, #tpu.memory_space<hbm>> -> memref<100000x128xf32, #tpu.memory_space<hbm>>
      tpu.enqueue_indirect_dma source(%dma_start3A_1046 : memref<100000x128xf32, #tpu.memory_space<hbm>>) target(%arg14 : memref<64x128xf32, #tpu.memory_space<vmem>>) offsets(%dma_start3A_1043 : memref<64xi32, #tpu.memory_space<vmem>>) semaphore(%arg31 : memref<!tpu.dma_semaphore, #tpu.memory_space<semaphore_mem>>) {add = true}
    }
    %scan3A_551 = arith.constant 64 : i32
    %dma_wait3A_552 = arith.constant 0 : i32
    %dma_wait3A_553 = arith.constant 0 : i32
    %dma_wait3A_554 = tpu.memref_slice %arg6[%dma_wait3A_552, %dma_wait3A_553] : memref<16384x128xf32, #tpu.memory_space<hbm>> -> memref<64x128xf32, #tpu.memory_space<hbm>>
    %dma_wait3A_555 = arith.constant 0 : i32
    %dma_wait3A_556 = arith.constant 0 : i32
    %dma_wait3A_557 = tpu.memref_slice %arg6[%dma_wait3A_555, %dma_wait3A_556] : memref<16384x128xf32, #tpu.memory_space<hbm>> -> memref<64x128xf32, #tpu.memory_space<hbm>>
    tpu.wait_dma2 semaphore(%arg29 : memref<!tpu.dma_semaphore, #tpu.memory_space<semaphore_mem>>) src(%arg18 : memref<64x128xf32, #tpu.memory_space<vmem>>) dst(%dma_wait3A_557 : memref<64x128xf32, #tpu.memory_space<hbm>>)
    %dma_start3A_558 = arith.constant 320 : i32
    %dma_start3A_559 = tpu.memref_slice %arg8[%dma_start3A_558] : memref<512xi32, #tpu.memory_space<vmem>> -> memref<64xi32, #tpu.memory_space<vmem>>
    %dma_start3A_560 = arith.constant 0 : i32
    %dma_start3A_561 = arith.constant 0 : i32
    %dma_start3A_562 = tpu.memref_slice %arg3[%dma_start3A_560, %dma_start3A_561] : memref<100000x128xi32, #tpu.memory_space<hbm>> -> memref<100000x128xi32, #tpu.memory_space<hbm>>
    tpu.enqueue_indirect_dma source(%dma_start3A_562 : memref<100000x128xi32, #tpu.memory_space<hbm>>) target(%arg10 : memref<64x128xi32, #tpu.memory_space<vmem>>) offsets(%dma_start3A_559 : memref<64xi32, #tpu.memory_space<vmem>>) semaphore(%arg23 : memref<!tpu.dma_semaphore, #tpu.memory_space<semaphore_mem>>)
    %dma_start3A_563 = arith.constant 320 : i32
    %dma_start3A_564 = tpu.memref_slice %arg8[%dma_start3A_563] : memref<512xi32, #tpu.memory_space<vmem>> -> memref<64xi32, #tpu.memory_space<vmem>>
    %dma_start3A_565 = arith.constant 0 : i32
    %dma_start3A_566 = arith.constant 0 : i32
    %dma_start3A_567 = tpu.memref_slice %arg4[%dma_start3A_565, %dma_start3A_566] : memref<100000x128xf32, #tpu.memory_space<hbm>> -> memref<100000x128xf32, #tpu.memory_space<hbm>>
    tpu.enqueue_indirect_dma source(%dma_start3A_567 : memref<100000x128xf32, #tpu.memory_space<hbm>>) target(%arg18 : memref<64x128xf32, #tpu.memory_space<vmem>>) offsets(%dma_start3A_564 : memref<64xi32, #tpu.memory_space<vmem>>) semaphore(%arg26 : memref<!tpu.dma_semaphore, #tpu.memory_space<semaphore_mem>>)
    %add3A_568 = arith.constant 192 : i32
    %add3A_569 = arith.addi %mul3A_2, %add3A_568 : i32
    %scan3A_570 = arith.constant 0 : i32
    %scan3A_571 = arith.constant 64 : i32
    %scan3A_572 = arith.addi %scan3A_570, %scan3A_571 : i32
    %scan3A_573 = arith.constant 1 : i32
    scf.for %scan3A_1036 = %scan3A_570 to %scan3A_572 step %scan3A_573  : i32 {
      %mul3A_1037 = arith.constant 1 : i32
      %mul3A_1038 = arith.muli %scan3A_1036, %mul3A_1037 : i32
      %add3A_1039 = arith.constant 0 : i32
      %add3A_1040 = arith.addi %add3A_1039, %mul3A_1038 : i32
      %dma_wait3A_1041 = arith.constant 0 : i32
      %dma_wait3A_1042 = arith.constant 0 : i32
      %dma_wait3A_1043 = tpu.memref_slice %arg4[%dma_wait3A_1041, %dma_wait3A_1042] : memref<100000x128xf32, #tpu.memory_space<hbm>> -> memref<64x128xf32, #tpu.memory_space<hbm>>
      %dma_wait3A_1044 = arith.constant 0 : i32
      %dma_wait3A_1045 = arith.constant 0 : i32
      %dma_wait3A_1046 = tpu.memref_slice %arg4[%dma_wait3A_1044, %dma_wait3A_1045] : memref<100000x128xf32, #tpu.memory_space<hbm>> -> memref<64x128xf32, #tpu.memory_space<hbm>>
      tpu.wait_dma2 semaphore(%arg30 : memref<!tpu.dma_semaphore, #tpu.memory_space<semaphore_mem>>) src(%dma_wait3A_1046 : memref<64x128xf32, #tpu.memory_space<hbm>>) dst(%arg13 : memref<64x128xf32, #tpu.memory_space<vmem>>)
    }
    %scan3A_574 = arith.constant 64 : i32
    %dma_start3A_575 = arith.constant 0 : i32
    %dma_start3A_576 = tpu.memref_slice %arg5[%add3A_569, %dma_start3A_575] : memref<16384x128xf32, #tpu.memory_space<hbm>> -> memref<64x128xf32, #tpu.memory_space<hbm>>
    %dma_start3A_577 = arith.constant 0 : i32
    %dma_start3A_578 = tpu.memref_slice %arg5[%add3A_569, %dma_start3A_577] : memref<16384x128xf32, #tpu.memory_space<hbm>> -> memref<64x128xf32, #tpu.memory_space<hbm>>
    tpu.enqueue_dma source(%arg13 : memref<64x128xf32, #tpu.memory_space<vmem>>) target(%dma_start3A_578 : memref<64x128xf32, #tpu.memory_space<hbm>>) target_semaphore(%arg33 : memref<!tpu.dma_semaphore, #tpu.memory_space<semaphore_mem>>)
    %dma_start3A_579 = tpu.memref_slice %arg7[%add3A_569] : memref<16384xi32, #tpu.memory_space<hbm>> -> memref<64xi32, #tpu.memory_space<hbm>>
    %dma_start3A_580 = tpu.memref_slice %arg7[%add3A_569] : memref<16384xi32, #tpu.memory_space<hbm>> -> memref<64xi32, #tpu.memory_space<hbm>>
    tpu.enqueue_dma source(%arg19 : memref<64xi32, #tpu.memory_space<vmem>>) target(%dma_start3A_580 : memref<64xi32, #tpu.memory_space<hbm>>) target_semaphore(%arg36 : memref<!tpu.dma_semaphore, #tpu.memory_space<semaphore_mem>>)
    %dma_wait3A_581 = arith.constant 0 : i32
    %dma_wait3A_582 = arith.constant 0 : i32
    %dma_wait3A_583 = tpu.memref_slice %arg4[%dma_wait3A_581, %dma_wait3A_582] : memref<100000x128xf32, #tpu.memory_space<hbm>> -> memref<64x128xf32, #tpu.memory_space<hbm>>
    %dma_wait3A_584 = arith.constant 0 : i32
    %dma_wait3A_585 = arith.constant 0 : i32
    %dma_wait3A_586 = tpu.memref_slice %arg4[%dma_wait3A_584, %dma_wait3A_585] : memref<100000x128xf32, #tpu.memory_space<hbm>> -> memref<64x128xf32, #tpu.memory_space<hbm>>
    tpu.wait_dma2 semaphore(%arg24 : memref<!tpu.dma_semaphore, #tpu.memory_space<semaphore_mem>>) src(%dma_wait3A_586 : memref<64x128xf32, #tpu.memory_space<hbm>>) dst(%arg16 : memref<64x128xf32, #tpu.memory_space<vmem>>)
    %dma_start3A_587 = arith.constant 0 : i32
    %dma_start3A_588 = tpu.memref_slice %arg6[%add3A_569, %dma_start3A_587] : memref<16384x128xf32, #tpu.memory_space<hbm>> -> memref<64x128xf32, #tpu.memory_space<hbm>>
    %dma_start3A_589 = arith.constant 0 : i32
    %dma_start3A_590 = tpu.memref_slice %arg6[%add3A_569, %dma_start3A_589] : memref<16384x128xf32, #tpu.memory_space<hbm>> -> memref<64x128xf32, #tpu.memory_space<hbm>>
    tpu.enqueue_dma source(%arg16 : memref<64x128xf32, #tpu.memory_space<vmem>>) target(%dma_start3A_590 : memref<64x128xf32, #tpu.memory_space<hbm>>) target_semaphore(%arg27 : memref<!tpu.dma_semaphore, #tpu.memory_space<semaphore_mem>>)
    %dma_wait3A_591 = arith.constant 0 : i32
    %dma_wait3A_592 = arith.constant 0 : i32
    %dma_wait3A_593 = tpu.memref_slice %arg3[%dma_wait3A_591, %dma_wait3A_592] : memref<100000x128xi32, #tpu.memory_space<hbm>> -> memref<64x128xi32, #tpu.memory_space<hbm>>
    %dma_wait3A_594 = arith.constant 0 : i32
    %dma_wait3A_595 = arith.constant 0 : i32
    %dma_wait3A_596 = tpu.memref_slice %arg3[%dma_wait3A_594, %dma_wait3A_595] : memref<100000x128xi32, #tpu.memory_space<hbm>> -> memref<64x128xi32, #tpu.memory_space<hbm>>
    tpu.wait_dma2 semaphore(%arg23 : memref<!tpu.dma_semaphore, #tpu.memory_space<semaphore_mem>>) src(%dma_wait3A_596 : memref<64x128xi32, #tpu.memory_space<hbm>>) dst(%arg10 : memref<64x128xi32, #tpu.memory_space<vmem>>)
    %dma_wait3A_597 = arith.constant 0 : i32
    %dma_wait3A_598 = tpu.memref_slice %arg7[%dma_wait3A_597] : memref<16384xi32, #tpu.memory_space<hbm>> -> memref<64xi32, #tpu.memory_space<hbm>>
    %dma_wait3A_599 = arith.constant 0 : i32
    %dma_wait3A_600 = tpu.memref_slice %arg7[%dma_wait3A_599] : memref<16384xi32, #tpu.memory_space<hbm>> -> memref<64xi32, #tpu.memory_space<hbm>>
    tpu.wait_dma2 semaphore(%arg38 : memref<!tpu.dma_semaphore, #tpu.memory_space<semaphore_mem>>) src(%arg21 : memref<64xi32, #tpu.memory_space<vmem>>) dst(%dma_wait3A_600 : memref<64xi32, #tpu.memory_space<hbm>>)
    %dma_wait3A_601 = arith.constant 0 : i32
    %dma_wait3A_602 = arith.constant 0 : i32
    %dma_wait3A_603 = tpu.memref_slice %arg5[%dma_wait3A_601, %dma_wait3A_602] : memref<16384x128xf32, #tpu.memory_space<hbm>> -> memref<64x128xf32, #tpu.memory_space<hbm>>
    %dma_wait3A_604 = arith.constant 0 : i32
    %dma_wait3A_605 = arith.constant 0 : i32
    %dma_wait3A_606 = tpu.memref_slice %arg5[%dma_wait3A_604, %dma_wait3A_605] : memref<16384x128xf32, #tpu.memory_space<hbm>> -> memref<64x128xf32, #tpu.memory_space<hbm>>
    tpu.wait_dma2 semaphore(%arg35 : memref<!tpu.dma_semaphore, #tpu.memory_space<semaphore_mem>>) src(%arg15 : memref<64x128xf32, #tpu.memory_space<vmem>>) dst(%dma_wait3A_606 : memref<64x128xf32, #tpu.memory_space<hbm>>)
    %iota3A_607 = tpu.iota {dimensions = array<i32: 0>} : vector<16xi32>
    %broadcast_in_dim3A_608 = arith.constant 0 : i32
    %broadcast_in_dim3A_609 = vector.broadcast %broadcast_in_dim3A_608 : i32 to vector<16xi32>
    %add3A_610 = arith.constant 0 : i32
    %add3A_611 = vector.broadcast %add3A_610 : i32 to vector<16xi32>
    %add3A_612 = arith.addi %iota3A_607, %add3A_611 : vector<16xi32>
    %get3A_613 = arith.constant 320 : index
    %get3A_614 = tpu.vector_load %arg8[%get3A_613] {strides = array<i32>} : memref<512xi32, #tpu.memory_space<vmem>>, vector<16xi32>,
    %broadcast_in_dim3A_615 = arith.constant 0 : i32
    %broadcast_in_dim3A_616 = vector.broadcast %broadcast_in_dim3A_615 : i32 to vector<16xi32>
    %scan3A_617 = arith.constant 0 : i32
    %scan3A_618 = arith.constant 64 : i32
    %scan3A_619 = arith.addi %scan3A_617, %scan3A_618 : i32
    %scan3A_620 = arith.constant 1 : i32
    %scan3A_621 = scf.for %scan3A_1036 = %scan3A_617 to %scan3A_619 step %scan3A_620 iter_args(%scan3A_1037 = %broadcast_in_dim3A_616) -> (vector<16xi32>)  : i32 {
      %mul3A_1038 = arith.constant 1 : i32
      %mul3A_1039 = arith.muli %scan3A_1036, %mul3A_1038 : i32
      %add3A_1040 = arith.constant 0 : i32
      %add3A_1041 = arith.addi %add3A_1040, %mul3A_1039 : i32
      %add3A_1042 = vector.broadcast %add3A_1041 : i32 to vector<16xi32>
      %add3A_1043 = arith.addi %broadcast_in_dim3A_609, %add3A_1042 : vector<16xi32>
      %gather3A = tpu.vector_load_idx %arg10[%add3A_612, %add3A_1043] : memref<64x128xi32, #tpu.memory_space<vmem>>[vector<16xi32>, vector<16xi32>], vector<16xi32>,
      %add3A_1044 = arith.constant 64 : i32
      %add3A_1045 = vector.broadcast %add3A_1044 : i32 to vector<16xi32>
      %add3A_1046 = arith.addi %add3A_1043, %add3A_1045 : vector<16xi32>
      %gather3A_1047 = tpu.vector_load_idx %arg10[%add3A_612, %add3A_1046] : memref<64x128xi32, #tpu.memory_space<vmem>>[vector<16xi32>, vector<16xi32>], vector<16xi32>,
      %ne3A = arith.constant 0 : i32
      %ne3A_1048 = vector.broadcast %ne3A : i32 to vector<16xi32>
      %ne3A_1049 = arith.cmpi ne, %gather3A_1047, %ne3A_1048 : vector<16xi32>
      %select_n3A = arith.select %ne3A_1049, %gather3A, %get3A_614 : vector<16xi1>, vector<16xi32>
      %mul3A_1050 = arith.constant 64 : i32
      %mul3A_1051 = arith.muli %add3A_1041, %mul3A_1050 : i32
      %add3A_1052 = arith.constant 0 : i32
      %add3A_1053 = arith.addi %mul3A_1051, %add3A_1052 : i32
      %swap3A_1054 = arith.index_cast %add3A_1053 : i32 to index
      %swap3A_1055 = tpu.vector_load %arg12[%swap3A_1054] {strides = array<i32>} : memref<4096xi32, #tpu.memory_space<vmem>>, vector<16xi32>,
      tpu.vector_store %arg12[%swap3A_1054], %select_n3A {strides = array<i32>} : memref<4096xi32, #tpu.memory_space<vmem>>, vector<16xi32>,
      %add3A_1056 = arith.addi %scan3A_1037, %gather3A_1047 : vector<16xi32>
      scf.yield %add3A_1056 : vector<16xi32>
    }
    %scan3A_622 = arith.constant 64 : i32
    %swap3A_623 = arith.constant 0 : index
    %swap3A_624 = tpu.vector_load %arg21[%swap3A_623] {strides = array<i32>} : memref<64xi32, #tpu.memory_space<vmem>>, vector<16xi32>,
    tpu.vector_store %arg21[%swap3A_623], %scan3A_621 {strides = array<i32>} : memref<64xi32, #tpu.memory_space<vmem>>, vector<16xi32>,
    %add3A_625 = arith.constant 16 : i32
    %add3A_626 = vector.broadcast %add3A_625 : i32 to vector<16xi32>
    %add3A_627 = arith.addi %iota3A_607, %add3A_626 : vector<16xi32>
    %get3A_628 = arith.constant 336 : index
    %get3A_629 = tpu.vector_load %arg8[%get3A_628] {strides = array<i32>} : memref<512xi32, #tpu.memory_space<vmem>>, vector<16xi32>,
    %broadcast_in_dim3A_630 = arith.constant 0 : i32
    %broadcast_in_dim3A_631 = vector.broadcast %broadcast_in_dim3A_630 : i32 to vector<16xi32>
    %scan3A_632 = arith.constant 0 : i32
    %scan3A_633 = arith.constant 64 : i32
    %scan3A_634 = arith.addi %scan3A_632, %scan3A_633 : i32
    %scan3A_635 = arith.constant 1 : i32
    %scan3A_636 = scf.for %scan3A_1036 = %scan3A_632 to %scan3A_634 step %scan3A_635 iter_args(%scan3A_1037 = %broadcast_in_dim3A_631) -> (vector<16xi32>)  : i32 {
      %mul3A_1038 = arith.constant 1 : i32
      %mul3A_1039 = arith.muli %scan3A_1036, %mul3A_1038 : i32
      %add3A_1040 = arith.constant 0 : i32
      %add3A_1041 = arith.addi %add3A_1040, %mul3A_1039 : i32
      %add3A_1042 = vector.broadcast %add3A_1041 : i32 to vector<16xi32>
      %add3A_1043 = arith.addi %broadcast_in_dim3A_609, %add3A_1042 : vector<16xi32>
      %gather3A = tpu.vector_load_idx %arg10[%add3A_627, %add3A_1043] : memref<64x128xi32, #tpu.memory_space<vmem>>[vector<16xi32>, vector<16xi32>], vector<16xi32>,
      %add3A_1044 = arith.constant 64 : i32
      %add3A_1045 = vector.broadcast %add3A_1044 : i32 to vector<16xi32>
      %add3A_1046 = arith.addi %add3A_1043, %add3A_1045 : vector<16xi32>
      %gather3A_1047 = tpu.vector_load_idx %arg10[%add3A_627, %add3A_1046] : memref<64x128xi32, #tpu.memory_space<vmem>>[vector<16xi32>, vector<16xi32>], vector<16xi32>,
      %ne3A = arith.constant 0 : i32
      %ne3A_1048 = vector.broadcast %ne3A : i32 to vector<16xi32>
      %ne3A_1049 = arith.cmpi ne, %gather3A_1047, %ne3A_1048 : vector<16xi32>
      %select_n3A = arith.select %ne3A_1049, %gather3A, %get3A_629 : vector<16xi1>, vector<16xi32>
      %mul3A_1050 = arith.constant 64 : i32
      %mul3A_1051 = arith.muli %add3A_1041, %mul3A_1050 : i32
      %add3A_1052 = arith.constant 16 : i32
      %add3A_1053 = arith.addi %mul3A_1051, %add3A_1052 : i32
      %swap3A_1054 = arith.index_cast %add3A_1053 : i32 to index
      %swap3A_1055 = tpu.vector_load %arg12[%swap3A_1054] {strides = array<i32>} : memref<4096xi32, #tpu.memory_space<vmem>>, vector<16xi32>,
      tpu.vector_store %arg12[%swap3A_1054], %select_n3A {strides = array<i32>} : memref<4096xi32, #tpu.memory_space<vmem>>, vector<16xi32>,
      %add3A_1056 = arith.addi %scan3A_1037, %gather3A_1047 : vector<16xi32>
      scf.yield %add3A_1056 : vector<16xi32>
    }
    %scan3A_637 = arith.constant 64 : i32
    %swap3A_638 = arith.constant 16 : index
    %swap3A_639 = tpu.vector_load %arg21[%swap3A_638] {strides = array<i32>} : memref<64xi32, #tpu.memory_space<vmem>>, vector<16xi32>,
    tpu.vector_store %arg21[%swap3A_638], %scan3A_636 {strides = array<i32>} : memref<64xi32, #tpu.memory_space<vmem>>, vector<16xi32>,
    %add3A_640 = arith.constant 32 : i32
    %add3A_641 = vector.broadcast %add3A_640 : i32 to vector<16xi32>
    %add3A_642 = arith.addi %iota3A_607, %add3A_641 : vector<16xi32>
    %get3A_643 = arith.constant 352 : index
    %get3A_644 = tpu.vector_load %arg8[%get3A_643] {strides = array<i32>} : memref<512xi32, #tpu.memory_space<vmem>>, vector<16xi32>,
    %broadcast_in_dim3A_645 = arith.constant 0 : i32
    %broadcast_in_dim3A_646 = vector.broadcast %broadcast_in_dim3A_645 : i32 to vector<16xi32>
    %scan3A_647 = arith.constant 0 : i32
    %scan3A_648 = arith.constant 64 : i32
    %scan3A_649 = arith.addi %scan3A_647, %scan3A_648 : i32
    %scan3A_650 = arith.constant 1 : i32
    %scan3A_651 = scf.for %scan3A_1036 = %scan3A_647 to %scan3A_649 step %scan3A_650 iter_args(%scan3A_1037 = %broadcast_in_dim3A_646) -> (vector<16xi32>)  : i32 {
      %mul3A_1038 = arith.constant 1 : i32
      %mul3A_1039 = arith.muli %scan3A_1036, %mul3A_1038 : i32
      %add3A_1040 = arith.constant 0 : i32
      %add3A_1041 = arith.addi %add3A_1040, %mul3A_1039 : i32
      %add3A_1042 = vector.broadcast %add3A_1041 : i32 to vector<16xi32>
      %add3A_1043 = arith.addi %broadcast_in_dim3A_609, %add3A_1042 : vector<16xi32>
      %gather3A = tpu.vector_load_idx %arg10[%add3A_642, %add3A_1043] : memref<64x128xi32, #tpu.memory_space<vmem>>[vector<16xi32>, vector<16xi32>], vector<16xi32>,
      %add3A_1044 = arith.constant 64 : i32
      %add3A_1045 = vector.broadcast %add3A_1044 : i32 to vector<16xi32>
      %add3A_1046 = arith.addi %add3A_1043, %add3A_1045 : vector<16xi32>
      %gather3A_1047 = tpu.vector_load_idx %arg10[%add3A_642, %add3A_1046] : memref<64x128xi32, #tpu.memory_space<vmem>>[vector<16xi32>, vector<16xi32>], vector<16xi32>,
      %ne3A = arith.constant 0 : i32
      %ne3A_1048 = vector.broadcast %ne3A : i32 to vector<16xi32>
      %ne3A_1049 = arith.cmpi ne, %gather3A_1047, %ne3A_1048 : vector<16xi32>
      %select_n3A = arith.select %ne3A_1049, %gather3A, %get3A_644 : vector<16xi1>, vector<16xi32>
      %mul3A_1050 = arith.constant 64 : i32
      %mul3A_1051 = arith.muli %add3A_1041, %mul3A_1050 : i32
      %add3A_1052 = arith.constant 32 : i32
      %add3A_1053 = arith.addi %mul3A_1051, %add3A_1052 : i32
      %swap3A_1054 = arith.index_cast %add3A_1053 : i32 to index
      %swap3A_1055 = tpu.vector_load %arg12[%swap3A_1054] {strides = array<i32>} : memref<4096xi32, #tpu.memory_space<vmem>>, vector<16xi32>,
      tpu.vector_store %arg12[%swap3A_1054], %select_n3A {strides = array<i32>} : memref<4096xi32, #tpu.memory_space<vmem>>, vector<16xi32>,
      %add3A_1056 = arith.addi %scan3A_1037, %gather3A_1047 : vector<16xi32>
      scf.yield %add3A_1056 : vector<16xi32>
    }
    %scan3A_652 = arith.constant 64 : i32
    %swap3A_653 = arith.constant 32 : index
    %swap3A_654 = tpu.vector_load %arg21[%swap3A_653] {strides = array<i32>} : memref<64xi32, #tpu.memory_space<vmem>>, vector<16xi32>,
    tpu.vector_store %arg21[%swap3A_653], %scan3A_651 {strides = array<i32>} : memref<64xi32, #tpu.memory_space<vmem>>, vector<16xi32>,
    %add3A_655 = arith.constant 48 : i32
    %add3A_656 = vector.broadcast %add3A_655 : i32 to vector<16xi32>
    %add3A_657 = arith.addi %iota3A_607, %add3A_656 : vector<16xi32>
    %get3A_658 = arith.constant 368 : index
    %get3A_659 = tpu.vector_load %arg8[%get3A_658] {strides = array<i32>} : memref<512xi32, #tpu.memory_space<vmem>>, vector<16xi32>,
    %broadcast_in_dim3A_660 = arith.constant 0 : i32
    %broadcast_in_dim3A_661 = vector.broadcast %broadcast_in_dim3A_660 : i32 to vector<16xi32>
    %scan3A_662 = arith.constant 0 : i32
    %scan3A_663 = arith.constant 64 : i32
    %scan3A_664 = arith.addi %scan3A_662, %scan3A_663 : i32
    %scan3A_665 = arith.constant 1 : i32
    %scan3A_666 = scf.for %scan3A_1036 = %scan3A_662 to %scan3A_664 step %scan3A_665 iter_args(%scan3A_1037 = %broadcast_in_dim3A_661) -> (vector<16xi32>)  : i32 {
      %mul3A_1038 = arith.constant 1 : i32
      %mul3A_1039 = arith.muli %scan3A_1036, %mul3A_1038 : i32
      %add3A_1040 = arith.constant 0 : i32
      %add3A_1041 = arith.addi %add3A_1040, %mul3A_1039 : i32
      %add3A_1042 = vector.broadcast %add3A_1041 : i32 to vector<16xi32>
      %add3A_1043 = arith.addi %broadcast_in_dim3A_609, %add3A_1042 : vector<16xi32>
      %gather3A = tpu.vector_load_idx %arg10[%add3A_657, %add3A_1043] : memref<64x128xi32, #tpu.memory_space<vmem>>[vector<16xi32>, vector<16xi32>], vector<16xi32>,
      %add3A_1044 = arith.constant 64 : i32
      %add3A_1045 = vector.broadcast %add3A_1044 : i32 to vector<16xi32>
      %add3A_1046 = arith.addi %add3A_1043, %add3A_1045 : vector<16xi32>
      %gather3A_1047 = tpu.vector_load_idx %arg10[%add3A_657, %add3A_1046] : memref<64x128xi32, #tpu.memory_space<vmem>>[vector<16xi32>, vector<16xi32>], vector<16xi32>,
      %ne3A = arith.constant 0 : i32
      %ne3A_1048 = vector.broadcast %ne3A : i32 to vector<16xi32>
      %ne3A_1049 = arith.cmpi ne, %gather3A_1047, %ne3A_1048 : vector<16xi32>
      %select_n3A = arith.select %ne3A_1049, %gather3A, %get3A_659 : vector<16xi1>, vector<16xi32>
      %mul3A_1050 = arith.constant 64 : i32
      %mul3A_1051 = arith.muli %add3A_1041, %mul3A_1050 : i32
      %add3A_1052 = arith.constant 48 : i32
      %add3A_1053 = arith.addi %mul3A_1051, %add3A_1052 : i32
      %swap3A_1054 = arith.index_cast %add3A_1053 : i32 to index
      %swap3A_1055 = tpu.vector_load %arg12[%swap3A_1054] {strides = array<i32>} : memref<4096xi32, #tpu.memory_space<vmem>>, vector<16xi32>,
      tpu.vector_store %arg12[%swap3A_1054], %select_n3A {strides = array<i32>} : memref<4096xi32, #tpu.memory_space<vmem>>, vector<16xi32>,
      %add3A_1056 = arith.addi %scan3A_1037, %gather3A_1047 : vector<16xi32>
      scf.yield %add3A_1056 : vector<16xi32>
    }
    %scan3A_667 = arith.constant 64 : i32
    %swap3A_668 = arith.constant 48 : index
    %swap3A_669 = tpu.vector_load %arg21[%swap3A_668] {strides = array<i32>} : memref<64xi32, #tpu.memory_space<vmem>>, vector<16xi32>,
    tpu.vector_store %arg21[%swap3A_668], %scan3A_666 {strides = array<i32>} : memref<64xi32, #tpu.memory_space<vmem>>, vector<16xi32>,
    %broadcast_in_dim3A_670 = arith.constant 0.000000e+00 : f32
    %broadcast_in_dim3A_671 = vector.broadcast %broadcast_in_dim3A_670 : f32 to vector<16xf32>
    %scan3A_672 = arith.constant 0 : i32
    %scan3A_673 = arith.constant 64 : i32
    %scan3A_674 = arith.addi %scan3A_672, %scan3A_673 : i32
    %scan3A_675 = arith.constant 1 : i32
    scf.for %scan3A_1036 = %scan3A_672 to %scan3A_674 step %scan3A_675  : i32 {
      %mul3A_1037 = arith.constant 1 : i32
      %mul3A_1038 = arith.muli %scan3A_1036, %mul3A_1037 : i32
      %add3A_1039 = arith.constant 0 : i32
      %add3A_1040 = arith.addi %add3A_1039, %mul3A_1038 : i32
      %swap3A_1041 = arith.index_cast %add3A_1040 : i32 to index
      %swap3A_1042 = arith.constant 0 : index
      %swap3A_1043 = tpu.vector_load %arg15[%swap3A_1041, %swap3A_1042] {strides = array<i32>} : memref<64x128xf32, #tpu.memory_space<vmem>>, vector<16xf32>,
      tpu.vector_store %arg15[%swap3A_1041, %swap3A_1042], %broadcast_in_dim3A_671 {strides = array<i32>} : memref<64x128xf32, #tpu.memory_space<vmem>>, vector<16xf32>,
      %swap3A_1044 = arith.index_cast %add3A_1040 : i32 to index
      %swap3A_1045 = arith.constant 16 : index
      %swap3A_1046 = tpu.vector_load %arg15[%swap3A_1044, %swap3A_1045] {strides = array<i32>} : memref<64x128xf32, #tpu.memory_space<vmem>>, vector<16xf32>,
      tpu.vector_store %arg15[%swap3A_1044, %swap3A_1045], %broadcast_in_dim3A_671 {strides = array<i32>} : memref<64x128xf32, #tpu.memory_space<vmem>>, vector<16xf32>,
      %swap3A_1047 = arith.index_cast %add3A_1040 : i32 to index
      %swap3A_1048 = arith.constant 32 : index
      %swap3A_1049 = tpu.vector_load %arg15[%swap3A_1047, %swap3A_1048] {strides = array<i32>} : memref<64x128xf32, #tpu.memory_space<vmem>>, vector<16xf32>,
      tpu.vector_store %arg15[%swap3A_1047, %swap3A_1048], %broadcast_in_dim3A_671 {strides = array<i32>} : memref<64x128xf32, #tpu.memory_space<vmem>>, vector<16xf32>,
      %swap3A_1050 = arith.index_cast %add3A_1040 : i32 to index
      %swap3A_1051 = arith.constant 48 : index
      %swap3A_1052 = tpu.vector_load %arg15[%swap3A_1050, %swap3A_1051] {strides = array<i32>} : memref<64x128xf32, #tpu.memory_space<vmem>>, vector<16xf32>,
      tpu.vector_store %arg15[%swap3A_1050, %swap3A_1051], %broadcast_in_dim3A_671 {strides = array<i32>} : memref<64x128xf32, #tpu.memory_space<vmem>>, vector<16xf32>,
      %swap3A_1053 = arith.index_cast %add3A_1040 : i32 to index
      %swap3A_1054 = arith.constant 64 : index
      %swap3A_1055 = tpu.vector_load %arg15[%swap3A_1053, %swap3A_1054] {strides = array<i32>} : memref<64x128xf32, #tpu.memory_space<vmem>>, vector<16xf32>,
      tpu.vector_store %arg15[%swap3A_1053, %swap3A_1054], %broadcast_in_dim3A_671 {strides = array<i32>} : memref<64x128xf32, #tpu.memory_space<vmem>>, vector<16xf32>,
      %swap3A_1056 = arith.index_cast %add3A_1040 : i32 to index
      %swap3A_1057 = arith.constant 80 : index
      %swap3A_1058 = tpu.vector_load %arg15[%swap3A_1056, %swap3A_1057] {strides = array<i32>} : memref<64x128xf32, #tpu.memory_space<vmem>>, vector<16xf32>,
      tpu.vector_store %arg15[%swap3A_1056, %swap3A_1057], %broadcast_in_dim3A_671 {strides = array<i32>} : memref<64x128xf32, #tpu.memory_space<vmem>>, vector<16xf32>,
      %swap3A_1059 = arith.index_cast %add3A_1040 : i32 to index
      %swap3A_1060 = arith.constant 96 : index
      %swap3A_1061 = tpu.vector_load %arg15[%swap3A_1059, %swap3A_1060] {strides = array<i32>} : memref<64x128xf32, #tpu.memory_space<vmem>>, vector<16xf32>,
      tpu.vector_store %arg15[%swap3A_1059, %swap3A_1060], %broadcast_in_dim3A_671 {strides = array<i32>} : memref<64x128xf32, #tpu.memory_space<vmem>>, vector<16xf32>,
      %swap3A_1062 = arith.index_cast %add3A_1040 : i32 to index
      %swap3A_1063 = arith.constant 112 : index
      %swap3A_1064 = tpu.vector_load %arg15[%swap3A_1062, %swap3A_1063] {strides = array<i32>} : memref<64x128xf32, #tpu.memory_space<vmem>>, vector<16xf32>,
      tpu.vector_store %arg15[%swap3A_1062, %swap3A_1063], %broadcast_in_dim3A_671 {strides = array<i32>} : memref<64x128xf32, #tpu.memory_space<vmem>>, vector<16xf32>,
    }
    %scan3A_676 = arith.constant 64 : i32
    %scan3A_677 = arith.constant 0 : i32
    %scan3A_678 = arith.constant 64 : i32
    %scan3A_679 = arith.addi %scan3A_677, %scan3A_678 : i32
    %scan3A_680 = arith.constant 1 : i32
    scf.for %scan3A_1036 = %scan3A_677 to %scan3A_679 step %scan3A_680  : i32 {
      %mul3A_1037 = arith.constant 1 : i32
      %mul3A_1038 = arith.muli %scan3A_1036, %mul3A_1037 : i32
      %add3A_1039 = arith.constant 0 : i32
      %add3A_1040 = arith.addi %add3A_1039, %mul3A_1038 : i32
      %mul3A_1041 = arith.constant 64 : i32
      %mul3A_1042 = arith.muli %add3A_1040, %mul3A_1041 : i32
      %dma_start3A_1043 = tpu.memref_slice %arg12[%mul3A_1042] : memref<4096xi32, #tpu.memory_space<vmem>> -> memref<64xi32, #tpu.memory_space<vmem>>
      %dma_start3A_1044 = arith.constant 0 : i32
      %dma_start3A_1045 = arith.constant 0 : i32
      %dma_start3A_1046 = tpu.memref_slice %arg4[%dma_start3A_1044, %dma_start3A_1045] : memref<100000x128xf32, #tpu.memory_space<hbm>> -> memref<100000x128xf32, #tpu.memory_space<hbm>>
      tpu.enqueue_indirect_dma source(%dma_start3A_1046 : memref<100000x128xf32, #tpu.memory_space<hbm>>) target(%arg15 : memref<64x128xf32, #tpu.memory_space<vmem>>) offsets(%dma_start3A_1043 : memref<64xi32, #tpu.memory_space<vmem>>) semaphore(%arg32 : memref<!tpu.dma_semaphore, #tpu.memory_space<semaphore_mem>>) {add = true}
    }
    %scan3A_681 = arith.constant 64 : i32
    %dma_wait3A_682 = arith.constant 0 : i32
    %dma_wait3A_683 = arith.constant 0 : i32
    %dma_wait3A_684 = tpu.memref_slice %arg6[%dma_wait3A_682, %dma_wait3A_683] : memref<16384x128xf32, #tpu.memory_space<hbm>> -> memref<64x128xf32, #tpu.memory_space<hbm>>
    %dma_wait3A_685 = arith.constant 0 : i32
    %dma_wait3A_686 = arith.constant 0 : i32
    %dma_wait3A_687 = tpu.memref_slice %arg6[%dma_wait3A_685, %dma_wait3A_686] : memref<16384x128xf32, #tpu.memory_space<hbm>> -> memref<64x128xf32, #tpu.memory_space<hbm>>
    tpu.wait_dma2 semaphore(%arg27 : memref<!tpu.dma_semaphore, #tpu.memory_space<semaphore_mem>>) src(%arg16 : memref<64x128xf32, #tpu.memory_space<vmem>>) dst(%dma_wait3A_687 : memref<64x128xf32, #tpu.memory_space<hbm>>)
    %dma_start3A_688 = arith.constant 384 : i32
    %dma_start3A_689 = tpu.memref_slice %arg8[%dma_start3A_688] : memref<512xi32, #tpu.memory_space<vmem>> -> memref<64xi32, #tpu.memory_space<vmem>>
    %dma_start3A_690 = arith.constant 0 : i32
    %dma_start3A_691 = arith.constant 0 : i32
    %dma_start3A_692 = tpu.memref_slice %arg3[%dma_start3A_690, %dma_start3A_691] : memref<100000x128xi32, #tpu.memory_space<hbm>> -> memref<100000x128xi32, #tpu.memory_space<hbm>>
    tpu.enqueue_indirect_dma source(%dma_start3A_692 : memref<100000x128xi32, #tpu.memory_space<hbm>>) target(%arg9 : memref<64x128xi32, #tpu.memory_space<vmem>>) offsets(%dma_start3A_689 : memref<64xi32, #tpu.memory_space<vmem>>) semaphore(%arg22 : memref<!tpu.dma_semaphore, #tpu.memory_space<semaphore_mem>>)
    %dma_start3A_693 = arith.constant 384 : i32
    %dma_start3A_694 = tpu.memref_slice %arg8[%dma_start3A_693] : memref<512xi32, #tpu.memory_space<vmem>> -> memref<64xi32, #tpu.memory_space<vmem>>
    %dma_start3A_695 = arith.constant 0 : i32
    %dma_start3A_696 = arith.constant 0 : i32
    %dma_start3A_697 = tpu.memref_slice %arg4[%dma_start3A_695, %dma_start3A_696] : memref<100000x128xf32, #tpu.memory_space<hbm>> -> memref<100000x128xf32, #tpu.memory_space<hbm>>
    tpu.enqueue_indirect_dma source(%dma_start3A_697 : memref<100000x128xf32, #tpu.memory_space<hbm>>) target(%arg16 : memref<64x128xf32, #tpu.memory_space<vmem>>) offsets(%dma_start3A_694 : memref<64xi32, #tpu.memory_space<vmem>>) semaphore(%arg24 : memref<!tpu.dma_semaphore, #tpu.memory_space<semaphore_mem>>)
    %add3A_698 = arith.constant 256 : i32
    %add3A_699 = arith.addi %mul3A_2, %add3A_698 : i32
    %scan3A_700 = arith.constant 0 : i32
    %scan3A_701 = arith.constant 64 : i32
    %scan3A_702 = arith.addi %scan3A_700, %scan3A_701 : i32
    %scan3A_703 = arith.constant 1 : i32
    scf.for %scan3A_1036 = %scan3A_700 to %scan3A_702 step %scan3A_703  : i32 {
      %mul3A_1037 = arith.constant 1 : i32
      %mul3A_1038 = arith.muli %scan3A_1036, %mul3A_1037 : i32
      %add3A_1039 = arith.constant 0 : i32
      %add3A_1040 = arith.addi %add3A_1039, %mul3A_1038 : i32
      %dma_wait3A_1041 = arith.constant 0 : i32
      %dma_wait3A_1042 = arith.constant 0 : i32
      %dma_wait3A_1043 = tpu.memref_slice %arg4[%dma_wait3A_1041, %dma_wait3A_1042] : memref<100000x128xf32, #tpu.memory_space<hbm>> -> memref<64x128xf32, #tpu.memory_space<hbm>>
      %dma_wait3A_1044 = arith.constant 0 : i32
      %dma_wait3A_1045 = arith.constant 0 : i32
      %dma_wait3A_1046 = tpu.memref_slice %arg4[%dma_wait3A_1044, %dma_wait3A_1045] : memref<100000x128xf32, #tpu.memory_space<hbm>> -> memref<64x128xf32, #tpu.memory_space<hbm>>
      tpu.wait_dma2 semaphore(%arg31 : memref<!tpu.dma_semaphore, #tpu.memory_space<semaphore_mem>>) src(%dma_wait3A_1046 : memref<64x128xf32, #tpu.memory_space<hbm>>) dst(%arg14 : memref<64x128xf32, #tpu.memory_space<vmem>>)
    }
    %scan3A_704 = arith.constant 64 : i32
    %dma_start3A_705 = arith.constant 0 : i32
    %dma_start3A_706 = tpu.memref_slice %arg5[%add3A_699, %dma_start3A_705] : memref<16384x128xf32, #tpu.memory_space<hbm>> -> memref<64x128xf32, #tpu.memory_space<hbm>>
    %dma_start3A_707 = arith.constant 0 : i32
    %dma_start3A_708 = tpu.memref_slice %arg5[%add3A_699, %dma_start3A_707] : memref<16384x128xf32, #tpu.memory_space<hbm>> -> memref<64x128xf32, #tpu.memory_space<hbm>>
    tpu.enqueue_dma source(%arg14 : memref<64x128xf32, #tpu.memory_space<vmem>>) target(%dma_start3A_708 : memref<64x128xf32, #tpu.memory_space<hbm>>) target_semaphore(%arg34 : memref<!tpu.dma_semaphore, #tpu.memory_space<semaphore_mem>>)
    %dma_start3A_709 = tpu.memref_slice %arg7[%add3A_699] : memref<16384xi32, #tpu.memory_space<hbm>> -> memref<64xi32, #tpu.memory_space<hbm>>
    %dma_start3A_710 = tpu.memref_slice %arg7[%add3A_699] : memref<16384xi32, #tpu.memory_space<hbm>> -> memref<64xi32, #tpu.memory_space<hbm>>
    tpu.enqueue_dma source(%arg20 : memref<64xi32, #tpu.memory_space<vmem>>) target(%dma_start3A_710 : memref<64xi32, #tpu.memory_space<hbm>>) target_semaphore(%arg37 : memref<!tpu.dma_semaphore, #tpu.memory_space<semaphore_mem>>)
    %dma_wait3A_711 = arith.constant 0 : i32
    %dma_wait3A_712 = arith.constant 0 : i32
    %dma_wait3A_713 = tpu.memref_slice %arg4[%dma_wait3A_711, %dma_wait3A_712] : memref<100000x128xf32, #tpu.memory_space<hbm>> -> memref<64x128xf32, #tpu.memory_space<hbm>>
    %dma_wait3A_714 = arith.constant 0 : i32
    %dma_wait3A_715 = arith.constant 0 : i32
    %dma_wait3A_716 = tpu.memref_slice %arg4[%dma_wait3A_714, %dma_wait3A_715] : memref<100000x128xf32, #tpu.memory_space<hbm>> -> memref<64x128xf32, #tpu.memory_space<hbm>>
    tpu.wait_dma2 semaphore(%arg25 : memref<!tpu.dma_semaphore, #tpu.memory_space<semaphore_mem>>) src(%dma_wait3A_716 : memref<64x128xf32, #tpu.memory_space<hbm>>) dst(%arg17 : memref<64x128xf32, #tpu.memory_space<vmem>>)
    %dma_start3A_717 = arith.constant 0 : i32
    %dma_start3A_718 = tpu.memref_slice %arg6[%add3A_699, %dma_start3A_717] : memref<16384x128xf32, #tpu.memory_space<hbm>> -> memref<64x128xf32, #tpu.memory_space<hbm>>
    %dma_start3A_719 = arith.constant 0 : i32
    %dma_start3A_720 = tpu.memref_slice %arg6[%add3A_699, %dma_start3A_719] : memref<16384x128xf32, #tpu.memory_space<hbm>> -> memref<64x128xf32, #tpu.memory_space<hbm>>
    tpu.enqueue_dma source(%arg17 : memref<64x128xf32, #tpu.memory_space<vmem>>) target(%dma_start3A_720 : memref<64x128xf32, #tpu.memory_space<hbm>>) target_semaphore(%arg28 : memref<!tpu.dma_semaphore, #tpu.memory_space<semaphore_mem>>)
    %dma_wait3A_721 = arith.constant 0 : i32
    %dma_wait3A_722 = arith.constant 0 : i32
    %dma_wait3A_723 = tpu.memref_slice %arg3[%dma_wait3A_721, %dma_wait3A_722] : memref<100000x128xi32, #tpu.memory_space<hbm>> -> memref<64x128xi32, #tpu.memory_space<hbm>>
    %dma_wait3A_724 = arith.constant 0 : i32
    %dma_wait3A_725 = arith.constant 0 : i32
    %dma_wait3A_726 = tpu.memref_slice %arg3[%dma_wait3A_724, %dma_wait3A_725] : memref<100000x128xi32, #tpu.memory_space<hbm>> -> memref<64x128xi32, #tpu.memory_space<hbm>>
    tpu.wait_dma2 semaphore(%arg22 : memref<!tpu.dma_semaphore, #tpu.memory_space<semaphore_mem>>) src(%dma_wait3A_726 : memref<64x128xi32, #tpu.memory_space<hbm>>) dst(%arg9 : memref<64x128xi32, #tpu.memory_space<vmem>>)
    %dma_wait3A_727 = arith.constant 0 : i32
    %dma_wait3A_728 = tpu.memref_slice %arg7[%dma_wait3A_727] : memref<16384xi32, #tpu.memory_space<hbm>> -> memref<64xi32, #tpu.memory_space<hbm>>
    %dma_wait3A_729 = arith.constant 0 : i32
    %dma_wait3A_730 = tpu.memref_slice %arg7[%dma_wait3A_729] : memref<16384xi32, #tpu.memory_space<hbm>> -> memref<64xi32, #tpu.memory_space<hbm>>
    tpu.wait_dma2 semaphore(%arg36 : memref<!tpu.dma_semaphore, #tpu.memory_space<semaphore_mem>>) src(%arg19 : memref<64xi32, #tpu.memory_space<vmem>>) dst(%dma_wait3A_730 : memref<64xi32, #tpu.memory_space<hbm>>)
    %dma_wait3A_731 = arith.constant 0 : i32
    %dma_wait3A_732 = arith.constant 0 : i32
    %dma_wait3A_733 = tpu.memref_slice %arg5[%dma_wait3A_731, %dma_wait3A_732] : memref<16384x128xf32, #tpu.memory_space<hbm>> -> memref<64x128xf32, #tpu.memory_space<hbm>>
    %dma_wait3A_734 = arith.constant 0 : i32
    %dma_wait3A_735 = arith.constant 0 : i32
    %dma_wait3A_736 = tpu.memref_slice %arg5[%dma_wait3A_734, %dma_wait3A_735] : memref<16384x128xf32, #tpu.memory_space<hbm>> -> memref<64x128xf32, #tpu.memory_space<hbm>>
    tpu.wait_dma2 semaphore(%arg33 : memref<!tpu.dma_semaphore, #tpu.memory_space<semaphore_mem>>) src(%arg13 : memref<64x128xf32, #tpu.memory_space<vmem>>) dst(%dma_wait3A_736 : memref<64x128xf32, #tpu.memory_space<hbm>>)
    %iota3A_737 = tpu.iota {dimensions = array<i32: 0>} : vector<16xi32>
    %broadcast_in_dim3A_738 = arith.constant 0 : i32
    %broadcast_in_dim3A_739 = vector.broadcast %broadcast_in_dim3A_738 : i32 to vector<16xi32>
    %add3A_740 = arith.constant 0 : i32
    %add3A_741 = vector.broadcast %add3A_740 : i32 to vector<16xi32>
    %add3A_742 = arith.addi %iota3A_737, %add3A_741 : vector<16xi32>
    %get3A_743 = arith.constant 384 : index
    %get3A_744 = tpu.vector_load %arg8[%get3A_743] {strides = array<i32>} : memref<512xi32, #tpu.memory_space<vmem>>, vector<16xi32>,
    %broadcast_in_dim3A_745 = arith.constant 0 : i32
    %broadcast_in_dim3A_746 = vector.broadcast %broadcast_in_dim3A_745 : i32 to vector<16xi32>
    %scan3A_747 = arith.constant 0 : i32
    %scan3A_748 = arith.constant 64 : i32
    %scan3A_749 = arith.addi %scan3A_747, %scan3A_748 : i32
    %scan3A_750 = arith.constant 1 : i32
    %scan3A_751 = scf.for %scan3A_1036 = %scan3A_747 to %scan3A_749 step %scan3A_750 iter_args(%scan3A_1037 = %broadcast_in_dim3A_746) -> (vector<16xi32>)  : i32 {
      %mul3A_1038 = arith.constant 1 : i32
      %mul3A_1039 = arith.muli %scan3A_1036, %mul3A_1038 : i32
      %add3A_1040 = arith.constant 0 : i32
      %add3A_1041 = arith.addi %add3A_1040, %mul3A_1039 : i32
      %add3A_1042 = vector.broadcast %add3A_1041 : i32 to vector<16xi32>
      %add3A_1043 = arith.addi %broadcast_in_dim3A_739, %add3A_1042 : vector<16xi32>
      %gather3A = tpu.vector_load_idx %arg9[%add3A_742, %add3A_1043] : memref<64x128xi32, #tpu.memory_space<vmem>>[vector<16xi32>, vector<16xi32>], vector<16xi32>,
      %add3A_1044 = arith.constant 64 : i32
      %add3A_1045 = vector.broadcast %add3A_1044 : i32 to vector<16xi32>
      %add3A_1046 = arith.addi %add3A_1043, %add3A_1045 : vector<16xi32>
      %gather3A_1047 = tpu.vector_load_idx %arg9[%add3A_742, %add3A_1046] : memref<64x128xi32, #tpu.memory_space<vmem>>[vector<16xi32>, vector<16xi32>], vector<16xi32>,
      %ne3A = arith.constant 0 : i32
      %ne3A_1048 = vector.broadcast %ne3A : i32 to vector<16xi32>
      %ne3A_1049 = arith.cmpi ne, %gather3A_1047, %ne3A_1048 : vector<16xi32>
      %select_n3A = arith.select %ne3A_1049, %gather3A, %get3A_744 : vector<16xi1>, vector<16xi32>
      %mul3A_1050 = arith.constant 64 : i32
      %mul3A_1051 = arith.muli %add3A_1041, %mul3A_1050 : i32
      %add3A_1052 = arith.constant 0 : i32
      %add3A_1053 = arith.addi %mul3A_1051, %add3A_1052 : i32
      %swap3A_1054 = arith.index_cast %add3A_1053 : i32 to index
      %swap3A_1055 = tpu.vector_load %arg11[%swap3A_1054] {strides = array<i32>} : memref<4096xi32, #tpu.memory_space<vmem>>, vector<16xi32>,
      tpu.vector_store %arg11[%swap3A_1054], %select_n3A {strides = array<i32>} : memref<4096xi32, #tpu.memory_space<vmem>>, vector<16xi32>,
      %add3A_1056 = arith.addi %scan3A_1037, %gather3A_1047 : vector<16xi32>
      scf.yield %add3A_1056 : vector<16xi32>
    }
    %scan3A_752 = arith.constant 64 : i32
    %swap3A_753 = arith.constant 0 : index
    %swap3A_754 = tpu.vector_load %arg19[%swap3A_753] {strides = array<i32>} : memref<64xi32, #tpu.memory_space<vmem>>, vector<16xi32>,
    tpu.vector_store %arg19[%swap3A_753], %scan3A_751 {strides = array<i32>} : memref<64xi32, #tpu.memory_space<vmem>>, vector<16xi32>,
    %add3A_755 = arith.constant 16 : i32
    %add3A_756 = vector.broadcast %add3A_755 : i32 to vector<16xi32>
    %add3A_757 = arith.addi %iota3A_737, %add3A_756 : vector<16xi32>
    %get3A_758 = arith.constant 400 : index
    %get3A_759 = tpu.vector_load %arg8[%get3A_758] {strides = array<i32>} : memref<512xi32, #tpu.memory_space<vmem>>, vector<16xi32>,
    %broadcast_in_dim3A_760 = arith.constant 0 : i32
    %broadcast_in_dim3A_761 = vector.broadcast %broadcast_in_dim3A_760 : i32 to vector<16xi32>
    %scan3A_762 = arith.constant 0 : i32
    %scan3A_763 = arith.constant 64 : i32
    %scan3A_764 = arith.addi %scan3A_762, %scan3A_763 : i32
    %scan3A_765 = arith.constant 1 : i32
    %scan3A_766 = scf.for %scan3A_1036 = %scan3A_762 to %scan3A_764 step %scan3A_765 iter_args(%scan3A_1037 = %broadcast_in_dim3A_761) -> (vector<16xi32>)  : i32 {
      %mul3A_1038 = arith.constant 1 : i32
      %mul3A_1039 = arith.muli %scan3A_1036, %mul3A_1038 : i32
      %add3A_1040 = arith.constant 0 : i32
      %add3A_1041 = arith.addi %add3A_1040, %mul3A_1039 : i32
      %add3A_1042 = vector.broadcast %add3A_1041 : i32 to vector<16xi32>
      %add3A_1043 = arith.addi %broadcast_in_dim3A_739, %add3A_1042 : vector<16xi32>
      %gather3A = tpu.vector_load_idx %arg9[%add3A_757, %add3A_1043] : memref<64x128xi32, #tpu.memory_space<vmem>>[vector<16xi32>, vector<16xi32>], vector<16xi32>,
      %add3A_1044 = arith.constant 64 : i32
      %add3A_1045 = vector.broadcast %add3A_1044 : i32 to vector<16xi32>
      %add3A_1046 = arith.addi %add3A_1043, %add3A_1045 : vector<16xi32>
      %gather3A_1047 = tpu.vector_load_idx %arg9[%add3A_757, %add3A_1046] : memref<64x128xi32, #tpu.memory_space<vmem>>[vector<16xi32>, vector<16xi32>], vector<16xi32>,
      %ne3A = arith.constant 0 : i32
      %ne3A_1048 = vector.broadcast %ne3A : i32 to vector<16xi32>
      %ne3A_1049 = arith.cmpi ne, %gather3A_1047, %ne3A_1048 : vector<16xi32>
      %select_n3A = arith.select %ne3A_1049, %gather3A, %get3A_759 : vector<16xi1>, vector<16xi32>
      %mul3A_1050 = arith.constant 64 : i32
      %mul3A_1051 = arith.muli %add3A_1041, %mul3A_1050 : i32
      %add3A_1052 = arith.constant 16 : i32
      %add3A_1053 = arith.addi %mul3A_1051, %add3A_1052 : i32
      %swap3A_1054 = arith.index_cast %add3A_1053 : i32 to index
      %swap3A_1055 = tpu.vector_load %arg11[%swap3A_1054] {strides = array<i32>} : memref<4096xi32, #tpu.memory_space<vmem>>, vector<16xi32>,
      tpu.vector_store %arg11[%swap3A_1054], %select_n3A {strides = array<i32>} : memref<4096xi32, #tpu.memory_space<vmem>>, vector<16xi32>,
      %add3A_1056 = arith.addi %scan3A_1037, %gather3A_1047 : vector<16xi32>
      scf.yield %add3A_1056 : vector<16xi32>
    }
    %scan3A_767 = arith.constant 64 : i32
    %swap3A_768 = arith.constant 16 : index
    %swap3A_769 = tpu.vector_load %arg19[%swap3A_768] {strides = array<i32>} : memref<64xi32, #tpu.memory_space<vmem>>, vector<16xi32>,
    tpu.vector_store %arg19[%swap3A_768], %scan3A_766 {strides = array<i32>} : memref<64xi32, #tpu.memory_space<vmem>>, vector<16xi32>,
    %add3A_770 = arith.constant 32 : i32
    %add3A_771 = vector.broadcast %add3A_770 : i32 to vector<16xi32>
    %add3A_772 = arith.addi %iota3A_737, %add3A_771 : vector<16xi32>
    %get3A_773 = arith.constant 416 : index
    %get3A_774 = tpu.vector_load %arg8[%get3A_773] {strides = array<i32>} : memref<512xi32, #tpu.memory_space<vmem>>, vector<16xi32>,
    %broadcast_in_dim3A_775 = arith.constant 0 : i32
    %broadcast_in_dim3A_776 = vector.broadcast %broadcast_in_dim3A_775 : i32 to vector<16xi32>
    %scan3A_777 = arith.constant 0 : i32
    %scan3A_778 = arith.constant 64 : i32
    %scan3A_779 = arith.addi %scan3A_777, %scan3A_778 : i32
    %scan3A_780 = arith.constant 1 : i32
    %scan3A_781 = scf.for %scan3A_1036 = %scan3A_777 to %scan3A_779 step %scan3A_780 iter_args(%scan3A_1037 = %broadcast_in_dim3A_776) -> (vector<16xi32>)  : i32 {
      %mul3A_1038 = arith.constant 1 : i32
      %mul3A_1039 = arith.muli %scan3A_1036, %mul3A_1038 : i32
      %add3A_1040 = arith.constant 0 : i32
      %add3A_1041 = arith.addi %add3A_1040, %mul3A_1039 : i32
      %add3A_1042 = vector.broadcast %add3A_1041 : i32 to vector<16xi32>
      %add3A_1043 = arith.addi %broadcast_in_dim3A_739, %add3A_1042 : vector<16xi32>
      %gather3A = tpu.vector_load_idx %arg9[%add3A_772, %add3A_1043] : memref<64x128xi32, #tpu.memory_space<vmem>>[vector<16xi32>, vector<16xi32>], vector<16xi32>,
      %add3A_1044 = arith.constant 64 : i32
      %add3A_1045 = vector.broadcast %add3A_1044 : i32 to vector<16xi32>
      %add3A_1046 = arith.addi %add3A_1043, %add3A_1045 : vector<16xi32>
      %gather3A_1047 = tpu.vector_load_idx %arg9[%add3A_772, %add3A_1046] : memref<64x128xi32, #tpu.memory_space<vmem>>[vector<16xi32>, vector<16xi32>], vector<16xi32>,
      %ne3A = arith.constant 0 : i32
      %ne3A_1048 = vector.broadcast %ne3A : i32 to vector<16xi32>
      %ne3A_1049 = arith.cmpi ne, %gather3A_1047, %ne3A_1048 : vector<16xi32>
      %select_n3A = arith.select %ne3A_1049, %gather3A, %get3A_774 : vector<16xi1>, vector<16xi32>
      %mul3A_1050 = arith.constant 64 : i32
      %mul3A_1051 = arith.muli %add3A_1041, %mul3A_1050 : i32
      %add3A_1052 = arith.constant 32 : i32
      %add3A_1053 = arith.addi %mul3A_1051, %add3A_1052 : i32
      %swap3A_1054 = arith.index_cast %add3A_1053 : i32 to index
      %swap3A_1055 = tpu.vector_load %arg11[%swap3A_1054] {strides = array<i32>} : memref<4096xi32, #tpu.memory_space<vmem>>, vector<16xi32>,
      tpu.vector_store %arg11[%swap3A_1054], %select_n3A {strides = array<i32>} : memref<4096xi32, #tpu.memory_space<vmem>>, vector<16xi32>,
      %add3A_1056 = arith.addi %scan3A_1037, %gather3A_1047 : vector<16xi32>
      scf.yield %add3A_1056 : vector<16xi32>
    }
    %scan3A_782 = arith.constant 64 : i32
    %swap3A_783 = arith.constant 32 : index
    %swap3A_784 = tpu.vector_load %arg19[%swap3A_783] {strides = array<i32>} : memref<64xi32, #tpu.memory_space<vmem>>, vector<16xi32>,
    tpu.vector_store %arg19[%swap3A_783], %scan3A_781 {strides = array<i32>} : memref<64xi32, #tpu.memory_space<vmem>>, vector<16xi32>,
    %add3A_785 = arith.constant 48 : i32
    %add3A_786 = vector.broadcast %add3A_785 : i32 to vector<16xi32>
    %add3A_787 = arith.addi %iota3A_737, %add3A_786 : vector<16xi32>
    %get3A_788 = arith.constant 432 : index
    %get3A_789 = tpu.vector_load %arg8[%get3A_788] {strides = array<i32>} : memref<512xi32, #tpu.memory_space<vmem>>, vector<16xi32>,
    %broadcast_in_dim3A_790 = arith.constant 0 : i32
    %broadcast_in_dim3A_791 = vector.broadcast %broadcast_in_dim3A_790 : i32 to vector<16xi32>
    %scan3A_792 = arith.constant 0 : i32
    %scan3A_793 = arith.constant 64 : i32
    %scan3A_794 = arith.addi %scan3A_792, %scan3A_793 : i32
    %scan3A_795 = arith.constant 1 : i32
    %scan3A_796 = scf.for %scan3A_1036 = %scan3A_792 to %scan3A_794 step %scan3A_795 iter_args(%scan3A_1037 = %broadcast_in_dim3A_791) -> (vector<16xi32>)  : i32 {
      %mul3A_1038 = arith.constant 1 : i32
      %mul3A_1039 = arith.muli %scan3A_1036, %mul3A_1038 : i32
      %add3A_1040 = arith.constant 0 : i32
      %add3A_1041 = arith.addi %add3A_1040, %mul3A_1039 : i32
      %add3A_1042 = vector.broadcast %add3A_1041 : i32 to vector<16xi32>
      %add3A_1043 = arith.addi %broadcast_in_dim3A_739, %add3A_1042 : vector<16xi32>
      %gather3A = tpu.vector_load_idx %arg9[%add3A_787, %add3A_1043] : memref<64x128xi32, #tpu.memory_space<vmem>>[vector<16xi32>, vector<16xi32>], vector<16xi32>,
      %add3A_1044 = arith.constant 64 : i32
      %add3A_1045 = vector.broadcast %add3A_1044 : i32 to vector<16xi32>
      %add3A_1046 = arith.addi %add3A_1043, %add3A_1045 : vector<16xi32>
      %gather3A_1047 = tpu.vector_load_idx %arg9[%add3A_787, %add3A_1046] : memref<64x128xi32, #tpu.memory_space<vmem>>[vector<16xi32>, vector<16xi32>], vector<16xi32>,
      %ne3A = arith.constant 0 : i32
      %ne3A_1048 = vector.broadcast %ne3A : i32 to vector<16xi32>
      %ne3A_1049 = arith.cmpi ne, %gather3A_1047, %ne3A_1048 : vector<16xi32>
      %select_n3A = arith.select %ne3A_1049, %gather3A, %get3A_789 : vector<16xi1>, vector<16xi32>
      %mul3A_1050 = arith.constant 64 : i32
      %mul3A_1051 = arith.muli %add3A_1041, %mul3A_1050 : i32
      %add3A_1052 = arith.constant 48 : i32
      %add3A_1053 = arith.addi %mul3A_1051, %add3A_1052 : i32
      %swap3A_1054 = arith.index_cast %add3A_1053 : i32 to index
      %swap3A_1055 = tpu.vector_load %arg11[%swap3A_1054] {strides = array<i32>} : memref<4096xi32, #tpu.memory_space<vmem>>, vector<16xi32>,
      tpu.vector_store %arg11[%swap3A_1054], %select_n3A {strides = array<i32>} : memref<4096xi32, #tpu.memory_space<vmem>>, vector<16xi32>,
      %add3A_1056 = arith.addi %scan3A_1037, %gather3A_1047 : vector<16xi32>
      scf.yield %add3A_1056 : vector<16xi32>
    }
    %scan3A_797 = arith.constant 64 : i32
    %swap3A_798 = arith.constant 48 : index
    %swap3A_799 = tpu.vector_load %arg19[%swap3A_798] {strides = array<i32>} : memref<64xi32, #tpu.memory_space<vmem>>, vector<16xi32>,
    tpu.vector_store %arg19[%swap3A_798], %scan3A_796 {strides = array<i32>} : memref<64xi32, #tpu.memory_space<vmem>>, vector<16xi32>,
    %broadcast_in_dim3A_800 = arith.constant 0.000000e+00 : f32
    %broadcast_in_dim3A_801 = vector.broadcast %broadcast_in_dim3A_800 : f32 to vector<16xf32>
    %scan3A_802 = arith.constant 0 : i32
    %scan3A_803 = arith.constant 64 : i32
    %scan3A_804 = arith.addi %scan3A_802, %scan3A_803 : i32
    %scan3A_805 = arith.constant 1 : i32
    scf.for %scan3A_1036 = %scan3A_802 to %scan3A_804 step %scan3A_805  : i32 {
      %mul3A_1037 = arith.constant 1 : i32
      %mul3A_1038 = arith.muli %scan3A_1036, %mul3A_1037 : i32
      %add3A_1039 = arith.constant 0 : i32
      %add3A_1040 = arith.addi %add3A_1039, %mul3A_1038 : i32
      %swap3A_1041 = arith.index_cast %add3A_1040 : i32 to index
      %swap3A_1042 = arith.constant 0 : index
      %swap3A_1043 = tpu.vector_load %arg13[%swap3A_1041, %swap3A_1042] {strides = array<i32>} : memref<64x128xf32, #tpu.memory_space<vmem>>, vector<16xf32>,
      tpu.vector_store %arg13[%swap3A_1041, %swap3A_1042], %broadcast_in_dim3A_801 {strides = array<i32>} : memref<64x128xf32, #tpu.memory_space<vmem>>, vector<16xf32>,
      %swap3A_1044 = arith.index_cast %add3A_1040 : i32 to index
      %swap3A_1045 = arith.constant 16 : index
      %swap3A_1046 = tpu.vector_load %arg13[%swap3A_1044, %swap3A_1045] {strides = array<i32>} : memref<64x128xf32, #tpu.memory_space<vmem>>, vector<16xf32>,
      tpu.vector_store %arg13[%swap3A_1044, %swap3A_1045], %broadcast_in_dim3A_801 {strides = array<i32>} : memref<64x128xf32, #tpu.memory_space<vmem>>, vector<16xf32>,
      %swap3A_1047 = arith.index_cast %add3A_1040 : i32 to index
      %swap3A_1048 = arith.constant 32 : index
      %swap3A_1049 = tpu.vector_load %arg13[%swap3A_1047, %swap3A_1048] {strides = array<i32>} : memref<64x128xf32, #tpu.memory_space<vmem>>, vector<16xf32>,
      tpu.vector_store %arg13[%swap3A_1047, %swap3A_1048], %broadcast_in_dim3A_801 {strides = array<i32>} : memref<64x128xf32, #tpu.memory_space<vmem>>, vector<16xf32>,
      %swap3A_1050 = arith.index_cast %add3A_1040 : i32 to index
      %swap3A_1051 = arith.constant 48 : index
      %swap3A_1052 = tpu.vector_load %arg13[%swap3A_1050, %swap3A_1051] {strides = array<i32>} : memref<64x128xf32, #tpu.memory_space<vmem>>, vector<16xf32>,
      tpu.vector_store %arg13[%swap3A_1050, %swap3A_1051], %broadcast_in_dim3A_801 {strides = array<i32>} : memref<64x128xf32, #tpu.memory_space<vmem>>, vector<16xf32>,
      %swap3A_1053 = arith.index_cast %add3A_1040 : i32 to index
      %swap3A_1054 = arith.constant 64 : index
      %swap3A_1055 = tpu.vector_load %arg13[%swap3A_1053, %swap3A_1054] {strides = array<i32>} : memref<64x128xf32, #tpu.memory_space<vmem>>, vector<16xf32>,
      tpu.vector_store %arg13[%swap3A_1053, %swap3A_1054], %broadcast_in_dim3A_801 {strides = array<i32>} : memref<64x128xf32, #tpu.memory_space<vmem>>, vector<16xf32>,
      %swap3A_1056 = arith.index_cast %add3A_1040 : i32 to index
      %swap3A_1057 = arith.constant 80 : index
      %swap3A_1058 = tpu.vector_load %arg13[%swap3A_1056, %swap3A_1057] {strides = array<i32>} : memref<64x128xf32, #tpu.memory_space<vmem>>, vector<16xf32>,
      tpu.vector_store %arg13[%swap3A_1056, %swap3A_1057], %broadcast_in_dim3A_801 {strides = array<i32>} : memref<64x128xf32, #tpu.memory_space<vmem>>, vector<16xf32>,
      %swap3A_1059 = arith.index_cast %add3A_1040 : i32 to index
      %swap3A_1060 = arith.constant 96 : index
      %swap3A_1061 = tpu.vector_load %arg13[%swap3A_1059, %swap3A_1060] {strides = array<i32>} : memref<64x128xf32, #tpu.memory_space<vmem>>, vector<16xf32>,
      tpu.vector_store %arg13[%swap3A_1059, %swap3A_1060], %broadcast_in_dim3A_801 {strides = array<i32>} : memref<64x128xf32, #tpu.memory_space<vmem>>, vector<16xf32>,
      %swap3A_1062 = arith.index_cast %add3A_1040 : i32 to index
      %swap3A_1063 = arith.constant 112 : index
      %swap3A_1064 = tpu.vector_load %arg13[%swap3A_1062, %swap3A_1063] {strides = array<i32>} : memref<64x128xf32, #tpu.memory_space<vmem>>, vector<16xf32>,
      tpu.vector_store %arg13[%swap3A_1062, %swap3A_1063], %broadcast_in_dim3A_801 {strides = array<i32>} : memref<64x128xf32, #tpu.memory_space<vmem>>, vector<16xf32>,
    }
    %scan3A_806 = arith.constant 64 : i32
    %scan3A_807 = arith.constant 0 : i32
    %scan3A_808 = arith.constant 64 : i32
    %scan3A_809 = arith.addi %scan3A_807, %scan3A_808 : i32
    %scan3A_810 = arith.constant 1 : i32
    scf.for %scan3A_1036 = %scan3A_807 to %scan3A_809 step %scan3A_810  : i32 {
      %mul3A_1037 = arith.constant 1 : i32
      %mul3A_1038 = arith.muli %scan3A_1036, %mul3A_1037 : i32
      %add3A_1039 = arith.constant 0 : i32
      %add3A_1040 = arith.addi %add3A_1039, %mul3A_1038 : i32
      %mul3A_1041 = arith.constant 64 : i32
      %mul3A_1042 = arith.muli %add3A_1040, %mul3A_1041 : i32
      %dma_start3A_1043 = tpu.memref_slice %arg11[%mul3A_1042] : memref<4096xi32, #tpu.memory_space<vmem>> -> memref<64xi32, #tpu.memory_space<vmem>>
      %dma_start3A_1044 = arith.constant 0 : i32
      %dma_start3A_1045 = arith.constant 0 : i32
      %dma_start3A_1046 = tpu.memref_slice %arg4[%dma_start3A_1044, %dma_start3A_1045] : memref<100000x128xf32, #tpu.memory_space<hbm>> -> memref<100000x128xf32, #tpu.memory_space<hbm>>
      tpu.enqueue_indirect_dma source(%dma_start3A_1046 : memref<100000x128xf32, #tpu.memory_space<hbm>>) target(%arg13 : memref<64x128xf32, #tpu.memory_space<vmem>>) offsets(%dma_start3A_1043 : memref<64xi32, #tpu.memory_space<vmem>>) semaphore(%arg30 : memref<!tpu.dma_semaphore, #tpu.memory_space<semaphore_mem>>) {add = true}
    }
    %scan3A_811 = arith.constant 64 : i32
    %dma_wait3A_812 = arith.constant 0 : i32
    %dma_wait3A_813 = arith.constant 0 : i32
    %dma_wait3A_814 = tpu.memref_slice %arg6[%dma_wait3A_812, %dma_wait3A_813] : memref<16384x128xf32, #tpu.memory_space<hbm>> -> memref<64x128xf32, #tpu.memory_space<hbm>>
    %dma_wait3A_815 = arith.constant 0 : i32
    %dma_wait3A_816 = arith.constant 0 : i32
    %dma_wait3A_817 = tpu.memref_slice %arg6[%dma_wait3A_815, %dma_wait3A_816] : memref<16384x128xf32, #tpu.memory_space<hbm>> -> memref<64x128xf32, #tpu.memory_space<hbm>>
    tpu.wait_dma2 semaphore(%arg28 : memref<!tpu.dma_semaphore, #tpu.memory_space<semaphore_mem>>) src(%arg17 : memref<64x128xf32, #tpu.memory_space<vmem>>) dst(%dma_wait3A_817 : memref<64x128xf32, #tpu.memory_space<hbm>>)
    %dma_start3A_818 = arith.constant 448 : i32
    %dma_start3A_819 = tpu.memref_slice %arg8[%dma_start3A_818] : memref<512xi32, #tpu.memory_space<vmem>> -> memref<64xi32, #tpu.memory_space<vmem>>
    %dma_start3A_820 = arith.constant 0 : i32
    %dma_start3A_821 = arith.constant 0 : i32
    %dma_start3A_822 = tpu.memref_slice %arg3[%dma_start3A_820, %dma_start3A_821] : memref<100000x128xi32, #tpu.memory_space<hbm>> -> memref<100000x128xi32, #tpu.memory_space<hbm>>
    tpu.enqueue_indirect_dma source(%dma_start3A_822 : memref<100000x128xi32, #tpu.memory_space<hbm>>) target(%arg10 : memref<64x128xi32, #tpu.memory_space<vmem>>) offsets(%dma_start3A_819 : memref<64xi32, #tpu.memory_space<vmem>>) semaphore(%arg23 : memref<!tpu.dma_semaphore, #tpu.memory_space<semaphore_mem>>)
    %dma_start3A_823 = arith.constant 448 : i32
    %dma_start3A_824 = tpu.memref_slice %arg8[%dma_start3A_823] : memref<512xi32, #tpu.memory_space<vmem>> -> memref<64xi32, #tpu.memory_space<vmem>>
    %dma_start3A_825 = arith.constant 0 : i32
    %dma_start3A_826 = arith.constant 0 : i32
    %dma_start3A_827 = tpu.memref_slice %arg4[%dma_start3A_825, %dma_start3A_826] : memref<100000x128xf32, #tpu.memory_space<hbm>> -> memref<100000x128xf32, #tpu.memory_space<hbm>>
    tpu.enqueue_indirect_dma source(%dma_start3A_827 : memref<100000x128xf32, #tpu.memory_space<hbm>>) target(%arg17 : memref<64x128xf32, #tpu.memory_space<vmem>>) offsets(%dma_start3A_824 : memref<64xi32, #tpu.memory_space<vmem>>) semaphore(%arg25 : memref<!tpu.dma_semaphore, #tpu.memory_space<semaphore_mem>>)
    %add3A_828 = arith.constant 320 : i32
    %add3A_829 = arith.addi %mul3A_2, %add3A_828 : i32
    %scan3A_830 = arith.constant 0 : i32
    %scan3A_831 = arith.constant 64 : i32
    %scan3A_832 = arith.addi %scan3A_830, %scan3A_831 : i32
    %scan3A_833 = arith.constant 1 : i32
    scf.for %scan3A_1036 = %scan3A_830 to %scan3A_832 step %scan3A_833  : i32 {
      %mul3A_1037 = arith.constant 1 : i32
      %mul3A_1038 = arith.muli %scan3A_1036, %mul3A_1037 : i32
      %add3A_1039 = arith.constant 0 : i32
      %add3A_1040 = arith.addi %add3A_1039, %mul3A_1038 : i32
      %dma_wait3A_1041 = arith.constant 0 : i32
      %dma_wait3A_1042 = arith.constant 0 : i32
      %dma_wait3A_1043 = tpu.memref_slice %arg4[%dma_wait3A_1041, %dma_wait3A_1042] : memref<100000x128xf32, #tpu.memory_space<hbm>> -> memref<64x128xf32, #tpu.memory_space<hbm>>
      %dma_wait3A_1044 = arith.constant 0 : i32
      %dma_wait3A_1045 = arith.constant 0 : i32
      %dma_wait3A_1046 = tpu.memref_slice %arg4[%dma_wait3A_1044, %dma_wait3A_1045] : memref<100000x128xf32, #tpu.memory_space<hbm>> -> memref<64x128xf32, #tpu.memory_space<hbm>>
      tpu.wait_dma2 semaphore(%arg32 : memref<!tpu.dma_semaphore, #tpu.memory_space<semaphore_mem>>) src(%dma_wait3A_1046 : memref<64x128xf32, #tpu.memory_space<hbm>>) dst(%arg15 : memref<64x128xf32, #tpu.memory_space<vmem>>)
    }
    %scan3A_834 = arith.constant 64 : i32
    %dma_start3A_835 = arith.constant 0 : i32
    %dma_start3A_836 = tpu.memref_slice %arg5[%add3A_829, %dma_start3A_835] : memref<16384x128xf32, #tpu.memory_space<hbm>> -> memref<64x128xf32, #tpu.memory_space<hbm>>
    %dma_start3A_837 = arith.constant 0 : i32
    %dma_start3A_838 = tpu.memref_slice %arg5[%add3A_829, %dma_start3A_837] : memref<16384x128xf32, #tpu.memory_space<hbm>> -> memref<64x128xf32, #tpu.memory_space<hbm>>
    tpu.enqueue_dma source(%arg15 : memref<64x128xf32, #tpu.memory_space<vmem>>) target(%dma_start3A_838 : memref<64x128xf32, #tpu.memory_space<hbm>>) target_semaphore(%arg35 : memref<!tpu.dma_semaphore, #tpu.memory_space<semaphore_mem>>)
    %dma_start3A_839 = tpu.memref_slice %arg7[%add3A_829] : memref<16384xi32, #tpu.memory_space<hbm>> -> memref<64xi32, #tpu.memory_space<hbm>>
    %dma_start3A_840 = tpu.memref_slice %arg7[%add3A_829] : memref<16384xi32, #tpu.memory_space<hbm>> -> memref<64xi32, #tpu.memory_space<hbm>>
    tpu.enqueue_dma source(%arg21 : memref<64xi32, #tpu.memory_space<vmem>>) target(%dma_start3A_840 : memref<64xi32, #tpu.memory_space<hbm>>) target_semaphore(%arg38 : memref<!tpu.dma_semaphore, #tpu.memory_space<semaphore_mem>>)
    %dma_wait3A_841 = arith.constant 0 : i32
    %dma_wait3A_842 = arith.constant 0 : i32
    %dma_wait3A_843 = tpu.memref_slice %arg4[%dma_wait3A_841, %dma_wait3A_842] : memref<100000x128xf32, #tpu.memory_space<hbm>> -> memref<64x128xf32, #tpu.memory_space<hbm>>
    %dma_wait3A_844 = arith.constant 0 : i32
    %dma_wait3A_845 = arith.constant 0 : i32
    %dma_wait3A_846 = tpu.memref_slice %arg4[%dma_wait3A_844, %dma_wait3A_845] : memref<100000x128xf32, #tpu.memory_space<hbm>> -> memref<64x128xf32, #tpu.memory_space<hbm>>
    tpu.wait_dma2 semaphore(%arg26 : memref<!tpu.dma_semaphore, #tpu.memory_space<semaphore_mem>>) src(%dma_wait3A_846 : memref<64x128xf32, #tpu.memory_space<hbm>>) dst(%arg18 : memref<64x128xf32, #tpu.memory_space<vmem>>)
    %dma_start3A_847 = arith.constant 0 : i32
    %dma_start3A_848 = tpu.memref_slice %arg6[%add3A_829, %dma_start3A_847] : memref<16384x128xf32, #tpu.memory_space<hbm>> -> memref<64x128xf32, #tpu.memory_space<hbm>>
    %dma_start3A_849 = arith.constant 0 : i32
    %dma_start3A_850 = tpu.memref_slice %arg6[%add3A_829, %dma_start3A_849] : memref<16384x128xf32, #tpu.memory_space<hbm>> -> memref<64x128xf32, #tpu.memory_space<hbm>>
    tpu.enqueue_dma source(%arg18 : memref<64x128xf32, #tpu.memory_space<vmem>>) target(%dma_start3A_850 : memref<64x128xf32, #tpu.memory_space<hbm>>) target_semaphore(%arg29 : memref<!tpu.dma_semaphore, #tpu.memory_space<semaphore_mem>>)
    %dma_wait3A_851 = arith.constant 0 : i32
    %dma_wait3A_852 = arith.constant 0 : i32
    %dma_wait3A_853 = tpu.memref_slice %arg3[%dma_wait3A_851, %dma_wait3A_852] : memref<100000x128xi32, #tpu.memory_space<hbm>> -> memref<64x128xi32, #tpu.memory_space<hbm>>
    %dma_wait3A_854 = arith.constant 0 : i32
    %dma_wait3A_855 = arith.constant 0 : i32
    %dma_wait3A_856 = tpu.memref_slice %arg3[%dma_wait3A_854, %dma_wait3A_855] : memref<100000x128xi32, #tpu.memory_space<hbm>> -> memref<64x128xi32, #tpu.memory_space<hbm>>
    tpu.wait_dma2 semaphore(%arg23 : memref<!tpu.dma_semaphore, #tpu.memory_space<semaphore_mem>>) src(%dma_wait3A_856 : memref<64x128xi32, #tpu.memory_space<hbm>>) dst(%arg10 : memref<64x128xi32, #tpu.memory_space<vmem>>)
    %dma_wait3A_857 = arith.constant 0 : i32
    %dma_wait3A_858 = tpu.memref_slice %arg7[%dma_wait3A_857] : memref<16384xi32, #tpu.memory_space<hbm>> -> memref<64xi32, #tpu.memory_space<hbm>>
    %dma_wait3A_859 = arith.constant 0 : i32
    %dma_wait3A_860 = tpu.memref_slice %arg7[%dma_wait3A_859] : memref<16384xi32, #tpu.memory_space<hbm>> -> memref<64xi32, #tpu.memory_space<hbm>>
    tpu.wait_dma2 semaphore(%arg37 : memref<!tpu.dma_semaphore, #tpu.memory_space<semaphore_mem>>) src(%arg20 : memref<64xi32, #tpu.memory_space<vmem>>) dst(%dma_wait3A_860 : memref<64xi32, #tpu.memory_space<hbm>>)
    %dma_wait3A_861 = arith.constant 0 : i32
    %dma_wait3A_862 = arith.constant 0 : i32
    %dma_wait3A_863 = tpu.memref_slice %arg5[%dma_wait3A_861, %dma_wait3A_862] : memref<16384x128xf32, #tpu.memory_space<hbm>> -> memref<64x128xf32, #tpu.memory_space<hbm>>
    %dma_wait3A_864 = arith.constant 0 : i32
    %dma_wait3A_865 = arith.constant 0 : i32
    %dma_wait3A_866 = tpu.memref_slice %arg5[%dma_wait3A_864, %dma_wait3A_865] : memref<16384x128xf32, #tpu.memory_space<hbm>> -> memref<64x128xf32, #tpu.memory_space<hbm>>
    tpu.wait_dma2 semaphore(%arg34 : memref<!tpu.dma_semaphore, #tpu.memory_space<semaphore_mem>>) src(%arg14 : memref<64x128xf32, #tpu.memory_space<vmem>>) dst(%dma_wait3A_866 : memref<64x128xf32, #tpu.memory_space<hbm>>)
    %iota3A_867 = tpu.iota {dimensions = array<i32: 0>} : vector<16xi32>
    %broadcast_in_dim3A_868 = arith.constant 0 : i32
    %broadcast_in_dim3A_869 = vector.broadcast %broadcast_in_dim3A_868 : i32 to vector<16xi32>
    %add3A_870 = arith.constant 0 : i32
    %add3A_871 = vector.broadcast %add3A_870 : i32 to vector<16xi32>
    %add3A_872 = arith.addi %iota3A_867, %add3A_871 : vector<16xi32>
    %get3A_873 = arith.constant 448 : index
    %get3A_874 = tpu.vector_load %arg8[%get3A_873] {strides = array<i32>} : memref<512xi32, #tpu.memory_space<vmem>>, vector<16xi32>,
    %broadcast_in_dim3A_875 = arith.constant 0 : i32
    %broadcast_in_dim3A_876 = vector.broadcast %broadcast_in_dim3A_875 : i32 to vector<16xi32>
    %scan3A_877 = arith.constant 0 : i32
    %scan3A_878 = arith.constant 64 : i32
    %scan3A_879 = arith.addi %scan3A_877, %scan3A_878 : i32
    %scan3A_880 = arith.constant 1 : i32
    %scan3A_881 = scf.for %scan3A_1036 = %scan3A_877 to %scan3A_879 step %scan3A_880 iter_args(%scan3A_1037 = %broadcast_in_dim3A_876) -> (vector<16xi32>)  : i32 {
      %mul3A_1038 = arith.constant 1 : i32
      %mul3A_1039 = arith.muli %scan3A_1036, %mul3A_1038 : i32
      %add3A_1040 = arith.constant 0 : i32
      %add3A_1041 = arith.addi %add3A_1040, %mul3A_1039 : i32
      %add3A_1042 = vector.broadcast %add3A_1041 : i32 to vector<16xi32>
      %add3A_1043 = arith.addi %broadcast_in_dim3A_869, %add3A_1042 : vector<16xi32>
      %gather3A = tpu.vector_load_idx %arg10[%add3A_872, %add3A_1043] : memref<64x128xi32, #tpu.memory_space<vmem>>[vector<16xi32>, vector<16xi32>], vector<16xi32>,
      %add3A_1044 = arith.constant 64 : i32
      %add3A_1045 = vector.broadcast %add3A_1044 : i32 to vector<16xi32>
      %add3A_1046 = arith.addi %add3A_1043, %add3A_1045 : vector<16xi32>
      %gather3A_1047 = tpu.vector_load_idx %arg10[%add3A_872, %add3A_1046] : memref<64x128xi32, #tpu.memory_space<vmem>>[vector<16xi32>, vector<16xi32>], vector<16xi32>,
      %ne3A = arith.constant 0 : i32
      %ne3A_1048 = vector.broadcast %ne3A : i32 to vector<16xi32>
      %ne3A_1049 = arith.cmpi ne, %gather3A_1047, %ne3A_1048 : vector<16xi32>
      %select_n3A = arith.select %ne3A_1049, %gather3A, %get3A_874 : vector<16xi1>, vector<16xi32>
      %mul3A_1050 = arith.constant 64 : i32
      %mul3A_1051 = arith.muli %add3A_1041, %mul3A_1050 : i32
      %add3A_1052 = arith.constant 0 : i32
      %add3A_1053 = arith.addi %mul3A_1051, %add3A_1052 : i32
      %swap3A_1054 = arith.index_cast %add3A_1053 : i32 to index
      %swap3A_1055 = tpu.vector_load %arg12[%swap3A_1054] {strides = array<i32>} : memref<4096xi32, #tpu.memory_space<vmem>>, vector<16xi32>,
      tpu.vector_store %arg12[%swap3A_1054], %select_n3A {strides = array<i32>} : memref<4096xi32, #tpu.memory_space<vmem>>, vector<16xi32>,
      %add3A_1056 = arith.addi %scan3A_1037, %gather3A_1047 : vector<16xi32>
      scf.yield %add3A_1056 : vector<16xi32>
    }
    %scan3A_882 = arith.constant 64 : i32
    %swap3A_883 = arith.constant 0 : index
    %swap3A_884 = tpu.vector_load %arg20[%swap3A_883] {strides = array<i32>} : memref<64xi32, #tpu.memory_space<vmem>>, vector<16xi32>,
    tpu.vector_store %arg20[%swap3A_883], %scan3A_881 {strides = array<i32>} : memref<64xi32, #tpu.memory_space<vmem>>, vector<16xi32>,
    %add3A_885 = arith.constant 16 : i32
    %add3A_886 = vector.broadcast %add3A_885 : i32 to vector<16xi32>
    %add3A_887 = arith.addi %iota3A_867, %add3A_886 : vector<16xi32>
    %get3A_888 = arith.constant 464 : index
    %get3A_889 = tpu.vector_load %arg8[%get3A_888] {strides = array<i32>} : memref<512xi32, #tpu.memory_space<vmem>>, vector<16xi32>,
    %broadcast_in_dim3A_890 = arith.constant 0 : i32
    %broadcast_in_dim3A_891 = vector.broadcast %broadcast_in_dim3A_890 : i32 to vector<16xi32>
    %scan3A_892 = arith.constant 0 : i32
    %scan3A_893 = arith.constant 64 : i32
    %scan3A_894 = arith.addi %scan3A_892, %scan3A_893 : i32
    %scan3A_895 = arith.constant 1 : i32
    %scan3A_896 = scf.for %scan3A_1036 = %scan3A_892 to %scan3A_894 step %scan3A_895 iter_args(%scan3A_1037 = %broadcast_in_dim3A_891) -> (vector<16xi32>)  : i32 {
      %mul3A_1038 = arith.constant 1 : i32
      %mul3A_1039 = arith.muli %scan3A_1036, %mul3A_1038 : i32
      %add3A_1040 = arith.constant 0 : i32
      %add3A_1041 = arith.addi %add3A_1040, %mul3A_1039 : i32
      %add3A_1042 = vector.broadcast %add3A_1041 : i32 to vector<16xi32>
      %add3A_1043 = arith.addi %broadcast_in_dim3A_869, %add3A_1042 : vector<16xi32>
      %gather3A = tpu.vector_load_idx %arg10[%add3A_887, %add3A_1043] : memref<64x128xi32, #tpu.memory_space<vmem>>[vector<16xi32>, vector<16xi32>], vector<16xi32>,
      %add3A_1044 = arith.constant 64 : i32
      %add3A_1045 = vector.broadcast %add3A_1044 : i32 to vector<16xi32>
      %add3A_1046 = arith.addi %add3A_1043, %add3A_1045 : vector<16xi32>
      %gather3A_1047 = tpu.vector_load_idx %arg10[%add3A_887, %add3A_1046] : memref<64x128xi32, #tpu.memory_space<vmem>>[vector<16xi32>, vector<16xi32>], vector<16xi32>,
      %ne3A = arith.constant 0 : i32
      %ne3A_1048 = vector.broadcast %ne3A : i32 to vector<16xi32>
      %ne3A_1049 = arith.cmpi ne, %gather3A_1047, %ne3A_1048 : vector<16xi32>
      %select_n3A = arith.select %ne3A_1049, %gather3A, %get3A_889 : vector<16xi1>, vector<16xi32>
      %mul3A_1050 = arith.constant 64 : i32
      %mul3A_1051 = arith.muli %add3A_1041, %mul3A_1050 : i32
      %add3A_1052 = arith.constant 16 : i32
      %add3A_1053 = arith.addi %mul3A_1051, %add3A_1052 : i32
      %swap3A_1054 = arith.index_cast %add3A_1053 : i32 to index
      %swap3A_1055 = tpu.vector_load %arg12[%swap3A_1054] {strides = array<i32>} : memref<4096xi32, #tpu.memory_space<vmem>>, vector<16xi32>,
      tpu.vector_store %arg12[%swap3A_1054], %select_n3A {strides = array<i32>} : memref<4096xi32, #tpu.memory_space<vmem>>, vector<16xi32>,
      %add3A_1056 = arith.addi %scan3A_1037, %gather3A_1047 : vector<16xi32>
      scf.yield %add3A_1056 : vector<16xi32>
    }
    %scan3A_897 = arith.constant 64 : i32
    %swap3A_898 = arith.constant 16 : index
    %swap3A_899 = tpu.vector_load %arg20[%swap3A_898] {strides = array<i32>} : memref<64xi32, #tpu.memory_space<vmem>>, vector<16xi32>,
    tpu.vector_store %arg20[%swap3A_898], %scan3A_896 {strides = array<i32>} : memref<64xi32, #tpu.memory_space<vmem>>, vector<16xi32>,
    %add3A_900 = arith.constant 32 : i32
    %add3A_901 = vector.broadcast %add3A_900 : i32 to vector<16xi32>
    %add3A_902 = arith.addi %iota3A_867, %add3A_901 : vector<16xi32>
    %get3A_903 = arith.constant 480 : index
    %get3A_904 = tpu.vector_load %arg8[%get3A_903] {strides = array<i32>} : memref<512xi32, #tpu.memory_space<vmem>>, vector<16xi32>,
    %broadcast_in_dim3A_905 = arith.constant 0 : i32
    %broadcast_in_dim3A_906 = vector.broadcast %broadcast_in_dim3A_905 : i32 to vector<16xi32>
    %scan3A_907 = arith.constant 0 : i32
    %scan3A_908 = arith.constant 64 : i32
    %scan3A_909 = arith.addi %scan3A_907, %scan3A_908 : i32
    %scan3A_910 = arith.constant 1 : i32
    %scan3A_911 = scf.for %scan3A_1036 = %scan3A_907 to %scan3A_909 step %scan3A_910 iter_args(%scan3A_1037 = %broadcast_in_dim3A_906) -> (vector<16xi32>)  : i32 {
      %mul3A_1038 = arith.constant 1 : i32
      %mul3A_1039 = arith.muli %scan3A_1036, %mul3A_1038 : i32
      %add3A_1040 = arith.constant 0 : i32
      %add3A_1041 = arith.addi %add3A_1040, %mul3A_1039 : i32
      %add3A_1042 = vector.broadcast %add3A_1041 : i32 to vector<16xi32>
      %add3A_1043 = arith.addi %broadcast_in_dim3A_869, %add3A_1042 : vector<16xi32>
      %gather3A = tpu.vector_load_idx %arg10[%add3A_902, %add3A_1043] : memref<64x128xi32, #tpu.memory_space<vmem>>[vector<16xi32>, vector<16xi32>], vector<16xi32>,
      %add3A_1044 = arith.constant 64 : i32
      %add3A_1045 = vector.broadcast %add3A_1044 : i32 to vector<16xi32>
      %add3A_1046 = arith.addi %add3A_1043, %add3A_1045 : vector<16xi32>
      %gather3A_1047 = tpu.vector_load_idx %arg10[%add3A_902, %add3A_1046] : memref<64x128xi32, #tpu.memory_space<vmem>>[vector<16xi32>, vector<16xi32>], vector<16xi32>,
      %ne3A = arith.constant 0 : i32
      %ne3A_1048 = vector.broadcast %ne3A : i32 to vector<16xi32>
      %ne3A_1049 = arith.cmpi ne, %gather3A_1047, %ne3A_1048 : vector<16xi32>
      %select_n3A = arith.select %ne3A_1049, %gather3A, %get3A_904 : vector<16xi1>, vector<16xi32>
      %mul3A_1050 = arith.constant 64 : i32
      %mul3A_1051 = arith.muli %add3A_1041, %mul3A_1050 : i32
      %add3A_1052 = arith.constant 32 : i32
      %add3A_1053 = arith.addi %mul3A_1051, %add3A_1052 : i32
      %swap3A_1054 = arith.index_cast %add3A_1053 : i32 to index
      %swap3A_1055 = tpu.vector_load %arg12[%swap3A_1054] {strides = array<i32>} : memref<4096xi32, #tpu.memory_space<vmem>>, vector<16xi32>,
      tpu.vector_store %arg12[%swap3A_1054], %select_n3A {strides = array<i32>} : memref<4096xi32, #tpu.memory_space<vmem>>, vector<16xi32>,
      %add3A_1056 = arith.addi %scan3A_1037, %gather3A_1047 : vector<16xi32>
      scf.yield %add3A_1056 : vector<16xi32>
    }
    %scan3A_912 = arith.constant 64 : i32
    %swap3A_913 = arith.constant 32 : index
    %swap3A_914 = tpu.vector_load %arg20[%swap3A_913] {strides = array<i32>} : memref<64xi32, #tpu.memory_space<vmem>>, vector<16xi32>,
    tpu.vector_store %arg20[%swap3A_913], %scan3A_911 {strides = array<i32>} : memref<64xi32, #tpu.memory_space<vmem>>, vector<16xi32>,
    %add3A_915 = arith.constant 48 : i32
    %add3A_916 = vector.broadcast %add3A_915 : i32 to vector<16xi32>
    %add3A_917 = arith.addi %iota3A_867, %add3A_916 : vector<16xi32>
    %get3A_918 = arith.constant 496 : index
    %get3A_919 = tpu.vector_load %arg8[%get3A_918] {strides = array<i32>} : memref<512xi32, #tpu.memory_space<vmem>>, vector<16xi32>,
    %broadcast_in_dim3A_920 = arith.constant 0 : i32
    %broadcast_in_dim3A_921 = vector.broadcast %broadcast_in_dim3A_920 : i32 to vector<16xi32>
    %scan3A_922 = arith.constant 0 : i32
    %scan3A_923 = arith.constant 64 : i32
    %scan3A_924 = arith.addi %scan3A_922, %scan3A_923 : i32
    %scan3A_925 = arith.constant 1 : i32
    %scan3A_926 = scf.for %scan3A_1036 = %scan3A_922 to %scan3A_924 step %scan3A_925 iter_args(%scan3A_1037 = %broadcast_in_dim3A_921) -> (vector<16xi32>)  : i32 {
      %mul3A_1038 = arith.constant 1 : i32
      %mul3A_1039 = arith.muli %scan3A_1036, %mul3A_1038 : i32
      %add3A_1040 = arith.constant 0 : i32
      %add3A_1041 = arith.addi %add3A_1040, %mul3A_1039 : i32
      %add3A_1042 = vector.broadcast %add3A_1041 : i32 to vector<16xi32>
      %add3A_1043 = arith.addi %broadcast_in_dim3A_869, %add3A_1042 : vector<16xi32>
      %gather3A = tpu.vector_load_idx %arg10[%add3A_917, %add3A_1043] : memref<64x128xi32, #tpu.memory_space<vmem>>[vector<16xi32>, vector<16xi32>], vector<16xi32>,
      %add3A_1044 = arith.constant 64 : i32
      %add3A_1045 = vector.broadcast %add3A_1044 : i32 to vector<16xi32>
      %add3A_1046 = arith.addi %add3A_1043, %add3A_1045 : vector<16xi32>
      %gather3A_1047 = tpu.vector_load_idx %arg10[%add3A_917, %add3A_1046] : memref<64x128xi32, #tpu.memory_space<vmem>>[vector<16xi32>, vector<16xi32>], vector<16xi32>,
      %ne3A = arith.constant 0 : i32
      %ne3A_1048 = vector.broadcast %ne3A : i32 to vector<16xi32>
      %ne3A_1049 = arith.cmpi ne, %gather3A_1047, %ne3A_1048 : vector<16xi32>
      %select_n3A = arith.select %ne3A_1049, %gather3A, %get3A_919 : vector<16xi1>, vector<16xi32>
      %mul3A_1050 = arith.constant 64 : i32
      %mul3A_1051 = arith.muli %add3A_1041, %mul3A_1050 : i32
      %add3A_1052 = arith.constant 48 : i32
      %add3A_1053 = arith.addi %mul3A_1051, %add3A_1052 : i32
      %swap3A_1054 = arith.index_cast %add3A_1053 : i32 to index
      %swap3A_1055 = tpu.vector_load %arg12[%swap3A_1054] {strides = array<i32>} : memref<4096xi32, #tpu.memory_space<vmem>>, vector<16xi32>,
      tpu.vector_store %arg12[%swap3A_1054], %select_n3A {strides = array<i32>} : memref<4096xi32, #tpu.memory_space<vmem>>, vector<16xi32>,
      %add3A_1056 = arith.addi %scan3A_1037, %gather3A_1047 : vector<16xi32>
      scf.yield %add3A_1056 : vector<16xi32>
    }
    %scan3A_927 = arith.constant 64 : i32
    %swap3A_928 = arith.constant 48 : index
    %swap3A_929 = tpu.vector_load %arg20[%swap3A_928] {strides = array<i32>} : memref<64xi32, #tpu.memory_space<vmem>>, vector<16xi32>,
    tpu.vector_store %arg20[%swap3A_928], %scan3A_926 {strides = array<i32>} : memref<64xi32, #tpu.memory_space<vmem>>, vector<16xi32>,
    %broadcast_in_dim3A_930 = arith.constant 0.000000e+00 : f32
    %broadcast_in_dim3A_931 = vector.broadcast %broadcast_in_dim3A_930 : f32 to vector<16xf32>
    %scan3A_932 = arith.constant 0 : i32
    %scan3A_933 = arith.constant 64 : i32
    %scan3A_934 = arith.addi %scan3A_932, %scan3A_933 : i32
    %scan3A_935 = arith.constant 1 : i32
    scf.for %scan3A_1036 = %scan3A_932 to %scan3A_934 step %scan3A_935  : i32 {
      %mul3A_1037 = arith.constant 1 : i32
      %mul3A_1038 = arith.muli %scan3A_1036, %mul3A_1037 : i32
      %add3A_1039 = arith.constant 0 : i32
      %add3A_1040 = arith.addi %add3A_1039, %mul3A_1038 : i32
      %swap3A_1041 = arith.index_cast %add3A_1040 : i32 to index
      %swap3A_1042 = arith.constant 0 : index
      %swap3A_1043 = tpu.vector_load %arg14[%swap3A_1041, %swap3A_1042] {strides = array<i32>} : memref<64x128xf32, #tpu.memory_space<vmem>>, vector<16xf32>,
      tpu.vector_store %arg14[%swap3A_1041, %swap3A_1042], %broadcast_in_dim3A_931 {strides = array<i32>} : memref<64x128xf32, #tpu.memory_space<vmem>>, vector<16xf32>,
      %swap3A_1044 = arith.index_cast %add3A_1040 : i32 to index
      %swap3A_1045 = arith.constant 16 : index
      %swap3A_1046 = tpu.vector_load %arg14[%swap3A_1044, %swap3A_1045] {strides = array<i32>} : memref<64x128xf32, #tpu.memory_space<vmem>>, vector<16xf32>,
      tpu.vector_store %arg14[%swap3A_1044, %swap3A_1045], %broadcast_in_dim3A_931 {strides = array<i32>} : memref<64x128xf32, #tpu.memory_space<vmem>>, vector<16xf32>,
      %swap3A_1047 = arith.index_cast %add3A_1040 : i32 to index
      %swap3A_1048 = arith.constant 32 : index
      %swap3A_1049 = tpu.vector_load %arg14[%swap3A_1047, %swap3A_1048] {strides = array<i32>} : memref<64x128xf32, #tpu.memory_space<vmem>>, vector<16xf32>,
      tpu.vector_store %arg14[%swap3A_1047, %swap3A_1048], %broadcast_in_dim3A_931 {strides = array<i32>} : memref<64x128xf32, #tpu.memory_space<vmem>>, vector<16xf32>,
      %swap3A_1050 = arith.index_cast %add3A_1040 : i32 to index
      %swap3A_1051 = arith.constant 48 : index
      %swap3A_1052 = tpu.vector_load %arg14[%swap3A_1050, %swap3A_1051] {strides = array<i32>} : memref<64x128xf32, #tpu.memory_space<vmem>>, vector<16xf32>,
      tpu.vector_store %arg14[%swap3A_1050, %swap3A_1051], %broadcast_in_dim3A_931 {strides = array<i32>} : memref<64x128xf32, #tpu.memory_space<vmem>>, vector<16xf32>,
      %swap3A_1053 = arith.index_cast %add3A_1040 : i32 to index
      %swap3A_1054 = arith.constant 64 : index
      %swap3A_1055 = tpu.vector_load %arg14[%swap3A_1053, %swap3A_1054] {strides = array<i32>} : memref<64x128xf32, #tpu.memory_space<vmem>>, vector<16xf32>,
      tpu.vector_store %arg14[%swap3A_1053, %swap3A_1054], %broadcast_in_dim3A_931 {strides = array<i32>} : memref<64x128xf32, #tpu.memory_space<vmem>>, vector<16xf32>,
      %swap3A_1056 = arith.index_cast %add3A_1040 : i32 to index
      %swap3A_1057 = arith.constant 80 : index
      %swap3A_1058 = tpu.vector_load %arg14[%swap3A_1056, %swap3A_1057] {strides = array<i32>} : memref<64x128xf32, #tpu.memory_space<vmem>>, vector<16xf32>,
      tpu.vector_store %arg14[%swap3A_1056, %swap3A_1057], %broadcast_in_dim3A_931 {strides = array<i32>} : memref<64x128xf32, #tpu.memory_space<vmem>>, vector<16xf32>,
      %swap3A_1059 = arith.index_cast %add3A_1040 : i32 to index
      %swap3A_1060 = arith.constant 96 : index
      %swap3A_1061 = tpu.vector_load %arg14[%swap3A_1059, %swap3A_1060] {strides = array<i32>} : memref<64x128xf32, #tpu.memory_space<vmem>>, vector<16xf32>,
      tpu.vector_store %arg14[%swap3A_1059, %swap3A_1060], %broadcast_in_dim3A_931 {strides = array<i32>} : memref<64x128xf32, #tpu.memory_space<vmem>>, vector<16xf32>,
      %swap3A_1062 = arith.index_cast %add3A_1040 : i32 to index
      %swap3A_1063 = arith.constant 112 : index
      %swap3A_1064 = tpu.vector_load %arg14[%swap3A_1062, %swap3A_1063] {strides = array<i32>} : memref<64x128xf32, #tpu.memory_space<vmem>>, vector<16xf32>,
      tpu.vector_store %arg14[%swap3A_1062, %swap3A_1063], %broadcast_in_dim3A_931 {strides = array<i32>} : memref<64x128xf32, #tpu.memory_space<vmem>>, vector<16xf32>,
    }
    %scan3A_936 = arith.constant 64 : i32
    %scan3A_937 = arith.constant 0 : i32
    %scan3A_938 = arith.constant 64 : i32
    %scan3A_939 = arith.addi %scan3A_937, %scan3A_938 : i32
    %scan3A_940 = arith.constant 1 : i32
    scf.for %scan3A_1036 = %scan3A_937 to %scan3A_939 step %scan3A_940  : i32 {
      %mul3A_1037 = arith.constant 1 : i32
      %mul3A_1038 = arith.muli %scan3A_1036, %mul3A_1037 : i32
      %add3A_1039 = arith.constant 0 : i32
      %add3A_1040 = arith.addi %add3A_1039, %mul3A_1038 : i32
      %mul3A_1041 = arith.constant 64 : i32
      %mul3A_1042 = arith.muli %add3A_1040, %mul3A_1041 : i32
      %dma_start3A_1043 = tpu.memref_slice %arg12[%mul3A_1042] : memref<4096xi32, #tpu.memory_space<vmem>> -> memref<64xi32, #tpu.memory_space<vmem>>
      %dma_start3A_1044 = arith.constant 0 : i32
      %dma_start3A_1045 = arith.constant 0 : i32
      %dma_start3A_1046 = tpu.memref_slice %arg4[%dma_start3A_1044, %dma_start3A_1045] : memref<100000x128xf32, #tpu.memory_space<hbm>> -> memref<100000x128xf32, #tpu.memory_space<hbm>>
      tpu.enqueue_indirect_dma source(%dma_start3A_1046 : memref<100000x128xf32, #tpu.memory_space<hbm>>) target(%arg14 : memref<64x128xf32, #tpu.memory_space<vmem>>) offsets(%dma_start3A_1043 : memref<64xi32, #tpu.memory_space<vmem>>) semaphore(%arg31 : memref<!tpu.dma_semaphore, #tpu.memory_space<semaphore_mem>>) {add = true}
    }
    %scan3A_941 = arith.constant 64 : i32
    %add3A_942 = arith.constant 384 : i32
    %add3A_943 = arith.addi %mul3A_2, %add3A_942 : i32
    %scan3A_944 = arith.constant 0 : i32
    %scan3A_945 = arith.constant 64 : i32
    %scan3A_946 = arith.addi %scan3A_944, %scan3A_945 : i32
    %scan3A_947 = arith.constant 1 : i32
    scf.for %scan3A_1036 = %scan3A_944 to %scan3A_946 step %scan3A_947  : i32 {
      %mul3A_1037 = arith.constant 1 : i32
      %mul3A_1038 = arith.muli %scan3A_1036, %mul3A_1037 : i32
      %add3A_1039 = arith.constant 0 : i32
      %add3A_1040 = arith.addi %add3A_1039, %mul3A_1038 : i32
      %dma_wait3A_1041 = arith.constant 0 : i32
      %dma_wait3A_1042 = arith.constant 0 : i32
      %dma_wait3A_1043 = tpu.memref_slice %arg4[%dma_wait3A_1041, %dma_wait3A_1042] : memref<100000x128xf32, #tpu.memory_space<hbm>> -> memref<64x128xf32, #tpu.memory_space<hbm>>
      %dma_wait3A_1044 = arith.constant 0 : i32
      %dma_wait3A_1045 = arith.constant 0 : i32
      %dma_wait3A_1046 = tpu.memref_slice %arg4[%dma_wait3A_1044, %dma_wait3A_1045] : memref<100000x128xf32, #tpu.memory_space<hbm>> -> memref<64x128xf32, #tpu.memory_space<hbm>>
      tpu.wait_dma2 semaphore(%arg30 : memref<!tpu.dma_semaphore, #tpu.memory_space<semaphore_mem>>) src(%dma_wait3A_1046 : memref<64x128xf32, #tpu.memory_space<hbm>>) dst(%arg13 : memref<64x128xf32, #tpu.memory_space<vmem>>)
    }
    %scan3A_948 = arith.constant 64 : i32
    %dma_start3A_949 = arith.constant 0 : i32
    %dma_start3A_950 = tpu.memref_slice %arg5[%add3A_943, %dma_start3A_949] : memref<16384x128xf32, #tpu.memory_space<hbm>> -> memref<64x128xf32, #tpu.memory_space<hbm>>
    %dma_start3A_951 = arith.constant 0 : i32
    %dma_start3A_952 = tpu.memref_slice %arg5[%add3A_943, %dma_start3A_951] : memref<16384x128xf32, #tpu.memory_space<hbm>> -> memref<64x128xf32, #tpu.memory_space<hbm>>
    tpu.enqueue_dma source(%arg13 : memref<64x128xf32, #tpu.memory_space<vmem>>) target(%dma_start3A_952 : memref<64x128xf32, #tpu.memory_space<hbm>>) target_semaphore(%arg33 : memref<!tpu.dma_semaphore, #tpu.memory_space<semaphore_mem>>)
    %dma_start3A_953 = tpu.memref_slice %arg7[%add3A_943] : memref<16384xi32, #tpu.memory_space<hbm>> -> memref<64xi32, #tpu.memory_space<hbm>>
    %dma_start3A_954 = tpu.memref_slice %arg7[%add3A_943] : memref<16384xi32, #tpu.memory_space<hbm>> -> memref<64xi32, #tpu.memory_space<hbm>>
    tpu.enqueue_dma source(%arg19 : memref<64xi32, #tpu.memory_space<vmem>>) target(%dma_start3A_954 : memref<64xi32, #tpu.memory_space<hbm>>) target_semaphore(%arg36 : memref<!tpu.dma_semaphore, #tpu.memory_space<semaphore_mem>>)
    %dma_wait3A_955 = arith.constant 0 : i32
    %dma_wait3A_956 = arith.constant 0 : i32
    %dma_wait3A_957 = tpu.memref_slice %arg4[%dma_wait3A_955, %dma_wait3A_956] : memref<100000x128xf32, #tpu.memory_space<hbm>> -> memref<64x128xf32, #tpu.memory_space<hbm>>
    %dma_wait3A_958 = arith.constant 0 : i32
    %dma_wait3A_959 = arith.constant 0 : i32
    %dma_wait3A_960 = tpu.memref_slice %arg4[%dma_wait3A_958, %dma_wait3A_959] : memref<100000x128xf32, #tpu.memory_space<hbm>> -> memref<64x128xf32, #tpu.memory_space<hbm>>
    tpu.wait_dma2 semaphore(%arg24 : memref<!tpu.dma_semaphore, #tpu.memory_space<semaphore_mem>>) src(%dma_wait3A_960 : memref<64x128xf32, #tpu.memory_space<hbm>>) dst(%arg16 : memref<64x128xf32, #tpu.memory_space<vmem>>)
    %dma_start3A_961 = arith.constant 0 : i32
    %dma_start3A_962 = tpu.memref_slice %arg6[%add3A_943, %dma_start3A_961] : memref<16384x128xf32, #tpu.memory_space<hbm>> -> memref<64x128xf32, #tpu.memory_space<hbm>>
    %dma_start3A_963 = arith.constant 0 : i32
    %dma_start3A_964 = tpu.memref_slice %arg6[%add3A_943, %dma_start3A_963] : memref<16384x128xf32, #tpu.memory_space<hbm>> -> memref<64x128xf32, #tpu.memory_space<hbm>>
    tpu.enqueue_dma source(%arg16 : memref<64x128xf32, #tpu.memory_space<vmem>>) target(%dma_start3A_964 : memref<64x128xf32, #tpu.memory_space<hbm>>) target_semaphore(%arg27 : memref<!tpu.dma_semaphore, #tpu.memory_space<semaphore_mem>>)
    %add3A_965 = arith.constant 448 : i32
    %add3A_966 = arith.addi %mul3A_2, %add3A_965 : i32
    %scan3A_967 = arith.constant 0 : i32
    %scan3A_968 = arith.constant 64 : i32
    %scan3A_969 = arith.addi %scan3A_967, %scan3A_968 : i32
    %scan3A_970 = arith.constant 1 : i32
    scf.for %scan3A_1036 = %scan3A_967 to %scan3A_969 step %scan3A_970  : i32 {
      %mul3A_1037 = arith.constant 1 : i32
      %mul3A_1038 = arith.muli %scan3A_1036, %mul3A_1037 : i32
      %add3A_1039 = arith.constant 0 : i32
      %add3A_1040 = arith.addi %add3A_1039, %mul3A_1038 : i32
      %dma_wait3A_1041 = arith.constant 0 : i32
      %dma_wait3A_1042 = arith.constant 0 : i32
      %dma_wait3A_1043 = tpu.memref_slice %arg4[%dma_wait3A_1041, %dma_wait3A_1042] : memref<100000x128xf32, #tpu.memory_space<hbm>> -> memref<64x128xf32, #tpu.memory_space<hbm>>
      %dma_wait3A_1044 = arith.constant 0 : i32
      %dma_wait3A_1045 = arith.constant 0 : i32
      %dma_wait3A_1046 = tpu.memref_slice %arg4[%dma_wait3A_1044, %dma_wait3A_1045] : memref<100000x128xf32, #tpu.memory_space<hbm>> -> memref<64x128xf32, #tpu.memory_space<hbm>>
      tpu.wait_dma2 semaphore(%arg31 : memref<!tpu.dma_semaphore, #tpu.memory_space<semaphore_mem>>) src(%dma_wait3A_1046 : memref<64x128xf32, #tpu.memory_space<hbm>>) dst(%arg14 : memref<64x128xf32, #tpu.memory_space<vmem>>)
    }
    %scan3A_971 = arith.constant 64 : i32
    %dma_start3A_972 = arith.constant 0 : i32
    %dma_start3A_973 = tpu.memref_slice %arg5[%add3A_966, %dma_start3A_972] : memref<16384x128xf32, #tpu.memory_space<hbm>> -> memref<64x128xf32, #tpu.memory_space<hbm>>
    %dma_start3A_974 = arith.constant 0 : i32
    %dma_start3A_975 = tpu.memref_slice %arg5[%add3A_966, %dma_start3A_974] : memref<16384x128xf32, #tpu.memory_space<hbm>> -> memref<64x128xf32, #tpu.memory_space<hbm>>
    tpu.enqueue_dma source(%arg14 : memref<64x128xf32, #tpu.memory_space<vmem>>) target(%dma_start3A_975 : memref<64x128xf32, #tpu.memory_space<hbm>>) target_semaphore(%arg34 : memref<!tpu.dma_semaphore, #tpu.memory_space<semaphore_mem>>)
    %dma_start3A_976 = tpu.memref_slice %arg7[%add3A_966] : memref<16384xi32, #tpu.memory_space<hbm>> -> memref<64xi32, #tpu.memory_space<hbm>>
    %dma_start3A_977 = tpu.memref_slice %arg7[%add3A_966] : memref<16384xi32, #tpu.memory_space<hbm>> -> memref<64xi32, #tpu.memory_space<hbm>>
    tpu.enqueue_dma source(%arg20 : memref<64xi32, #tpu.memory_space<vmem>>) target(%dma_start3A_977 : memref<64xi32, #tpu.memory_space<hbm>>) target_semaphore(%arg37 : memref<!tpu.dma_semaphore, #tpu.memory_space<semaphore_mem>>)
    %dma_wait3A_978 = arith.constant 0 : i32
    %dma_wait3A_979 = arith.constant 0 : i32
    %dma_wait3A_980 = tpu.memref_slice %arg4[%dma_wait3A_978, %dma_wait3A_979] : memref<100000x128xf32, #tpu.memory_space<hbm>> -> memref<64x128xf32, #tpu.memory_space<hbm>>
    %dma_wait3A_981 = arith.constant 0 : i32
    %dma_wait3A_982 = arith.constant 0 : i32
    %dma_wait3A_983 = tpu.memref_slice %arg4[%dma_wait3A_981, %dma_wait3A_982] : memref<100000x128xf32, #tpu.memory_space<hbm>> -> memref<64x128xf32, #tpu.memory_space<hbm>>
    tpu.wait_dma2 semaphore(%arg25 : memref<!tpu.dma_semaphore, #tpu.memory_space<semaphore_mem>>) src(%dma_wait3A_983 : memref<64x128xf32, #tpu.memory_space<hbm>>) dst(%arg17 : memref<64x128xf32, #tpu.memory_space<vmem>>)
    %dma_start3A_984 = arith.constant 0 : i32
    %dma_start3A_985 = tpu.memref_slice %arg6[%add3A_966, %dma_start3A_984] : memref<16384x128xf32, #tpu.memory_space<hbm>> -> memref<64x128xf32, #tpu.memory_space<hbm>>
    %dma_start3A_986 = arith.constant 0 : i32
    %dma_start3A_987 = tpu.memref_slice %arg6[%add3A_966, %dma_start3A_986] : memref<16384x128xf32, #tpu.memory_space<hbm>> -> memref<64x128xf32, #tpu.memory_space<hbm>>
    tpu.enqueue_dma source(%arg17 : memref<64x128xf32, #tpu.memory_space<vmem>>) target(%dma_start3A_987 : memref<64x128xf32, #tpu.memory_space<hbm>>) target_semaphore(%arg28 : memref<!tpu.dma_semaphore, #tpu.memory_space<semaphore_mem>>)
    %dma_wait3A_988 = arith.constant 0 : i32
    %dma_wait3A_989 = arith.constant 0 : i32
    %dma_wait3A_990 = tpu.memref_slice %arg5[%dma_wait3A_988, %dma_wait3A_989] : memref<16384x128xf32, #tpu.memory_space<hbm>> -> memref<64x128xf32, #tpu.memory_space<hbm>>
    %dma_wait3A_991 = arith.constant 0 : i32
    %dma_wait3A_992 = arith.constant 0 : i32
    %dma_wait3A_993 = tpu.memref_slice %arg5[%dma_wait3A_991, %dma_wait3A_992] : memref<16384x128xf32, #tpu.memory_space<hbm>> -> memref<64x128xf32, #tpu.memory_space<hbm>>
    tpu.wait_dma2 semaphore(%arg33 : memref<!tpu.dma_semaphore, #tpu.memory_space<semaphore_mem>>) src(%arg13 : memref<64x128xf32, #tpu.memory_space<vmem>>) dst(%dma_wait3A_993 : memref<64x128xf32, #tpu.memory_space<hbm>>)
    %dma_wait3A_994 = arith.constant 0 : i32
    %dma_wait3A_995 = tpu.memref_slice %arg7[%dma_wait3A_994] : memref<16384xi32, #tpu.memory_space<hbm>> -> memref<64xi32, #tpu.memory_space<hbm>>
    %dma_wait3A_996 = arith.constant 0 : i32
    %dma_wait3A_997 = tpu.memref_slice %arg7[%dma_wait3A_996] : memref<16384xi32, #tpu.memory_space<hbm>> -> memref<64xi32, #tpu.memory_space<hbm>>
    tpu.wait_dma2 semaphore(%arg36 : memref<!tpu.dma_semaphore, #tpu.memory_space<semaphore_mem>>) src(%arg19 : memref<64xi32, #tpu.memory_space<vmem>>) dst(%dma_wait3A_997 : memref<64xi32, #tpu.memory_space<hbm>>)
    %dma_wait3A_998 = arith.constant 0 : i32
    %dma_wait3A_999 = arith.constant 0 : i32
    %dma_wait3A_1000 = tpu.memref_slice %arg6[%dma_wait3A_998, %dma_wait3A_999] : memref<16384x128xf32, #tpu.memory_space<hbm>> -> memref<64x128xf32, #tpu.memory_space<hbm>>
    %dma_wait3A_1001 = arith.constant 0 : i32
    %dma_wait3A_1002 = arith.constant 0 : i32
    %dma_wait3A_1003 = tpu.memref_slice %arg6[%dma_wait3A_1001, %dma_wait3A_1002] : memref<16384x128xf32, #tpu.memory_space<hbm>> -> memref<64x128xf32, #tpu.memory_space<hbm>>
    tpu.wait_dma2 semaphore(%arg27 : memref<!tpu.dma_semaphore, #tpu.memory_space<semaphore_mem>>) src(%arg16 : memref<64x128xf32, #tpu.memory_space<vmem>>) dst(%dma_wait3A_1003 : memref<64x128xf32, #tpu.memory_space<hbm>>)
    %dma_wait3A_1004 = arith.constant 0 : i32
    %dma_wait3A_1005 = arith.constant 0 : i32
    %dma_wait3A_1006 = tpu.memref_slice %arg5[%dma_wait3A_1004, %dma_wait3A_1005] : memref<16384x128xf32, #tpu.memory_space<hbm>> -> memref<64x128xf32, #tpu.memory_space<hbm>>
    %dma_wait3A_1007 = arith.constant 0 : i32
    %dma_wait3A_1008 = arith.constant 0 : i32
    %dma_wait3A_1009 = tpu.memref_slice %arg5[%dma_wait3A_1007, %dma_wait3A_1008] : memref<16384x128xf32, #tpu.memory_space<hbm>> -> memref<64x128xf32, #tpu.memory_space<hbm>>
    tpu.wait_dma2 semaphore(%arg34 : memref<!tpu.dma_semaphore, #tpu.memory_space<semaphore_mem>>) src(%arg14 : memref<64x128xf32, #tpu.memory_space<vmem>>) dst(%dma_wait3A_1009 : memref<64x128xf32, #tpu.memory_space<hbm>>)
    %dma_wait3A_1010 = arith.constant 0 : i32
    %dma_wait3A_1011 = tpu.memref_slice %arg7[%dma_wait3A_1010] : memref<16384xi32, #tpu.memory_space<hbm>> -> memref<64xi32, #tpu.memory_space<hbm>>
    %dma_wait3A_1012 = arith.constant 0 : i32
    %dma_wait3A_1013 = tpu.memref_slice %arg7[%dma_wait3A_1012] : memref<16384xi32, #tpu.memory_space<hbm>> -> memref<64xi32, #tpu.memory_space<hbm>>
    tpu.wait_dma2 semaphore(%arg37 : memref<!tpu.dma_semaphore, #tpu.memory_space<semaphore_mem>>) src(%arg20 : memref<64xi32, #tpu.memory_space<vmem>>) dst(%dma_wait3A_1013 : memref<64xi32, #tpu.memory_space<hbm>>)
    %dma_wait3A_1014 = arith.constant 0 : i32
    %dma_wait3A_1015 = arith.constant 0 : i32
    %dma_wait3A_1016 = tpu.memref_slice %arg6[%dma_wait3A_1014, %dma_wait3A_1015] : memref<16384x128xf32, #tpu.memory_space<hbm>> -> memref<64x128xf32, #tpu.memory_space<hbm>>
    %dma_wait3A_1017 = arith.constant 0 : i32
    %dma_wait3A_1018 = arith.constant 0 : i32
    %dma_wait3A_1019 = tpu.memref_slice %arg6[%dma_wait3A_1017, %dma_wait3A_1018] : memref<16384x128xf32, #tpu.memory_space<hbm>> -> memref<64x128xf32, #tpu.memory_space<hbm>>
    tpu.wait_dma2 semaphore(%arg28 : memref<!tpu.dma_semaphore, #tpu.memory_space<semaphore_mem>>) src(%arg17 : memref<64x128xf32, #tpu.memory_space<vmem>>) dst(%dma_wait3A_1019 : memref<64x128xf32, #tpu.memory_space<hbm>>)
    %dma_wait3A_1020 = arith.constant 0 : i32
    %dma_wait3A_1021 = arith.constant 0 : i32
    %dma_wait3A_1022 = tpu.memref_slice %arg5[%dma_wait3A_1020, %dma_wait3A_1021] : memref<16384x128xf32, #tpu.memory_space<hbm>> -> memref<64x128xf32, #tpu.memory_space<hbm>>
    %dma_wait3A_1023 = arith.constant 0 : i32
    %dma_wait3A_1024 = arith.constant 0 : i32
    %dma_wait3A_1025 = tpu.memref_slice %arg5[%dma_wait3A_1023, %dma_wait3A_1024] : memref<16384x128xf32, #tpu.memory_space<hbm>> -> memref<64x128xf32, #tpu.memory_space<hbm>>
    tpu.wait_dma2 semaphore(%arg35 : memref<!tpu.dma_semaphore, #tpu.memory_space<semaphore_mem>>) src(%arg15 : memref<64x128xf32, #tpu.memory_space<vmem>>) dst(%dma_wait3A_1025 : memref<64x128xf32, #tpu.memory_space<hbm>>)
    %dma_wait3A_1026 = arith.constant 0 : i32
    %dma_wait3A_1027 = tpu.memref_slice %arg7[%dma_wait3A_1026] : memref<16384xi32, #tpu.memory_space<hbm>> -> memref<64xi32, #tpu.memory_space<hbm>>
    %dma_wait3A_1028 = arith.constant 0 : i32
    %dma_wait3A_1029 = tpu.memref_slice %arg7[%dma_wait3A_1028] : memref<16384xi32, #tpu.memory_space<hbm>> -> memref<64xi32, #tpu.memory_space<hbm>>
    tpu.wait_dma2 semaphore(%arg38 : memref<!tpu.dma_semaphore, #tpu.memory_space<semaphore_mem>>) src(%arg21 : memref<64xi32, #tpu.memory_space<vmem>>) dst(%dma_wait3A_1029 : memref<64xi32, #tpu.memory_space<hbm>>)
    %dma_wait3A_1030 = arith.constant 0 : i32
    %dma_wait3A_1031 = arith.constant 0 : i32
    %dma_wait3A_1032 = tpu.memref_slice %arg6[%dma_wait3A_1030, %dma_wait3A_1031] : memref<16384x128xf32, #tpu.memory_space<hbm>> -> memref<64x128xf32, #tpu.memory_space<hbm>>
    %dma_wait3A_1033 = arith.constant 0 : i32
    %dma_wait3A_1034 = arith.constant 0 : i32
    %dma_wait3A_1035 = tpu.memref_slice %arg6[%dma_wait3A_1033, %dma_wait3A_1034] : memref<16384x128xf32, #tpu.memory_space<hbm>> -> memref<64x128xf32, #tpu.memory_space<hbm>>
    tpu.wait_dma2 semaphore(%arg29 : memref<!tpu.dma_semaphore, #tpu.memory_space<semaphore_mem>>) src(%arg18 : memref<64x128xf32, #tpu.memory_space<vmem>>) dst(%dma_wait3A_1035 : memref<64x128xf32, #tpu.memory_space<hbm>>)
    return
  }
}

module attributes {stable_mosaic.version = 14 : i64} {
  func.func @_tc_body(%arg0: i32, %arg1: memref<1024x128xf32, #tpu.memory_space<vmem>>, %arg2: memref<1024x128xf32, #tpu.memory_space<vmem>>, %arg3: memref<1024x1xi32, #tpu.memory_space<vmem>>, %arg4: memref<128x128xf32, #tpu.memory_space<vmem>>, %arg5: memref<128x128xf32, #tpu.memory_space<vmem>>, %arg6: memref<1x128xf32, #tpu.memory_space<vmem>>, %arg7: memref<1024x128xf32, #tpu.memory_space<vmem>>) attributes {dimension_semantics = [#tpu.dimension_semantics<arbitrary>], iteration_bounds = array<i64: 16>, scalar_prefetch = 0 : i64, scratch_operands = 0 : i64, tpu.core_type = #tpu.core_type<tc>, window_params = [{transform_indices = @transform_0, window_bounds = array<i64: 1024, 128>}, {transform_indices = @transform_1, window_bounds = array<i64: 1024, 128>}, {transform_indices = @transform_2, window_bounds = array<i64: 1024, 1>}, {pipeline_mode = #tpu.pipeline_mode<synchronous>, transform_indices = @transform_3, window_bounds = array<i64: 128, 128>}, {pipeline_mode = #tpu.pipeline_mode<synchronous>, transform_indices = @transform_4, window_bounds = array<i64: 128, 128>}, {pipeline_mode = #tpu.pipeline_mode<synchronous>, transform_indices = @transform_5, window_bounds = array<i64: 1, 128>}, {transform_indices = @transform_6, window_bounds = array<i64: 1024, 128>}]} {
    %get3A = arith.constant 0 : index
    %get3A_0 = arith.constant 0 : index
    %get3A_1 = vector.load %arg3[%get3A, %get3A_0] : memref<1024x1xi32, #tpu.memory_space<vmem>>, vector<1024x1xi32>
    %convert_element_type3A = arith.sitofp %get3A_1 : vector<1024x1xi32> to vector<1024x1xf32>
    %max3A = arith.constant 1.000000e+00 : f32
    %max3A_2 = vector.broadcast %max3A : f32 to vector<1024x1xf32>
    %max3A_3 = arith.maximumf %convert_element_type3A, %max3A_2 : vector<1024x1xf32>
    %sub3A = arith.constant 6.400000e+01 : f32
    %sub3A_4 = vector.broadcast %sub3A : f32 to vector<1024x1xf32>
    %sub3A_5 = arith.subf %sub3A_4, %max3A_3 : vector<1024x1xf32>
    %get3A_6 = arith.constant 0 : index
    %get3A_7 = arith.constant 0 : index
    %get3A_8 = vector.load %arg2[%get3A_6, %get3A_7] : memref<1024x128xf32, #tpu.memory_space<vmem>>, vector<1024x128xf32>
    %get3A_9 = arith.constant 0 : index
    %get3A_10 = arith.constant 0 : index
    %get3A_11 = vector.load %arg1[%get3A_9, %get3A_10] : memref<1024x128xf32, #tpu.memory_space<vmem>>, vector<1024x128xf32>
    %mul3A = vector.broadcast %sub3A_5 : vector<1024x1xf32> to vector<1024x128xf32>
    %mul3A_12 = arith.mulf %mul3A, %get3A_11 : vector<1024x128xf32>
    %sub3A_13 = arith.subf %get3A_8, %mul3A_12 : vector<1024x128xf32>
    %div3A = vector.broadcast %max3A_3 : vector<1024x1xf32> to vector<1024x128xf32>
    %div3A_14 = arith.divf %sub3A_13, %div3A : vector<1024x128xf32>
    %get3A_15 = arith.constant 0 : index
    %get3A_16 = arith.constant 0 : index
    %get3A_17 = vector.load %arg1[%get3A_15, %get3A_16] : memref<1024x128xf32, #tpu.memory_space<vmem>>, vector<1024x128xf32>
    %get3A_18 = arith.constant 0 : index
    %get3A_19 = arith.constant 0 : index
    %get3A_20 = vector.load %arg4[%get3A_18, %get3A_19] : memref<128x128xf32, #tpu.memory_space<vmem>>, vector<128x128xf32>
    %dot_general3A = arith.constant dense<0.000000e+00> : vector<1024x128xf32>
    %dot_general3A_21 = tpu.matmul %get3A_17, %get3A_20, %dot_general3A {dimension_numbers = #tpu.dot_dimension_numbers<[1], [0], [0], [1], [0, 0, 1, 1], [], []>, transpose_lhs_hint = false} : vector<1024x128xf32>, vector<128x128xf32>, vector<1024x128xf32> -> vector<1024x128xf32>
    %get3A_22 = arith.constant 0 : index
    %get3A_23 = arith.constant 0 : index
    %get3A_24 = vector.load %arg5[%get3A_22, %get3A_23] : memref<128x128xf32, #tpu.memory_space<vmem>>, vector<128x128xf32>
    %dot_general3A_25 = arith.constant dense<0.000000e+00> : vector<1024x128xf32>
    %dot_general3A_26 = tpu.matmul %div3A_14, %get3A_24, %dot_general3A_25 {dimension_numbers = #tpu.dot_dimension_numbers<[1], [0], [0], [1], [0, 0, 1, 1], [], []>, transpose_lhs_hint = false} : vector<1024x128xf32>, vector<128x128xf32>, vector<1024x128xf32> -> vector<1024x128xf32>
    %add3A = arith.addf %dot_general3A_21, %dot_general3A_26 : vector<1024x128xf32>
    %get3A_27 = arith.constant 0 : index
    %get3A_28 = arith.constant 0 : index
    %get3A_29 = vector.load %arg6[%get3A_27, %get3A_28] : memref<1x128xf32, #tpu.memory_space<vmem>>, vector<1x128xf32>
    %add3A_30 = vector.broadcast %get3A_29 : vector<1x128xf32> to vector<1024x128xf32>
    %add3A_31 = arith.addf %add3A, %add3A_30 : vector<1024x128xf32>
    %max3A_32 = arith.constant 0.000000e+00 : f32
    %max3A_33 = vector.broadcast %max3A_32 : f32 to vector<1024x128xf32>
    %max3A_34 = arith.maximumf %add3A_31, %max3A_33 : vector<1024x128xf32>
    %swap3A = arith.constant 0 : index
    %swap3A_35 = arith.constant 0 : index
    %swap3A_36 = vector.load %arg7[%swap3A, %swap3A_35] : memref<1024x128xf32, #tpu.memory_space<vmem>>, vector<1024x128xf32>
    tpu.vector_store %arg7[%swap3A, %swap3A_35], %max3A_34 {strides = array<i32>} : memref<1024x128xf32, #tpu.memory_space<vmem>>, vector<1024x128xf32>,
    return
  }
  func.func @transform_0(%arg0: i32) -> (i32, i32) {
    %c0_i32 = arith.constant 0 : i32
    %c0_i32_0 = arith.constant 0 : i32
    return %arg0, %c0_i32 : i32, i32
  }
  func.func @transform_1(%arg0: i32) -> (i32, i32) {
    %c0_i32 = arith.constant 0 : i32
    %c0_i32_0 = arith.constant 0 : i32
    return %arg0, %c0_i32 : i32, i32
  }
  func.func @transform_2(%arg0: i32) -> (i32, i32) {
    %c0_i32 = arith.constant 0 : i32
    %c0_i32_0 = arith.constant 0 : i32
    return %arg0, %c0_i32 : i32, i32
  }
  func.func @transform_3(%arg0: i32) -> (i32, i32) {
    %c0_i32 = arith.constant 0 : i32
    %c0_i32_0 = arith.constant 0 : i32
    %c0_i32_1 = arith.constant 0 : i32
    return %c0_i32, %c0_i32_0 : i32, i32
  }
  func.func @transform_4(%arg0: i32) -> (i32, i32) {
    %c0_i32 = arith.constant 0 : i32
    %c0_i32_0 = arith.constant 0 : i32
    %c0_i32_1 = arith.constant 0 : i32
    return %c0_i32, %c0_i32_0 : i32, i32
  }
  func.func @transform_5(%arg0: i32) -> (i32, i32) {
    %c0_i32 = arith.constant 0 : i32
    %c0_i32_0 = arith.constant 0 : i32
    %c0_i32_1 = arith.constant 0 : i32
    return %c0_i32, %c0_i32_0 : i32, i32
  }
  func.func @transform_6(%arg0: i32) -> (i32, i32) {
    %c0_i32 = arith.constant 0 : i32
    %c0_i32_0 = arith.constant 0 : i32
    return %arg0, %c0_i32 : i32, i32
  }
}

</mosaic_0001>

<sc_bundles>
// kernel: kernel.4.cloned.1.call-start
scs
__scs_entry_jumppad:
0x0: {  	(pc) =	sbr.rel $0x88, $3  }
0x1: {  	(tag) =	ssettag $0x0;
	lr =	simm.s32 $0x1  }
0x2: {  	[smem:$0x3F9B] =	sst lr;
	_ =	strace $0xD0000000  }
0x3: {  	_ = 	snop  }
0x4: {  	_ = 	snop  }
0x5: {  	_ = 	snop  }
0x6: {  	_ = 	snop  }
0x7: {  	_ = 	snop  }
__scs_overlays_trampoline_lowered:
0x8: {  	[smem:$0x3FAA] =	sst s0  }
0x9: {  	[smem:$0x3FAB] =	sst s1  }
0xa: {  	[smem:$0x3FAC] =	sst s2  }
0xb: {  	[smem:$0x3FAD] =	sst s3  }
0xc: {  	[smem:$0x3FAE] =	sst s4  }
0xd: {  	[smem:$0x3FAF] =	sst s5  }
0xe: {  	[smem:$0x3FB0] =	sst s6  }
0xf: {  	[smem:$0x3FB1] =	sst s7  }
0x10: {  	[smem:$0x3FB2] =	sst s8  }
0x11: {  	[smem:$0x3FB3] =	sst s9;
	s0 =	simm.s32 @!p0 $0x0  }
0x12: {  	s1 =	sld [smem:$0x3F99];
	s0 =	simm.s32 @p0 $0x1  }
0x13: {  	[smem:$0x3FB4] =	sst s0;
	s0 =	simm.s32 @!p1 $0x0  }
0x14: {  	s2 =	sld [smem:$0x3F98];
	s0 =	simm.s32 @p1 $0x1  }
0x15: {  	[smem:$0x3FB5] =	sst s0;
	s0 =	simm.s32 @!p2 $0x0  }
0x16: {  	s3 =	sld [smem:$0x3FDB];
	s0 =	simm.s32 @p2 $0x1  }
0x17: {  	s4 =	simm.s32 $0x1BF5;
	[smem:$0x3FB7] =	sst s0  }
0x18: {  	s0 =	sld [smem:$0x3F9A];
	_ =	swait.ge [sflag:s4], $0x0  }
0x19: {  	s7 =	sld [smem:$0x3F9B]  }
0x1a: {  	s8 =	sadd.s32 $0xFFFFE003, lr  }
0x1b: {  	s9 =	sadd.s32 $0xFFFFFEF7, lr;
	s5 =	simm.s32 $0xFFFFFFFF;
	p2 =	slt.u32 s8, $0xFFFFF086  }
0x1c: {  	p1 =	slt.u32 s9, $0xF7A;
	s5 =	simm.s32 @!p2 $0x0  }
0x1d: {  	s5 =	simm.s32 @p1 $0x1;
	p0 =	seq.s32 s7, s2  }
0x1e: {  	s7 =	smul.u32 @!p0 $0xF7A, s2;
	p2 =	seq.s32 @!p0 s5, $0x0  }
0x1f: {  	s9 =	smul.u32 $0xF7A, s1;
	s8 =	simm.s32 @!p0 $0x1BF5;
	p2 =	por !p2, p0  }
0x20: {  	[sflag:s8] =	ssyncset.s32 @!p0 $0xFFFFF086;
	s6 =	sadd.s32 @!p0 s3, s7;
	s7 =	simm.s32 @!p0 $0x108  }
0x21: {  	s3 =	sadd.s32 s3, s9;
	s6 =	sadd.s32 @!p0 $0x88, s6;
	s7 =	simm.s32 @p2 $0x1082  }
0x22: {  	[simem:s7], [sflag:s8] =	dma.local @!p0 [hbm:s6], $0xF7A  }
0x23: {  	s9 =	sor.u32 $0xD0000000, s2;
	s6 =	simm.s32 $0x108;
	_ =	swait.ge @!p0 [sflag:s8], $0x0  }
0x24: {  	s3 =	sadd.s32 $0x88, s3;
	s6 =	simm.s32 @!p1 $0x1082;
	[sflag:s4] =	ssyncset.s32 $0xFFFFF086  }
0x25: {  	[simem:s6], [sflag:s4] =	dma.local [hbm:s3], $0xF7A  }
0x26: {  	[smem:$0x3F9B] =	sst s1;
	(tag) =	ssettag s2;
	_ =	strace s9  }
0x27: {  	s1 =	sld [smem:$0x3FAB]  }
0x28: {  	s2 =	sld [smem:$0x3FAC]  }
0x29: {  	s4 =	sld [smem:$0x3FAE]  }
0x2a: {  	p0 =	seq.s32 s5, $0x0;
	s5 =	sld [smem:$0x3FAF]  }
0x2b: {  	s6 =	sld [smem:$0x3FB0]  }
0x2c: {  	s7 =	sld [smem:$0x3FB1]  }
0x2d: {  	s3 =	simm.s32 $0x108;
	s8 =	sld [smem:$0x3FB2]  }
0x2e: {  	s3 =	simm.s32 @!p0 $0x1082;
	s9 =	sld [smem:$0x3FB3]  }
0x2f: {  	lr =	sadd.s32 s0, s3;
	s0 =	sld [smem:$0x3FAA]  }
0x30: {  	s3 =	sld [smem:$0x3FAD]  }
0x31: {  	[smem:$0x3FB6] =	sst s10  }
0x32: {  	s10 =	sld [smem:$0x3FB4];
	_ =	sdelay $0x3  }
0x33: {  	p0 =	seq.s32 s10, $0x1;
	s10 =	sld [smem:$0x3FB6];
	_ =	sdelay $0x3  }
0x34: {  	[smem:$0x3FB6] =	sst s10  }
0x35: {  	s10 =	sld [smem:$0x3FB5];
	_ =	sdelay $0x3  }
0x36: {  	p1 =	seq.s32 s10, $0x1;
	s10 =	sld [smem:$0x3FB6];
	_ =	sdelay $0x3  }
0x37: {  	[smem:$0x3FB6] =	sst s10  }
0x38: {  	s10 =	sld [smem:$0x3FB7]  }
0x39: {  	_ = 	snop;
	(pc) =	sbr.ind lr, $3  }
0x3a: {  	_ = 	snop  }
0x3b: {  	_ = 	snop  }
0x3c: {  	p2 =	seq.s32 s10, $0x1;
	s10 =	sld [smem:$0x3FB6]  }
0x3d: {  	_ =	shalt  }
0x3e: {  	_ =	shalt  }
0x3f: {  	_ =	shalt  }
0x40: {  	_ =	shalt  }
0x41: {  	_ =	shalt  }
0x42: {  	_ =	shalt  }
0x43: {  	_ =	shalt  }
0x44: {  	_ =	shalt  }
0x45: {  	_ =	shalt  }
0x46: {  	_ =	shalt  }
0x47: {  	_ =	shalt  }
0x48: {  	_ =	shalt  }
0x49: {  	_ =	shalt  }
0x4a: {  	_ =	shalt  }
0x4b: {  	_ =	shalt  }
0x4c: {  	_ =	shalt  }
0x4d: {  	_ =	shalt  }
0x4e: {  	_ =	shalt  }
0x4f: {  	_ =	shalt  }
0x50: {  	_ =	shalt  }
0x51: {  	_ =	shalt  }
0x52: {  	_ =	shalt  }
0x53: {  	_ =	shalt  }
0x54: {  	_ =	shalt  }
0x55: {  	_ =	shalt  }
0x56: {  	_ =	shalt  }
0x57: {  	_ =	shalt  }
0x58: {  	_ =	shalt  }
0x59: {  	_ =	shalt  }
0x5a: {  	_ =	shalt  }
0x5b: {  	_ =	shalt  }
0x5c: {  	_ =	shalt  }
0x5d: {  	_ =	shalt  }
0x5e: {  	_ =	shalt  }
0x5f: {  	_ =	shalt  }
0x60: {  	_ =	shalt  }
0x61: {  	_ =	shalt  }
0x62: {  	_ =	shalt  }
0x63: {  	_ =	shalt  }
0x64: {  	_ =	shalt  }
0x65: {  	_ =	shalt  }
0x66: {  	_ =	shalt  }
0x67: {  	_ =	shalt  }
0x68: {  	_ =	shalt  }
0x69: {  	_ =	shalt  }
0x6a: {  	_ =	shalt  }
0x6b: {  	_ =	shalt  }
0x6c: {  	_ =	shalt  }
0x6d: {  	_ =	shalt  }
0x6e: {  	_ =	shalt  }
0x6f: {  	_ =	shalt  }
0x70: {  	_ =	shalt  }
0x71: {  	_ =	shalt  }
0x72: {  	_ =	shalt  }
0x73: {  	_ =	shalt  }
0x74: {  	_ =	shalt  }
0x75: {  	_ =	shalt  }
0x76: {  	_ =	shalt  }
0x77: {  	_ =	shalt  }
0x78: {  	_ =	shalt  }
0x79: {  	_ =	shalt  }
0x7a: {  	_ =	shalt  }
0x7b: {  	_ =	shalt  }
0x7c: {  	_ =	shalt  }
0x7d: {  	_ =	shalt  }
0x7e: {  	_ =	shalt  }
0x7f: {  	_ =	shalt  }
0x80: {  	_ =	shalt  }
0x81: {  	_ =	shalt  }
0x82: {  	_ =	shalt  }
0x83: {  	_ =	shalt  }
0x84: {  	_ =	shalt  }
0x85: {  	_ =	shalt  }
0x86: {  	_ =	shalt  }
0x87: {  	_ =	shalt  }
.Lfunc_end0:
.L_simem_size_0:
called_computation_lowered:
.L_overlay_start_0:
0x88: {  	s2 =	sld [smem:$0x3FD9]  }
0x89: {  	s3 =	sld [smem:$0x3FFE];
	_ =	sdelay $0x1  }
0x8a: {  	s1 =	srdreg.scid  }
0x8b: {  	s0 =	sand.u32 $0x1, s1  }
0x8c: {  	s17 =	sshll.u32 s0, $0xA;
	s2 =	sadd.s32 s3, s2  }
0x8d: {  	s2 =	sadd.s32 s2, s17  }
0x8e: {  	[smem:$0x3FC2] =	sst s2  }
0x8f: {  	_ = 	snop  }
0x90: {  	s2 =	sld [smem:$0x3FC9]  }
0x91: {  	s18 =	sld [smem:$0x3FC6]  }
0x92: {  	s4 =	sld [smem:$0x3FD0];
	(tm) =	ssettm $0x1  }
0x93: {  	s5 =	sld [smem:$0x3FFB];
	_ =	sdelay $0x3  }
0x94: {  	_ =	strace s5  }
0x95: {  	s5 =	sld [smem:$0x3FFC];
	_ =	sdelay $0x3  }
0x96: {  	_ =	strace s5  }
0x97: {  	s5 =	sld [smem:$0x3FFD];
	_ =	sdelay $0x3  }
0x98: {  	_ =	strace s5  }
0x99: {  	_ =	strace $0x8FFFFFFF  }
0x9a: {  	s19 =	sld [smem:$0x3FDB];
	_ =	sdelay $0x1  }
0x9b: {  	s6 =	simm.s32 $_scs_section_size  }
0x9c: {  	s7 =	simm.s32 $_size__tile_overlayer_lowered;
	s8 =	simm.s32 $_tile_overlayer_lowered  }
0x9d: {  	s22 =	simm.s32 $0x1BFF;
	s21 =	sshll.u32 s8, $0x1;
	s5 =	sadd.s32 s6, s19  }
0x9e: {  	s9 =	simm.s32 $0x0;
	s20 =	sshll.u32 s7, $0x1;
	s7 =	sadd.s32 s21, s5  }
0x9f: {  	[timem:s9], [sflag:s22] =	dma.local [hbm:s7], s20  }
0xa0: {  	_ =	swait.ge [sflag:s22], s20  }
0xa1: {  	s6 =	ssub.s32 $0x0, s20;
	[sflag:s22] =	ssyncset.done $0x0  }
0xa2: {  	[sflag:s22] =	ssyncadd.s32 s6;
	_ =	sdelay $0x1  }
0xa3: {  	s23 =	simm.s32 $0x1B8B  }
0xa4: {  	_ =	swait.ge [sflag:s23], $0x1  }
0xa5: {  	[sflag:s23] =	ssyncset.done $0x0  }
0xa6: {  	s25 =	simm.s32 $0x1B8E;
	s24 =	sld [smem:$0x3FFE];
	[sflag:s23] =	ssyncadd.s32 $0xFFFFFFFF  }
0xa7: {  	s26 =	simm.s32 $execute0_lowered;
	[smem:$0x3FD2] =	sst s25  }
0xa8: {  	s7 =	sshll.u32 s26, $0x1;
	_ =	strace $0x80000046;
	[dreg:$0x1] =	wrdreg $0xFFFFFFFF  }
0xa9: {  	s28 =	simm.s32 $_size_execute0_lowered;
	s5 =	sadd.s32 s5, s7;
	[dreg:$0x0] =	wrdreg $0x0  }
0xaa: {  	s7 =	sshll.u32 s28, $0x1;
	[dreg:$0x2] =	wrdreg s5  }
0xab: {  	[dreg:$0x3] =	wrdreg s7  }
0xac: {  	[dreg:$0x4] =	wrdreg $0xC0  }
0xad: {  	_ =	task [dreg:s9], $0x5FFFF  }
0xae: {  	[dreg:$0x1] =	wrdreg $0xFFFFFFFF  }
0xaf: {  	[dreg:$0x0] =	wrdreg $0x60  }
0xb0: {  	[dreg:$0x2] =	wrdreg s2  }
0xb1: {  	[dreg:$0x3] =	wrdreg s24  }
0xb2: {  	[dreg:$0x4] =	wrdreg s18  }
0xb3: {  	[dreg:$0x5] =	wrdreg s4  }
0xb4: {  	[dreg:$0x6] =	wrdreg $0x9  }
0xb5: {  	_ =	task.clear_ibuf [dreg:s9], $0x7FFFF;
	_ =	strace $0x90000046  }
0xb6: {  	s29 =	simm.s32 $0x9;
	_ =	strace $0x80000048  }
0xb7: {  	_ =	swait.ge [sflag:s29], $0x1  }
0xb8: {  	[sflag:s29] =	ssyncadd.s32 $0xFFFFFFFF  }
0xb9: {  	_ =	strace $0x90000048  }
0xba: {  	_ =	sfence  }
0xbb: {  	s30 =	sld [smem:$0x0];
	_ =	sdelay $0x2  }
0xbc: {  	s31 =	sshll.u32 s1, $0xD;
	s1 =	sshrl.u32 s1, $0x2  }
0xbd: {  	s3 =	sand.u32 $0x4000, s31;
	s1 =	sadd.s32 s1, s30  }
0xbe: {  	s0 =	sor.u32 s3, s0;
	s1 =	sshll.u32 s1, $0x11  }
0xbf: {  	s0 =	sor.u32 s1, s0  }
0xc0: {  	s0 =	sadd.s32 $0x8F2B, s0  }
0xc1: {  	[sflag:s0] =	ssyncadd.remote.s32 $0x1  }
0xc2: {  	_ =	sfence.sel $0xFFFF  }
0xc3: {  	[dreg:$0x0] =	wrdreg $0xFFFFFFFF;
	(pc) =	sbr.abs _section_cstart, $3  }
0xc4: {  	[dreg:$0x1] =	wrdreg $0xFFFFFFFF  }
0xc5: {  	_ =	task.clear_ibuf [dreg:s9], $0x2FFFF;
	_ =	strace $0x9FFFFFFF  }
0xc6: {  	(tm) =	ssettm $0x7FFFFFFF  }
0xc7: {  	_ =	shalt  }
tec
execute0_lowered:
.L_overlay_start_1:
0x0: {  	(tag) =	ssettag $0x1  }
0x1: {  	s2 =	rddreg [dreg:$0x0]  }
0x2: {  	s0 =	rddreg [dreg:$0x1]  }
0x3: {  	s3 =	rddreg [dreg:$0x3];
	s4 =	srdreg.scid;
	s1 =	simm.s32 $0x0  }
0x4: {  	s5 =	stileid.u32;
	s28 =	simm.s32 $0xD;
	s29 =	simm.s32 $0x8  }
0x5: {  	s31 =	simm.s32 $0x11;
	s4 =	sand.u32 $0x1, s4;
	[smem:$0x7FF] =	sst s1  }
0x6: {  	s5 =	sshll.u32 s5, $0xA;
	s7 =	sadd.s32 $0x3600, s0;
	s6 =	sshll.u32 s4, $0x9  }
0x7: {  	s30 =	sadd.s32 $0x310200, s0;
	s4 =	ssub.s32 $0x2, s4;
	s5 =	sor.u32 s6, s5  }
0x8: {  	s6 =	sadd.s32 $0x2E00, s0;
	s8 =	sshrl.u32 s4, $0x1;
	s0 =	simm.s32 $0x40  }
0x9: {  	s9 =	sshrl.u32 s5, $0x3;
	s4 =	ssub.s32 s4, s8;
	s14 =	sshll.u32 s5, $0x4  }
0xa: {  	s17 =	sor.u32 $0x40, s5;
	s20 =	sor.u32 $0x80, s5;
	s22 =	sor.u32 $0xC0, s5  }
0xb: {  	s11 =	sor.u32 $0x100, s5;
	s25 =	sor.u32 $0x140, s5;
	s26 =	sor.u32 $0x180, s5  }
0xc: {  	s5 =	sor.u32 $0x1C0, s5;
	s2 =	sadd.s32 s2, s9;
	s15 =	sadd.s32 s3, s14  }
0xd: {  	s16 =	sadd.s32 s6, s9;
	s18 =	sshll.u32 s17, $0x4;
	s8 =	sshrl.u32 s17, $0x3  }
0xe: {  	s21 =	sshll.u32 s20, $0x4;
	s10 =	sshrl.u32 s22, $0x3;
	[dreg:$0x5] =	wrdreg s2  }
0xf: {  	s24 =	sshrl.u32 s11, $0x3;
	s12 =	sshrl.u32 s25, $0x3;
	[dreg:$0x6] =	wrdreg s15  }
0x10: {  	s13 =	sshrl.u32 s26, $0x3;
	[dreg:$0x7] =	wrdreg s16;
	s2 =	sadd.s32 s7, s14  }
0x11: {  	s17 =	sshll.u32 s22, $0x4;
	s19 =	sadd.s32 s3, s18;
	[dreg:$0x8] =	wrdreg s2  }
0x12: {  	s8 =	sadd.s32 s6, s8;
	s23 =	sadd.s32 s6, s10;
	[dreg:$0x9] =	wrdreg s19  }
0x13: {  	s12 =	sadd.s32 s6, s12;
	s14 =	sadd.s32 s6, s13;
	[dreg:$0xa] =	wrdreg s8  }
0x14: {  	s15 =	sshrl.u32 s5, $0x3;
	s16 =	sadd.s32 s3, s21;
	[dreg:$0xd] =	wrdreg s23  }
0x15: {  	s9 =	sadd.s32 s3, s17;
	s10 =	simm.s32 $0x9;
	[dreg:$0xf] =	wrdreg s12  }
0x16: {  	s13 =	simm.s32 $0x3;
	s2 =	sadd.s32 s7, s18;
	[dreg:$0x10] =	wrdreg s14  }
0x17: {  	s8 =	sshrl.u32 s20, $0x3;
	[dreg:$0x12] =	wrdreg s16;
	s18 =	sshll.u32 s11, $0x4  }
0x18: {  	[dreg:$0x14] =	wrdreg s9;
	s19 =	sshll.u32 s25, $0x4;
	s25 =	sshll.u32 s5, $0x4  }
0x19: {  	s5 =	simm.s32 $0x6200;
	s9 =	simm.s32 $0x8200;
	s14 =	simm.s32 $0xA200  }
0x1a: {  	s16 =	simm.s32 $0xA;
	[dreg:$0xb] =	wrdreg s2;
	s8 =	sadd.s32 s6, s8  }
0x1b: {  	s12 =	simm.s32 $0x0;
	s2 =	sadd.s32 s7, s21;
	[dreg:$0xc] =	wrdreg s8  }
0x1c: {  	s20 =	sadd.s32 s3, s18;
	s21 =	sshll.u32 s26, $0x4;
	[dreg:$0x13] =	wrdreg s2  }
0x1d: {  	s22 =	sadd.s32 s3, s19;
	s26 =	smax.u32 s4, $0x1;
	[dreg:$0x16] =	wrdreg s20  }
0x1e: {  	s4 =	simm.s32 $0x1;
	s8 =	sadd.s32 s6, s24;
	[dreg:$0x18] =	wrdreg s22  }
0x1f: {  	s6 =	sadd.s32 s6, s15;
	s2 =	sadd.s32 s7, s18;
	s24 =	rddreg [dreg:$0x2]  }
0x20: {  	s23 =	sadd.s32 s3, s21;
	s3 =	sadd.s32 s3, s25;
	[dreg:$0xe] =	wrdreg s8  }
0x21: {  	s15 =	simm.s32 $0x6;
	s18 =	simm.s32 $0x4;
	[dreg:$0x11] =	wrdreg s6  }
0x22: {  	s20 =	simm.s32 $0xC;
	s22 =	simm.s32 $0x7;
	[dreg:$0x17] =	wrdreg s2  }
0x23: {  	s6 =	sadd.s32 s7, s17;
	[dreg:$0x1a] =	wrdreg s23;
	s2 =	sadd.s32 s7, s21  }
0x24: {  	v0 =	vlaneseq.u32;
	[dreg:$0x1c] =	wrdreg s3;
	s8 =	simm.s32 $0x2;
	s23 =	simm.s32 $0xB  }
0x25: {  	v0 =	vmul.u32 $0x80, v0;
	s21 =	simm.s32 $0xE;
	[dreg:$0x15] =	wrdreg s6;
	s6 =	sadd.s32 s7, s19  }
0x26: {  	[dreg:$0x1b] =	wrdreg s2;
	s2 =	sadd.s32 s7, s25;
	s7 =	simm.s32 $0xE200  }
0x27: {  	v8 =	vimm.f32 $0.0e+00;
	v1 =	vor.u32 $0x40, v0;
	s19 =	simm.s32 $0xF;
	s25 =	simm.s32 $0x5;
	[dreg:$0x19] =	wrdreg s6  }
0x28: {  	v2 =	vor.u32 $0x800, v0;
	v3 =	vor.u32 $0x840, v0;
	v4 =	vor.u32 $0x1000, v0;
	[dreg:$0x1d] =	wrdreg s2;
	s2 =	simm.s32 $0x200;
	s6 =	simm.s32 $0x2200  }
0x29: {  	v5 =	vor.u32 $0x1040, v0;
	v6 =	vor.u32 $0x1800, v0;
	v7 =	vor.u32 $0x1840, v0;
	_ =	strace $0x80000047;
	[dreg:$0x1e] =	wrdreg s26;
	s26 =	simm.s32 $0x10  }
.LBB2_1:
0x2a: {  	s3 =	rddreg [dreg:$0x5];
	s17 =	simm.s32 $0x12  }
0x2b: {  	[tilespmem:s1], [sflag:$0x12] =	stream.linear.gather [hbm4b:s3+s1], $0x200, $0x38;
	[tilespmem:$0x12380] =	vst v63  }
0x2c: {  	_ =	swait.ge [sflag:s17], $0x200  }
0x2d: {  	[sflag:s17] =	ssyncset.done $0x0  }
0x2e: {  	[sflag:s17] =	ssyncadd.s32 $0xFFFFFE00  }
0x2f: {  	[tilespmem:s2], [sflag:$0x1] =	stream.indirect.gather [hbm4b:s30+s0], $0x80, s1, s0, $0xb8;
	[tilespmem:$0x12380] =	vst v63  }
0x30: {  	s11 =	simm.s32 $0xC200  }
0x31: {  	v10 =	vor.u32 s1, v1;
	[tilespmem:s11], [sflag:$0x3] =	stream.indirect.gather [hbm4b:s24+s0], $0x80, s1, s0, $0xb8;
	[tilespmem:$0x12380] =	vst v63  }
0x32: {  	v11 =	vor.u32 s1, v0;
	_ =	swait.ge [sflag:s4], $0x2000  }
0x33: {  	[sflag:s4] =	ssyncset.done $0x0  }
0x34: {  	[sflag:s4] =	ssyncadd.s32 $0xFFFFE000  }
0x35: {  	v9 =	vld [tilespmem:$0x0]  }
0x36: {  	v10 =	vld.idx.msk [tilespmem:v10+s2+$0x0], $0xffff  }
0x37: {  	v11 =	vld.idx.msk [tilespmem:v11+s2+$0x0], $0xffff  }
0x38: {  	s17 =	simm.s32 $0x1  }
0x39: {  	v12 =	vor.u32 s17, v1  }
0x3a: {  	v13 =	vor.u32 s17, v0  }
0x3b: {  	vm0 =	veq.s32 v10, $0x0  }
0x3c: {  	s17 =	simm.s32 $0x4200;
	v11 =	vsel vm0, v9, v11  }
0x3d: {  	[tilespmem:s17+$0x0] =	vst v11  }
0x3e: {  	v11 =	vld.idx.msk [tilespmem:v12+s2+$0x0], $0xffff  }
0x3f: {  	v13 =	vld.idx.msk [tilespmem:v13+s2+$0x0], $0xffff  }
0x40: {  	v14 =	vimm.s32 $0x0;
	s11 =	simm.s32 $0x2  }
0x41: {  	s3 =	simm.s32 $0x3;
	v10 =	vadd.s32 v14, v10;
	v12 =	vor.u32 s11, v1  }
.LBB2_2:
0x42: {  	p0 =	sne.s32 s3, $0x3F;
	v14 =	vor.u32 s11, v0;
	s11 =	smov.u32 s3  }
0x43: {  	vm0 =	veq.s32 v11, $0x0;
	v10 =	vadd.s32 v10, v11  }
0x44: {  	s17 =	sadd.s32 $0x40, s17;
	v11 =	vsel vm0, v9, v13  }
0x45: {  	[tilespmem:s17+$0x0] =	vst v11  }
.Ltmp0:
0x46: {  	v11 =	vld.idx.msk [tilespmem:v12+s2+$0x0], $0xffff;
	(pc) =	sbr.rel @p0 .LBB2_2-.Ltmp0, $2  }
0x47: {  	v13 =	vld.idx.msk [tilespmem:v14+s2+$0x0], $0xffff;
	_ =	sdelay $0x2  }
0x48: {  	s3 =	sadd.s32 $0x1, s3;
	v12 =	vor.u32 s11, v1  }
0x49: {  	v14 =	vor.u32 s11, v0  }
0x4a: {  	vm0 =	veq.s32 v11, $0x0  }
0x4b: {  	s3 =	sadd.s32 $0x40, s17;
	v13 =	vsel vm0, v9, v13  }
0x4c: {  	[tilespmem:s3+$0x0] =	vst v13  }
0x4d: {  	v12 =	vld.idx.msk [tilespmem:v12+s2+$0x0], $0xffff  }
0x4e: {  	v13 =	vld.idx.msk [tilespmem:v14+s2+$0x0], $0xffff;
	_ =	sdelay $0x1  }
0x4f: {  	s17 =	simm.s32 $0x0  }
0x50: {  	v14 =	vor.u32 s17, v3  }
0x51: {  	v15 =	vor.u32 s17, v2;
	vm14 =	veq.s32 v12, $0x0  }
0x52: {  	v10 =	vadd.s32 v10, v11;
	s3 =	sadd.s32 $0x40, s3;
	v9 =	vsel vm14, v9, v13  }
0x53: {  	v10 =	vadd.s32 v10, v12;
	[tilespmem:s3+$0x0] =	vst v9  }
0x54: {  	[tilespmem:$0x12200] =	vst v10;
	v9 =	vld [tilespmem:$0x10]  }
0x55: {  	v10 =	vld.idx.msk [tilespmem:v14+s2+$0x0], $0xffff  }
0x56: {  	v11 =	vld.idx.msk [tilespmem:v15+s2+$0x0], $0xffff  }
0x57: {  	s17 =	simm.s32 $0x1  }
0x58: {  	v12 =	vor.u32 s17, v3  }
0x59: {  	v13 =	vor.u32 s17, v2  }
0x5a: {  	vm15 =	veq.s32 v10, $0x0  }
0x5b: {  	s17 =	simm.s32 $0x4210;
	v11 =	vsel vm15, v9, v11  }
0x5c: {  	[tilespmem:s17+$0x0] =	vst v11  }
0x5d: {  	v11 =	vld.idx.msk [tilespmem:v12+s2+$0x0], $0xffff  }
0x5e: {  	v13 =	vld.idx.msk [tilespmem:v13+s2+$0x0], $0xffff  }
0x5f: {  	s11 =	simm.s32 $0x2;
	v14 =	vimm.s32 $0x0  }
0x60: {  	s3 =	simm.s32 $0x3;
	v10 =	vadd.s32 v14, v10;
	v12 =	vor.u32 s11, v3  }
.LBB2_4:
0x61: {  	p0 =	sne.s32 s3, $0x3F;
	v14 =	vor.u32 s11, v2;
	s11 =	smov.u32 s3  }
0x62: {  	vm0 =	veq.s32 v11, $0x0;
	v10 =	vadd.s32 v10, v11  }
0x63: {  	s17 =	sadd.s32 $0x40, s17;
	v11 =	vsel vm0, v9, v13  }
0x64: {  	[tilespmem:s17+$0x0] =	vst v11  }
.Ltmp1:
0x65: {  	v11 =	vld.idx.msk [tilespmem:v12+s2+$0x0], $0xffff;
	(pc) =	sbr.rel @p0 .LBB2_4-.Ltmp1, $2  }
0x66: {  	v13 =	vld.idx.msk [tilespmem:v14+s2+$0x0], $0xffff;
	_ =	sdelay $0x2  }
0x67: {  	s3 =	sadd.s32 $0x1, s3;
	v12 =	vor.u32 s11, v3  }
0x68: {  	v14 =	vor.u32 s11, v2  }
0x69: {  	vm0 =	veq.s32 v11, $0x0  }
0x6a: {  	s3 =	sadd.s32 $0x40, s17;
	v13 =	vsel vm0, v9, v13  }
0x6b: {  	[tilespmem:s3+$0x0] =	vst v13  }
0x6c: {  	v12 =	vld.idx.msk [tilespmem:v12+s2+$0x0], $0xffff  }
0x6d: {  	v13 =	vld.idx.msk [tilespmem:v14+s2+$0x0], $0xffff;
	_ =	sdelay $0x1  }
0x6e: {  	s17 =	simm.s32 $0x0  }
0x6f: {  	v14 =	vor.u32 s17, v5  }
0x70: {  	v15 =	vor.u32 s17, v4;
	vm14 =	veq.s32 v12, $0x0  }
0x71: {  	v10 =	vadd.s32 v10, v11;
	s3 =	sadd.s32 $0x40, s3;
	v9 =	vsel vm14, v9, v13  }
0x72: {  	v10 =	vadd.s32 v10, v12;
	[tilespmem:s3+$0x0] =	vst v9  }
0x73: {  	[tilespmem:$0x12210] =	vst v10;
	v9 =	vld [tilespmem:$0x20]  }
0x74: {  	v10 =	vld.idx.msk [tilespmem:v14+s2+$0x0], $0xffff  }
0x75: {  	v11 =	vld.idx.msk [tilespmem:v15+s2+$0x0], $0xffff  }
0x76: {  	s17 =	simm.s32 $0x1  }
0x77: {  	v12 =	vor.u32 s17, v5  }
0x78: {  	v13 =	vor.u32 s17, v4  }
0x79: {  	vm15 =	veq.s32 v10, $0x0  }
0x7a: {  	s17 =	simm.s32 $0x4220;
	v11 =	vsel vm15, v9, v11  }
0x7b: {  	[tilespmem:s17+$0x0] =	vst v11  }
0x7c: {  	v11 =	vld.idx.msk [tilespmem:v12+s2+$0x0], $0xffff  }
0x7d: {  	v13 =	vld.idx.msk [tilespmem:v13+s2+$0x0], $0xffff  }
0x7e: {  	s11 =	simm.s32 $0x2;
	v14 =	vimm.s32 $0x0  }
0x7f: {  	s3 =	simm.s32 $0x3;
	v10 =	vadd.s32 v14, v10;
	v12 =	vor.u32 s11, v5  }
.LBB2_6:
0x80: {  	p0 =	sne.s32 s3, $0x3F;
	v14 =	vor.u32 s11, v4;
	s11 =	smov.u32 s3  }
0x81: {  	vm0 =	veq.s32 v11, $0x0;
	v10 =	vadd.s32 v10, v11  }
0x82: {  	s17 =	sadd.s32 $0x40, s17;
	v11 =	vsel vm0, v9, v13  }
0x83: {  	[tilespmem:s17+$0x0] =	vst v11  }
.Ltmp2:
0x84: {  	v11 =	vld.idx.msk [tilespmem:v12+s2+$0x0], $0xffff;
	(pc) =	sbr.rel @p0 .LBB2_6-.Ltmp2, $2  }
0x85: {  	v13 =	vld.idx.msk [tilespmem:v14+s2+$0x0], $0xffff;
	_ =	sdelay $0x2  }
0x86: {  	s3 =	sadd.s32 $0x1, s3;
	v12 =	vor.u32 s11, v5  }
0x87: {  	v14 =	vor.u32 s11, v4  }
0x88: {  	vm0 =	veq.s32 v11, $0x0  }
0x89: {  	s3 =	sadd.s32 $0x40, s17;
	v13 =	vsel vm0, v9, v13  }
0x8a: {  	[tilespmem:s3+$0x0] =	vst v13  }
0x8b: {  	v12 =	vld.idx.msk [tilespmem:v12+s2+$0x0], $0xffff  }
0x8c: {  	v13 =	vld.idx.msk [tilespmem:v14+s2+$0x0], $0xffff;
	_ =	sdelay $0x1  }
0x8d: {  	s17 =	simm.s32 $0x0  }
0x8e: {  	v14 =	vor.u32 s17, v7  }
0x8f: {  	v15 =	vor.u32 s17, v6;
	vm14 =	veq.s32 v12, $0x0  }
0x90: {  	v10 =	vadd.s32 v10, v11;
	s3 =	sadd.s32 $0x40, s3;
	v9 =	vsel vm14, v9, v13  }
0x91: {  	v10 =	vadd.s32 v10, v12;
	[tilespmem:s3+$0x0] =	vst v9  }
0x92: {  	[tilespmem:$0x12220] =	vst v10;
	v9 =	vld [tilespmem:$0x30]  }
0x93: {  	v10 =	vld.idx.msk [tilespmem:v14+s2+$0x0], $0xffff  }
0x94: {  	v11 =	vld.idx.msk [tilespmem:v15+s2+$0x0], $0xffff  }
0x95: {  	s17 =	simm.s32 $0x1  }
0x96: {  	v12 =	vor.u32 s17, v7  }
0x97: {  	v13 =	vor.u32 s17, v6  }
0x98: {  	vm15 =	veq.s32 v10, $0x0  }
0x99: {  	s17 =	simm.s32 $0x4230;
	v11 =	vsel vm15, v9, v11  }
0x9a: {  	[tilespmem:s17+$0x0] =	vst v11  }
0x9b: {  	v11 =	vld.idx.msk [tilespmem:v12+s2+$0x0], $0xffff  }
0x9c: {  	v13 =	vld.idx.msk [tilespmem:v13+s2+$0x0], $0xffff  }
0x9d: {  	s11 =	simm.s32 $0x2;
	v14 =	vimm.s32 $0x0  }
0x9e: {  	s3 =	simm.s32 $0x3;
	v10 =	vadd.s32 v14, v10;
	v12 =	vor.u32 s11, v7  }
.LBB2_8:
0x9f: {  	p0 =	sne.s32 s3, $0x3F;
	v14 =	vor.u32 s11, v6;
	s11 =	smov.u32 s3  }
0xa0: {  	vm0 =	veq.s32 v11, $0x0;
	v10 =	vadd.s32 v10, v11  }
0xa1: {  	s17 =	sadd.s32 $0x40, s17;
	v11 =	vsel vm0, v9, v13  }
0xa2: {  	[tilespmem:s17+$0x0] =	vst v11  }
.Ltmp3:
0xa3: {  	v11 =	vld.idx.msk [tilespmem:v12+s2+$0x0], $0xffff;
	(pc) =	sbr.rel @p0 .LBB2_8-.Ltmp3, $2  }
0xa4: {  	v13 =	vld.idx.msk [tilespmem:v14+s2+$0x0], $0xffff;
	_ =	sdelay $0x2  }
0xa5: {  	s3 =	sadd.s32 $0x1, s3;
	v12 =	vor.u32 s11, v7  }
0xa6: {  	v14 =	vor.u32 s11, v6  }
0xa7: {  	vm0 =	veq.s32 v11, $0x0  }
0xa8: {  	s3 =	sadd.s32 $0x40, s17;
	v13 =	vsel vm0, v9, v13  }
0xa9: {  	[tilespmem:s3+$0x0] =	vst v13  }
0xaa: {  	v12 =	vld.idx.msk [tilespmem:v12+s2+$0x0], $0xffff  }
0xab: {  	v13 =	vld.idx.msk [tilespmem:v14+s2+$0x0], $0xffff;
	_ =	sdelay $0x3  }
0xac: {  	vm15 =	veq.s32 v12, $0x0  }
0xad: {  	v10 =	vadd.s32 v10, v11;
	s3 =	sadd.s32 $0x40, s3;
	v9 =	vsel vm15, v9, v13  }
0xae: {  	v10 =	vadd.s32 v10, v12;
	[tilespmem:s3+$0x0] =	vst v9  }
0xaf: {  	s17 =	simm.s32 $0x0;
	s3 =	simm.s32 $0x200;
	[tilespmem:$0x12230] =	vst v10  }
.LBB2_10:
0xb0: {  	p0 =	sne.s32 s3, $0x7E00;
	[tilespmem:s17+$0x6270] =	vst v8  }
0xb1: {  	[tilespmem:s17+$0x6200] =	vst v8  }
0xb2: {  	[tilespmem:s17+$0x6210] =	vst v8  }
.Ltmp4:
0xb3: {  	[tilespmem:s17+$0x6220] =	vst v8;
	(pc) =	sbr.rel @p0 .LBB2_10-.Ltmp4, $4  }
0xb4: {  	[tilespmem:s17+$0x6230] =	vst v8  }
0xb5: {  	[tilespmem:s17+$0x6240] =	vst v8  }
0xb6: {  	[tilespmem:s17+$0x6250] =	vst v8  }
0xb7: {  	[tilespmem:s17+$0x6260] =	vst v8;
	s17 =	sshra.s32 s3, $0x2;
	s3 =	sadd.s32 $0x200, s3  }
0xb8: {  	[tilespmem:s17+$0x6270] =	vst v8  }
0xb9: {  	[tilespmem:s17+$0x6200] =	vst v8  }
0xba: {  	[tilespmem:s17+$0x6210] =	vst v8  }
0xbb: {  	[tilespmem:s17+$0x6220] =	vst v8  }
0xbc: {  	[tilespmem:s17+$0x6230] =	vst v8  }
0xbd: {  	[tilespmem:s17+$0x6240] =	vst v8  }
0xbe: {  	[tilespmem:s17+$0x6250] =	vst v8  }
0xbf: {  	[tilespmem:s17+$0x6260] =	vst v8;
	s3 =	simm.s32 $0x100;
	s11 =	simm.s32 $0x4200  }
.LBB2_12:
0xc0: {  	[tilespmem:s5], [sflag:$0x9] =	stream.indirect.gather.add.f32 [hbm:s24], $0x80, s11, s0, $0xb8;
	[tilespmem:$0x12380] =	vst v63  }
0xc1: {  	s11 =	smov.u32 s3;
	p0 =	sne.s32 s3, $0x3F00  }
.Ltmp5:
0xc2: {  	s3 =	sadd.s32 $0x100, s3;
	(pc) =	sbr.rel @p0 .LBB2_12-.Ltmp5, $3  }
0xc3: {  	_ =	sdelay $0x1  }
0xc4: {  	s11 =	sshra.s32 s11, $0x2  }
0xc5: {  	s11 =	sadd.s32 $0x4200, s11  }
0xc6: {  	[tilespmem:s5], [sflag:$0x9] =	stream.indirect.gather.add.f32 [hbm:s24], $0x80, s11, s0, $0xb8;
	[tilespmem:$0x12380] =	vst v63  }
0xc7: {  	_ = 	snop  }
0xc8: {  	[tilespmem:s6], [sflag:$0x2] =	stream.indirect.gather [hbm4b:s30+s0], $0x80, s0, s0, $0xb8;
	[tilespmem:$0x12380] =	vst v63  }
0xc9: {  	s3 =	simm.s32 $0x0  }
0xca: {  	v10 =	vor.u32 s3, v1;
	[tilespmem:s7], [sflag:$0x4] =	stream.indirect.gather [hbm4b:s24+s0], $0x80, s0, s0, $0xb8;
	[tilespmem:$0x12380] =	vst v63  }
0xcb: {  	v11 =	vor.u32 s3, v0;
	_ =	swait.ge [sflag:s8], $0x2000  }
0xcc: {  	[sflag:s8] =	ssyncset.done $0x0  }
0xcd: {  	[sflag:s8] =	ssyncadd.s32 $0xFFFFE000  }
0xce: {  	v9 =	vld [tilespmem:$0x40]  }
0xcf: {  	v10 =	vld.idx.msk [tilespmem:v10+s6+$0x0], $0xffff  }
0xd0: {  	v11 =	vld.idx.msk [tilespmem:v11+s6+$0x0], $0xffff  }
0xd1: {  	s17 =	simm.s32 $0x1  }
0xd2: {  	v12 =	vor.u32 s17, v1  }
0xd3: {  	v13 =	vor.u32 s17, v0  }
0xd4: {  	vm0 =	veq.s32 v10, $0x0  }
0xd5: {  	s17 =	simm.s32 $0x5200;
	v11 =	vsel vm0, v9, v11  }
0xd6: {  	[tilespmem:s17+$0x0] =	vst v11  }
0xd7: {  	v11 =	vld.idx.msk [tilespmem:v12+s6+$0x0], $0xffff  }
0xd8: {  	v13 =	vld.idx.msk [tilespmem:v13+s6+$0x0], $0xffff  }
0xd9: {  	v14 =	vimm.s32 $0x0;
	s11 =	simm.s32 $0x2  }
0xda: {  	s3 =	simm.s32 $0x3;
	v10 =	vadd.s32 v14, v10;
	v12 =	vor.u32 s11, v1  }
.LBB2_14:
0xdb: {  	p0 =	sne.s32 s3, $0x3F;
	v14 =	vor.u32 s11, v0;
	s11 =	smov.u32 s3  }
0xdc: {  	vm0 =	veq.s32 v11, $0x0;
	v10 =	vadd.s32 v10, v11  }
0xdd: {  	s17 =	sadd.s32 $0x40, s17;
	v11 =	vsel vm0, v9, v13  }
0xde: {  	[tilespmem:s17+$0x0] =	vst v11  }
.Ltmp6:
0xdf: {  	v11 =	vld.idx.msk [tilespmem:v12+s6+$0x0], $0xffff;
	(pc) =	sbr.rel @p0 .LBB2_14-.Ltmp6, $2  }
0xe0: {  	v13 =	vld.idx.msk [tilespmem:v14+s6+$0x0], $0xffff;
	_ =	sdelay $0x2  }
0xe1: {  	s3 =	sadd.s32 $0x1, s3;
	v12 =	vor.u32 s11, v1  }
0xe2: {  	v14 =	vor.u32 s11, v0  }
0xe3: {  	vm0 =	veq.s32 v11, $0x0  }
0xe4: {  	s3 =	sadd.s32 $0x40, s17;
	v13 =	vsel vm0, v9, v13  }
0xe5: {  	[tilespmem:s3+$0x0] =	vst v13  }
0xe6: {  	v12 =	vld.idx.msk [tilespmem:v12+s6+$0x0], $0xffff  }
0xe7: {  	v13 =	vld.idx.msk [tilespmem:v14+s6+$0x0], $0xffff;
	_ =	sdelay $0x1  }
0xe8: {  	s17 =	simm.s32 $0x0  }
0xe9: {  	v14 =	vor.u32 s17, v3  }
0xea: {  	v15 =	vor.u32 s17, v2;
	vm14 =	veq.s32 v12, $0x0  }
0xeb: {  	v10 =	vadd.s32 v10, v11;
	s3 =	sadd.s32 $0x40, s3;
	v9 =	vsel vm14, v9, v13  }
0xec: {  	v10 =	vadd.s32 v10, v12;
	[tilespmem:s3+$0x0] =	vst v9  }
0xed: {  	[tilespmem:$0x12280] =	vst v10;
	v9 =	vld [tilespmem:$0x50]  }
0xee: {  	v10 =	vld.idx.msk [tilespmem:v14+s6+$0x0], $0xffff  }
0xef: {  	v11 =	vld.idx.msk [tilespmem:v15+s6+$0x0], $0xffff  }
0xf0: {  	s17 =	simm.s32 $0x1  }
0xf1: {  	v12 =	vor.u32 s17, v3  }
0xf2: {  	v13 =	vor.u32 s17, v2  }
0xf3: {  	vm15 =	veq.s32 v10, $0x0  }
0xf4: {  	s17 =	simm.s32 $0x5210;
	v11 =	vsel vm15, v9, v11  }
0xf5: {  	[tilespmem:s17+$0x0] =	vst v11  }
0xf6: {  	v11 =	vld.idx.msk [tilespmem:v12+s6+$0x0], $0xffff  }
0xf7: {  	v13 =	vld.idx.msk [tilespmem:v13+s6+$0x0], $0xffff  }
0xf8: {  	s11 =	simm.s32 $0x2;
	v14 =	vimm.s32 $0x0  }
0xf9: {  	s3 =	simm.s32 $0x3;
	v10 =	vadd.s32 v14, v10;
	v12 =	vor.u32 s11, v3  }
.LBB2_16:
0xfa: {  	p0 =	sne.s32 s3, $0x3F;
	v14 =	vor.u32 s11, v2;
	s11 =	smov.u32 s3  }
0xfb: {  	vm0 =	veq.s32 v11, $0x0;
	v10 =	vadd.s32 v10, v11  }
0xfc: {  	s17 =	sadd.s32 $0x40, s17;
	v11 =	vsel vm0, v9, v13  }
0xfd: {  	[tilespmem:s17+$0x0] =	vst v11  }
.Ltmp7:
0xfe: {  	v11 =	vld.idx.msk [tilespmem:v12+s6+$0x0], $0xffff;
	(pc) =	sbr.rel @p0 .LBB2_16-.Ltmp7, $2  }
0xff: {  	v13 =	vld.idx.msk [tilespmem:v14+s6+$0x0], $0xffff;
	_ =	sdelay $0x2  }
0x100: {  	s3 =	sadd.s32 $0x1, s3;
	v12 =	vor.u32 s11, v3  }
0x101: {  	v14 =	vor.u32 s11, v2  }
0x102: {  	vm0 =	veq.s32 v11, $0x0  }
0x103: {  	s3 =	sadd.s32 $0x40, s17;
	v13 =	vsel vm0, v9, v13  }
0x104: {  	[tilespmem:s3+$0x0] =	vst v13  }
0x105: {  	v12 =	vld.idx.msk [tilespmem:v12+s6+$0x0], $0xffff  }
0x106: {  	v13 =	vld.idx.msk [tilespmem:v14+s6+$0x0], $0xffff;
	_ =	sdelay $0x1  }
0x107: {  	s17 =	simm.s32 $0x0  }
0x108: {  	v14 =	vor.u32 s17, v5  }
0x109: {  	v15 =	vor.u32 s17, v4;
	vm14 =	veq.s32 v12, $0x0  }
0x10a: {  	v10 =	vadd.s32 v10, v11;
	s3 =	sadd.s32 $0x40, s3;
	v9 =	vsel vm14, v9, v13  }
0x10b: {  	v10 =	vadd.s32 v10, v12;
	[tilespmem:s3+$0x0] =	vst v9  }
0x10c: {  	[tilespmem:$0x12290] =	vst v10;
	v9 =	vld [tilespmem:$0x60]  }
0x10d: {  	v10 =	vld.idx.msk [tilespmem:v14+s6+$0x0], $0xffff  }
0x10e: {  	v11 =	vld.idx.msk [tilespmem:v15+s6+$0x0], $0xffff  }
0x10f: {  	s17 =	simm.s32 $0x1  }
0x110: {  	v12 =	vor.u32 s17, v5  }
0x111: {  	v13 =	vor.u32 s17, v4  }
0x112: {  	vm15 =	veq.s32 v10, $0x0  }
0x113: {  	s17 =	simm.s32 $0x5220;
	v11 =	vsel vm15, v9, v11  }
0x114: {  	[tilespmem:s17+$0x0] =	vst v11  }
0x115: {  	v11 =	vld.idx.msk [tilespmem:v12+s6+$0x0], $0xffff  }
0x116: {  	v13 =	vld.idx.msk [tilespmem:v13+s6+$0x0], $0xffff  }
0x117: {  	s11 =	simm.s32 $0x2;
	v14 =	vimm.s32 $0x0  }
0x118: {  	s3 =	simm.s32 $0x3;
	v10 =	vadd.s32 v14, v10;
	v12 =	vor.u32 s11, v5  }
.LBB2_18:
0x119: {  	p0 =	sne.s32 s3, $0x3F;
	v14 =	vor.u32 s11, v4;
	s11 =	smov.u32 s3  }
0x11a: {  	vm0 =	veq.s32 v11, $0x0;
	v10 =	vadd.s32 v10, v11  }
0x11b: {  	s17 =	sadd.s32 $0x40, s17;
	v11 =	vsel vm0, v9, v13  }
0x11c: {  	[tilespmem:s17+$0x0] =	vst v11  }
.Ltmp8:
0x11d: {  	v11 =	vld.idx.msk [tilespmem:v12+s6+$0x0], $0xffff;
	(pc) =	sbr.rel @p0 .LBB2_18-.Ltmp8, $2  }
0x11e: {  	v13 =	vld.idx.msk [tilespmem:v14+s6+$0x0], $0xffff;
	_ =	sdelay $0x2  }
0x11f: {  	s3 =	sadd.s32 $0x1, s3;
	v12 =	vor.u32 s11, v5  }
0x120: {  	v14 =	vor.u32 s11, v4  }
0x121: {  	vm0 =	veq.s32 v11, $0x0  }
0x122: {  	s3 =	sadd.s32 $0x40, s17;
	v13 =	vsel vm0, v9, v13  }
0x123: {  	[tilespmem:s3+$0x0] =	vst v13  }
0x124: {  	v12 =	vld.idx.msk [tilespmem:v12+s6+$0x0], $0xffff  }
0x125: {  	v13 =	vld.idx.msk [tilespmem:v14+s6+$0x0], $0xffff;
	_ =	sdelay $0x1  }
0x126: {  	s17 =	simm.s32 $0x0  }
0x127: {  	v14 =	vor.u32 s17, v7  }
0x128: {  	v15 =	vor.u32 s17, v6;
	vm14 =	veq.s32 v12, $0x0  }
0x129: {  	v10 =	vadd.s32 v10, v11;
	s3 =	sadd.s32 $0x40, s3;
	v9 =	vsel vm14, v9, v13  }
0x12a: {  	v10 =	vadd.s32 v10, v12;
	[tilespmem:s3+$0x0] =	vst v9  }
0x12b: {  	[tilespmem:$0x122A0] =	vst v10;
	v9 =	vld [tilespmem:$0x70]  }
0x12c: {  	v10 =	vld.idx.msk [tilespmem:v14+s6+$0x0], $0xffff  }
0x12d: {  	v11 =	vld.idx.msk [tilespmem:v15+s6+$0x0], $0xffff  }
0x12e: {  	s17 =	simm.s32 $0x1  }
0x12f: {  	v12 =	vor.u32 s17, v7  }
0x130: {  	v13 =	vor.u32 s17, v6  }
0x131: {  	vm15 =	veq.s32 v10, $0x0  }
0x132: {  	s17 =	simm.s32 $0x5230;
	v11 =	vsel vm15, v9, v11  }
0x133: {  	[tilespmem:s17+$0x0] =	vst v11  }
0x134: {  	v11 =	vld.idx.msk [tilespmem:v12+s6+$0x0], $0xffff  }
0x135: {  	v13 =	vld.idx.msk [tilespmem:v13+s6+$0x0], $0xffff  }
0x136: {  	s11 =	simm.s32 $0x2;
	v14 =	vimm.s32 $0x0  }
0x137: {  	s3 =	simm.s32 $0x3;
	v10 =	vadd.s32 v14, v10;
	v12 =	vor.u32 s11, v7  }
.LBB2_20:
0x138: {  	p0 =	sne.s32 s3, $0x3F;
	v14 =	vor.u32 s11, v6;
	s11 =	smov.u32 s3  }
0x139: {  	vm0 =	veq.s32 v11, $0x0;
	v10 =	vadd.s32 v10, v11  }
0x13a: {  	s17 =	sadd.s32 $0x40, s17;
	v11 =	vsel vm0, v9, v13  }
0x13b: {  	[tilespmem:s17+$0x0] =	vst v11  }
.Ltmp9:
0x13c: {  	v11 =	vld.idx.msk [tilespmem:v12+s6+$0x0], $0xffff;
	(pc) =	sbr.rel @p0 .LBB2_20-.Ltmp9, $2  }
0x13d: {  	v13 =	vld.idx.msk [tilespmem:v14+s6+$0x0], $0xffff;
	_ =	sdelay $0x2  }
0x13e: {  	s3 =	sadd.s32 $0x1, s3;
	v12 =	vor.u32 s11, v7  }
0x13f: {  	v14 =	vor.u32 s11, v6  }
0x140: {  	vm0 =	veq.s32 v11, $0x0  }
0x141: {  	s3 =	sadd.s32 $0x40, s17;
	v13 =	vsel vm0, v9, v13  }
0x142: {  	[tilespmem:s3+$0x0] =	vst v13  }
0x143: {  	v12 =	vld.idx.msk [tilespmem:v12+s6+$0x0], $0xffff  }
0x144: {  	v13 =	vld.idx.msk [tilespmem:v14+s6+$0x0], $0xffff;
	_ =	sdelay $0x3  }
0x145: {  	vm15 =	veq.s32 v12, $0x0  }
0x146: {  	v10 =	vadd.s32 v10, v11;
	s3 =	sadd.s32 $0x40, s3;
	v9 =	vsel vm15, v9, v13  }
0x147: {  	v10 =	vadd.s32 v10, v12;
	[tilespmem:s3+$0x0] =	vst v9  }
0x148: {  	s17 =	simm.s32 $0x0;
	s3 =	simm.s32 $0x200;
	[tilespmem:$0x122B0] =	vst v10  }
.LBB2_22:
0x149: {  	p0 =	sne.s32 s3, $0x7E00;
	[tilespmem:s17+$0x8270] =	vst v8  }
0x14a: {  	[tilespmem:s17+$0x8200] =	vst v8  }
0x14b: {  	[tilespmem:s17+$0x8210] =	vst v8  }
.Ltmp10:
0x14c: {  	[tilespmem:s17+$0x8220] =	vst v8;
	(pc) =	sbr.rel @p0 .LBB2_22-.Ltmp10, $4  }
0x14d: {  	[tilespmem:s17+$0x8230] =	vst v8  }
0x14e: {  	[tilespmem:s17+$0x8240] =	vst v8  }
0x14f: {  	[tilespmem:s17+$0x8250] =	vst v8  }
0x150: {  	[tilespmem:s17+$0x8260] =	vst v8;
	s17 =	sshra.s32 s3, $0x2;
	s3 =	sadd.s32 $0x200, s3  }
0x151: {  	[tilespmem:s17+$0x8270] =	vst v8  }
0x152: {  	[tilespmem:s17+$0x8200] =	vst v8  }
0x153: {  	[tilespmem:s17+$0x8210] =	vst v8  }
0x154: {  	[tilespmem:s17+$0x8220] =	vst v8  }
0x155: {  	[tilespmem:s17+$0x8230] =	vst v8  }
0x156: {  	[tilespmem:s17+$0x8240] =	vst v8  }
0x157: {  	[tilespmem:s17+$0x8250] =	vst v8  }
0x158: {  	[tilespmem:s17+$0x8260] =	vst v8;
	s3 =	simm.s32 $0x100;
	s11 =	simm.s32 $0x5200  }
.LBB2_24:
0x159: {  	[tilespmem:s9], [sflag:$0xA] =	stream.indirect.gather.add.f32 [hbm:s24], $0x80, s11, s0, $0xb8;
	[tilespmem:$0x12380] =	vst v63  }
0x15a: {  	s11 =	smov.u32 s3;
	p0 =	sne.s32 s3, $0x3F00  }
.Ltmp11:
0x15b: {  	s3 =	sadd.s32 $0x100, s3;
	(pc) =	sbr.rel @p0 .LBB2_24-.Ltmp11, $3  }
0x15c: {  	_ =	sdelay $0x1  }
0x15d: {  	s11 =	sshra.s32 s11, $0x2  }
0x15e: {  	s11 =	sadd.s32 $0x5200, s11  }
0x15f: {  	[tilespmem:s9], [sflag:$0xA] =	stream.indirect.gather.add.f32 [hbm:s24], $0x80, s11, s0, $0xb8;
	[tilespmem:$0x12380] =	vst v63  }
0x160: {  	s3 =	simm.s32 $0x40;
	s11 =	simm.s32 $0x80  }
0x161: {  	[tilespmem:s2], [sflag:$0x1] =	stream.indirect.gather [hbm4b:s30+s3], $0x80, s11, s3, $0xb8;
	[tilespmem:$0x12380] =	vst v63  }
0x162: {  	s17 =	simm.s32 $0x10200  }
0x163: {  	[tilespmem:s17], [sflag:$0x5] =	stream.indirect.gather [hbm4b:s24+s3], $0x80, s11, s3, $0xb8;
	[tilespmem:$0x12380] =	vst v63  }
0x164: {  	_ =	swait.ge [sflag:s10], $0x2000  }
0x165: {  	s3 =	simm.s32 $0x3F;
	[sflag:s10] =	ssyncset.done $0x0  }
.LBB2_26:
0x166: {  	p0 =	sne.s32 s3, $0x1;
	s3 =	sadd.s32 $0xFFFFFFFF, s3;
	[sflag:s10] =	ssyncadd.s32 $0xFFFFE000  }
.Ltmp12:
0x167: {  	(pc) =	sbr.rel @p0 .LBB2_26-.Ltmp12, $3  }
0x168: {  	_ =	sdelay $0x1  }
0x169: {  	_ =	swait.ge [sflag:s10], $0x2000  }
0x16a: {  	[sflag:s10] =	ssyncset.done $0x0  }
0x16b: {  	[sflag:s10] =	ssyncadd.s32 $0xFFFFE000;
	s3 =	simm.s32 $0x0;
	s11 =	rddreg [dreg:$0x6]  }
0x16c: {  	[hbm4b:s11+s3] =	stream.linear.scatter [tilespmem:s5], [sflag:$0xC], $0x2000, $0x38;
	[tilespmem:$0x12380] =	vst v63  }
0x16d: {  	s17 =	simm.s32 $0x12200;
	s11 =	rddreg [dreg:$0x7]  }
0x16e: {  	[hbm4b:s11+s3] =	stream.linear.scatter [tilespmem:s17], [sflag:$0xF], $0x40, $0x38;
	[tilespmem:$0x12380] =	vst v63  }
0x16f: {  	_ =	swait.ge [sflag:s13], $0x2000  }
0x170: {  	[sflag:s13] =	ssyncset.done $0x0  }
0x171: {  	s17 =	simm.s32 $0xC200;
	s11 =	rddreg [dreg:$0x8];
	[sflag:s13] =	ssyncadd.s32 $0xFFFFE000  }
0x172: {  	v10 =	vor.u32 s3, v1;
	[hbm4b:s11+s3] =	stream.linear.scatter [tilespmem:s17], [sflag:$0x6], $0x2000, $0x38;
	[tilespmem:$0x12380] =	vst v63  }
0x173: {  	v11 =	vor.u32 s3, v0;
	_ =	swait.ge [sflag:s4], $0x2000  }
0x174: {  	[sflag:s4] =	ssyncset.done $0x0  }
0x175: {  	[sflag:s4] =	ssyncadd.s32 $0xFFFFE000  }
0x176: {  	v9 =	vld [tilespmem:$0x80]  }
0x177: {  	v10 =	vld.idx.msk [tilespmem:v10+s2+$0x0], $0xffff  }
0x178: {  	v11 =	vld.idx.msk [tilespmem:v11+s2+$0x0], $0xffff  }
0x179: {  	s17 =	simm.s32 $0x1  }
0x17a: {  	v12 =	vor.u32 s17, v1  }
0x17b: {  	v13 =	vor.u32 s17, v0  }
0x17c: {  	vm0 =	veq.s32 v10, $0x0  }
0x17d: {  	s17 =	simm.s32 $0x4200;
	v11 =	vsel vm0, v9, v11  }
0x17e: {  	[tilespmem:s17+$0x0] =	vst v11  }
0x17f: {  	v11 =	vld.idx.msk [tilespmem:v12+s2+$0x0], $0xffff  }
0x180: {  	v13 =	vld.idx.msk [tilespmem:v13+s2+$0x0], $0xffff  }
0x181: {  	v14 =	vimm.s32 $0x0;
	s11 =	simm.s32 $0x2  }
0x182: {  	s3 =	simm.s32 $0x3;
	v10 =	vadd.s32 v14, v10;
	v12 =	vor.u32 s11, v1  }
.LBB2_28:
0x183: {  	p0 =	sne.s32 s3, $0x3F;
	v14 =	vor.u32 s11, v0;
	s11 =	smov.u32 s3  }
0x184: {  	vm0 =	veq.s32 v11, $0x0;
	v10 =	vadd.s32 v10, v11  }
0x185: {  	s17 =	sadd.s32 $0x40, s17;
	v11 =	vsel vm0, v9, v13  }
0x186: {  	[tilespmem:s17+$0x0] =	vst v11  }
.Ltmp13:
0x187: {  	v11 =	vld.idx.msk [tilespmem:v12+s2+$0x0], $0xffff;
	(pc) =	sbr.rel @p0 .LBB2_28-.Ltmp13, $2  }
0x188: {  	v13 =	vld.idx.msk [tilespmem:v14+s2+$0x0], $0xffff;
	_ =	sdelay $0x2  }
0x189: {  	s3 =	sadd.s32 $0x1, s3;
	v12 =	vor.u32 s11, v1  }
0x18a: {  	v14 =	vor.u32 s11, v0  }
0x18b: {  	vm0 =	veq.s32 v11, $0x0  }
0x18c: {  	s3 =	sadd.s32 $0x40, s17;
	v13 =	vsel vm0, v9, v13  }
0x18d: {  	[tilespmem:s3+$0x0] =	vst v13  }
0x18e: {  	v12 =	vld.idx.msk [tilespmem:v12+s2+$0x0], $0xffff  }
0x18f: {  	v13 =	vld.idx.msk [tilespmem:v14+s2+$0x0], $0xffff;
	_ =	sdelay $0x1  }
0x190: {  	s17 =	simm.s32 $0x0  }
0x191: {  	v14 =	vor.u32 s17, v3  }
0x192: {  	v15 =	vor.u32 s17, v2;
	vm14 =	veq.s32 v12, $0x0  }
0x193: {  	v10 =	vadd.s32 v10, v11;
	s3 =	sadd.s32 $0x40, s3;
	v9 =	vsel vm14, v9, v13  }
0x194: {  	v10 =	vadd.s32 v10, v12;
	[tilespmem:s3+$0x0] =	vst v9  }
0x195: {  	[tilespmem:$0x12300] =	vst v10;
	v9 =	vld [tilespmem:$0x90]  }
0x196: {  	v10 =	vld.idx.msk [tilespmem:v14+s2+$0x0], $0xffff  }
0x197: {  	v11 =	vld.idx.msk [tilespmem:v15+s2+$0x0], $0xffff  }
0x198: {  	s17 =	simm.s32 $0x1  }
0x199: {  	v12 =	vor.u32 s17, v3  }
0x19a: {  	v13 =	vor.u32 s17, v2  }
0x19b: {  	vm15 =	veq.s32 v10, $0x0  }
0x19c: {  	s17 =	simm.s32 $0x4210;
	v11 =	vsel vm15, v9, v11  }
0x19d: {  	[tilespmem:s17+$0x0] =	vst v11  }
0x19e: {  	v11 =	vld.idx.msk [tilespmem:v12+s2+$0x0], $0xffff  }
0x19f: {  	v13 =	vld.idx.msk [tilespmem:v13+s2+$0x0], $0xffff  }
0x1a0: {  	s11 =	simm.s32 $0x2;
	v14 =	vimm.s32 $0x0  }
0x1a1: {  	s3 =	simm.s32 $0x3;
	v10 =	vadd.s32 v14, v10;
	v12 =	vor.u32 s11, v3  }
.LBB2_30:
0x1a2: {  	p0 =	sne.s32 s3, $0x3F;
	v14 =	vor.u32 s11, v2;
	s11 =	smov.u32 s3  }
0x1a3: {  	vm0 =	veq.s32 v11, $0x0;
	v10 =	vadd.s32 v10, v11  }
0x1a4: {  	s17 =	sadd.s32 $0x40, s17;
	v11 =	vsel vm0, v9, v13  }
0x1a5: {  	[tilespmem:s17+$0x0] =	vst v11  }
.Ltmp14:
0x1a6: {  	v11 =	vld.idx.msk [tilespmem:v12+s2+$0x0], $0xffff;
	(pc) =	sbr.rel @p0 .LBB2_30-.Ltmp14, $2  }
0x1a7: {  	v13 =	vld.idx.msk [tilespmem:v14+s2+$0x0], $0xffff;
	_ =	sdelay $0x2  }
0x1a8: {  	s3 =	sadd.s32 $0x1, s3;
	v12 =	vor.u32 s11, v3  }
0x1a9: {  	v14 =	vor.u32 s11, v2  }
0x1aa: {  	vm0 =	veq.s32 v11, $0x0  }
0x1ab: {  	s3 =	sadd.s32 $0x40, s17;
	v13 =	vsel vm0, v9, v13  }
0x1ac: {  	[tilespmem:s3+$0x0] =	vst v13  }
0x1ad: {  	v12 =	vld.idx.msk [tilespmem:v12+s2+$0x0], $0xffff  }
0x1ae: {  	v13 =	vld.idx.msk [tilespmem:v14+s2+$0x0], $0xffff;
	_ =	sdelay $0x1  }
0x1af: {  	s17 =	simm.s32 $0x0  }
0x1b0: {  	v14 =	vor.u32 s17, v5  }
0x1b1: {  	v15 =	vor.u32 s17, v4;
	vm14 =	veq.s32 v12, $0x0  }
0x1b2: {  	v10 =	vadd.s32 v10, v11;
	s3 =	sadd.s32 $0x40, s3;
	v9 =	vsel vm14, v9, v13  }
0x1b3: {  	v10 =	vadd.s32 v10, v12;
	[tilespmem:s3+$0x0] =	vst v9  }
0x1b4: {  	[tilespmem:$0x12310] =	vst v10;
	v9 =	vld [tilespmem:$0xA0]  }
0x1b5: {  	v10 =	vld.idx.msk [tilespmem:v14+s2+$0x0], $0xffff  }
0x1b6: {  	v11 =	vld.idx.msk [tilespmem:v15+s2+$0x0], $0xffff  }
0x1b7: {  	s17 =	simm.s32 $0x1  }
0x1b8: {  	v12 =	vor.u32 s17, v5  }
0x1b9: {  	v13 =	vor.u32 s17, v4  }
0x1ba: {  	vm15 =	veq.s32 v10, $0x0  }
0x1bb: {  	s17 =	simm.s32 $0x4220;
	v11 =	vsel vm15, v9, v11  }
0x1bc: {  	[tilespmem:s17+$0x0] =	vst v11  }
0x1bd: {  	v11 =	vld.idx.msk [tilespmem:v12+s2+$0x0], $0xffff  }
0x1be: {  	v13 =	vld.idx.msk [tilespmem:v13+s2+$0x0], $0xffff  }
0x1bf: {  	s11 =	simm.s32 $0x2;
	v14 =	vimm.s32 $0x0  }
0x1c0: {  	s3 =	simm.s32 $0x3;
	v10 =	vadd.s32 v14, v10;
	v12 =	vor.u32 s11, v5  }
.LBB2_32:
0x1c1: {  	p0 =	sne.s32 s3, $0x3F;
	v14 =	vor.u32 s11, v4;
	s11 =	smov.u32 s3  }
0x1c2: {  	vm0 =	veq.s32 v11, $0x0;
	v10 =	vadd.s32 v10, v11  }
0x1c3: {  	s17 =	sadd.s32 $0x40, s17;
	v11 =	vsel vm0, v9, v13  }
0x1c4: {  	[tilespmem:s17+$0x0] =	vst v11  }
.Ltmp15:
0x1c5: {  	v11 =	vld.idx.msk [tilespmem:v12+s2+$0x0], $0xffff;
	(pc) =	sbr.rel @p0 .LBB2_32-.Ltmp15, $2  }
0x1c6: {  	v13 =	vld.idx.msk [tilespmem:v14+s2+$0x0], $0xffff;
	_ =	sdelay $0x2  }
0x1c7: {  	s3 =	sadd.s32 $0x1, s3;
	v12 =	vor.u32 s11, v5  }
0x1c8: {  	v14 =	vor.u32 s11, v4  }
0x1c9: {  	vm0 =	veq.s32 v11, $0x0  }
0x1ca: {  	s3 =	sadd.s32 $0x40, s17;
	v13 =	vsel vm0, v9, v13  }
0x1cb: {  	[tilespmem:s3+$0x0] =	vst v13  }
0x1cc: {  	v12 =	vld.idx.msk [tilespmem:v12+s2+$0x0], $0xffff  }
0x1cd: {  	v13 =	vld.idx.msk [tilespmem:v14+s2+$0x0], $0xffff;
	_ =	sdelay $0x1  }
0x1ce: {  	s17 =	simm.s32 $0x0  }
0x1cf: {  	v14 =	vor.u32 s17, v7  }
0x1d0: {  	v15 =	vor.u32 s17, v6;
	vm14 =	veq.s32 v12, $0x0  }
0x1d1: {  	v10 =	vadd.s32 v10, v11;
	s3 =	sadd.s32 $0x40, s3;
	v9 =	vsel vm14, v9, v13  }
0x1d2: {  	v10 =	vadd.s32 v10, v12;
	[tilespmem:s3+$0x0] =	vst v9  }
0x1d3: {  	[tilespmem:$0x12320] =	vst v10;
	v9 =	vld [tilespmem:$0xB0]  }
0x1d4: {  	v10 =	vld.idx.msk [tilespmem:v14+s2+$0x0], $0xffff  }
0x1d5: {  	v11 =	vld.idx.msk [tilespmem:v15+s2+$0x0], $0xffff  }
0x1d6: {  	s17 =	simm.s32 $0x1  }
0x1d7: {  	v12 =	vor.u32 s17, v7  }
0x1d8: {  	v13 =	vor.u32 s17, v6  }
0x1d9: {  	vm15 =	veq.s32 v10, $0x0  }
0x1da: {  	s17 =	simm.s32 $0x4230;
	v11 =	vsel vm15, v9, v11  }
0x1db: {  	[tilespmem:s17+$0x0] =	vst v11  }
0x1dc: {  	v11 =	vld.idx.msk [tilespmem:v12+s2+$0x0], $0xffff  }
0x1dd: {  	v13 =	vld.idx.msk [tilespmem:v13+s2+$0x0], $0xffff  }
0x1de: {  	s11 =	simm.s32 $0x2;
	v14 =	vimm.s32 $0x0  }
0x1df: {  	s3 =	simm.s32 $0x3;
	v10 =	vadd.s32 v14, v10;
	v12 =	vor.u32 s11, v7  }
.LBB2_34:
0x1e0: {  	p0 =	sne.s32 s3, $0x3F;
	v14 =	vor.u32 s11, v6;
	s11 =	smov.u32 s3  }
0x1e1: {  	vm0 =	veq.s32 v11, $0x0;
	v10 =	vadd.s32 v10, v11  }
0x1e2: {  	s17 =	sadd.s32 $0x40, s17;
	v11 =	vsel vm0, v9, v13  }
0x1e3: {  	[tilespmem:s17+$0x0] =	vst v11  }
.Ltmp16:
0x1e4: {  	v11 =	vld.idx.msk [tilespmem:v12+s2+$0x0], $0xffff;
	(pc) =	sbr.rel @p0 .LBB2_34-.Ltmp16, $2  }
0x1e5: {  	v13 =	vld.idx.msk [tilespmem:v14+s2+$0x0], $0xffff;
	_ =	sdelay $0x2  }
0x1e6: {  	s3 =	sadd.s32 $0x1, s3;
	v12 =	vor.u32 s11, v7  }
0x1e7: {  	v14 =	vor.u32 s11, v6  }
0x1e8: {  	vm0 =	veq.s32 v11, $0x0  }
0x1e9: {  	s3 =	sadd.s32 $0x40, s17;
	v13 =	vsel vm0, v9, v13  }
0x1ea: {  	[tilespmem:s3+$0x0] =	vst v13  }
0x1eb: {  	v12 =	vld.idx.msk [tilespmem:v12+s2+$0x0], $0xffff  }
0x1ec: {  	v13 =	vld.idx.msk [tilespmem:v14+s2+$0x0], $0xffff;
	_ =	sdelay $0x3  }
0x1ed: {  	vm15 =	veq.s32 v12, $0x0  }
0x1ee: {  	v10 =	vadd.s32 v10, v11;
	s3 =	sadd.s32 $0x40, s3;
	v9 =	vsel vm15, v9, v13  }
0x1ef: {  	v10 =	vadd.s32 v10, v12;
	[tilespmem:s3+$0x0] =	vst v9  }
0x1f0: {  	s17 =	simm.s32 $0x0;
	s3 =	simm.s32 $0x200;
	[tilespmem:$0x12330] =	vst v10  }
.LBB2_36:
0x1f1: {  	p0 =	sne.s32 s3, $0x7E00;
	[tilespmem:s17+$0xA270] =	vst v8  }
0x1f2: {  	[tilespmem:s17+$0xA200] =	vst v8  }
0x1f3: {  	[tilespmem:s17+$0xA210] =	vst v8  }
.Ltmp17:
0x1f4: {  	[tilespmem:s17+$0xA220] =	vst v8;
	(pc) =	sbr.rel @p0 .LBB2_36-.Ltmp17, $4  }
0x1f5: {  	[tilespmem:s17+$0xA230] =	vst v8  }
0x1f6: {  	[tilespmem:s17+$0xA240] =	vst v8  }
0x1f7: {  	[tilespmem:s17+$0xA250] =	vst v8  }
0x1f8: {  	[tilespmem:s17+$0xA260] =	vst v8;
	s17 =	sshra.s32 s3, $0x2;
	s3 =	sadd.s32 $0x200, s3  }
0x1f9: {  	[tilespmem:s17+$0xA270] =	vst v8  }
0x1fa: {  	[tilespmem:s17+$0xA200] =	vst v8  }
0x1fb: {  	[tilespmem:s17+$0xA210] =	vst v8  }
0x1fc: {  	[tilespmem:s17+$0xA220] =	vst v8  }
0x1fd: {  	[tilespmem:s17+$0xA230] =	vst v8  }
0x1fe: {  	[tilespmem:s17+$0xA240] =	vst v8  }
0x1ff: {  	[tilespmem:s17+$0xA250] =	vst v8  }
0x200: {  	[tilespmem:s17+$0xA260] =	vst v8;
	s3 =	simm.s32 $0x100;
	s11 =	simm.s32 $0x4200  }
.LBB2_38:
0x201: {  	[tilespmem:s14], [sflag:$0xB] =	stream.indirect.gather.add.f32 [hbm:s24], $0x80, s11, s0, $0xb8;
	[tilespmem:$0x12380] =	vst v63  }
0x202: {  	s11 =	smov.u32 s3;
	p0 =	sne.s32 s3, $0x3F00  }
.Ltmp18:
0x203: {  	s3 =	sadd.s32 $0x100, s3;
	(pc) =	sbr.rel @p0 .LBB2_38-.Ltmp18, $3  }
0x204: {  	_ =	sdelay $0x1  }
0x205: {  	s11 =	sshra.s32 s11, $0x2  }
0x206: {  	s11 =	sadd.s32 $0x4200, s11  }
0x207: {  	[tilespmem:s14], [sflag:$0xB] =	stream.indirect.gather.add.f32 [hbm:s24], $0x80, s11, s0, $0xb8;
	[tilespmem:$0x12380] =	vst v63  }
0x208: {  	_ =	swait.ge [sflag:s15], $0x2000  }
0x209: {  	[sflag:s15] =	ssyncset.done $0x0  }
0x20a: {  	s3 =	simm.s32 $0x40;
	s17 =	simm.s32 $0xC0;
	[sflag:s15] =	ssyncadd.s32 $0xFFFFE000  }
0x20b: {  	[tilespmem:s6], [sflag:$0x2] =	stream.indirect.gather [hbm4b:s30+s3], $0x80, s17, s3, $0xb8;
	[tilespmem:$0x12380] =	vst v63  }
0x20c: {  	s11 =	simm.s32 $0xC200  }
0x20d: {  	[tilespmem:s11], [sflag:$0x3] =	stream.indirect.gather [hbm4b:s24+s3], $0x80, s17, s3, $0xb8;
	[tilespmem:$0x12380] =	vst v63  }
0x20e: {  	_ =	swait.ge [sflag:s16], $0x2000  }
0x20f: {  	s3 =	simm.s32 $0x3F;
	[sflag:s16] =	ssyncset.done $0x0  }
.LBB2_40:
0x210: {  	p0 =	sne.s32 s3, $0x1;
	s3 =	sadd.s32 $0xFFFFFFFF, s3;
	[sflag:s16] =	ssyncadd.s32 $0xFFFFE000  }
.Ltmp19:
0x211: {  	(pc) =	sbr.rel @p0 .LBB2_40-.Ltmp19, $3  }
0x212: {  	_ =	sdelay $0x1  }
0x213: {  	_ =	swait.ge [sflag:s16], $0x2000  }
0x214: {  	[sflag:s16] =	ssyncset.done $0x0  }
0x215: {  	[sflag:s16] =	ssyncadd.s32 $0xFFFFE000;
	s3 =	simm.s32 $0x0;
	s11 =	rddreg [dreg:$0x9]  }
0x216: {  	[hbm4b:s11+s3] =	stream.linear.scatter [tilespmem:s9], [sflag:$0xD], $0x2000, $0x38;
	[tilespmem:$0x12380] =	vst v63  }
0x217: {  	s17 =	simm.s32 $0x12280;
	s11 =	rddreg [dreg:$0xa]  }
0x218: {  	[hbm4b:s11+s3] =	stream.linear.scatter [tilespmem:s17], [sflag:$0x10], $0x40, $0x38;
	[tilespmem:$0x12380] =	vst v63  }
0x219: {  	_ =	swait.ge [sflag:s18], $0x2000  }
0x21a: {  	[sflag:s18] =	ssyncset.done $0x0  }
0x21b: {  	s17 =	rddreg [dreg:$0xb];
	[sflag:s18] =	ssyncadd.s32 $0xFFFFE000  }
0x21c: {  	[hbm4b:s17+s3] =	stream.linear.scatter [tilespmem:s7], [sflag:$0x7], $0x2000, $0x38;
	[tilespmem:$0x12380] =	vst v63  }
0x21d: {  	_ =	swait.ge [sflag:s8], $0x2000  }
0x21e: {  	[sflag:s8] =	ssyncset.done $0x0  }
0x21f: {  	[sflag:s8] =	ssyncadd.s32 $0xFFFFE000  }
0x220: {  	_ =	swait.ge [sflag:s19], $0x40  }
0x221: {  	[sflag:s19] =	ssyncset.done $0x0  }
0x222: {  	v10 =	vor.u32 s3, v1;
	[sflag:s19] =	ssyncadd.s32 $0xFFFFFFC0  }
0x223: {  	v11 =	vor.u32 s3, v0;
	_ =	swait.ge [sflag:s20], $0x2000  }
0x224: {  	[sflag:s20] =	ssyncset.done $0x0  }
0x225: {  	[sflag:s20] =	ssyncadd.s32 $0xFFFFE000  }
0x226: {  	v9 =	vld [tilespmem:$0xC0]  }
0x227: {  	v10 =	vld.idx.msk [tilespmem:v10+s6+$0x0], $0xffff  }
0x228: {  	v11 =	vld.idx.msk [tilespmem:v11+s6+$0x0], $0xffff  }
0x229: {  	s17 =	simm.s32 $0x1  }
0x22a: {  	v12 =	vor.u32 s17, v1  }
0x22b: {  	v13 =	vor.u32 s17, v0  }
0x22c: {  	vm0 =	veq.s32 v10, $0x0  }
0x22d: {  	s17 =	simm.s32 $0x5200;
	v11 =	vsel vm0, v9, v11  }
0x22e: {  	[tilespmem:s17+$0x0] =	vst v11  }
0x22f: {  	v11 =	vld.idx.msk [tilespmem:v12+s6+$0x0], $0xffff  }
0x230: {  	v13 =	vld.idx.msk [tilespmem:v13+s6+$0x0], $0xffff  }
0x231: {  	v14 =	vimm.s32 $0x0;
	s11 =	simm.s32 $0x2  }
0x232: {  	s3 =	simm.s32 $0x3;
	v10 =	vadd.s32 v14, v10;
	v12 =	vor.u32 s11, v1  }
.LBB2_42:
0x233: {  	p0 =	sne.s32 s3, $0x3F;
	v14 =	vor.u32 s11, v0;
	s11 =	smov.u32 s3  }
0x234: {  	vm0 =	veq.s32 v11, $0x0;
	v10 =	vadd.s32 v10, v11  }
0x235: {  	s17 =	sadd.s32 $0x40, s17;
	v11 =	vsel vm0, v9, v13  }
0x236: {  	[tilespmem:s17+$0x0] =	vst v11  }
.Ltmp20:
0x237: {  	v11 =	vld.idx.msk [tilespmem:v12+s6+$0x0], $0xffff;
	(pc) =	sbr.rel @p0 .LBB2_42-.Ltmp20, $2  }
0x238: {  	v13 =	vld.idx.msk [tilespmem:v14+s6+$0x0], $0xffff;
	_ =	sdelay $0x2  }
0x239: {  	s3 =	sadd.s32 $0x1, s3;
	v12 =	vor.u32 s11, v1  }
0x23a: {  	v14 =	vor.u32 s11, v0  }
0x23b: {  	vm0 =	veq.s32 v11, $0x0  }
0x23c: {  	s3 =	sadd.s32 $0x40, s17;
	v13 =	vsel vm0, v9, v13  }
0x23d: {  	[tilespmem:s3+$0x0] =	vst v13  }
0x23e: {  	v12 =	vld.idx.msk [tilespmem:v12+s6+$0x0], $0xffff  }
0x23f: {  	v13 =	vld.idx.msk [tilespmem:v14+s6+$0x0], $0xffff;
	_ =	sdelay $0x1  }
0x240: {  	s17 =	simm.s32 $0x0  }
0x241: {  	v14 =	vor.u32 s17, v3  }
0x242: {  	v15 =	vor.u32 s17, v2;
	vm14 =	veq.s32 v12, $0x0  }
0x243: {  	v10 =	vadd.s32 v10, v11;
	s3 =	sadd.s32 $0x40, s3;
	v9 =	vsel vm14, v9, v13  }
0x244: {  	v10 =	vadd.s32 v10, v12;
	[tilespmem:s3+$0x0] =	vst v9  }
0x245: {  	[tilespmem:$0x12200] =	vst v10;
	v9 =	vld [tilespmem:$0xD0]  }
0x246: {  	v10 =	vld.idx.msk [tilespmem:v14+s6+$0x0], $0xffff  }
0x247: {  	v11 =	vld.idx.msk [tilespmem:v15+s6+$0x0], $0xffff  }
0x248: {  	s17 =	simm.s32 $0x1  }
0x249: {  	v12 =	vor.u32 s17, v3  }
0x24a: {  	v13 =	vor.u32 s17, v2  }
0x24b: {  	vm15 =	veq.s32 v10, $0x0  }
0x24c: {  	s17 =	simm.s32 $0x5210;
	v11 =	vsel vm15, v9, v11  }
0x24d: {  	[tilespmem:s17+$0x0] =	vst v11  }
0x24e: {  	v11 =	vld.idx.msk [tilespmem:v12+s6+$0x0], $0xffff  }
0x24f: {  	v13 =	vld.idx.msk [tilespmem:v13+s6+$0x0], $0xffff  }
0x250: {  	s11 =	simm.s32 $0x2;
	v14 =	vimm.s32 $0x0  }
0x251: {  	s3 =	simm.s32 $0x3;
	v10 =	vadd.s32 v14, v10;
	v12 =	vor.u32 s11, v3  }
.LBB2_44:
0x252: {  	p0 =	sne.s32 s3, $0x3F;
	v14 =	vor.u32 s11, v2;
	s11 =	smov.u32 s3  }
0x253: {  	vm0 =	veq.s32 v11, $0x0;
	v10 =	vadd.s32 v10, v11  }
0x254: {  	s17 =	sadd.s32 $0x40, s17;
	v11 =	vsel vm0, v9, v13  }
0x255: {  	[tilespmem:s17+$0x0] =	vst v11  }
.Ltmp21:
0x256: {  	v11 =	vld.idx.msk [tilespmem:v12+s6+$0x0], $0xffff;
	(pc) =	sbr.rel @p0 .LBB2_44-.Ltmp21, $2  }
0x257: {  	v13 =	vld.idx.msk [tilespmem:v14+s6+$0x0], $0xffff;
	_ =	sdelay $0x2  }
0x258: {  	s3 =	sadd.s32 $0x1, s3;
	v12 =	vor.u32 s11, v3  }
0x259: {  	v14 =	vor.u32 s11, v2  }
0x25a: {  	vm0 =	veq.s32 v11, $0x0  }
0x25b: {  	s3 =	sadd.s32 $0x40, s17;
	v13 =	vsel vm0, v9, v13  }
0x25c: {  	[tilespmem:s3+$0x0] =	vst v13  }
0x25d: {  	v12 =	vld.idx.msk [tilespmem:v12+s6+$0x0], $0xffff  }
0x25e: {  	v13 =	vld.idx.msk [tilespmem:v14+s6+$0x0], $0xffff;
	_ =	sdelay $0x1  }
0x25f: {  	s17 =	simm.s32 $0x0  }
0x260: {  	v14 =	vor.u32 s17, v5  }
0x261: {  	v15 =	vor.u32 s17, v4;
	vm14 =	veq.s32 v12, $0x0  }
0x262: {  	v10 =	vadd.s32 v10, v11;
	s3 =	sadd.s32 $0x40, s3;
	v9 =	vsel vm14, v9, v13  }
0x263: {  	v10 =	vadd.s32 v10, v12;
	[tilespmem:s3+$0x0] =	vst v9  }
0x264: {  	[tilespmem:$0x12210] =	vst v10;
	v9 =	vld [tilespmem:$0xE0]  }
0x265: {  	v10 =	vld.idx.msk [tilespmem:v14+s6+$0x0], $0xffff  }
0x266: {  	v11 =	vld.idx.msk [tilespmem:v15+s6+$0x0], $0xffff  }
0x267: {  	s17 =	simm.s32 $0x1  }
0x268: {  	v12 =	vor.u32 s17, v5  }
0x269: {  	v13 =	vor.u32 s17, v4  }
0x26a: {  	vm15 =	veq.s32 v10, $0x0  }
0x26b: {  	s17 =	simm.s32 $0x5220;
	v11 =	vsel vm15, v9, v11  }
0x26c: {  	[tilespmem:s17+$0x0] =	vst v11  }
0x26d: {  	v11 =	vld.idx.msk [tilespmem:v12+s6+$0x0], $0xffff  }
0x26e: {  	v13 =	vld.idx.msk [tilespmem:v13+s6+$0x0], $0xffff  }
0x26f: {  	s11 =	simm.s32 $0x2;
	v14 =	vimm.s32 $0x0  }
0x270: {  	s3 =	simm.s32 $0x3;
	v10 =	vadd.s32 v14, v10;
	v12 =	vor.u32 s11, v5  }
.LBB2_46:
0x271: {  	p0 =	sne.s32 s3, $0x3F;
	v14 =	vor.u32 s11, v4;
	s11 =	smov.u32 s3  }
0x272: {  	vm0 =	veq.s32 v11, $0x0;
	v10 =	vadd.s32 v10, v11  }
0x273: {  	s17 =	sadd.s32 $0x40, s17;
	v11 =	vsel vm0, v9, v13  }
0x274: {  	[tilespmem:s17+$0x0] =	vst v11  }
.Ltmp22:
0x275: {  	v11 =	vld.idx.msk [tilespmem:v12+s6+$0x0], $0xffff;
	(pc) =	sbr.rel @p0 .LBB2_46-.Ltmp22, $2  }
0x276: {  	v13 =	vld.idx.msk [tilespmem:v14+s6+$0x0], $0xffff;
	_ =	sdelay $0x2  }
0x277: {  	s3 =	sadd.s32 $0x1, s3;
	v12 =	vor.u32 s11, v5  }
0x278: {  	v14 =	vor.u32 s11, v4  }
0x279: {  	vm0 =	veq.s32 v11, $0x0  }
0x27a: {  	s3 =	sadd.s32 $0x40, s17;
	v13 =	vsel vm0, v9, v13  }
0x27b: {  	[tilespmem:s3+$0x0] =	vst v13  }
0x27c: {  	v12 =	vld.idx.msk [tilespmem:v12+s6+$0x0], $0xffff  }
0x27d: {  	v13 =	vld.idx.msk [tilespmem:v14+s6+$0x0], $0xffff;
	_ =	sdelay $0x1  }
0x27e: {  	s17 =	simm.s32 $0x0  }
0x27f: {  	v14 =	vor.u32 s17, v7  }
0x280: {  	v15 =	vor.u32 s17, v6;
	vm14 =	veq.s32 v12, $0x0  }
0x281: {  	v10 =	vadd.s32 v10, v11;
	s3 =	sadd.s32 $0x40, s3;
	v9 =	vsel vm14, v9, v13  }
0x282: {  	v10 =	vadd.s32 v10, v12;
	[tilespmem:s3+$0x0] =	vst v9  }
0x283: {  	[tilespmem:$0x12220] =	vst v10;
	v9 =	vld [tilespmem:$0xF0]  }
0x284: {  	v10 =	vld.idx.msk [tilespmem:v14+s6+$0x0], $0xffff  }
0x285: {  	v11 =	vld.idx.msk [tilespmem:v15+s6+$0x0], $0xffff  }
0x286: {  	s17 =	simm.s32 $0x1  }
0x287: {  	v12 =	vor.u32 s17, v7  }
0x288: {  	v13 =	vor.u32 s17, v6  }
0x289: {  	vm15 =	veq.s32 v10, $0x0  }
0x28a: {  	s17 =	simm.s32 $0x5230;
	v11 =	vsel vm15, v9, v11  }
0x28b: {  	[tilespmem:s17+$0x0] =	vst v11  }
0x28c: {  	v11 =	vld.idx.msk [tilespmem:v12+s6+$0x0], $0xffff  }
0x28d: {  	v13 =	vld.idx.msk [tilespmem:v13+s6+$0x0], $0xffff  }
0x28e: {  	s11 =	simm.s32 $0x2;
	v14 =	vimm.s32 $0x0  }
0x28f: {  	s3 =	simm.s32 $0x3;
	v10 =	vadd.s32 v14, v10;
	v12 =	vor.u32 s11, v7  }
.LBB2_48:
0x290: {  	p0 =	sne.s32 s3, $0x3F;
	v14 =	vor.u32 s11, v6;
	s11 =	smov.u32 s3  }
0x291: {  	vm0 =	veq.s32 v11, $0x0;
	v10 =	vadd.s32 v10, v11  }
0x292: {  	s17 =	sadd.s32 $0x40, s17;
	v11 =	vsel vm0, v9, v13  }
0x293: {  	[tilespmem:s17+$0x0] =	vst v11  }
.Ltmp23:
0x294: {  	v11 =	vld.idx.msk [tilespmem:v12+s6+$0x0], $0xffff;
	(pc) =	sbr.rel @p0 .LBB2_48-.Ltmp23, $2  }
0x295: {  	v13 =	vld.idx.msk [tilespmem:v14+s6+$0x0], $0xffff;
	_ =	sdelay $0x2  }
0x296: {  	s3 =	sadd.s32 $0x1, s3;
	v12 =	vor.u32 s11, v7  }
0x297: {  	v14 =	vor.u32 s11, v6  }
0x298: {  	vm0 =	veq.s32 v11, $0x0  }
0x299: {  	s3 =	sadd.s32 $0x40, s17;
	v13 =	vsel vm0, v9, v13  }
0x29a: {  	[tilespmem:s3+$0x0] =	vst v13  }
0x29b: {  	v12 =	vld.idx.msk [tilespmem:v12+s6+$0x0], $0xffff  }
0x29c: {  	v13 =	vld.idx.msk [tilespmem:v14+s6+$0x0], $0xffff;
	_ =	sdelay $0x3  }
0x29d: {  	vm15 =	veq.s32 v12, $0x0  }
0x29e: {  	v10 =	vadd.s32 v10, v11;
	s3 =	sadd.s32 $0x40, s3;
	v9 =	vsel vm15, v9, v13  }
0x29f: {  	v10 =	vadd.s32 v10, v12;
	[tilespmem:s3+$0x0] =	vst v9  }
0x2a0: {  	s17 =	simm.s32 $0x0;
	s3 =	simm.s32 $0x200;
	[tilespmem:$0x12230] =	vst v10  }
.LBB2_50:
0x2a1: {  	p0 =	sne.s32 s3, $0x7E00;
	[tilespmem:s17+$0x6270] =	vst v8  }
0x2a2: {  	[tilespmem:s17+$0x6200] =	vst v8  }
0x2a3: {  	[tilespmem:s17+$0x6210] =	vst v8  }
.Ltmp24:
0x2a4: {  	[tilespmem:s17+$0x6220] =	vst v8;
	(pc) =	sbr.rel @p0 .LBB2_50-.Ltmp24, $4  }
0x2a5: {  	[tilespmem:s17+$0x6230] =	vst v8  }
0x2a6: {  	[tilespmem:s17+$0x6240] =	vst v8  }
0x2a7: {  	[tilespmem:s17+$0x6250] =	vst v8  }
0x2a8: {  	[tilespmem:s17+$0x6260] =	vst v8;
	s17 =	sshra.s32 s3, $0x2;
	s3 =	sadd.s32 $0x200, s3  }
0x2a9: {  	[tilespmem:s17+$0x6270] =	vst v8  }
0x2aa: {  	[tilespmem:s17+$0x6200] =	vst v8  }
0x2ab: {  	[tilespmem:s17+$0x6210] =	vst v8  }
0x2ac: {  	[tilespmem:s17+$0x6220] =	vst v8  }
0x2ad: {  	[tilespmem:s17+$0x6230] =	vst v8  }
0x2ae: {  	[tilespmem:s17+$0x6240] =	vst v8  }
0x2af: {  	[tilespmem:s17+$0x6250] =	vst v8  }
0x2b0: {  	[tilespmem:s17+$0x6260] =	vst v8;
	s3 =	simm.s32 $0x100;
	s11 =	simm.s32 $0x5200  }
.LBB2_52:
0x2b1: {  	[tilespmem:s5], [sflag:$0x9] =	stream.indirect.gather.add.f32 [hbm:s24], $0x80, s11, s0, $0xb8;
	[tilespmem:$0x12380] =	vst v63  }
0x2b2: {  	s11 =	smov.u32 s3;
	p0 =	sne.s32 s3, $0x3F00  }
.Ltmp25:
0x2b3: {  	s3 =	sadd.s32 $0x100, s3;
	(pc) =	sbr.rel @p0 .LBB2_52-.Ltmp25, $3  }
0x2b4: {  	_ =	sdelay $0x1  }
0x2b5: {  	s11 =	sshra.s32 s11, $0x2  }
0x2b6: {  	s11 =	sadd.s32 $0x5200, s11  }
0x2b7: {  	[tilespmem:s5], [sflag:$0x9] =	stream.indirect.gather.add.f32 [hbm:s24], $0x80, s11, s0, $0xb8;
	[tilespmem:$0x12380] =	vst v63  }
0x2b8: {  	_ =	swait.ge [sflag:s22], $0x2000  }
0x2b9: {  	[sflag:s22] =	ssyncset.done $0x0  }
0x2ba: {  	s3 =	simm.s32 $0x40;
	s17 =	simm.s32 $0x100;
	[sflag:s22] =	ssyncadd.s32 $0xFFFFE000  }
0x2bb: {  	[tilespmem:s2], [sflag:$0x1] =	stream.indirect.gather [hbm4b:s30+s3], $0x80, s17, s3, $0xb8;
	[tilespmem:$0x12380] =	vst v63  }
0x2bc: {  	_ = 	snop  }
0x2bd: {  	[tilespmem:s7], [sflag:$0x4] =	stream.indirect.gather [hbm4b:s24+s3], $0x80, s17, s3, $0xb8;
	[tilespmem:$0x12380] =	vst v63  }
0x2be: {  	_ =	swait.ge [sflag:s23], $0x2000  }
0x2bf: {  	s3 =	simm.s32 $0x3F;
	[sflag:s23] =	ssyncset.done $0x0  }
.LBB2_54:
0x2c0: {  	p0 =	sne.s32 s3, $0x1;
	s3 =	sadd.s32 $0xFFFFFFFF, s3;
	[sflag:s23] =	ssyncadd.s32 $0xFFFFE000  }
.Ltmp26:
0x2c1: {  	(pc) =	sbr.rel @p0 .LBB2_54-.Ltmp26, $3  }
0x2c2: {  	_ =	sdelay $0x1  }
0x2c3: {  	_ =	swait.ge [sflag:s23], $0x2000  }
0x2c4: {  	[sflag:s23] =	ssyncset.done $0x0  }
0x2c5: {  	[sflag:s23] =	ssyncadd.s32 $0xFFFFE000;
	s3 =	simm.s32 $0x0;
	s11 =	rddreg [dreg:$0x12]  }
0x2c6: {  	[hbm4b:s11+s3] =	stream.linear.scatter [tilespmem:s14], [sflag:$0xE], $0x2000, $0x38;
	[tilespmem:$0x12380] =	vst v63  }
0x2c7: {  	s17 =	simm.s32 $0x12300;
	s11 =	rddreg [dreg:$0xc]  }
0x2c8: {  	[hbm4b:s11+s3] =	stream.linear.scatter [tilespmem:s17], [sflag:$0x11], $0x40, $0x38;
	[tilespmem:$0x12380] =	vst v63  }
0x2c9: {  	_ =	swait.ge [sflag:s25], $0x2000  }
0x2ca: {  	[sflag:s25] =	ssyncset.done $0x0  }
0x2cb: {  	s17 =	simm.s32 $0x10200;
	s11 =	rddreg [dreg:$0x13];
	[sflag:s25] =	ssyncadd.s32 $0xFFFFE000  }
0x2cc: {  	[hbm4b:s11+s3] =	stream.linear.scatter [tilespmem:s17], [sflag:$0x8], $0x2000, $0x38;
	[tilespmem:$0x12380] =	vst v63  }
0x2cd: {  	_ =	swait.ge [sflag:s4], $0x2000  }
0x2ce: {  	[sflag:s4] =	ssyncset.done $0x0  }
0x2cf: {  	[sflag:s4] =	ssyncadd.s32 $0xFFFFE000  }
0x2d0: {  	_ =	swait.ge [sflag:s26], $0x40  }
0x2d1: {  	[sflag:s26] =	ssyncset.done $0x0  }
0x2d2: {  	v10 =	vor.u32 s3, v1;
	[sflag:s26] =	ssyncadd.s32 $0xFFFFFFC0  }
0x2d3: {  	v11 =	vor.u32 s3, v0;
	_ =	swait.ge [sflag:s28], $0x2000  }
0x2d4: {  	[sflag:s28] =	ssyncset.done $0x0  }
0x2d5: {  	[sflag:s28] =	ssyncadd.s32 $0xFFFFE000  }
0x2d6: {  	v9 =	vld [tilespmem:$0x100]  }
0x2d7: {  	v10 =	vld.idx.msk [tilespmem:v10+s2+$0x0], $0xffff  }
0x2d8: {  	v11 =	vld.idx.msk [tilespmem:v11+s2+$0x0], $0xffff  }
0x2d9: {  	s17 =	simm.s32 $0x1  }
0x2da: {  	v12 =	vor.u32 s17, v1  }
0x2db: {  	v13 =	vor.u32 s17, v0  }
0x2dc: {  	vm0 =	veq.s32 v10, $0x0  }
0x2dd: {  	s17 =	simm.s32 $0x4200;
	v11 =	vsel vm0, v9, v11  }
0x2de: {  	[tilespmem:s17+$0x0] =	vst v11  }
0x2df: {  	v11 =	vld.idx.msk [tilespmem:v12+s2+$0x0], $0xffff  }
0x2e0: {  	v13 =	vld.idx.msk [tilespmem:v13+s2+$0x0], $0xffff  }
0x2e1: {  	v14 =	vimm.s32 $0x0;
	s11 =	simm.s32 $0x2  }
0x2e2: {  	s3 =	simm.s32 $0x3;
	v10 =	vadd.s32 v14, v10;
	v12 =	vor.u32 s11, v1  }
.LBB2_56:
0x2e3: {  	p0 =	sne.s32 s3, $0x3F;
	v14 =	vor.u32 s11, v0;
	s11 =	smov.u32 s3  }
0x2e4: {  	vm0 =	veq.s32 v11, $0x0;
	v10 =	vadd.s32 v10, v11  }
0x2e5: {  	s17 =	sadd.s32 $0x40, s17;
	v11 =	vsel vm0, v9, v13  }
0x2e6: {  	[tilespmem:s17+$0x0] =	vst v11  }
.Ltmp27:
0x2e7: {  	v11 =	vld.idx.msk [tilespmem:v12+s2+$0x0], $0xffff;
	(pc) =	sbr.rel @p0 .LBB2_56-.Ltmp27, $2  }
0x2e8: {  	v13 =	vld.idx.msk [tilespmem:v14+s2+$0x0], $0xffff;
	_ =	sdelay $0x2  }
0x2e9: {  	s3 =	sadd.s32 $0x1, s3;
	v12 =	vor.u32 s11, v1  }
0x2ea: {  	v14 =	vor.u32 s11, v0  }
0x2eb: {  	vm0 =	veq.s32 v11, $0x0  }
0x2ec: {  	s3 =	sadd.s32 $0x40, s17;
	v13 =	vsel vm0, v9, v13  }
0x2ed: {  	[tilespmem:s3+$0x0] =	vst v13  }
0x2ee: {  	v12 =	vld.idx.msk [tilespmem:v12+s2+$0x0], $0xffff  }
0x2ef: {  	v13 =	vld.idx.msk [tilespmem:v14+s2+$0x0], $0xffff;
	_ =	sdelay $0x1  }
0x2f0: {  	s17 =	simm.s32 $0x0  }
0x2f1: {  	v14 =	vor.u32 s17, v3  }
0x2f2: {  	v15 =	vor.u32 s17, v2;
	vm14 =	veq.s32 v12, $0x0  }
0x2f3: {  	v10 =	vadd.s32 v10, v11;
	s3 =	sadd.s32 $0x40, s3;
	v9 =	vsel vm14, v9, v13  }
0x2f4: {  	v10 =	vadd.s32 v10, v12;
	[tilespmem:s3+$0x0] =	vst v9  }
0x2f5: {  	[tilespmem:$0x12280] =	vst v10;
	v9 =	vld [tilespmem:$0x110]  }
0x2f6: {  	v10 =	vld.idx.msk [tilespmem:v14+s2+$0x0], $0xffff  }
0x2f7: {  	v11 =	vld.idx.msk [tilespmem:v15+s2+$0x0], $0xffff  }
0x2f8: {  	s17 =	simm.s32 $0x1  }
0x2f9: {  	v12 =	vor.u32 s17, v3  }
0x2fa: {  	v13 =	vor.u32 s17, v2  }
0x2fb: {  	vm15 =	veq.s32 v10, $0x0  }
0x2fc: {  	s17 =	simm.s32 $0x4210;
	v11 =	vsel vm15, v9, v11  }
0x2fd: {  	[tilespmem:s17+$0x0] =	vst v11  }
0x2fe: {  	v11 =	vld.idx.msk [tilespmem:v12+s2+$0x0], $0xffff  }
0x2ff: {  	v13 =	vld.idx.msk [tilespmem:v13+s2+$0x0], $0xffff  }
0x300: {  	s11 =	simm.s32 $0x2;
	v14 =	vimm.s32 $0x0  }
0x301: {  	s3 =	simm.s32 $0x3;
	v10 =	vadd.s32 v14, v10;
	v12 =	vor.u32 s11, v3  }
.LBB2_58:
0x302: {  	p0 =	sne.s32 s3, $0x3F;
	v14 =	vor.u32 s11, v2;
	s11 =	smov.u32 s3  }
0x303: {  	vm0 =	veq.s32 v11, $0x0;
	v10 =	vadd.s32 v10, v11  }
0x304: {  	s17 =	sadd.s32 $0x40, s17;
	v11 =	vsel vm0, v9, v13  }
0x305: {  	[tilespmem:s17+$0x0] =	vst v11  }
.Ltmp28:
0x306: {  	v11 =	vld.idx.msk [tilespmem:v12+s2+$0x0], $0xffff;
	(pc) =	sbr.rel @p0 .LBB2_58-.Ltmp28, $2  }
0x307: {  	v13 =	vld.idx.msk [tilespmem:v14+s2+$0x0], $0xffff;
	_ =	sdelay $0x2  }
0x308: {  	s3 =	sadd.s32 $0x1, s3;
	v12 =	vor.u32 s11, v3  }
0x309: {  	v14 =	vor.u32 s11, v2  }
0x30a: {  	vm0 =	veq.s32 v11, $0x0  }
0x30b: {  	s3 =	sadd.s32 $0x40, s17;
	v13 =	vsel vm0, v9, v13  }
0x30c: {  	[tilespmem:s3+$0x0] =	vst v13  }
0x30d: {  	v12 =	vld.idx.msk [tilespmem:v12+s2+$0x0], $0xffff  }
0x30e: {  	v13 =	vld.idx.msk [tilespmem:v14+s2+$0x0], $0xffff;
	_ =	sdelay $0x1  }
0x30f: {  	s17 =	simm.s32 $0x0  }
0x310: {  	v14 =	vor.u32 s17, v5  }
0x311: {  	v15 =	vor.u32 s17, v4;
	vm14 =	veq.s32 v12, $0x0  }
0x312: {  	v10 =	vadd.s32 v10, v11;
	s3 =	sadd.s32 $0x40, s3;
	v9 =	vsel vm14, v9, v13  }
0x313: {  	v10 =	vadd.s32 v10, v12;
	[tilespmem:s3+$0x0] =	vst v9  }
0x314: {  	[tilespmem:$0x12290] =	vst v10;
	v9 =	vld [tilespmem:$0x120]  }
0x315: {  	v10 =	vld.idx.msk [tilespmem:v14+s2+$0x0], $0xffff  }
0x316: {  	v11 =	vld.idx.msk [tilespmem:v15+s2+$0x0], $0xffff  }
0x317: {  	s17 =	simm.s32 $0x1  }
0x318: {  	v12 =	vor.u32 s17, v5  }
0x319: {  	v13 =	vor.u32 s17, v4  }
0x31a: {  	vm15 =	veq.s32 v10, $0x0  }
0x31b: {  	s17 =	simm.s32 $0x4220;
	v11 =	vsel vm15, v9, v11  }
0x31c: {  	[tilespmem:s17+$0x0] =	vst v11  }
0x31d: {  	v11 =	vld.idx.msk [tilespmem:v12+s2+$0x0], $0xffff  }
0x31e: {  	v13 =	vld.idx.msk [tilespmem:v13+s2+$0x0], $0xffff  }
0x31f: {  	s11 =	simm.s32 $0x2;
	v14 =	vimm.s32 $0x0  }
0x320: {  	s3 =	simm.s32 $0x3;
	v10 =	vadd.s32 v14, v10;
	v12 =	vor.u32 s11, v5  }
.LBB2_60:
0x321: {  	p0 =	sne.s32 s3, $0x3F;
	v14 =	vor.u32 s11, v4;
	s11 =	smov.u32 s3  }
0x322: {  	vm0 =	veq.s32 v11, $0x0;
	v10 =	vadd.s32 v10, v11  }
0x323: {  	s17 =	sadd.s32 $0x40, s17;
	v11 =	vsel vm0, v9, v13  }
0x324: {  	[tilespmem:s17+$0x0] =	vst v11  }
.Ltmp29:
0x325: {  	v11 =	vld.idx.msk [tilespmem:v12+s2+$0x0], $0xffff;
	(pc) =	sbr.rel @p0 .LBB2_60-.Ltmp29, $2  }
0x326: {  	v13 =	vld.idx.msk [tilespmem:v14+s2+$0x0], $0xffff;
	_ =	sdelay $0x2  }
0x327: {  	s3 =	sadd.s32 $0x1, s3;
	v12 =	vor.u32 s11, v5  }
0x328: {  	v14 =	vor.u32 s11, v4  }
0x329: {  	vm0 =	veq.s32 v11, $0x0  }
0x32a: {  	s3 =	sadd.s32 $0x40, s17;
	v13 =	vsel vm0, v9, v13  }
0x32b: {  	[tilespmem:s3+$0x0] =	vst v13  }
0x32c: {  	v12 =	vld.idx.msk [tilespmem:v12+s2+$0x0], $0xffff  }
0x32d: {  	v13 =	vld.idx.msk [tilespmem:v14+s2+$0x0], $0xffff;
	_ =	sdelay $0x1  }
0x32e: {  	s17 =	simm.s32 $0x0  }
0x32f: {  	v14 =	vor.u32 s17, v7  }
0x330: {  	v15 =	vor.u32 s17, v6;
	vm14 =	veq.s32 v12, $0x0  }
0x331: {  	v10 =	vadd.s32 v10, v11;
	s3 =	sadd.s32 $0x40, s3;
	v9 =	vsel vm14, v9, v13  }
0x332: {  	v10 =	vadd.s32 v10, v12;
	[tilespmem:s3+$0x0] =	vst v9  }
0x333: {  	[tilespmem:$0x122A0] =	vst v10;
	v9 =	vld [tilespmem:$0x130]  }
0x334: {  	v10 =	vld.idx.msk [tilespmem:v14+s2+$0x0], $0xffff  }
0x335: {  	v11 =	vld.idx.msk [tilespmem:v15+s2+$0x0], $0xffff  }
0x336: {  	s17 =	simm.s32 $0x1  }
0x337: {  	v12 =	vor.u32 s17, v7  }
0x338: {  	v13 =	vor.u32 s17, v6  }
0x339: {  	vm15 =	veq.s32 v10, $0x0  }
0x33a: {  	s17 =	simm.s32 $0x4230;
	v11 =	vsel vm15, v9, v11  }
0x33b: {  	[tilespmem:s17+$0x0] =	vst v11  }
0x33c: {  	v11 =	vld.idx.msk [tilespmem:v12+s2+$0x0], $0xffff  }
0x33d: {  	v13 =	vld.idx.msk [tilespmem:v13+s2+$0x0], $0xffff  }
0x33e: {  	s11 =	simm.s32 $0x2;
	v14 =	vimm.s32 $0x0  }
0x33f: {  	s3 =	simm.s32 $0x3;
	v10 =	vadd.s32 v14, v10;
	v12 =	vor.u32 s11, v7  }
.LBB2_62:
0x340: {  	p0 =	sne.s32 s3, $0x3F;
	v14 =	vor.u32 s11, v6;
	s11 =	smov.u32 s3  }
0x341: {  	vm0 =	veq.s32 v11, $0x0;
	v10 =	vadd.s32 v10, v11  }
0x342: {  	s17 =	sadd.s32 $0x40, s17;
	v11 =	vsel vm0, v9, v13  }
0x343: {  	[tilespmem:s17+$0x0] =	vst v11  }
.Ltmp30:
0x344: {  	v11 =	vld.idx.msk [tilespmem:v12+s2+$0x0], $0xffff;
	(pc) =	sbr.rel @p0 .LBB2_62-.Ltmp30, $2  }
0x345: {  	v13 =	vld.idx.msk [tilespmem:v14+s2+$0x0], $0xffff;
	_ =	sdelay $0x2  }
0x346: {  	s3 =	sadd.s32 $0x1, s3;
	v12 =	vor.u32 s11, v7  }
0x347: {  	v14 =	vor.u32 s11, v6  }
0x348: {  	vm0 =	veq.s32 v11, $0x0  }
0x349: {  	s3 =	sadd.s32 $0x40, s17;
	v13 =	vsel vm0, v9, v13  }
0x34a: {  	[tilespmem:s3+$0x0] =	vst v13  }
0x34b: {  	v12 =	vld.idx.msk [tilespmem:v12+s2+$0x0], $0xffff  }
0x34c: {  	v13 =	vld.idx.msk [tilespmem:v14+s2+$0x0], $0xffff;
	_ =	sdelay $0x3  }
0x34d: {  	vm15 =	veq.s32 v12, $0x0  }
0x34e: {  	v10 =	vadd.s32 v10, v11;
	s3 =	sadd.s32 $0x40, s3;
	v9 =	vsel vm15, v9, v13  }
0x34f: {  	v10 =	vadd.s32 v10, v12;
	[tilespmem:s3+$0x0] =	vst v9  }
0x350: {  	s17 =	simm.s32 $0x0;
	s3 =	simm.s32 $0x200;
	[tilespmem:$0x122B0] =	vst v10  }
.LBB2_64:
0x351: {  	p0 =	sne.s32 s3, $0x7E00;
	[tilespmem:s17+$0x8270] =	vst v8  }
0x352: {  	[tilespmem:s17+$0x8200] =	vst v8  }
0x353: {  	[tilespmem:s17+$0x8210] =	vst v8  }
.Ltmp31:
0x354: {  	[tilespmem:s17+$0x8220] =	vst v8;
	(pc) =	sbr.rel @p0 .LBB2_64-.Ltmp31, $4  }
0x355: {  	[tilespmem:s17+$0x8230] =	vst v8  }
0x356: {  	[tilespmem:s17+$0x8240] =	vst v8  }
0x357: {  	[tilespmem:s17+$0x8250] =	vst v8  }
0x358: {  	[tilespmem:s17+$0x8260] =	vst v8;
	s17 =	sshra.s32 s3, $0x2;
	s3 =	sadd.s32 $0x200, s3  }
0x359: {  	[tilespmem:s17+$0x8270] =	vst v8  }
0x35a: {  	[tilespmem:s17+$0x8200] =	vst v8  }
0x35b: {  	[tilespmem:s17+$0x8210] =	vst v8  }
0x35c: {  	[tilespmem:s17+$0x8220] =	vst v8  }
0x35d: {  	[tilespmem:s17+$0x8230] =	vst v8  }
0x35e: {  	[tilespmem:s17+$0x8240] =	vst v8  }
0x35f: {  	[tilespmem:s17+$0x8250] =	vst v8  }
0x360: {  	[tilespmem:s17+$0x8260] =	vst v8;
	s3 =	simm.s32 $0x100;
	s11 =	simm.s32 $0x4200  }
.LBB2_66:
0x361: {  	[tilespmem:s9], [sflag:$0xA] =	stream.indirect.gather.add.f32 [hbm:s24], $0x80, s11, s0, $0xb8;
	[tilespmem:$0x12380] =	vst v63  }
0x362: {  	s11 =	smov.u32 s3;
	p0 =	sne.s32 s3, $0x3F00  }
.Ltmp32:
0x363: {  	s3 =	sadd.s32 $0x100, s3;
	(pc) =	sbr.rel @p0 .LBB2_66-.Ltmp32, $3  }
0x364: {  	_ =	sdelay $0x1  }
0x365: {  	s11 =	sshra.s32 s11, $0x2  }
0x366: {  	s11 =	sadd.s32 $0x4200, s11  }
0x367: {  	[tilespmem:s9], [sflag:$0xA] =	stream.indirect.gather.add.f32 [hbm:s24], $0x80, s11, s0, $0xb8;
	[tilespmem:$0x12380] =	vst v63  }
0x368: {  	_ =	swait.ge [sflag:s29], $0x2000  }
0x369: {  	[sflag:s29] =	ssyncset.done $0x0  }
0x36a: {  	s3 =	simm.s32 $0x40;
	s17 =	simm.s32 $0x140;
	[sflag:s29] =	ssyncadd.s32 $0xFFFFE000  }
0x36b: {  	[tilespmem:s6], [sflag:$0x2] =	stream.indirect.gather [hbm4b:s30+s3], $0x80, s17, s3, $0xb8;
	[tilespmem:$0x12380] =	vst v63  }
0x36c: {  	s11 =	simm.s32 $0x10200  }
0x36d: {  	[tilespmem:s11], [sflag:$0x5] =	stream.indirect.gather [hbm4b:s24+s3], $0x80, s17, s3, $0xb8;
	[tilespmem:$0x12380] =	vst v63  }
0x36e: {  	_ =	swait.ge [sflag:s10], $0x2000  }
0x36f: {  	s3 =	simm.s32 $0x3F;
	[sflag:s10] =	ssyncset.done $0x0  }
.LBB2_68:
0x370: {  	p0 =	sne.s32 s3, $0x1;
	s3 =	sadd.s32 $0xFFFFFFFF, s3;
	[sflag:s10] =	ssyncadd.s32 $0xFFFFE000  }
.Ltmp33:
0x371: {  	(pc) =	sbr.rel @p0 .LBB2_68-.Ltmp33, $3  }
0x372: {  	_ =	sdelay $0x1  }
0x373: {  	_ =	swait.ge [sflag:s10], $0x2000  }
0x374: {  	[sflag:s10] =	ssyncset.done $0x0  }
0x375: {  	[sflag:s10] =	ssyncadd.s32 $0xFFFFE000;
	s3 =	simm.s32 $0x0;
	s11 =	rddreg [dreg:$0x14]  }
0x376: {  	[hbm4b:s11+s3] =	stream.linear.scatter [tilespmem:s5], [sflag:$0xC], $0x2000, $0x38;
	[tilespmem:$0x12380] =	vst v63  }
0x377: {  	s17 =	simm.s32 $0x12200;
	s11 =	rddreg [dreg:$0xd]  }
0x378: {  	[hbm4b:s11+s3] =	stream.linear.scatter [tilespmem:s17], [sflag:$0xF], $0x40, $0x38;
	[tilespmem:$0x12380] =	vst v63  }
0x379: {  	_ =	swait.ge [sflag:s13], $0x2000  }
0x37a: {  	[sflag:s13] =	ssyncset.done $0x0  }
0x37b: {  	s17 =	simm.s32 $0xC200;
	s11 =	rddreg [dreg:$0x15];
	[sflag:s13] =	ssyncadd.s32 $0xFFFFE000  }
0x37c: {  	[hbm4b:s11+s3] =	stream.linear.scatter [tilespmem:s17], [sflag:$0x6], $0x2000, $0x38;
	[tilespmem:$0x12380] =	vst v63  }
0x37d: {  	_ =	swait.ge [sflag:s8], $0x2000  }
0x37e: {  	[sflag:s8] =	ssyncset.done $0x0  }
0x37f: {  	[sflag:s8] =	ssyncadd.s32 $0xFFFFE000  }
0x380: {  	_ =	swait.ge [sflag:s31], $0x40  }
0x381: {  	[sflag:s31] =	ssyncset.done $0x0  }
0x382: {  	v10 =	vor.u32 s3, v1;
	[sflag:s31] =	ssyncadd.s32 $0xFFFFFFC0  }
0x383: {  	v11 =	vor.u32 s3, v0;
	_ =	swait.ge [sflag:s21], $0x2000  }
0x384: {  	[sflag:s21] =	ssyncset.done $0x0  }
0x385: {  	[sflag:s21] =	ssyncadd.s32 $0xFFFFE000  }
0x386: {  	v9 =	vld [tilespmem:$0x140]  }
0x387: {  	v10 =	vld.idx.msk [tilespmem:v10+s6+$0x0], $0xffff  }
0x388: {  	v11 =	vld.idx.msk [tilespmem:v11+s6+$0x0], $0xffff  }
0x389: {  	s17 =	simm.s32 $0x1  }
0x38a: {  	v12 =	vor.u32 s17, v1  }
0x38b: {  	v13 =	vor.u32 s17, v0  }
0x38c: {  	vm0 =	veq.s32 v10, $0x0  }
0x38d: {  	s17 =	simm.s32 $0x5200;
	v11 =	vsel vm0, v9, v11  }
0x38e: {  	[tilespmem:s17+$0x0] =	vst v11  }
0x38f: {  	v11 =	vld.idx.msk [tilespmem:v12+s6+$0x0], $0xffff  }
0x390: {  	v13 =	vld.idx.msk [tilespmem:v13+s6+$0x0], $0xffff  }
0x391: {  	v14 =	vimm.s32 $0x0;
	s11 =	simm.s32 $0x2  }
0x392: {  	s3 =	simm.s32 $0x3;
	v10 =	vadd.s32 v14, v10;
	v12 =	vor.u32 s11, v1  }
.LBB2_70:
0x393: {  	p0 =	sne.s32 s3, $0x3F;
	v14 =	vor.u32 s11, v0;
	s11 =	smov.u32 s3  }
0x394: {  	vm0 =	veq.s32 v11, $0x0;
	v10 =	vadd.s32 v10, v11  }
0x395: {  	s17 =	sadd.s32 $0x40, s17;
	v11 =	vsel vm0, v9, v13  }
0x396: {  	[tilespmem:s17+$0x0] =	vst v11  }
.Ltmp34:
0x397: {  	v11 =	vld.idx.msk [tilespmem:v12+s6+$0x0], $0xffff;
	(pc) =	sbr.rel @p0 .LBB2_70-.Ltmp34, $2  }
0x398: {  	v13 =	vld.idx.msk [tilespmem:v14+s6+$0x0], $0xffff;
	_ =	sdelay $0x2  }
0x399: {  	s3 =	sadd.s32 $0x1, s3;
	v12 =	vor.u32 s11, v1  }
0x39a: {  	v14 =	vor.u32 s11, v0  }
0x39b: {  	vm0 =	veq.s32 v11, $0x0  }
0x39c: {  	s3 =	sadd.s32 $0x40, s17;
	v13 =	vsel vm0, v9, v13  }
0x39d: {  	[tilespmem:s3+$0x0] =	vst v13  }
0x39e: {  	v12 =	vld.idx.msk [tilespmem:v12+s6+$0x0], $0xffff  }
0x39f: {  	v13 =	vld.idx.msk [tilespmem:v14+s6+$0x0], $0xffff;
	_ =	sdelay $0x1  }
0x3a0: {  	s17 =	simm.s32 $0x0  }
0x3a1: {  	v14 =	vor.u32 s17, v3  }
0x3a2: {  	v15 =	vor.u32 s17, v2;
	vm14 =	veq.s32 v12, $0x0  }
0x3a3: {  	v10 =	vadd.s32 v10, v11;
	s3 =	sadd.s32 $0x40, s3;
	v9 =	vsel vm14, v9, v13  }
0x3a4: {  	v10 =	vadd.s32 v10, v12;
	[tilespmem:s3+$0x0] =	vst v9  }
0x3a5: {  	[tilespmem:$0x12300] =	vst v10;
	v9 =	vld [tilespmem:$0x150]  }
0x3a6: {  	v10 =	vld.idx.msk [tilespmem:v14+s6+$0x0], $0xffff  }
0x3a7: {  	v11 =	vld.idx.msk [tilespmem:v15+s6+$0x0], $0xffff  }
0x3a8: {  	s17 =	simm.s32 $0x1  }
0x3a9: {  	v12 =	vor.u32 s17, v3  }
0x3aa: {  	v13 =	vor.u32 s17, v2  }
0x3ab: {  	vm15 =	veq.s32 v10, $0x0  }
0x3ac: {  	s17 =	simm.s32 $0x5210;
	v11 =	vsel vm15, v9, v11  }
0x3ad: {  	[tilespmem:s17+$0x0] =	vst v11  }
0x3ae: {  	v11 =	vld.idx.msk [tilespmem:v12+s6+$0x0], $0xffff  }
0x3af: {  	v13 =	vld.idx.msk [tilespmem:v13+s6+$0x0], $0xffff  }
0x3b0: {  	s11 =	simm.s32 $0x2;
	v14 =	vimm.s32 $0x0  }
0x3b1: {  	s3 =	simm.s32 $0x3;
	v10 =	vadd.s32 v14, v10;
	v12 =	vor.u32 s11, v3  }
.LBB2_72:
0x3b2: {  	p0 =	sne.s32 s3, $0x3F;
	v14 =	vor.u32 s11, v2;
	s11 =	smov.u32 s3  }
0x3b3: {  	vm0 =	veq.s32 v11, $0x0;
	v10 =	vadd.s32 v10, v11  }
0x3b4: {  	s17 =	sadd.s32 $0x40, s17;
	v11 =	vsel vm0, v9, v13  }
0x3b5: {  	[tilespmem:s17+$0x0] =	vst v11  }
.Ltmp35:
0x3b6: {  	v11 =	vld.idx.msk [tilespmem:v12+s6+$0x0], $0xffff;
	(pc) =	sbr.rel @p0 .LBB2_72-.Ltmp35, $2  }
0x3b7: {  	v13 =	vld.idx.msk [tilespmem:v14+s6+$0x0], $0xffff;
	_ =	sdelay $0x2  }
0x3b8: {  	s3 =	sadd.s32 $0x1, s3;
	v12 =	vor.u32 s11, v3  }
0x3b9: {  	v14 =	vor.u32 s11, v2  }
0x3ba: {  	vm0 =	veq.s32 v11, $0x0  }
0x3bb: {  	s3 =	sadd.s32 $0x40, s17;
	v13 =	vsel vm0, v9, v13  }
0x3bc: {  	[tilespmem:s3+$0x0] =	vst v13  }
0x3bd: {  	v12 =	vld.idx.msk [tilespmem:v12+s6+$0x0], $0xffff  }
0x3be: {  	v13 =	vld.idx.msk [tilespmem:v14+s6+$0x0], $0xffff;
	_ =	sdelay $0x1  }
0x3bf: {  	s17 =	simm.s32 $0x0  }
0x3c0: {  	v14 =	vor.u32 s17, v5  }
0x3c1: {  	v15 =	vor.u32 s17, v4;
	vm14 =	veq.s32 v12, $0x0  }
0x3c2: {  	v10 =	vadd.s32 v10, v11;
	s3 =	sadd.s32 $0x40, s3;
	v9 =	vsel vm14, v9, v13  }
0x3c3: {  	v10 =	vadd.s32 v10, v12;
	[tilespmem:s3+$0x0] =	vst v9  }
0x3c4: {  	[tilespmem:$0x12310] =	vst v10;
	v9 =	vld [tilespmem:$0x160]  }
0x3c5: {  	v10 =	vld.idx.msk [tilespmem:v14+s6+$0x0], $0xffff  }
0x3c6: {  	v11 =	vld.idx.msk [tilespmem:v15+s6+$0x0], $0xffff  }
0x3c7: {  	s17 =	simm.s32 $0x1  }
0x3c8: {  	v12 =	vor.u32 s17, v5  }
0x3c9: {  	v13 =	vor.u32 s17, v4  }
0x3ca: {  	vm15 =	veq.s32 v10, $0x0  }
0x3cb: {  	s17 =	simm.s32 $0x5220;
	v11 =	vsel vm15, v9, v11  }
0x3cc: {  	[tilespmem:s17+$0x0] =	vst v11  }
0x3cd: {  	v11 =	vld.idx.msk [tilespmem:v12+s6+$0x0], $0xffff  }
0x3ce: {  	v13 =	vld.idx.msk [tilespmem:v13+s6+$0x0], $0xffff  }
0x3cf: {  	s11 =	simm.s32 $0x2;
	v14 =	vimm.s32 $0x0  }
0x3d0: {  	s3 =	simm.s32 $0x3;
	v10 =	vadd.s32 v14, v10;
	v12 =	vor.u32 s11, v5  }
.LBB2_74:
0x3d1: {  	p0 =	sne.s32 s3, $0x3F;
	v14 =	vor.u32 s11, v4;
	s11 =	smov.u32 s3  }
0x3d2: {  	vm0 =	veq.s32 v11, $0x0;
	v10 =	vadd.s32 v10, v11  }
0x3d3: {  	s17 =	sadd.s32 $0x40, s17;
	v11 =	vsel vm0, v9, v13  }
0x3d4: {  	[tilespmem:s17+$0x0] =	vst v11  }
.Ltmp36:
0x3d5: {  	v11 =	vld.idx.msk [tilespmem:v12+s6+$0x0], $0xffff;
	(pc) =	sbr.rel @p0 .LBB2_74-.Ltmp36, $2  }
0x3d6: {  	v13 =	vld.idx.msk [tilespmem:v14+s6+$0x0], $0xffff;
	_ =	sdelay $0x2  }
0x3d7: {  	s3 =	sadd.s32 $0x1, s3;
	v12 =	vor.u32 s11, v5  }
0x3d8: {  	v14 =	vor.u32 s11, v4  }
0x3d9: {  	vm0 =	veq.s32 v11, $0x0  }
0x3da: {  	s3 =	sadd.s32 $0x40, s17;
	v13 =	vsel vm0, v9, v13  }
0x3db: {  	[tilespmem:s3+$0x0] =	vst v13  }
0x3dc: {  	v12 =	vld.idx.msk [tilespmem:v12+s6+$0x0], $0xffff  }
0x3dd: {  	v13 =	vld.idx.msk [tilespmem:v14+s6+$0x0], $0xffff;
	_ =	sdelay $0x1  }
0x3de: {  	s17 =	simm.s32 $0x0  }
0x3df: {  	v14 =	vor.u32 s17, v7  }
0x3e0: {  	v15 =	vor.u32 s17, v6;
	vm14 =	veq.s32 v12, $0x0  }
0x3e1: {  	v10 =	vadd.s32 v10, v11;
	s3 =	sadd.s32 $0x40, s3;
	v9 =	vsel vm14, v9, v13  }
0x3e2: {  	v10 =	vadd.s32 v10, v12;
	[tilespmem:s3+$0x0] =	vst v9  }
0x3e3: {  	[tilespmem:$0x12320] =	vst v10;
	v9 =	vld [tilespmem:$0x170]  }
0x3e4: {  	v10 =	vld.idx.msk [tilespmem:v14+s6+$0x0], $0xffff  }
0x3e5: {  	v11 =	vld.idx.msk [tilespmem:v15+s6+$0x0], $0xffff  }
0x3e6: {  	s17 =	simm.s32 $0x1  }
0x3e7: {  	v12 =	vor.u32 s17, v7  }
0x3e8: {  	v13 =	vor.u32 s17, v6  }
0x3e9: {  	vm15 =	veq.s32 v10, $0x0  }
0x3ea: {  	s17 =	simm.s32 $0x5230;
	v11 =	vsel vm15, v9, v11  }
0x3eb: {  	[tilespmem:s17+$0x0] =	vst v11  }
0x3ec: {  	v11 =	vld.idx.msk [tilespmem:v12+s6+$0x0], $0xffff  }
0x3ed: {  	v13 =	vld.idx.msk [tilespmem:v13+s6+$0x0], $0xffff  }
0x3ee: {  	s11 =	simm.s32 $0x2;
	v14 =	vimm.s32 $0x0  }
0x3ef: {  	s3 =	simm.s32 $0x3;
	v10 =	vadd.s32 v14, v10;
	v12 =	vor.u32 s11, v7  }
.LBB2_76:
0x3f0: {  	p0 =	sne.s32 s3, $0x3F;
	v14 =	vor.u32 s11, v6;
	s11 =	smov.u32 s3  }
0x3f1: {  	vm0 =	veq.s32 v11, $0x0;
	v10 =	vadd.s32 v10, v11  }
0x3f2: {  	s17 =	sadd.s32 $0x40, s17;
	v11 =	vsel vm0, v9, v13  }
0x3f3: {  	[tilespmem:s17+$0x0] =	vst v11  }
.Ltmp37:
0x3f4: {  	v11 =	vld.idx.msk [tilespmem:v12+s6+$0x0], $0xffff;
	(pc) =	sbr.rel @p0 .LBB2_76-.Ltmp37, $2  }
0x3f5: {  	v13 =	vld.idx.msk [tilespmem:v14+s6+$0x0], $0xffff;
	_ =	sdelay $0x2  }
0x3f6: {  	s3 =	sadd.s32 $0x1, s3;
	v12 =	vor.u32 s11, v7  }
0x3f7: {  	v14 =	vor.u32 s11, v6  }
0x3f8: {  	vm0 =	veq.s32 v11, $0x0  }
0x3f9: {  	s3 =	sadd.s32 $0x40, s17;
	v13 =	vsel vm0, v9, v13  }
0x3fa: {  	[tilespmem:s3+$0x0] =	vst v13  }
0x3fb: {  	v12 =	vld.idx.msk [tilespmem:v12+s6+$0x0], $0xffff  }
0x3fc: {  	v13 =	vld.idx.msk [tilespmem:v14+s6+$0x0], $0xffff;
	_ =	sdelay $0x3  }
0x3fd: {  	vm15 =	veq.s32 v12, $0x0  }
0x3fe: {  	v10 =	vadd.s32 v10, v11;
	s3 =	sadd.s32 $0x40, s3;
	v9 =	vsel vm15, v9, v13  }
0x3ff: {  	v10 =	vadd.s32 v10, v12;
	[tilespmem:s3+$0x0] =	vst v9  }
0x400: {  	s17 =	simm.s32 $0x0;
	s3 =	simm.s32 $0x200;
	[tilespmem:$0x12330] =	vst v10  }
.LBB2_78:
0x401: {  	p0 =	sne.s32 s3, $0x7E00;
	[tilespmem:s17+$0xA270] =	vst v8  }
0x402: {  	[tilespmem:s17+$0xA200] =	vst v8  }
0x403: {  	[tilespmem:s17+$0xA210] =	vst v8  }
.Ltmp38:
0x404: {  	[tilespmem:s17+$0xA220] =	vst v8;
	(pc) =	sbr.rel @p0 .LBB2_78-.Ltmp38, $4  }
0x405: {  	[tilespmem:s17+$0xA230] =	vst v8  }
0x406: {  	[tilespmem:s17+$0xA240] =	vst v8  }
0x407: {  	[tilespmem:s17+$0xA250] =	vst v8  }
0x408: {  	[tilespmem:s17+$0xA260] =	vst v8;
	s17 =	sshra.s32 s3, $0x2;
	s3 =	sadd.s32 $0x200, s3  }
0x409: {  	[tilespmem:s17+$0xA270] =	vst v8  }
0x40a: {  	[tilespmem:s17+$0xA200] =	vst v8  }
0x40b: {  	[tilespmem:s17+$0xA210] =	vst v8  }
0x40c: {  	[tilespmem:s17+$0xA220] =	vst v8  }
0x40d: {  	[tilespmem:s17+$0xA230] =	vst v8  }
0x40e: {  	[tilespmem:s17+$0xA240] =	vst v8  }
0x40f: {  	[tilespmem:s17+$0xA250] =	vst v8  }
0x410: {  	[tilespmem:s17+$0xA260] =	vst v8;
	s3 =	simm.s32 $0x100;
	s11 =	simm.s32 $0x5200  }
.LBB2_80:
0x411: {  	[tilespmem:s14], [sflag:$0xB] =	stream.indirect.gather.add.f32 [hbm:s24], $0x80, s11, s0, $0xb8;
	[tilespmem:$0x12380] =	vst v63  }
0x412: {  	s11 =	smov.u32 s3;
	p0 =	sne.s32 s3, $0x3F00  }
.Ltmp39:
0x413: {  	s3 =	sadd.s32 $0x100, s3;
	(pc) =	sbr.rel @p0 .LBB2_80-.Ltmp39, $3  }
0x414: {  	_ =	sdelay $0x1  }
0x415: {  	s11 =	sshra.s32 s11, $0x2  }
0x416: {  	s11 =	sadd.s32 $0x5200, s11  }
0x417: {  	[tilespmem:s14], [sflag:$0xB] =	stream.indirect.gather.add.f32 [hbm:s24], $0x80, s11, s0, $0xb8;
	[tilespmem:$0x12380] =	vst v63  }
0x418: {  	_ =	swait.ge [sflag:s15], $0x2000  }
0x419: {  	[sflag:s15] =	ssyncset.done $0x0  }
0x41a: {  	s3 =	simm.s32 $0x40;
	s17 =	simm.s32 $0x180;
	[sflag:s15] =	ssyncadd.s32 $0xFFFFE000  }
0x41b: {  	[tilespmem:s2], [sflag:$0x1] =	stream.indirect.gather [hbm4b:s30+s3], $0x80, s17, s3, $0xb8;
	[tilespmem:$0x12380] =	vst v63  }
0x41c: {  	s11 =	simm.s32 $0xC200  }
0x41d: {  	[tilespmem:s11], [sflag:$0x3] =	stream.indirect.gather [hbm4b:s24+s3], $0x80, s17, s3, $0xb8;
	[tilespmem:$0x12380] =	vst v63  }
0x41e: {  	_ =	swait.ge [sflag:s16], $0x2000  }
0x41f: {  	s3 =	simm.s32 $0x3F;
	[sflag:s16] =	ssyncset.done $0x0  }
.LBB2_82:
0x420: {  	p0 =	sne.s32 s3, $0x1;
	s3 =	sadd.s32 $0xFFFFFFFF, s3;
	[sflag:s16] =	ssyncadd.s32 $0xFFFFE000  }
.Ltmp40:
0x421: {  	(pc) =	sbr.rel @p0 .LBB2_82-.Ltmp40, $3  }
0x422: {  	_ =	sdelay $0x1  }
0x423: {  	_ =	swait.ge [sflag:s16], $0x2000  }
0x424: {  	[sflag:s16] =	ssyncset.done $0x0  }
0x425: {  	[sflag:s16] =	ssyncadd.s32 $0xFFFFE000;
	s3 =	simm.s32 $0x0;
	s11 =	rddreg [dreg:$0x16]  }
0x426: {  	[hbm4b:s11+s3] =	stream.linear.scatter [tilespmem:s9], [sflag:$0xD], $0x2000, $0x38;
	[tilespmem:$0x12380] =	vst v63  }
0x427: {  	s17 =	simm.s32 $0x12280;
	s11 =	rddreg [dreg:$0xe]  }
0x428: {  	[hbm4b:s11+s3] =	stream.linear.scatter [tilespmem:s17], [sflag:$0x10], $0x40, $0x38;
	[tilespmem:$0x12380] =	vst v63  }
0x429: {  	_ =	swait.ge [sflag:s18], $0x2000  }
0x42a: {  	[sflag:s18] =	ssyncset.done $0x0  }
0x42b: {  	s17 =	rddreg [dreg:$0x17];
	[sflag:s18] =	ssyncadd.s32 $0xFFFFE000  }
0x42c: {  	[hbm4b:s17+s3] =	stream.linear.scatter [tilespmem:s7], [sflag:$0x7], $0x2000, $0x38;
	[tilespmem:$0x12380] =	vst v63  }
0x42d: {  	_ =	swait.ge [sflag:s4], $0x2000  }
0x42e: {  	[sflag:s4] =	ssyncset.done $0x0  }
0x42f: {  	[sflag:s4] =	ssyncadd.s32 $0xFFFFE000  }
0x430: {  	_ =	swait.ge [sflag:s19], $0x40  }
0x431: {  	[sflag:s19] =	ssyncset.done $0x0  }
0x432: {  	v10 =	vor.u32 s3, v1;
	[sflag:s19] =	ssyncadd.s32 $0xFFFFFFC0  }
0x433: {  	v11 =	vor.u32 s3, v0;
	_ =	swait.ge [sflag:s20], $0x2000  }
0x434: {  	[sflag:s20] =	ssyncset.done $0x0  }
0x435: {  	[sflag:s20] =	ssyncadd.s32 $0xFFFFE000  }
0x436: {  	v9 =	vld [tilespmem:$0x180]  }
0x437: {  	v10 =	vld.idx.msk [tilespmem:v10+s2+$0x0], $0xffff  }
0x438: {  	v11 =	vld.idx.msk [tilespmem:v11+s2+$0x0], $0xffff  }
0x439: {  	s17 =	simm.s32 $0x1  }
0x43a: {  	v12 =	vor.u32 s17, v1  }
0x43b: {  	v13 =	vor.u32 s17, v0  }
0x43c: {  	vm0 =	veq.s32 v10, $0x0  }
0x43d: {  	s17 =	simm.s32 $0x4200;
	v11 =	vsel vm0, v9, v11  }
0x43e: {  	[tilespmem:s17+$0x0] =	vst v11  }
0x43f: {  	v11 =	vld.idx.msk [tilespmem:v12+s2+$0x0], $0xffff  }
0x440: {  	v13 =	vld.idx.msk [tilespmem:v13+s2+$0x0], $0xffff  }
0x441: {  	v14 =	vimm.s32 $0x0;
	s11 =	simm.s32 $0x2  }
0x442: {  	s3 =	simm.s32 $0x3;
	v10 =	vadd.s32 v14, v10;
	v12 =	vor.u32 s11, v1  }
.LBB2_84:
0x443: {  	p0 =	sne.s32 s3, $0x3F;
	v14 =	vor.u32 s11, v0;
	s11 =	smov.u32 s3  }
0x444: {  	vm0 =	veq.s32 v11, $0x0;
	v10 =	vadd.s32 v10, v11  }
0x445: {  	s17 =	sadd.s32 $0x40, s17;
	v11 =	vsel vm0, v9, v13  }
0x446: {  	[tilespmem:s17+$0x0] =	vst v11  }
.Ltmp41:
0x447: {  	v11 =	vld.idx.msk [tilespmem:v12+s2+$0x0], $0xffff;
	(pc) =	sbr.rel @p0 .LBB2_84-.Ltmp41, $2  }
0x448: {  	v13 =	vld.idx.msk [tilespmem:v14+s2+$0x0], $0xffff;
	_ =	sdelay $0x2  }
0x449: {  	s3 =	sadd.s32 $0x1, s3;
	v12 =	vor.u32 s11, v1  }
0x44a: {  	v14 =	vor.u32 s11, v0  }
0x44b: {  	vm0 =	veq.s32 v11, $0x0  }
0x44c: {  	s3 =	sadd.s32 $0x40, s17;
	v13 =	vsel vm0, v9, v13  }
0x44d: {  	[tilespmem:s3+$0x0] =	vst v13  }
0x44e: {  	v12 =	vld.idx.msk [tilespmem:v12+s2+$0x0], $0xffff  }
0x44f: {  	v13 =	vld.idx.msk [tilespmem:v14+s2+$0x0], $0xffff;
	_ =	sdelay $0x1  }
0x450: {  	s17 =	simm.s32 $0x0  }
0x451: {  	v14 =	vor.u32 s17, v3  }
0x452: {  	v15 =	vor.u32 s17, v2;
	vm14 =	veq.s32 v12, $0x0  }
0x453: {  	v10 =	vadd.s32 v10, v11;
	s3 =	sadd.s32 $0x40, s3;
	v9 =	vsel vm14, v9, v13  }
0x454: {  	v10 =	vadd.s32 v10, v12;
	[tilespmem:s3+$0x0] =	vst v9  }
0x455: {  	[tilespmem:$0x12200] =	vst v10;
	v9 =	vld [tilespmem:$0x190]  }
0x456: {  	v10 =	vld.idx.msk [tilespmem:v14+s2+$0x0], $0xffff  }
0x457: {  	v11 =	vld.idx.msk [tilespmem:v15+s2+$0x0], $0xffff  }
0x458: {  	s17 =	simm.s32 $0x1  }
0x459: {  	v12 =	vor.u32 s17, v3  }
0x45a: {  	v13 =	vor.u32 s17, v2  }
0x45b: {  	vm15 =	veq.s32 v10, $0x0  }
0x45c: {  	s17 =	simm.s32 $0x4210;
	v11 =	vsel vm15, v9, v11  }
0x45d: {  	[tilespmem:s17+$0x0] =	vst v11  }
0x45e: {  	v11 =	vld.idx.msk [tilespmem:v12+s2+$0x0], $0xffff  }
0x45f: {  	v13 =	vld.idx.msk [tilespmem:v13+s2+$0x0], $0xffff  }
0x460: {  	s11 =	simm.s32 $0x2;
	v14 =	vimm.s32 $0x0  }
0x461: {  	s3 =	simm.s32 $0x3;
	v10 =	vadd.s32 v14, v10;
	v12 =	vor.u32 s11, v3  }
.LBB2_86:
0x462: {  	p0 =	sne.s32 s3, $0x3F;
	v14 =	vor.u32 s11, v2;
	s11 =	smov.u32 s3  }
0x463: {  	vm0 =	veq.s32 v11, $0x0;
	v10 =	vadd.s32 v10, v11  }
0x464: {  	s17 =	sadd.s32 $0x40, s17;
	v11 =	vsel vm0, v9, v13  }
0x465: {  	[tilespmem:s17+$0x0] =	vst v11  }
.Ltmp42:
0x466: {  	v11 =	vld.idx.msk [tilespmem:v12+s2+$0x0], $0xffff;
	(pc) =	sbr.rel @p0 .LBB2_86-.Ltmp42, $2  }
0x467: {  	v13 =	vld.idx.msk [tilespmem:v14+s2+$0x0], $0xffff;
	_ =	sdelay $0x2  }
0x468: {  	s3 =	sadd.s32 $0x1, s3;
	v12 =	vor.u32 s11, v3  }
0x469: {  	v14 =	vor.u32 s11, v2  }
0x46a: {  	vm0 =	veq.s32 v11, $0x0  }
0x46b: {  	s3 =	sadd.s32 $0x40, s17;
	v13 =	vsel vm0, v9, v13  }
0x46c: {  	[tilespmem:s3+$0x0] =	vst v13  }
0x46d: {  	v12 =	vld.idx.msk [tilespmem:v12+s2+$0x0], $0xffff  }
0x46e: {  	v13 =	vld.idx.msk [tilespmem:v14+s2+$0x0], $0xffff;
	_ =	sdelay $0x1  }
0x46f: {  	s17 =	simm.s32 $0x0  }
0x470: {  	v14 =	vor.u32 s17, v5  }
0x471: {  	v15 =	vor.u32 s17, v4;
	vm14 =	veq.s32 v12, $0x0  }
0x472: {  	v10 =	vadd.s32 v10, v11;
	s3 =	sadd.s32 $0x40, s3;
	v9 =	vsel vm14, v9, v13  }
0x473: {  	v10 =	vadd.s32 v10, v12;
	[tilespmem:s3+$0x0] =	vst v9  }
0x474: {  	[tilespmem:$0x12210] =	vst v10;
	v9 =	vld [tilespmem:$0x1A0]  }
0x475: {  	v10 =	vld.idx.msk [tilespmem:v14+s2+$0x0], $0xffff  }
0x476: {  	v11 =	vld.idx.msk [tilespmem:v15+s2+$0x0], $0xffff  }
0x477: {  	s17 =	simm.s32 $0x1  }
0x478: {  	v12 =	vor.u32 s17, v5  }
0x479: {  	v13 =	vor.u32 s17, v4  }
0x47a: {  	vm15 =	veq.s32 v10, $0x0  }
0x47b: {  	s17 =	simm.s32 $0x4220;
	v11 =	vsel vm15, v9, v11  }
0x47c: {  	[tilespmem:s17+$0x0] =	vst v11  }
0x47d: {  	v11 =	vld.idx.msk [tilespmem:v12+s2+$0x0], $0xffff  }
0x47e: {  	v13 =	vld.idx.msk [tilespmem:v13+s2+$0x0], $0xffff  }
0x47f: {  	s11 =	simm.s32 $0x2;
	v14 =	vimm.s32 $0x0  }
0x480: {  	s3 =	simm.s32 $0x3;
	v10 =	vadd.s32 v14, v10;
	v12 =	vor.u32 s11, v5  }
.LBB2_88:
0x481: {  	p0 =	sne.s32 s3, $0x3F;
	v14 =	vor.u32 s11, v4;
	s11 =	smov.u32 s3  }
0x482: {  	vm0 =	veq.s32 v11, $0x0;
	v10 =	vadd.s32 v10, v11  }
0x483: {  	s17 =	sadd.s32 $0x40, s17;
	v11 =	vsel vm0, v9, v13  }
0x484: {  	[tilespmem:s17+$0x0] =	vst v11  }
.Ltmp43:
0x485: {  	v11 =	vld.idx.msk [tilespmem:v12+s2+$0x0], $0xffff;
	(pc) =	sbr.rel @p0 .LBB2_88-.Ltmp43, $2  }
0x486: {  	v13 =	vld.idx.msk [tilespmem:v14+s2+$0x0], $0xffff;
	_ =	sdelay $0x2  }
0x487: {  	s3 =	sadd.s32 $0x1, s3;
	v12 =	vor.u32 s11, v5  }
0x488: {  	v14 =	vor.u32 s11, v4  }
0x489: {  	vm0 =	veq.s32 v11, $0x0  }
0x48a: {  	s3 =	sadd.s32 $0x40, s17;
	v13 =	vsel vm0, v9, v13  }
0x48b: {  	[tilespmem:s3+$0x0] =	vst v13  }
0x48c: {  	v12 =	vld.idx.msk [tilespmem:v12+s2+$0x0], $0xffff  }
0x48d: {  	v13 =	vld.idx.msk [tilespmem:v14+s2+$0x0], $0xffff;
	_ =	sdelay $0x1  }
0x48e: {  	s17 =	simm.s32 $0x0  }
0x48f: {  	v14 =	vor.u32 s17, v7  }
0x490: {  	v15 =	vor.u32 s17, v6;
	vm14 =	veq.s32 v12, $0x0  }
0x491: {  	v10 =	vadd.s32 v10, v11;
	s3 =	sadd.s32 $0x40, s3;
	v9 =	vsel vm14, v9, v13  }
0x492: {  	v10 =	vadd.s32 v10, v12;
	[tilespmem:s3+$0x0] =	vst v9  }
0x493: {  	[tilespmem:$0x12220] =	vst v10;
	v9 =	vld [tilespmem:$0x1B0]  }
0x494: {  	v10 =	vld.idx.msk [tilespmem:v14+s2+$0x0], $0xffff  }
0x495: {  	v11 =	vld.idx.msk [tilespmem:v15+s2+$0x0], $0xffff  }
0x496: {  	s17 =	simm.s32 $0x1  }
0x497: {  	v12 =	vor.u32 s17, v7  }
0x498: {  	v13 =	vor.u32 s17, v6  }
0x499: {  	vm15 =	veq.s32 v10, $0x0  }
0x49a: {  	s17 =	simm.s32 $0x4230;
	v11 =	vsel vm15, v9, v11  }
0x49b: {  	[tilespmem:s17+$0x0] =	vst v11  }
0x49c: {  	v11 =	vld.idx.msk [tilespmem:v12+s2+$0x0], $0xffff  }
0x49d: {  	v13 =	vld.idx.msk [tilespmem:v13+s2+$0x0], $0xffff  }
0x49e: {  	s11 =	simm.s32 $0x2;
	v14 =	vimm.s32 $0x0  }
0x49f: {  	s3 =	simm.s32 $0x3;
	v10 =	vadd.s32 v14, v10;
	v12 =	vor.u32 s11, v7  }
.LBB2_90:
0x4a0: {  	p0 =	sne.s32 s3, $0x3F;
	v14 =	vor.u32 s11, v6;
	s11 =	smov.u32 s3  }
0x4a1: {  	vm0 =	veq.s32 v11, $0x0;
	v10 =	vadd.s32 v10, v11  }
0x4a2: {  	s17 =	sadd.s32 $0x40, s17;
	v11 =	vsel vm0, v9, v13  }
0x4a3: {  	[tilespmem:s17+$0x0] =	vst v11  }
.Ltmp44:
0x4a4: {  	v11 =	vld.idx.msk [tilespmem:v12+s2+$0x0], $0xffff;
	(pc) =	sbr.rel @p0 .LBB2_90-.Ltmp44, $2  }
0x4a5: {  	v13 =	vld.idx.msk [tilespmem:v14+s2+$0x0], $0xffff;
	_ =	sdelay $0x2  }
0x4a6: {  	s3 =	sadd.s32 $0x1, s3;
	v12 =	vor.u32 s11, v7  }
0x4a7: {  	v14 =	vor.u32 s11, v6  }
0x4a8: {  	vm0 =	veq.s32 v11, $0x0  }
0x4a9: {  	s3 =	sadd.s32 $0x40, s17;
	v13 =	vsel vm0, v9, v13  }
0x4aa: {  	[tilespmem:s3+$0x0] =	vst v13  }
0x4ab: {  	v12 =	vld.idx.msk [tilespmem:v12+s2+$0x0], $0xffff  }
0x4ac: {  	v13 =	vld.idx.msk [tilespmem:v14+s2+$0x0], $0xffff;
	_ =	sdelay $0x3  }
0x4ad: {  	vm15 =	veq.s32 v12, $0x0  }
0x4ae: {  	v10 =	vadd.s32 v10, v11;
	s3 =	sadd.s32 $0x40, s3;
	v9 =	vsel vm15, v9, v13  }
0x4af: {  	v10 =	vadd.s32 v10, v12;
	[tilespmem:s3+$0x0] =	vst v9  }
0x4b0: {  	s17 =	simm.s32 $0x0;
	s3 =	simm.s32 $0x200;
	[tilespmem:$0x12230] =	vst v10  }
.LBB2_92:
0x4b1: {  	p0 =	sne.s32 s3, $0x7E00;
	[tilespmem:s17+$0x6270] =	vst v8  }
0x4b2: {  	[tilespmem:s17+$0x6200] =	vst v8  }
0x4b3: {  	[tilespmem:s17+$0x6210] =	vst v8  }
.Ltmp45:
0x4b4: {  	[tilespmem:s17+$0x6220] =	vst v8;
	(pc) =	sbr.rel @p0 .LBB2_92-.Ltmp45, $4  }
0x4b5: {  	[tilespmem:s17+$0x6230] =	vst v8  }
0x4b6: {  	[tilespmem:s17+$0x6240] =	vst v8  }
0x4b7: {  	[tilespmem:s17+$0x6250] =	vst v8  }
0x4b8: {  	[tilespmem:s17+$0x6260] =	vst v8;
	s17 =	sshra.s32 s3, $0x2;
	s3 =	sadd.s32 $0x200, s3  }
0x4b9: {  	[tilespmem:s17+$0x6270] =	vst v8  }
0x4ba: {  	[tilespmem:s17+$0x6200] =	vst v8  }
0x4bb: {  	[tilespmem:s17+$0x6210] =	vst v8  }
0x4bc: {  	[tilespmem:s17+$0x6220] =	vst v8  }
0x4bd: {  	[tilespmem:s17+$0x6230] =	vst v8  }
0x4be: {  	[tilespmem:s17+$0x6240] =	vst v8  }
0x4bf: {  	[tilespmem:s17+$0x6250] =	vst v8  }
0x4c0: {  	[tilespmem:s17+$0x6260] =	vst v8;
	s3 =	simm.s32 $0x100;
	s11 =	simm.s32 $0x4200  }
.LBB2_94:
0x4c1: {  	[tilespmem:s5], [sflag:$0x9] =	stream.indirect.gather.add.f32 [hbm:s24], $0x80, s11, s0, $0xb8;
	[tilespmem:$0x12380] =	vst v63  }
0x4c2: {  	s11 =	smov.u32 s3;
	p0 =	sne.s32 s3, $0x3F00  }
.Ltmp46:
0x4c3: {  	s3 =	sadd.s32 $0x100, s3;
	(pc) =	sbr.rel @p0 .LBB2_94-.Ltmp46, $3  }
0x4c4: {  	_ =	sdelay $0x1  }
0x4c5: {  	s11 =	sshra.s32 s11, $0x2  }
0x4c6: {  	s11 =	sadd.s32 $0x4200, s11  }
0x4c7: {  	[tilespmem:s5], [sflag:$0x9] =	stream.indirect.gather.add.f32 [hbm:s24], $0x80, s11, s0, $0xb8;
	[tilespmem:$0x12380] =	vst v63  }
0x4c8: {  	_ =	swait.ge [sflag:s22], $0x2000  }
0x4c9: {  	[sflag:s22] =	ssyncset.done $0x0  }
0x4ca: {  	s3 =	simm.s32 $0x40;
	s17 =	simm.s32 $0x1C0;
	[sflag:s22] =	ssyncadd.s32 $0xFFFFE000  }
0x4cb: {  	[tilespmem:s6], [sflag:$0x2] =	stream.indirect.gather [hbm4b:s30+s3], $0x80, s17, s3, $0xb8;
	[tilespmem:$0x12380] =	vst v63  }
0x4cc: {  	_ = 	snop  }
0x4cd: {  	[tilespmem:s7], [sflag:$0x4] =	stream.indirect.gather [hbm4b:s24+s3], $0x80, s17, s3, $0xb8;
	[tilespmem:$0x12380] =	vst v63  }
0x4ce: {  	_ =	swait.ge [sflag:s23], $0x2000  }
0x4cf: {  	s3 =	simm.s32 $0x3F;
	[sflag:s23] =	ssyncset.done $0x0  }
.LBB2_96:
0x4d0: {  	p0 =	sne.s32 s3, $0x1;
	s3 =	sadd.s32 $0xFFFFFFFF, s3;
	[sflag:s23] =	ssyncadd.s32 $0xFFFFE000  }
.Ltmp47:
0x4d1: {  	(pc) =	sbr.rel @p0 .LBB2_96-.Ltmp47, $3  }
0x4d2: {  	_ =	sdelay $0x1  }
0x4d3: {  	_ =	swait.ge [sflag:s23], $0x2000  }
0x4d4: {  	[sflag:s23] =	ssyncset.done $0x0  }
0x4d5: {  	[sflag:s23] =	ssyncadd.s32 $0xFFFFE000;
	s3 =	simm.s32 $0x0;
	s11 =	rddreg [dreg:$0x18]  }
0x4d6: {  	[hbm4b:s11+s3] =	stream.linear.scatter [tilespmem:s14], [sflag:$0xE], $0x2000, $0x38;
	[tilespmem:$0x12380] =	vst v63  }
0x4d7: {  	s17 =	simm.s32 $0x12300;
	s11 =	rddreg [dreg:$0xf]  }
0x4d8: {  	[hbm4b:s11+s3] =	stream.linear.scatter [tilespmem:s17], [sflag:$0x11], $0x40, $0x38;
	[tilespmem:$0x12380] =	vst v63  }
0x4d9: {  	_ =	swait.ge [sflag:s25], $0x2000  }
0x4da: {  	[sflag:s25] =	ssyncset.done $0x0  }
0x4db: {  	s17 =	simm.s32 $0x10200;
	s11 =	rddreg [dreg:$0x19];
	[sflag:s25] =	ssyncadd.s32 $0xFFFFE000  }
0x4dc: {  	[hbm4b:s11+s3] =	stream.linear.scatter [tilespmem:s17], [sflag:$0x8], $0x2000, $0x38;
	[tilespmem:$0x12380] =	vst v63  }
0x4dd: {  	_ =	swait.ge [sflag:s8], $0x2000  }
0x4de: {  	[sflag:s8] =	ssyncset.done $0x0  }
0x4df: {  	[sflag:s8] =	ssyncadd.s32 $0xFFFFE000  }
0x4e0: {  	_ =	swait.ge [sflag:s26], $0x40  }
0x4e1: {  	[sflag:s26] =	ssyncset.done $0x0  }
0x4e2: {  	v10 =	vor.u32 s3, v1;
	[sflag:s26] =	ssyncadd.s32 $0xFFFFFFC0  }
0x4e3: {  	v11 =	vor.u32 s3, v0;
	_ =	swait.ge [sflag:s28], $0x2000  }
0x4e4: {  	[sflag:s28] =	ssyncset.done $0x0  }
0x4e5: {  	[sflag:s28] =	ssyncadd.s32 $0xFFFFE000  }
0x4e6: {  	v9 =	vld [tilespmem:$0x1C0]  }
0x4e7: {  	v10 =	vld.idx.msk [tilespmem:v10+s6+$0x0], $0xffff  }
0x4e8: {  	v11 =	vld.idx.msk [tilespmem:v11+s6+$0x0], $0xffff  }
0x4e9: {  	s17 =	simm.s32 $0x1  }
0x4ea: {  	v12 =	vor.u32 s17, v1  }
0x4eb: {  	v13 =	vor.u32 s17, v0  }
0x4ec: {  	vm0 =	veq.s32 v10, $0x0  }
0x4ed: {  	s17 =	simm.s32 $0x5200;
	v11 =	vsel vm0, v9, v11  }
0x4ee: {  	[tilespmem:s17+$0x0] =	vst v11  }
0x4ef: {  	v11 =	vld.idx.msk [tilespmem:v12+s6+$0x0], $0xffff  }
0x4f0: {  	v13 =	vld.idx.msk [tilespmem:v13+s6+$0x0], $0xffff  }
0x4f1: {  	v14 =	vimm.s32 $0x0;
	s11 =	simm.s32 $0x2  }
0x4f2: {  	s3 =	simm.s32 $0x3;
	v10 =	vadd.s32 v14, v10;
	v12 =	vor.u32 s11, v1  }
.LBB2_98:
0x4f3: {  	p0 =	sne.s32 s3, $0x3F;
	v14 =	vor.u32 s11, v0;
	s11 =	smov.u32 s3  }
0x4f4: {  	vm0 =	veq.s32 v11, $0x0;
	v10 =	vadd.s32 v10, v11  }
0x4f5: {  	s17 =	sadd.s32 $0x40, s17;
	v11 =	vsel vm0, v9, v13  }
0x4f6: {  	[tilespmem:s17+$0x0] =	vst v11  }
.Ltmp48:
0x4f7: {  	v11 =	vld.idx.msk [tilespmem:v12+s6+$0x0], $0xffff;
	(pc) =	sbr.rel @p0 .LBB2_98-.Ltmp48, $2  }
0x4f8: {  	v13 =	vld.idx.msk [tilespmem:v14+s6+$0x0], $0xffff;
	_ =	sdelay $0x2  }
0x4f9: {  	s3 =	sadd.s32 $0x1, s3;
	v12 =	vor.u32 s11, v1  }
0x4fa: {  	v14 =	vor.u32 s11, v0  }
0x4fb: {  	vm0 =	veq.s32 v11, $0x0  }
0x4fc: {  	s3 =	sadd.s32 $0x40, s17;
	v13 =	vsel vm0, v9, v13  }
0x4fd: {  	[tilespmem:s3+$0x0] =	vst v13  }
0x4fe: {  	v12 =	vld.idx.msk [tilespmem:v12+s6+$0x0], $0xffff  }
0x4ff: {  	v13 =	vld.idx.msk [tilespmem:v14+s6+$0x0], $0xffff;
	_ =	sdelay $0x1  }
0x500: {  	s17 =	simm.s32 $0x0  }
0x501: {  	v14 =	vor.u32 s17, v3  }
0x502: {  	v15 =	vor.u32 s17, v2;
	vm14 =	veq.s32 v12, $0x0  }
0x503: {  	v10 =	vadd.s32 v10, v11;
	s3 =	sadd.s32 $0x40, s3;
	v9 =	vsel vm14, v9, v13  }
0x504: {  	v10 =	vadd.s32 v10, v12;
	[tilespmem:s3+$0x0] =	vst v9  }
0x505: {  	[tilespmem:$0x12280] =	vst v10;
	v9 =	vld [tilespmem:$0x1D0]  }
0x506: {  	v10 =	vld.idx.msk [tilespmem:v14+s6+$0x0], $0xffff  }
0x507: {  	v11 =	vld.idx.msk [tilespmem:v15+s6+$0x0], $0xffff  }
0x508: {  	s17 =	simm.s32 $0x1  }
0x509: {  	v12 =	vor.u32 s17, v3  }
0x50a: {  	v13 =	vor.u32 s17, v2  }
0x50b: {  	vm15 =	veq.s32 v10, $0x0  }
0x50c: {  	s17 =	simm.s32 $0x5210;
	v11 =	vsel vm15, v9, v11  }
0x50d: {  	[tilespmem:s17+$0x0] =	vst v11  }
0x50e: {  	v11 =	vld.idx.msk [tilespmem:v12+s6+$0x0], $0xffff  }
0x50f: {  	v13 =	vld.idx.msk [tilespmem:v13+s6+$0x0], $0xffff  }
0x510: {  	s11 =	simm.s32 $0x2;
	v14 =	vimm.s32 $0x0  }
0x511: {  	s3 =	simm.s32 $0x3;
	v10 =	vadd.s32 v14, v10;
	v12 =	vor.u32 s11, v3  }
.LBB2_100:
0x512: {  	p0 =	sne.s32 s3, $0x3F;
	v14 =	vor.u32 s11, v2;
	s11 =	smov.u32 s3  }
0x513: {  	vm0 =	veq.s32 v11, $0x0;
	v10 =	vadd.s32 v10, v11  }
0x514: {  	s17 =	sadd.s32 $0x40, s17;
	v11 =	vsel vm0, v9, v13  }
0x515: {  	[tilespmem:s17+$0x0] =	vst v11  }
.Ltmp49:
0x516: {  	v11 =	vld.idx.msk [tilespmem:v12+s6+$0x0], $0xffff;
	(pc) =	sbr.rel @p0 .LBB2_100-.Ltmp49, $2  }
0x517: {  	v13 =	vld.idx.msk [tilespmem:v14+s6+$0x0], $0xffff;
	_ =	sdelay $0x2  }
0x518: {  	s3 =	sadd.s32 $0x1, s3;
	v12 =	vor.u32 s11, v3  }
0x519: {  	v14 =	vor.u32 s11, v2  }
0x51a: {  	vm0 =	veq.s32 v11, $0x0  }
0x51b: {  	s3 =	sadd.s32 $0x40, s17;
	v13 =	vsel vm0, v9, v13  }
0x51c: {  	[tilespmem:s3+$0x0] =	vst v13  }
0x51d: {  	v12 =	vld.idx.msk [tilespmem:v12+s6+$0x0], $0xffff  }
0x51e: {  	v13 =	vld.idx.msk [tilespmem:v14+s6+$0x0], $0xffff;
	_ =	sdelay $0x1  }
0x51f: {  	s17 =	simm.s32 $0x0  }
0x520: {  	v14 =	vor.u32 s17, v5  }
0x521: {  	v15 =	vor.u32 s17, v4;
	vm14 =	veq.s32 v12, $0x0  }
0x522: {  	v10 =	vadd.s32 v10, v11;
	s3 =	sadd.s32 $0x40, s3;
	v9 =	vsel vm14, v9, v13  }
0x523: {  	v10 =	vadd.s32 v10, v12;
	[tilespmem:s3+$0x0] =	vst v9  }
0x524: {  	[tilespmem:$0x12290] =	vst v10;
	v9 =	vld [tilespmem:$0x1E0]  }
0x525: {  	v10 =	vld.idx.msk [tilespmem:v14+s6+$0x0], $0xffff  }
0x526: {  	v11 =	vld.idx.msk [tilespmem:v15+s6+$0x0], $0xffff  }
0x527: {  	s17 =	simm.s32 $0x1  }
0x528: {  	v12 =	vor.u32 s17, v5  }
0x529: {  	v13 =	vor.u32 s17, v4  }
0x52a: {  	vm15 =	veq.s32 v10, $0x0  }
0x52b: {  	s17 =	simm.s32 $0x5220;
	v11 =	vsel vm15, v9, v11  }
0x52c: {  	[tilespmem:s17+$0x0] =	vst v11  }
0x52d: {  	v11 =	vld.idx.msk [tilespmem:v12+s6+$0x0], $0xffff  }
0x52e: {  	v13 =	vld.idx.msk [tilespmem:v13+s6+$0x0], $0xffff  }
0x52f: {  	s11 =	simm.s32 $0x2;
	v14 =	vimm.s32 $0x0  }
0x530: {  	s3 =	simm.s32 $0x3;
	v10 =	vadd.s32 v14, v10;
	v12 =	vor.u32 s11, v5  }
.LBB2_102:
0x531: {  	p0 =	sne.s32 s3, $0x3F;
	v14 =	vor.u32 s11, v4;
	s11 =	smov.u32 s3  }
0x532: {  	vm0 =	veq.s32 v11, $0x0;
	v10 =	vadd.s32 v10, v11  }
0x533: {  	s17 =	sadd.s32 $0x40, s17;
	v11 =	vsel vm0, v9, v13  }
0x534: {  	[tilespmem:s17+$0x0] =	vst v11  }
.Ltmp50:
0x535: {  	v11 =	vld.idx.msk [tilespmem:v12+s6+$0x0], $0xffff;
	(pc) =	sbr.rel @p0 .LBB2_102-.Ltmp50, $2  }
0x536: {  	v13 =	vld.idx.msk [tilespmem:v14+s6+$0x0], $0xffff;
	_ =	sdelay $0x2  }
0x537: {  	s3 =	sadd.s32 $0x1, s3;
	v12 =	vor.u32 s11, v5  }
0x538: {  	v14 =	vor.u32 s11, v4  }
0x539: {  	vm0 =	veq.s32 v11, $0x0  }
0x53a: {  	s3 =	sadd.s32 $0x40, s17;
	v13 =	vsel vm0, v9, v13  }
0x53b: {  	[tilespmem:s3+$0x0] =	vst v13  }
0x53c: {  	v12 =	vld.idx.msk [tilespmem:v12+s6+$0x0], $0xffff  }
0x53d: {  	v13 =	vld.idx.msk [tilespmem:v14+s6+$0x0], $0xffff;
	_ =	sdelay $0x1  }
0x53e: {  	s17 =	simm.s32 $0x0  }
0x53f: {  	v14 =	vor.u32 s17, v7  }
0x540: {  	v15 =	vor.u32 s17, v6;
	vm14 =	veq.s32 v12, $0x0  }
0x541: {  	v10 =	vadd.s32 v10, v11;
	s3 =	sadd.s32 $0x40, s3;
	v9 =	vsel vm14, v9, v13  }
0x542: {  	v10 =	vadd.s32 v10, v12;
	[tilespmem:s3+$0x0] =	vst v9  }
0x543: {  	[tilespmem:$0x122A0] =	vst v10;
	v9 =	vld [tilespmem:$0x1F0]  }
0x544: {  	v10 =	vld.idx.msk [tilespmem:v14+s6+$0x0], $0xffff  }
0x545: {  	v11 =	vld.idx.msk [tilespmem:v15+s6+$0x0], $0xffff  }
0x546: {  	s17 =	simm.s32 $0x1  }
0x547: {  	v12 =	vor.u32 s17, v7  }
0x548: {  	v13 =	vor.u32 s17, v6  }
0x549: {  	vm15 =	veq.s32 v10, $0x0  }
0x54a: {  	s17 =	simm.s32 $0x5230;
	v11 =	vsel vm15, v9, v11  }
0x54b: {  	[tilespmem:s17+$0x0] =	vst v11  }
0x54c: {  	v11 =	vld.idx.msk [tilespmem:v12+s6+$0x0], $0xffff  }
0x54d: {  	v13 =	vld.idx.msk [tilespmem:v13+s6+$0x0], $0xffff  }
0x54e: {  	s11 =	simm.s32 $0x2;
	v14 =	vimm.s32 $0x0  }
0x54f: {  	s3 =	simm.s32 $0x3;
	v10 =	vadd.s32 v14, v10;
	v12 =	vor.u32 s11, v7  }
.LBB2_104:
0x550: {  	p0 =	sne.s32 s3, $0x3F;
	v14 =	vor.u32 s11, v6;
	s11 =	smov.u32 s3  }
0x551: {  	vm0 =	veq.s32 v11, $0x0;
	v10 =	vadd.s32 v10, v11  }
0x552: {  	s17 =	sadd.s32 $0x40, s17;
	v11 =	vsel vm0, v9, v13  }
0x553: {  	[tilespmem:s17+$0x0] =	vst v11  }
.Ltmp51:
0x554: {  	v11 =	vld.idx.msk [tilespmem:v12+s6+$0x0], $0xffff;
	(pc) =	sbr.rel @p0 .LBB2_104-.Ltmp51, $2  }
0x555: {  	v13 =	vld.idx.msk [tilespmem:v14+s6+$0x0], $0xffff;
	_ =	sdelay $0x2  }
0x556: {  	s3 =	sadd.s32 $0x1, s3;
	v12 =	vor.u32 s11, v7  }
0x557: {  	v14 =	vor.u32 s11, v6  }
0x558: {  	vm0 =	veq.s32 v11, $0x0  }
0x559: {  	s3 =	sadd.s32 $0x40, s17;
	v13 =	vsel vm0, v9, v13  }
0x55a: {  	[tilespmem:s3+$0x0] =	vst v13  }
0x55b: {  	v12 =	vld.idx.msk [tilespmem:v12+s6+$0x0], $0xffff  }
0x55c: {  	v13 =	vld.idx.msk [tilespmem:v14+s6+$0x0], $0xffff;
	_ =	sdelay $0x3  }
0x55d: {  	vm15 =	veq.s32 v12, $0x0  }
0x55e: {  	v10 =	vadd.s32 v10, v11;
	s3 =	sadd.s32 $0x40, s3;
	v9 =	vsel vm15, v9, v13  }
0x55f: {  	v10 =	vadd.s32 v10, v12;
	[tilespmem:s3+$0x0] =	vst v9  }
0x560: {  	s17 =	simm.s32 $0x0;
	s3 =	simm.s32 $0x200;
	[tilespmem:$0x122B0] =	vst v10  }
.LBB2_106:
0x561: {  	p0 =	sne.s32 s3, $0x7E00;
	[tilespmem:s17+$0x8270] =	vst v8  }
0x562: {  	[tilespmem:s17+$0x8200] =	vst v8  }
0x563: {  	[tilespmem:s17+$0x8210] =	vst v8  }
.Ltmp52:
0x564: {  	[tilespmem:s17+$0x8220] =	vst v8;
	(pc) =	sbr.rel @p0 .LBB2_106-.Ltmp52, $4  }
0x565: {  	[tilespmem:s17+$0x8230] =	vst v8  }
0x566: {  	[tilespmem:s17+$0x8240] =	vst v8  }
0x567: {  	[tilespmem:s17+$0x8250] =	vst v8  }
0x568: {  	[tilespmem:s17+$0x8260] =	vst v8;
	s17 =	sshra.s32 s3, $0x2;
	s3 =	sadd.s32 $0x200, s3  }
0x569: {  	[tilespmem:s17+$0x8270] =	vst v8  }
0x56a: {  	[tilespmem:s17+$0x8200] =	vst v8  }
0x56b: {  	[tilespmem:s17+$0x8210] =	vst v8  }
0x56c: {  	[tilespmem:s17+$0x8220] =	vst v8  }
0x56d: {  	[tilespmem:s17+$0x8230] =	vst v8  }
0x56e: {  	[tilespmem:s17+$0x8240] =	vst v8  }
0x56f: {  	[tilespmem:s17+$0x8250] =	vst v8  }
0x570: {  	[tilespmem:s17+$0x8260] =	vst v8;
	s3 =	simm.s32 $0x100;
	s17 =	simm.s32 $0x5200;
	s11 =	simm.s32 $0x40  }
.LBB2_108:
0x571: {  	[tilespmem:s9], [sflag:$0xA] =	stream.indirect.gather.add.f32 [hbm:s24], $0x80, s17, s11, $0xb8;
	[tilespmem:$0x12380] =	vst v63  }
0x572: {  	s17 =	smov.u32 s3;
	p0 =	sne.s32 s3, $0x3F00  }
.Ltmp53:
0x573: {  	s3 =	sadd.s32 $0x100, s3;
	(pc) =	sbr.rel @p0 .LBB2_108-.Ltmp53, $3  }
0x574: {  	_ =	sdelay $0x1  }
0x575: {  	s17 =	sshra.s32 s17, $0x2  }
0x576: {  	s17 =	sadd.s32 $0x5200, s17  }
0x577: {  	[tilespmem:s9], [sflag:$0xA] =	stream.indirect.gather.add.f32 [hbm:s24], $0x80, s17, s11, $0xb8;
	[tilespmem:$0x12380] =	vst v63  }
0x578: {  	_ =	swait.ge [sflag:s10], $0x2000  }
0x579: {  	s3 =	simm.s32 $0x3F;
	[sflag:s10] =	ssyncset.done $0x0  }
.LBB2_110:
0x57a: {  	p0 =	sne.s32 s3, $0x1;
	s3 =	sadd.s32 $0xFFFFFFFF, s3;
	[sflag:s10] =	ssyncadd.s32 $0xFFFFE000  }
.Ltmp54:
0x57b: {  	(pc) =	sbr.rel @p0 .LBB2_110-.Ltmp54, $3  }
0x57c: {  	_ =	sdelay $0x1  }
0x57d: {  	_ =	swait.ge [sflag:s10], $0x2000  }
0x57e: {  	[sflag:s10] =	ssyncset.done $0x0  }
0x57f: {  	[sflag:s10] =	ssyncadd.s32 $0xFFFFE000;
	s3 =	rddreg [dreg:$0x1a]  }
0x580: {  	[hbm4b:s3+s1] =	stream.linear.scatter [tilespmem:s5], [sflag:$0xC], $0x2000, $0x38;
	[tilespmem:$0x12380] =	vst v63  }
0x581: {  	s17 =	rddreg [dreg:$0x10];
	s11 =	simm.s32 $0x12200  }
0x582: {  	[hbm4b:s17+s1] =	stream.linear.scatter [tilespmem:s11], [sflag:$0xF], $0x40, $0x38;
	[tilespmem:$0x12380] =	vst v63  }
0x583: {  	_ =	swait.ge [sflag:s13], $0x2000  }
0x584: {  	[sflag:s13] =	ssyncset.done $0x0  }
0x585: {  	s17 =	simm.s32 $0xC200;
	s11 =	rddreg [dreg:$0x1b];
	[sflag:s13] =	ssyncadd.s32 $0xFFFFE000  }
0x586: {  	[hbm4b:s11+s1] =	stream.linear.scatter [tilespmem:s17], [sflag:$0x6], $0x2000, $0x38;
	[tilespmem:$0x12380] =	vst v63  }
0x587: {  	_ =	swait.ge [sflag:s16], $0x2000  }
0x588: {  	s3 =	simm.s32 $0x3F;
	[sflag:s16] =	ssyncset.done $0x0  }
.LBB2_112:
0x589: {  	p0 =	sne.s32 s3, $0x1;
	s3 =	sadd.s32 $0xFFFFFFFF, s3;
	[sflag:s16] =	ssyncadd.s32 $0xFFFFE000  }
.Ltmp55:
0x58a: {  	(pc) =	sbr.rel @p0 .LBB2_112-.Ltmp55, $3  }
0x58b: {  	_ =	sdelay $0x1  }
0x58c: {  	_ =	swait.ge [sflag:s16], $0x2000  }
0x58d: {  	[sflag:s16] =	ssyncset.done $0x0  }
0x58e: {  	[sflag:s16] =	ssyncadd.s32 $0xFFFFE000;
	s3 =	rddreg [dreg:$0x1c]  }
0x58f: {  	[hbm4b:s3+s1] =	stream.linear.scatter [tilespmem:s9], [sflag:$0xD], $0x2000, $0x38;
	[tilespmem:$0x12380] =	vst v63  }
0x590: {  	s17 =	rddreg [dreg:$0x11];
	s11 =	simm.s32 $0x12280  }
0x591: {  	[hbm4b:s17+s1] =	stream.linear.scatter [tilespmem:s11], [sflag:$0x10], $0x40, $0x38;
	[tilespmem:$0x12380] =	vst v63  }
0x592: {  	_ =	swait.ge [sflag:s18], $0x2000  }
0x593: {  	[sflag:s18] =	ssyncset.done $0x0  }
0x594: {  	s11 =	rddreg [dreg:$0x1d];
	[sflag:s18] =	ssyncadd.s32 $0xFFFFE000  }
0x595: {  	[hbm4b:s11+s1] =	stream.linear.scatter [tilespmem:s7], [sflag:$0x7], $0x2000, $0x38;
	[tilespmem:$0x12380] =	vst v63  }
0x596: {  	_ =	swait.ge [sflag:s20], $0x2000  }
0x597: {  	[sflag:s20] =	ssyncset.done $0x0  }
0x598: {  	[sflag:s20] =	ssyncadd.s32 $0xFFFFE000  }
0x599: {  	_ =	swait.ge [sflag:s19], $0x40  }
0x59a: {  	[sflag:s19] =	ssyncset.done $0x0  }
0x59b: {  	[sflag:s19] =	ssyncadd.s32 $0xFFFFFFC0  }
0x59c: {  	_ =	swait.ge [sflag:s15], $0x2000  }
0x59d: {  	[sflag:s15] =	ssyncset.done $0x0  }
0x59e: {  	[sflag:s15] =	ssyncadd.s32 $0xFFFFE000  }
0x59f: {  	_ =	swait.ge [sflag:s28], $0x2000  }
0x5a0: {  	[sflag:s28] =	ssyncset.done $0x0  }
0x5a1: {  	[sflag:s28] =	ssyncadd.s32 $0xFFFFE000  }
0x5a2: {  	_ =	swait.ge [sflag:s26], $0x40  }
0x5a3: {  	[sflag:s26] =	ssyncset.done $0x0  }
0x5a4: {  	[sflag:s26] =	ssyncadd.s32 $0xFFFFFFC0  }
0x5a5: {  	_ =	swait.ge [sflag:s22], $0x2000  }
0x5a6: {  	[sflag:s22] =	ssyncset.done $0x0  }
0x5a7: {  	[sflag:s22] =	ssyncadd.s32 $0xFFFFE000  }
0x5a8: {  	_ =	swait.ge [sflag:s21], $0x2000  }
0x5a9: {  	[sflag:s21] =	ssyncset.done $0x0  }
0x5aa: {  	[sflag:s21] =	ssyncadd.s32 $0xFFFFE000  }
0x5ab: {  	_ =	swait.ge [sflag:s31], $0x40  }
0x5ac: {  	[sflag:s31] =	ssyncset.done $0x0  }
0x5ad: {  	[sflag:s31] =	ssyncadd.s32 $0xFFFFFFC0  }
0x5ae: {  	_ =	swait.ge [sflag:s29], $0x2000  }
0x5af: {  	s12 =	sadd.s32 $0x1, s12;
	s17 =	rddreg [dreg:$0x1e]  }
0x5b0: {  	p0 =	sne.s32 s12, s17  }
.Ltmp56:
0x5b1: {  	_ = 	snop;
	(pc) =	sbr.rel @p0 .LBB2_1-.Ltmp56, $3  }
0x5b2: {  	_ =	sdelay $0x1  }
0x5b3: {  	[sflag:s29] =	ssyncset.done $0x0  }
0x5b4: {  	[sflag:s29] =	ssyncadd.s32 $0xFFFFE000  }
0x5b5: {  	_ =	sfence.sel $0x180000  }
0x5b6: {  	[bflag:$0x0] =	sbarrier.arrive $0xFFFF  }
0x5b7: {  	_ =	strace $0x90000047  }
0x5b8: {  	s0 =	stileid.u32;
	[bflag:$0x2] =	sbarrier.arrive $0xFFFF  }
0x5b9: {  	p0 =	sne.s32 s0, $0x0;
	s0 =	rddreg [dreg:$0x4]  }
0x5ba: {  	s0 =	sadd.s32 @!p0 $0x100000, s0  }
0x5bb: {  	[sflag:s0] =	ssyncadd.tile.s32 @!p0 $0x1;
	_ =	shalt  }
.Lfunc_end2:
_tile_overlayer_lowered:
.L_overlay_start_2:
0x5bc: {  	(tag) =	ssettag $0x2  }
0x5bd: {  	s0 =	rddreg [dreg:$0x0];
	s2 =	stileid.u32  }
0x5be: {  	s1 =	rddreg [dreg:$0x1];
	p0 =	sne.s32 s2, $0x0  }
0x5bf: {  	s3 =	rddreg [dreg:$0x2];
	[bflag:$0x3] =	sbarrier.arrive $0xFFFF;
	s2 =	simm.s32 @!p0 $0x1C12  }
0x5c0: {  	[timem:s3], [sflag:s2] =	dma.local @!p0 [hbm:s0], s1  }
0x5c1: {  	s0 =	simm.s32 @!p0 $0x12  }
0x5c2: {  	_ =	swait.ge @!p0 [sflag:s0], s1  }
0x5c3: {  	s1 =	ssub.s32 @!p0 $0x0, s1;
	[sflag:s0] =	ssyncset.done @!p0 $0x0  }
0x5c4: {  	[sflag:s0] =	ssyncadd.s32 @!p0 s1  }
0x5c5: {  	[bflag:$0x3] =	sbarrier.arrive $0xFFFF  }
0x5c6: {  	_ =	shalt  }

</sc_bundles>
